<compile_context>
chip_gen: v7x
topology: tpu7x:2x2x1
jax: 0.10.2.dev20260603
libtpu: 0.0.44.dev20260713+nightly
codegen_flags: <defaults>
</compile_context>

<pallas_src>
import functools

import jax
import jax.numpy as jnp
from jax import lax
from jax.experimental import pallas as pl
from jax.experimental.pallas import tpu as pltpu
from jax.experimental.pallas import tpu_sc as plsc

N = 10000
E = 320000
R = 8
B = 8
IN = 128
HID = 256
OUT = 128

_NC = 2
_NS = 16
_L = 16


def _make_edge_pass(n_tab: int, d: int, edge_split: bool):
    K = 80
    n_workers = _NS * _NC if edge_split else _NS
    e_per_w = E // n_workers
    NR = e_per_w // K
    NSB = 5
    SBR = NR // NSB
    SB_E = SBR * K
    ZR = 80
    n_row_chunks = N // ZR
    row_rounds = -(-n_row_chunks // _NS)
    assert e_per_w % K == 0 and N % ZR == 0 and NR % NSB == 0 and SBR > 9

    mesh = plsc.VectorSubcoreMesh(core_axis_name="c", subcore_axis_name="s",
                                  num_cores=_NC, num_subcores=_NS)

    @functools.partial(
        pl.kernel,
        out_type=jax.ShapeDtypeStruct((_NC, N, d), jnp.float32),
        mesh=mesh,
    scratch_types=[
            pltpu.VMEM_SHARED((N, d), jnp.float32),
            pltpu.VMEM((2 * SB_E,), jnp.int32),
            pltpu.VMEM((SB_E,), jnp.int32),
            pltpu.VMEM((K,), jnp.int32),
            pltpu.VMEM((K,), jnp.int32),
            pltpu.VMEM((K,), jnp.int32),
            pltpu.VMEM((K, d), jnp.float32),
            pltpu.VMEM((K, d), jnp.float32),
            pltpu.VMEM((K, d), jnp.float32),
            pltpu.SemaphoreType.DMA,
            pltpu.SemaphoreType.DMA,
            pltpu.SemaphoreType.DMA,
            pltpu.SemaphoreType.DMA,
            pltpu.SemaphoreType.DMA,
            pltpu.SemaphoreType.DMA,
            pltpu.SemaphoreType.DMA,
        ],
    )
    def edge_pass(tab, src, et, dst, out, acc, S, etv, D0, D1, D2,
                  R0, R1, R2, g0, g1, g2, e0, e1, e2, stsem):
        c = lax.axis_index("c")
        s = lax.axis_index("s")

        if edge_split:
            half = 0
            widx = s * _NC + c
        else:
            half = c * n_tab
            widx = s
        w0 = widx * e_per_w

        RB = (R0, R1, R2)
        DB = (D0, D1, D2)
        GS = (g0, g1, g2)
        ES = (e0, e1, e2)

        groups = d // _L

        def _zfill(t, carry):
            R0[t // groups, pl.ds((t % groups) * _L, _L)] = jnp.zeros((_L,), jnp.float32)
            return carry
        lax.fori_loop(0, K * groups, _zfill, 0)

        for q in range(row_rounds):
            chunk_id = s + q * _NS
            @pl.when(chunk_id < n_row_chunks)
            def _():
                pltpu.sync_copy(R0, acc.at[pl.ds(chunk_id * ZR, ZR)])

        def _compute_gidx(soff):
            def _gidx(t, carry):
                sl = pl.ds(soff + t * _L, _L)
                S[sl] = half + etv[pl.ds(t * _L, _L)] * N + S[sl]
                return carry
            lax.fori_loop(0, SB_E // _L, _gidx, 0)

        pltpu.sync_copy(src.at[pl.ds(w0, SB_E)], S.at[pl.ds(0, SB_E)])
        pltpu.sync_copy(et.at[pl.ds(w0, SB_E)], etv)
        _compute_gidx(0)

        def _gather_start(j, i):
            off = (j % (2 * SBR)) * K
            pltpu.async_copy(tab.at[S.at[pl.ds(off, K)]], RB[i], GS[i])

        def _gather_wait(i):
            pltpu.make_async_copy(tab.at[S.at[pl.ds(0, K)]], RB[i], GS[i]).wait()

        def _dst_start(j, i):
            pltpu.async_copy(dst.at[pl.ds(w0 + j * K, K)], DB[i], ES[i])

        def _dst_wait(i):
            pltpu.make_async_copy(dst.at[pl.ds(w0, K)], DB[i], ES[i]).wait()

        for i in range(3):
            _gather_start(i, i)
            _dst_start(i, i)
        plsc.subcore_barrier()

        def _body(u, carry):
            for i in range(3):
                r = 3 * u + i
                _gather_wait(i)
                _dst_wait(i)
                pltpu.sync_copy(RB[i], acc.at[DB[i]], add=True)
                nxt = r + 3

                @pl.when(nxt < NR)
                def _():
                    _gather_start(nxt, i)
                    _dst_start(nxt, i)

                sb1 = r // SBR + 1

                @pl.when(jnp.logical_and(r % SBR == 0, sb1 < NSB))
                def _():
                    soff = (sb1 % 2) * SB_E
                    pltpu.async_copy(src.at[pl.ds(w0 + sb1 * SB_E, SB_E)],
                                     S.at[pl.ds(soff, SB_E)], stsem)
                    pltpu.async_copy(et.at[pl.ds(w0 + sb1 * SB_E, SB_E)],
                                     etv, stsem)

                @pl.when(jnp.logical_and(r % SBR == SBR - 6, sb1 < NSB))
                def _():
                    pltpu.make_async_copy(src.at[pl.ds(w0, SB_E)],
                                          S.at[pl.ds(0, SB_E)], stsem).wait()
                    pltpu.make_async_copy(et.at[pl.ds(w0, SB_E)], etv,
                                          stsem).wait()
                    _compute_gidx((sb1 % 2) * SB_E)
            return carry
        lax.fori_loop(0, NR // 3, _body, 0)
        for i in range(NR % 3):
            _gather_wait(i)
            _dst_wait(i)
            pltpu.sync_copy(RB[i], acc.at[DB[i]], add=True)

        plsc.subcore_barrier()
        for q in range(row_rounds):
            chunk_id = s + q * _NS
            @pl.when(chunk_id < n_row_chunks)
            def _():
                r0 = chunk_id * ZR
                pltpu.sync_copy(acc.at[pl.ds(r0, ZR)], out.at[c, pl.ds(r0, ZR)])

    return edge_pass


def _make_wcomb(m: int):
    def body(c_ref, b_ref, o_ref):
        o_ref[0] = jnp.dot(c_ref[0], b_ref[0],
                           preferred_element_type=jnp.float32)
    return pl.pallas_call(
        body,
        grid=(2,),
        in_specs=[
            pl.BlockSpec((1, R, B), lambda l: (l, 0, 0)),
            pl.BlockSpec((1, B, m), lambda l: (l, 0, 0)),
        ],
        out_specs=pl.BlockSpec((1, R, m), lambda l: (l, 0, 0)),
        out_shape=jax.ShapeDtypeStruct((2, R, m), jnp.float32),
    )


def _make_proj(bn: int):
    nb = N // bn
    dh = HID // 2

    def body(x_ref, w_ref, o_ref):
        t = jnp.dot(x_ref[...], w_ref[0, 0], preferred_element_type=jnp.float32)
        o_ref[0, 0] = t[:, :dh]
        o_ref[1, 0] = t[:, dh:]
    return pl.pallas_call(
        body,
        grid=(nb, R),
        in_specs=[
            pl.BlockSpec((bn, IN), lambda i, r: (i, 0)),
            pl.BlockSpec((1, 1, IN, HID), lambda i, r: (0, r, 0, 0)),
        ],
        out_specs=pl.BlockSpec((2, 1, bn, dh), lambda i, r: (0, r, i, 0)),
        out_shape=jax.ShapeDtypeStruct((2, R, N, dh), jnp.float32),
    )


def _make_comb_proj(bn: int):
    nb = N // bn

    def body(lo_ref, hi_ref, x_ref, w_ref, b_ref, w2_ref, h_ref, p2_ref):
        m = jnp.dot(x_ref[...], w_ref[...], preferred_element_type=jnp.float32)
        agg = jnp.concatenate([lo_ref[0], hi_ref[0]], axis=-1)
        hblk = jnp.maximum(agg + m + b_ref[...], 0.0)
        h_ref[...] = hblk
        for r in range(R):
            p2_ref[0, r] = jnp.dot(hblk, w2_ref[0, r],
                               preferred_element_type=jnp.float32)
    return pl.pallas_call(
        body,
        grid=(nb,),
        in_specs=[
            pl.BlockSpec((1, bn, HID // 2), lambda i: (0, i, 0)),
            pl.BlockSpec((1, bn, HID // 2), lambda i: (1, i, 0)),
            pl.BlockSpec((bn, IN), lambda i: (i, 0)),
            pl.BlockSpec((IN, HID), lambda i: (0, 0)),
            pl.BlockSpec((1, HID), lambda i: (0, 0)),
            pl.BlockSpec((1, R, HID, OUT), lambda i: (1, 0, 0, 0)),
        ],
        out_specs=[
            pl.BlockSpec((bn, HID), lambda i: (i, 0)),
            pl.BlockSpec((1, R, bn, OUT), lambda i: (0, 0, i, 0)),
        ],
        out_shape=[
            jax.ShapeDtypeStruct((N, HID), jnp.float32),
            jax.ShapeDtypeStruct((1, R, N, OUT), jnp.float32),
        ],
    )


def _make_combine(n_in: int, n_out: int, relu: bool, bn: int, cat: bool):
    dh = n_out // 2 if cat else n_out
    nb = N // bn

    def body(lo_ref, hi_ref, x_ref, w_ref, b_ref, o_ref):
        m = jnp.dot(x_ref[...], w_ref[...], preferred_element_type=jnp.float32)
        if cat:
            agg = jnp.concatenate([lo_ref[0], hi_ref[0]], axis=-1)
        else:
            agg = lo_ref[0] + hi_ref[0]
        res = agg + m + b_ref[...]
        o_ref[...] = jnp.maximum(res, 0.0) if relu else res
    return pl.pallas_call(
        body,
        grid=(nb,),
        in_specs=[
            pl.BlockSpec((1, bn, dh), lambda i: (0, i, 0)),
            pl.BlockSpec((1, bn, dh), lambda i: (1, i, 0)),
            pl.BlockSpec((bn, n_in), lambda i: (i, 0)),
            pl.BlockSpec((n_in, n_out), lambda i: (0, 0)),
            pl.BlockSpec((1, n_out), lambda i: (0, 0)),
        ],
        out_specs=pl.BlockSpec((bn, n_out), lambda i: (i, 0)),
        out_shape=jax.ShapeDtypeStruct((N, n_out), jnp.float32),
    )


_wcomb = _make_wcomb(IN * HID)
_proj1 = _make_proj(2000)
_combproj = _make_comb_proj(2000)
_edge1 = _make_edge_pass(R * N, HID // 2, edge_split=False)
_edge2 = _make_edge_pass(R * N, OUT, edge_split=True)
_comb2 = _make_combine(HID, OUT, False, 2000, cat=False)


def kernel(x, edge_index, etype, bases1, coeff1, loop1, bias1,
           bases2, coeff2, loop2, bias2):
    bases_all = jnp.stack([bases1.reshape(B, IN * HID),
                           bases2.reshape(B, HID * OUT)])
    coeff_all = jnp.stack([coeff1, coeff2])
    w_all = _wcomb(coeff_all, bases_all)
    wv1 = w_all.reshape(2, R, IN, HID)
    wv2 = w_all.reshape(2, R, HID, OUT)

    p1 = _proj1(x, wv1)
    src = edge_index[0]
    dst = edge_index[1]
    agg1 = _edge1(p1.reshape(_NC * R * N, HID // 2), src, etype, dst)

    h, p2 = _combproj(agg1, agg1, x, loop1, bias1.reshape(1, HID), wv2)
    agg2 = _edge2(p2.reshape(R * N, OUT), src, etype, dst)
    out = _comb2(agg2, agg2, h, loop2, bias2.reshape(1, OUT))
    return out

# --- scband reference (transcript-rebuilt; emitter-appended) ---
"""Pipeline reference for scband-rgcn-2697239462578 (READ-ONLY COPY).

The authoritative reference and input builder live on the scoring server;
editing this copy changes nothing except your own understanding.
"""

import jax, jax.numpy as jnp
import numpy as np

N = 10000
E = 320000
R = 8          # num_rels
B = 8          # num_bases (DGL default = num_rels)
IN = 128
HID = 256
OUT = 128


def setup_inputs(seed: int = 0) -> dict:
    key = jax.random.key(seed)
    ks = jax.random.split(key, 12)
    x = jax.random.normal(ks[0], (N, IN), dtype=jnp.float32)
    edge_index = jax.random.randint(ks[1], (2, E), 0, N, dtype=jnp.int32)
    etype = jax.random.randint(ks[2], (E,), 0, R, dtype=jnp.int32)
    # layer 1 params (basis regularizer): W_r = sum_b coeff[r,b] * bases[b]
    bases1 = jax.random.normal(ks[3], (B, IN, HID), dtype=jnp.float32) * (1.0 / np.sqrt(IN))
    coeff1 = jax.random.normal(ks[4], (R, B), dtype=jnp.float32) * (1.0 / np.sqrt(B))
    loop1 = jax.random.normal(ks[5], (IN, HID), dtype=jnp.float32) * (1.0 / np.sqrt(IN))
    bias1 = jnp.zeros((HID,), dtype=jnp.float32)
    # layer 2 params
    bases2 = jax.random.normal(ks[6], (B, HID, OUT), dtype=jnp.float32) * (1.0 / np.sqrt(HID))
    coeff2 = jax.random.normal(ks[7], (R, B), dtype=jnp.float32) * (1.0 / np.sqrt(B))
    loop2 = jax.random.normal(ks[8], (HID, OUT), dtype=jnp.float32) * (1.0 / np.sqrt(HID))
    bias2 = jnp.zeros((OUT,), dtype=jnp.float32)
    return {
        "x": x, "edge_index": edge_index, "etype": etype,
        "bases1": bases1, "coeff1": coeff1, "loop1": loop1, "bias1": bias1,
        "bases2": bases2, "coeff2": coeff2, "loop2": loop2, "bias2": bias2,
    }


def _rel_graph_conv(x, edge_index, etype, bases, coeff, w_loop, bias):
    # Basis decomposition: W[r] = sum_b coeff[r, b] * bases[b]
    W = jnp.einsum('rb,bio->rio', coeff, bases)           # [R, in, out]
    # Project each node feature by every relation's weight, then gather per-edge
    proj = jnp.einsum('ni,rio->nro', x, W)                # [N, R, out]
    src = edge_index[0]
    dst = edge_index[1]
    msg = proj[src, etype]                                # [E, out] gather
    out_dim = W.shape[2]
    agg = jnp.zeros((x.shape[0], out_dim), dtype=x.dtype).at[dst].add(msg)  # scatter-add
    # self-loop + bias (DGL RelGraphConv defaults: self_loop=True, bias=True)
    return agg + x @ w_loop + bias


def reference(x, edge_index, etype,
              bases1, coeff1, loop1, bias1,
              bases2, coeff2, loop2, bias2):
    h = _rel_graph_conv(x, edge_index, etype, bases1, coeff1, loop1, bias1)
    h = jax.nn.relu(h)
    h = _rel_graph_conv(h, edge_index, etype, bases2, coeff2, loop2, bias2)
    return h

if __name__ == "__main__":
    import jax
    _d = setup_inputs()
    print(jax.jit(kernel)(*tuple(_d.values())))

</pallas_src>

<mosaic_0001>
#map = affine_map<(d0, d1) -> (0, 0)>
#map1 = affine_map<(d0, d1) -> (0)>
#map2 = affine_map<(d0, d1) -> (0, 0, 0)>
module attributes {stable_mosaic.version = 14 : i64} {
  func.func @edge_pass(%arg0: i32, %arg1: i32, %arg2: memref<160000x128xf32, #tpu.memory_space<hbm>>, %arg3: memref<320000xi32, #tpu.memory_space<hbm>>, %arg4: memref<320000xi32, #tpu.memory_space<hbm>>, %arg5: memref<320000xi32, #tpu.memory_space<hbm>>, %arg6: memref<2x10000x128xf32, #tpu.memory_space<hbm>>, %arg7: memref<10000x128xf32, #tpu.memory_space<vmem_shared>>, %arg8: memref<8000xi32, #tpu.memory_space<vmem>>, %arg9: memref<4000xi32, #tpu.memory_space<vmem>>, %arg10: memref<80xi32, #tpu.memory_space<vmem>>, %arg11: memref<80xi32, #tpu.memory_space<vmem>>, %arg12: memref<80xi32, #tpu.memory_space<vmem>>, %arg13: memref<80x128xf32, #tpu.memory_space<vmem>>, %arg14: memref<80x128xf32, #tpu.memory_space<vmem>>, %arg15: memref<80x128xf32, #tpu.memory_space<vmem>>, %arg16: memref<!tpu.dma_semaphore, #tpu.memory_space<semaphore_mem>>, %arg17: memref<!tpu.dma_semaphore, #tpu.memory_space<semaphore_mem>>, %arg18: memref<!tpu.dma_semaphore, #tpu.memory_space<semaphore_mem>>, %arg19: memref<!tpu.dma_semaphore, #tpu.memory_space<semaphore_mem>>, %arg20: memref<!tpu.dma_semaphore, #tpu.memory_space<semaphore_mem>>, %arg21: memref<!tpu.dma_semaphore, #tpu.memory_space<semaphore_mem>>, %arg22: memref<!tpu.dma_semaphore, #tpu.memory_space<semaphore_mem>>) attributes {dimension_semantics = [#tpu.dimension_semantics<core_parallel>, #tpu.dimension_semantics<subcore_parallel>], iteration_bounds = array<i64: 2, 16>, scalar_prefetch = 0 : i64, scratch_operands = 16 : i64, tpu.core_type = #tpu.core_type<sc_vector_subcore>, window_params = [{transform_indices = #map}, {transform_indices = #map1}, {transform_indices = #map1}, {transform_indices = #map1}, {transform_indices = #map2}]} {
    %mul3A = arith.constant 80000 : i32
    %mul3A_0 = arith.muli %arg0, %mul3A : i32
    %mul3A_1 = arith.constant 20000 : i32
    %mul3A_2 = arith.muli %arg1, %mul3A_1 : i32
    %scan3A = arith.constant 0 : i32
    %scan3A_3 = arith.constant 0 : i32
    %scan3A_4 = arith.constant 640 : i32
    %scan3A_5 = arith.addi %scan3A_3, %scan3A_4 : i32
    %scan3A_6 = arith.constant 1 : i32
    scf.for %scan3A_161 = %scan3A_3 to %scan3A_5 step %scan3A_6  : i32 {
      %broadcast_in_dim3A = arith.constant 0.000000e+00 : f32
      %broadcast_in_dim3A_162 = vector.broadcast %broadcast_in_dim3A : f32 to vector<16xf32>
      %jit3A = arith.constant 8 : i32
      %div3A = arith.divsi %scan3A_161, %jit3A : i32
      %sign3A = arith.constant 0 : i32
      %sign3A_163 = arith.cmpi sgt, %scan3A_161, %sign3A : i32
      %sign3A_164 = arith.extui %sign3A_163 : i1 to i32
      %sign3A_165 = arith.constant 0 : i32
      %sign3A_166 = arith.cmpi slt, %scan3A_161, %sign3A_165 : i32
      %sign3A_167 = arith.extui %sign3A_166 : i1 to i32
      %sign3A_168 = arith.subi %sign3A_164, %sign3A_167 : i32
      %sign3A_169 = arith.constant 0 : i32
      %sign3A_170 = arith.cmpi sgt, %jit3A, %sign3A_169 : i32
      %sign3A_171 = arith.extui %sign3A_170 : i1 to i32
      %sign3A_172 = arith.constant 0 : i32
      %sign3A_173 = arith.cmpi slt, %jit3A, %sign3A_172 : i32
      %sign3A_174 = arith.extui %sign3A_173 : i1 to i32
      %sign3A_175 = arith.subi %sign3A_171, %sign3A_174 : i32
      %ne3A = arith.cmpi ne, %sign3A_168, %sign3A_175 : i32
      %rem3A = arith.remsi %scan3A_161, %jit3A : i32
      %ne3A_176 = arith.constant 0 : i32
      %ne3A_177 = arith.cmpi ne, %rem3A, %ne3A_176 : i32
      %and3A = arith.andi %ne3A, %ne3A_177 : i1
      %sub3A = arith.constant 1 : i32
      %sub3A_178 = arith.subi %div3A, %sub3A : i32
      %select_n3A = arith.select %and3A, %sub3A_178, %div3A : i32
      %jit3A_179 = arith.constant 8 : i32
      %eq3A = arith.constant 0 : i32
      %eq3A_180 = arith.cmpi eq, %jit3A_179, %eq3A : i32
      %jit3A_181 = arith.constant 1 : i32
      %select_n3A_182 = arith.select %eq3A_180, %jit3A_181, %jit3A_179 : i32
      %rem3A_183 = arith.remsi %scan3A_161, %select_n3A_182 : i32
      %ne3A_184 = arith.constant 0 : i32
      %ne3A_185 = arith.cmpi ne, %rem3A_183, %ne3A_184 : i32
      %lt3A_186 = arith.constant 0 : i32
      %lt3A_187 = arith.cmpi slt, %rem3A_183, %lt3A_186 : i32
      %lt3A_188 = arith.constant 0 : i32
      %lt3A_189 = arith.cmpi slt, %select_n3A_182, %lt3A_188 : i32
      %ne3A_190 = arith.xori %lt3A_187, %lt3A_189 : i1
      %and3A_191 = arith.andi %ne3A_190, %ne3A_185 : i1
      %add3A_192 = arith.addi %rem3A_183, %select_n3A_182 : i32
      %select_n3A_193 = arith.select %and3A_191, %add3A_192, %rem3A_183 : i32
      %mul3A_194 = arith.constant 16 : i32
      %mul3A_195 = arith.muli %select_n3A_193, %mul3A_194 : i32
      %swap3A = arith.index_cast %select_n3A : i32 to index
      %swap3A_196 = arith.index_cast %mul3A_195 : i32 to index
      %swap3A_197 = tpu.vector_load %arg13[%swap3A, %swap3A_196] {strides = array<i32>} : memref<80x128xf32, #tpu.memory_space<vmem>>, vector<1x16xf32>,
      %swap3A_198 = vector.shape_cast %swap3A_197 : vector<1x16xf32> to vector<16xf32>
      %swap3A_199 = vector.shape_cast %broadcast_in_dim3A_162 : vector<16xf32> to vector<1x16xf32>
      tpu.vector_store %arg13[%swap3A, %swap3A_196], %swap3A_199 {strides = array<i32>} : memref<80x128xf32, #tpu.memory_space<vmem>>, vector<1x16xf32>,
    }
    %scan3A_7 = arith.constant 640 : i32
    %add3A = arith.constant 0 : i32
    %add3A_8 = arith.addi %arg1, %add3A : i32
    %lt3A = arith.constant 125 : i32
    %lt3A_9 = arith.cmpi slt, %add3A_8, %lt3A : i32
    %convert_element_type3A = arith.extui %lt3A_9 : i1 to i32
    %cond3A = arith.constant 0 : i32
    %cond3A_10 = arith.cmpi ne, %convert_element_type3A, %cond3A : i32
    scf.if %cond3A_10 {
      %mul3A_161 = arith.constant 80 : i32
      %mul3A_162 = arith.muli %add3A_8, %mul3A_161 : i32
      "tpu.region"() ({
        %run_scoped3A = tpu.sem_alloc : memref<!tpu.dma_semaphore, #tpu.memory_space<semaphore_mem>>
        %dma_start3A_163 = arith.constant 0 : i32
        %dma_start3A_164 = tpu.memref_slice %arg7[%mul3A_162, %dma_start3A_163] : memref<10000x128xf32, #tpu.memory_space<vmem_shared>> -> memref<80x128xf32, #tpu.memory_space<vmem_shared>>
        %dma_start3A_165 = arith.constant 0 : i32
        %dma_start3A_166 = tpu.memref_slice %arg7[%mul3A_162, %dma_start3A_165] : memref<10000x128xf32, #tpu.memory_space<vmem_shared>> -> memref<80x128xf32, #tpu.memory_space<vmem_shared>>
        tpu.enqueue_dma source(%arg13 : memref<80x128xf32, #tpu.memory_space<vmem>>) target(%dma_start3A_166 : memref<80x128xf32, #tpu.memory_space<vmem_shared>>) target_semaphore(%run_scoped3A : memref<!tpu.dma_semaphore, #tpu.memory_space<semaphore_mem>>)
        %dma_wait3A_167 = arith.constant 0 : i32
        %dma_wait3A_168 = tpu.memref_slice %arg7[%mul3A_162, %dma_wait3A_167] : memref<10000x128xf32, #tpu.memory_space<vmem_shared>> -> memref<80x128xf32, #tpu.memory_space<vmem_shared>>
        %dma_wait3A_169 = arith.constant 0 : i32
        %dma_wait3A_170 = tpu.memref_slice %arg7[%mul3A_162, %dma_wait3A_169] : memref<10000x128xf32, #tpu.memory_space<vmem_shared>> -> memref<80x128xf32, #tpu.memory_space<vmem_shared>>
        tpu.wait_dma2 semaphore(%run_scoped3A : memref<!tpu.dma_semaphore, #tpu.memory_space<semaphore_mem>>) src(%arg13 : memref<80x128xf32, #tpu.memory_space<vmem>>) dst(%dma_wait3A_170 : memref<80x128xf32, #tpu.memory_space<vmem_shared>>)
        tpu.yield
      }) : () -> ()
    } else {
    }
    %add3A_11 = arith.constant 16 : i32
    %add3A_12 = arith.addi %arg1, %add3A_11 : i32
    %lt3A_13 = arith.constant 125 : i32
    %lt3A_14 = arith.cmpi slt, %add3A_12, %lt3A_13 : i32
    %convert_element_type3A_15 = arith.extui %lt3A_14 : i1 to i32
    %cond3A_16 = arith.constant 0 : i32
    %cond3A_17 = arith.cmpi ne, %convert_element_type3A_15, %cond3A_16 : i32
    scf.if %cond3A_17 {
      %mul3A_161 = arith.constant 80 : i32
      %mul3A_162 = arith.muli %add3A_12, %mul3A_161 : i32
      "tpu.region"() ({
        %run_scoped3A = tpu.sem_alloc : memref<!tpu.dma_semaphore, #tpu.memory_space<semaphore_mem>>
        %dma_start3A_163 = arith.constant 0 : i32
        %dma_start3A_164 = tpu.memref_slice %arg7[%mul3A_162, %dma_start3A_163] : memref<10000x128xf32, #tpu.memory_space<vmem_shared>> -> memref<80x128xf32, #tpu.memory_space<vmem_shared>>
        %dma_start3A_165 = arith.constant 0 : i32
        %dma_start3A_166 = tpu.memref_slice %arg7[%mul3A_162, %dma_start3A_165] : memref<10000x128xf32, #tpu.memory_space<vmem_shared>> -> memref<80x128xf32, #tpu.memory_space<vmem_shared>>
        tpu.enqueue_dma source(%arg13 : memref<80x128xf32, #tpu.memory_space<vmem>>) target(%dma_start3A_166 : memref<80x128xf32, #tpu.memory_space<vmem_shared>>) target_semaphore(%run_scoped3A : memref<!tpu.dma_semaphore, #tpu.memory_space<semaphore_mem>>)
        %dma_wait3A_167 = arith.constant 0 : i32
        %dma_wait3A_168 = tpu.memref_slice %arg7[%mul3A_162, %dma_wait3A_167] : memref<10000x128xf32, #tpu.memory_space<vmem_shared>> -> memref<80x128xf32, #tpu.memory_space<vmem_shared>>
        %dma_wait3A_169 = arith.constant 0 : i32
        %dma_wait3A_170 = tpu.memref_slice %arg7[%mul3A_162, %dma_wait3A_169] : memref<10000x128xf32, #tpu.memory_space<vmem_shared>> -> memref<80x128xf32, #tpu.memory_space<vmem_shared>>
        tpu.wait_dma2 semaphore(%run_scoped3A : memref<!tpu.dma_semaphore, #tpu.memory_space<semaphore_mem>>) src(%arg13 : memref<80x128xf32, #tpu.memory_space<vmem>>) dst(%dma_wait3A_170 : memref<80x128xf32, #tpu.memory_space<vmem_shared>>)
        tpu.yield
      }) : () -> ()
    } else {
    }
    %add3A_18 = arith.constant 32 : i32
    %add3A_19 = arith.addi %arg1, %add3A_18 : i32
    %lt3A_20 = arith.constant 125 : i32
    %lt3A_21 = arith.cmpi slt, %add3A_19, %lt3A_20 : i32
    %convert_element_type3A_22 = arith.extui %lt3A_21 : i1 to i32
    %cond3A_23 = arith.constant 0 : i32
    %cond3A_24 = arith.cmpi ne, %convert_element_type3A_22, %cond3A_23 : i32
    scf.if %cond3A_24 {
      %mul3A_161 = arith.constant 80 : i32
      %mul3A_162 = arith.muli %add3A_19, %mul3A_161 : i32
      "tpu.region"() ({
        %run_scoped3A = tpu.sem_alloc : memref<!tpu.dma_semaphore, #tpu.memory_space<semaphore_mem>>
        %dma_start3A_163 = arith.constant 0 : i32
        %dma_start3A_164 = tpu.memref_slice %arg7[%mul3A_162, %dma_start3A_163] : memref<10000x128xf32, #tpu.memory_space<vmem_shared>> -> memref<80x128xf32, #tpu.memory_space<vmem_shared>>
        %dma_start3A_165 = arith.constant 0 : i32
        %dma_start3A_166 = tpu.memref_slice %arg7[%mul3A_162, %dma_start3A_165] : memref<10000x128xf32, #tpu.memory_space<vmem_shared>> -> memref<80x128xf32, #tpu.memory_space<vmem_shared>>
        tpu.enqueue_dma source(%arg13 : memref<80x128xf32, #tpu.memory_space<vmem>>) target(%dma_start3A_166 : memref<80x128xf32, #tpu.memory_space<vmem_shared>>) target_semaphore(%run_scoped3A : memref<!tpu.dma_semaphore, #tpu.memory_space<semaphore_mem>>)
        %dma_wait3A_167 = arith.constant 0 : i32
        %dma_wait3A_168 = tpu.memref_slice %arg7[%mul3A_162, %dma_wait3A_167] : memref<10000x128xf32, #tpu.memory_space<vmem_shared>> -> memref<80x128xf32, #tpu.memory_space<vmem_shared>>
        %dma_wait3A_169 = arith.constant 0 : i32
        %dma_wait3A_170 = tpu.memref_slice %arg7[%mul3A_162, %dma_wait3A_169] : memref<10000x128xf32, #tpu.memory_space<vmem_shared>> -> memref<80x128xf32, #tpu.memory_space<vmem_shared>>
        tpu.wait_dma2 semaphore(%run_scoped3A : memref<!tpu.dma_semaphore, #tpu.memory_space<semaphore_mem>>) src(%arg13 : memref<80x128xf32, #tpu.memory_space<vmem>>) dst(%dma_wait3A_170 : memref<80x128xf32, #tpu.memory_space<vmem_shared>>)
        tpu.yield
      }) : () -> ()
    } else {
    }
    %add3A_25 = arith.constant 48 : i32
    %add3A_26 = arith.addi %arg1, %add3A_25 : i32
    %lt3A_27 = arith.constant 125 : i32
    %lt3A_28 = arith.cmpi slt, %add3A_26, %lt3A_27 : i32
    %convert_element_type3A_29 = arith.extui %lt3A_28 : i1 to i32
    %cond3A_30 = arith.constant 0 : i32
    %cond3A_31 = arith.cmpi ne, %convert_element_type3A_29, %cond3A_30 : i32
    scf.if %cond3A_31 {
      %mul3A_161 = arith.constant 80 : i32
      %mul3A_162 = arith.muli %add3A_26, %mul3A_161 : i32
      "tpu.region"() ({
        %run_scoped3A = tpu.sem_alloc : memref<!tpu.dma_semaphore, #tpu.memory_space<semaphore_mem>>
        %dma_start3A_163 = arith.constant 0 : i32
        %dma_start3A_164 = tpu.memref_slice %arg7[%mul3A_162, %dma_start3A_163] : memref<10000x128xf32, #tpu.memory_space<vmem_shared>> -> memref<80x128xf32, #tpu.memory_space<vmem_shared>>
        %dma_start3A_165 = arith.constant 0 : i32
        %dma_start3A_166 = tpu.memref_slice %arg7[%mul3A_162, %dma_start3A_165] : memref<10000x128xf32, #tpu.memory_space<vmem_shared>> -> memref<80x128xf32, #tpu.memory_space<vmem_shared>>
        tpu.enqueue_dma source(%arg13 : memref<80x128xf32, #tpu.memory_space<vmem>>) target(%dma_start3A_166 : memref<80x128xf32, #tpu.memory_space<vmem_shared>>) target_semaphore(%run_scoped3A : memref<!tpu.dma_semaphore, #tpu.memory_space<semaphore_mem>>)
        %dma_wait3A_167 = arith.constant 0 : i32
        %dma_wait3A_168 = tpu.memref_slice %arg7[%mul3A_162, %dma_wait3A_167] : memref<10000x128xf32, #tpu.memory_space<vmem_shared>> -> memref<80x128xf32, #tpu.memory_space<vmem_shared>>
        %dma_wait3A_169 = arith.constant 0 : i32
        %dma_wait3A_170 = tpu.memref_slice %arg7[%mul3A_162, %dma_wait3A_169] : memref<10000x128xf32, #tpu.memory_space<vmem_shared>> -> memref<80x128xf32, #tpu.memory_space<vmem_shared>>
        tpu.wait_dma2 semaphore(%run_scoped3A : memref<!tpu.dma_semaphore, #tpu.memory_space<semaphore_mem>>) src(%arg13 : memref<80x128xf32, #tpu.memory_space<vmem>>) dst(%dma_wait3A_170 : memref<80x128xf32, #tpu.memory_space<vmem_shared>>)
        tpu.yield
      }) : () -> ()
    } else {
    }
    %add3A_32 = arith.constant 64 : i32
    %add3A_33 = arith.addi %arg1, %add3A_32 : i32
    %lt3A_34 = arith.constant 125 : i32
    %lt3A_35 = arith.cmpi slt, %add3A_33, %lt3A_34 : i32
    %convert_element_type3A_36 = arith.extui %lt3A_35 : i1 to i32
    %cond3A_37 = arith.constant 0 : i32
    %cond3A_38 = arith.cmpi ne, %convert_element_type3A_36, %cond3A_37 : i32
    scf.if %cond3A_38 {
      %mul3A_161 = arith.constant 80 : i32
      %mul3A_162 = arith.muli %add3A_33, %mul3A_161 : i32
      "tpu.region"() ({
        %run_scoped3A = tpu.sem_alloc : memref<!tpu.dma_semaphore, #tpu.memory_space<semaphore_mem>>
        %dma_start3A_163 = arith.constant 0 : i32
        %dma_start3A_164 = tpu.memref_slice %arg7[%mul3A_162, %dma_start3A_163] : memref<10000x128xf32, #tpu.memory_space<vmem_shared>> -> memref<80x128xf32, #tpu.memory_space<vmem_shared>>
        %dma_start3A_165 = arith.constant 0 : i32
        %dma_start3A_166 = tpu.memref_slice %arg7[%mul3A_162, %dma_start3A_165] : memref<10000x128xf32, #tpu.memory_space<vmem_shared>> -> memref<80x128xf32, #tpu.memory_space<vmem_shared>>
        tpu.enqueue_dma source(%arg13 : memref<80x128xf32, #tpu.memory_space<vmem>>) target(%dma_start3A_166 : memref<80x128xf32, #tpu.memory_space<vmem_shared>>) target_semaphore(%run_scoped3A : memref<!tpu.dma_semaphore, #tpu.memory_space<semaphore_mem>>)
        %dma_wait3A_167 = arith.constant 0 : i32
        %dma_wait3A_168 = tpu.memref_slice %arg7[%mul3A_162, %dma_wait3A_167] : memref<10000x128xf32, #tpu.memory_space<vmem_shared>> -> memref<80x128xf32, #tpu.memory_space<vmem_shared>>
        %dma_wait3A_169 = arith.constant 0 : i32
        %dma_wait3A_170 = tpu.memref_slice %arg7[%mul3A_162, %dma_wait3A_169] : memref<10000x128xf32, #tpu.memory_space<vmem_shared>> -> memref<80x128xf32, #tpu.memory_space<vmem_shared>>
        tpu.wait_dma2 semaphore(%run_scoped3A : memref<!tpu.dma_semaphore, #tpu.memory_space<semaphore_mem>>) src(%arg13 : memref<80x128xf32, #tpu.memory_space<vmem>>) dst(%dma_wait3A_170 : memref<80x128xf32, #tpu.memory_space<vmem_shared>>)
        tpu.yield
      }) : () -> ()
    } else {
    }
    %add3A_39 = arith.constant 80 : i32
    %add3A_40 = arith.addi %arg1, %add3A_39 : i32
    %lt3A_41 = arith.constant 125 : i32
    %lt3A_42 = arith.cmpi slt, %add3A_40, %lt3A_41 : i32
    %convert_element_type3A_43 = arith.extui %lt3A_42 : i1 to i32
    %cond3A_44 = arith.constant 0 : i32
    %cond3A_45 = arith.cmpi ne, %convert_element_type3A_43, %cond3A_44 : i32
    scf.if %cond3A_45 {
      %mul3A_161 = arith.constant 80 : i32
      %mul3A_162 = arith.muli %add3A_40, %mul3A_161 : i32
      "tpu.region"() ({
        %run_scoped3A = tpu.sem_alloc : memref<!tpu.dma_semaphore, #tpu.memory_space<semaphore_mem>>
        %dma_start3A_163 = arith.constant 0 : i32
        %dma_start3A_164 = tpu.memref_slice %arg7[%mul3A_162, %dma_start3A_163] : memref<10000x128xf32, #tpu.memory_space<vmem_shared>> -> memref<80x128xf32, #tpu.memory_space<vmem_shared>>
        %dma_start3A_165 = arith.constant 0 : i32
        %dma_start3A_166 = tpu.memref_slice %arg7[%mul3A_162, %dma_start3A_165] : memref<10000x128xf32, #tpu.memory_space<vmem_shared>> -> memref<80x128xf32, #tpu.memory_space<vmem_shared>>
        tpu.enqueue_dma source(%arg13 : memref<80x128xf32, #tpu.memory_space<vmem>>) target(%dma_start3A_166 : memref<80x128xf32, #tpu.memory_space<vmem_shared>>) target_semaphore(%run_scoped3A : memref<!tpu.dma_semaphore, #tpu.memory_space<semaphore_mem>>)
        %dma_wait3A_167 = arith.constant 0 : i32
        %dma_wait3A_168 = tpu.memref_slice %arg7[%mul3A_162, %dma_wait3A_167] : memref<10000x128xf32, #tpu.memory_space<vmem_shared>> -> memref<80x128xf32, #tpu.memory_space<vmem_shared>>
        %dma_wait3A_169 = arith.constant 0 : i32
        %dma_wait3A_170 = tpu.memref_slice %arg7[%mul3A_162, %dma_wait3A_169] : memref<10000x128xf32, #tpu.memory_space<vmem_shared>> -> memref<80x128xf32, #tpu.memory_space<vmem_shared>>
        tpu.wait_dma2 semaphore(%run_scoped3A : memref<!tpu.dma_semaphore, #tpu.memory_space<semaphore_mem>>) src(%arg13 : memref<80x128xf32, #tpu.memory_space<vmem>>) dst(%dma_wait3A_170 : memref<80x128xf32, #tpu.memory_space<vmem_shared>>)
        tpu.yield
      }) : () -> ()
    } else {
    }
    %add3A_46 = arith.constant 96 : i32
    %add3A_47 = arith.addi %arg1, %add3A_46 : i32
    %lt3A_48 = arith.constant 125 : i32
    %lt3A_49 = arith.cmpi slt, %add3A_47, %lt3A_48 : i32
    %convert_element_type3A_50 = arith.extui %lt3A_49 : i1 to i32
    %cond3A_51 = arith.constant 0 : i32
    %cond3A_52 = arith.cmpi ne, %convert_element_type3A_50, %cond3A_51 : i32
    scf.if %cond3A_52 {
      %mul3A_161 = arith.constant 80 : i32
      %mul3A_162 = arith.muli %add3A_47, %mul3A_161 : i32
      "tpu.region"() ({
        %run_scoped3A = tpu.sem_alloc : memref<!tpu.dma_semaphore, #tpu.memory_space<semaphore_mem>>
        %dma_start3A_163 = arith.constant 0 : i32
        %dma_start3A_164 = tpu.memref_slice %arg7[%mul3A_162, %dma_start3A_163] : memref<10000x128xf32, #tpu.memory_space<vmem_shared>> -> memref<80x128xf32, #tpu.memory_space<vmem_shared>>
        %dma_start3A_165 = arith.constant 0 : i32
        %dma_start3A_166 = tpu.memref_slice %arg7[%mul3A_162, %dma_start3A_165] : memref<10000x128xf32, #tpu.memory_space<vmem_shared>> -> memref<80x128xf32, #tpu.memory_space<vmem_shared>>
        tpu.enqueue_dma source(%arg13 : memref<80x128xf32, #tpu.memory_space<vmem>>) target(%dma_start3A_166 : memref<80x128xf32, #tpu.memory_space<vmem_shared>>) target_semaphore(%run_scoped3A : memref<!tpu.dma_semaphore, #tpu.memory_space<semaphore_mem>>)
        %dma_wait3A_167 = arith.constant 0 : i32
        %dma_wait3A_168 = tpu.memref_slice %arg7[%mul3A_162, %dma_wait3A_167] : memref<10000x128xf32, #tpu.memory_space<vmem_shared>> -> memref<80x128xf32, #tpu.memory_space<vmem_shared>>
        %dma_wait3A_169 = arith.constant 0 : i32
        %dma_wait3A_170 = tpu.memref_slice %arg7[%mul3A_162, %dma_wait3A_169] : memref<10000x128xf32, #tpu.memory_space<vmem_shared>> -> memref<80x128xf32, #tpu.memory_space<vmem_shared>>
        tpu.wait_dma2 semaphore(%run_scoped3A : memref<!tpu.dma_semaphore, #tpu.memory_space<semaphore_mem>>) src(%arg13 : memref<80x128xf32, #tpu.memory_space<vmem>>) dst(%dma_wait3A_170 : memref<80x128xf32, #tpu.memory_space<vmem_shared>>)
        tpu.yield
      }) : () -> ()
    } else {
    }
    %add3A_53 = arith.constant 112 : i32
    %add3A_54 = arith.addi %arg1, %add3A_53 : i32
    %lt3A_55 = arith.constant 125 : i32
    %lt3A_56 = arith.cmpi slt, %add3A_54, %lt3A_55 : i32
    %convert_element_type3A_57 = arith.extui %lt3A_56 : i1 to i32
    %cond3A_58 = arith.constant 0 : i32
    %cond3A_59 = arith.cmpi ne, %convert_element_type3A_57, %cond3A_58 : i32
    scf.if %cond3A_59 {
      %mul3A_161 = arith.constant 80 : i32
      %mul3A_162 = arith.muli %add3A_54, %mul3A_161 : i32
      "tpu.region"() ({
        %run_scoped3A = tpu.sem_alloc : memref<!tpu.dma_semaphore, #tpu.memory_space<semaphore_mem>>
        %dma_start3A_163 = arith.constant 0 : i32
        %dma_start3A_164 = tpu.memref_slice %arg7[%mul3A_162, %dma_start3A_163] : memref<10000x128xf32, #tpu.memory_space<vmem_shared>> -> memref<80x128xf32, #tpu.memory_space<vmem_shared>>
        %dma_start3A_165 = arith.constant 0 : i32
        %dma_start3A_166 = tpu.memref_slice %arg7[%mul3A_162, %dma_start3A_165] : memref<10000x128xf32, #tpu.memory_space<vmem_shared>> -> memref<80x128xf32, #tpu.memory_space<vmem_shared>>
        tpu.enqueue_dma source(%arg13 : memref<80x128xf32, #tpu.memory_space<vmem>>) target(%dma_start3A_166 : memref<80x128xf32, #tpu.memory_space<vmem_shared>>) target_semaphore(%run_scoped3A : memref<!tpu.dma_semaphore, #tpu.memory_space<semaphore_mem>>)
        %dma_wait3A_167 = arith.constant 0 : i32
        %dma_wait3A_168 = tpu.memref_slice %arg7[%mul3A_162, %dma_wait3A_167] : memref<10000x128xf32, #tpu.memory_space<vmem_shared>> -> memref<80x128xf32, #tpu.memory_space<vmem_shared>>
        %dma_wait3A_169 = arith.constant 0 : i32
        %dma_wait3A_170 = tpu.memref_slice %arg7[%mul3A_162, %dma_wait3A_169] : memref<10000x128xf32, #tpu.memory_space<vmem_shared>> -> memref<80x128xf32, #tpu.memory_space<vmem_shared>>
        tpu.wait_dma2 semaphore(%run_scoped3A : memref<!tpu.dma_semaphore, #tpu.memory_space<semaphore_mem>>) src(%arg13 : memref<80x128xf32, #tpu.memory_space<vmem>>) dst(%dma_wait3A_170 : memref<80x128xf32, #tpu.memory_space<vmem_shared>>)
        tpu.yield
      }) : () -> ()
    } else {
    }
    "tpu.region"() ({
      %run_scoped3A = tpu.sem_alloc : memref<!tpu.dma_semaphore, #tpu.memory_space<semaphore_mem>>
      %dma_start3A_161 = arith.constant 0 : i32
      %dma_start3A_162 = tpu.memref_slice %arg8[%dma_start3A_161] : memref<8000xi32, #tpu.memory_space<vmem>> -> memref<4000xi32, #tpu.memory_space<vmem>>
      %dma_start3A_163 = tpu.memref_slice %arg3[%mul3A_2] : memref<320000xi32, #tpu.memory_space<hbm>> -> memref<4000xi32, #tpu.memory_space<hbm>>
      %dma_start3A_164 = arith.constant 0 : i32
      %dma_start3A_165 = tpu.memref_slice %arg8[%dma_start3A_164] : memref<8000xi32, #tpu.memory_space<vmem>> -> memref<4000xi32, #tpu.memory_space<vmem>>
      %dma_start3A_166 = tpu.memref_slice %arg3[%mul3A_2] : memref<320000xi32, #tpu.memory_space<hbm>> -> memref<4000xi32, #tpu.memory_space<hbm>>
      tpu.enqueue_dma source(%dma_start3A_166 : memref<4000xi32, #tpu.memory_space<hbm>>) target(%dma_start3A_165 : memref<4000xi32, #tpu.memory_space<vmem>>) target_semaphore(%run_scoped3A : memref<!tpu.dma_semaphore, #tpu.memory_space<semaphore_mem>>)
      %dma_wait3A_167 = arith.constant 0 : i32
      %dma_wait3A_168 = tpu.memref_slice %arg8[%dma_wait3A_167] : memref<8000xi32, #tpu.memory_space<vmem>> -> memref<4000xi32, #tpu.memory_space<vmem>>
      %dma_wait3A_169 = tpu.memref_slice %arg3[%mul3A_2] : memref<320000xi32, #tpu.memory_space<hbm>> -> memref<4000xi32, #tpu.memory_space<hbm>>
      %dma_wait3A_170 = arith.constant 0 : i32
      %dma_wait3A_171 = tpu.memref_slice %arg8[%dma_wait3A_170] : memref<8000xi32, #tpu.memory_space<vmem>> -> memref<4000xi32, #tpu.memory_space<vmem>>
      %dma_wait3A_172 = tpu.memref_slice %arg3[%mul3A_2] : memref<320000xi32, #tpu.memory_space<hbm>> -> memref<4000xi32, #tpu.memory_space<hbm>>
      tpu.wait_dma2 semaphore(%run_scoped3A : memref<!tpu.dma_semaphore, #tpu.memory_space<semaphore_mem>>) src(%dma_wait3A_172 : memref<4000xi32, #tpu.memory_space<hbm>>) dst(%dma_wait3A_171 : memref<4000xi32, #tpu.memory_space<vmem>>)
      tpu.yield
    }) : () -> ()
    "tpu.region"() ({
      %run_scoped3A = tpu.sem_alloc : memref<!tpu.dma_semaphore, #tpu.memory_space<semaphore_mem>>
      %dma_start3A_161 = tpu.memref_slice %arg4[%mul3A_2] : memref<320000xi32, #tpu.memory_space<hbm>> -> memref<4000xi32, #tpu.memory_space<hbm>>
      %dma_start3A_162 = tpu.memref_slice %arg4[%mul3A_2] : memref<320000xi32, #tpu.memory_space<hbm>> -> memref<4000xi32, #tpu.memory_space<hbm>>
      tpu.enqueue_dma source(%dma_start3A_162 : memref<4000xi32, #tpu.memory_space<hbm>>) target(%arg9 : memref<4000xi32, #tpu.memory_space<vmem>>) target_semaphore(%run_scoped3A : memref<!tpu.dma_semaphore, #tpu.memory_space<semaphore_mem>>)
      %dma_wait3A_163 = tpu.memref_slice %arg4[%mul3A_2] : memref<320000xi32, #tpu.memory_space<hbm>> -> memref<4000xi32, #tpu.memory_space<hbm>>
      %dma_wait3A_164 = tpu.memref_slice %arg4[%mul3A_2] : memref<320000xi32, #tpu.memory_space<hbm>> -> memref<4000xi32, #tpu.memory_space<hbm>>
      tpu.wait_dma2 semaphore(%run_scoped3A : memref<!tpu.dma_semaphore, #tpu.memory_space<semaphore_mem>>) src(%dma_wait3A_164 : memref<4000xi32, #tpu.memory_space<hbm>>) dst(%arg9 : memref<4000xi32, #tpu.memory_space<vmem>>)
      tpu.yield
    }) : () -> ()
    %scan3A_60 = arith.constant 0 : i32
    %scan3A_61 = arith.constant 0 : i32
    %scan3A_62 = arith.constant 250 : i32
    %scan3A_63 = arith.addi %scan3A_61, %scan3A_62 : i32
    %scan3A_64 = arith.constant 1 : i32
    scf.for %scan3A_161 = %scan3A_61 to %scan3A_63 step %scan3A_64  : i32 {
      %mul3A_162 = arith.constant 16 : i32
      %mul3A_163 = arith.muli %scan3A_161, %mul3A_162 : i32
      %add3A_164 = arith.constant 0 : i32
      %add3A_165 = arith.addi %add3A_164, %mul3A_163 : i32
      %mul3A_166 = arith.constant 16 : i32
      %mul3A_167 = arith.muli %scan3A_161, %mul3A_166 : i32
      %get3A = arith.index_cast %mul3A_167 : i32 to index
      %get3A_168 = tpu.vector_load %arg9[%get3A] {strides = array<i32>} : memref<4000xi32, #tpu.memory_space<vmem>>, vector<16xi32>,
      %get3A_169 = vector.shape_cast %get3A_168 : vector<16xi32> to vector<16xi32>
      %mul3A_170 = arith.constant 10000 : i32
      %mul3A_171 = vector.broadcast %mul3A_170 : i32 to vector<16xi32>
      %mul3A_172 = arith.muli %get3A_169, %mul3A_171 : vector<16xi32>
      %add3A_173 = vector.broadcast %mul3A_0 : i32 to vector<16xi32>
      %add3A_174 = arith.addi %add3A_173, %mul3A_172 : vector<16xi32>
      %get3A_175 = arith.index_cast %add3A_165 : i32 to index
      %get3A_176 = tpu.vector_load %arg8[%get3A_175] {strides = array<i32>} : memref<8000xi32, #tpu.memory_space<vmem>>, vector<16xi32>,
      %get3A_177 = vector.shape_cast %get3A_176 : vector<16xi32> to vector<16xi32>
      %add3A_178 = arith.addi %add3A_174, %get3A_177 : vector<16xi32>
      %swap3A = arith.index_cast %add3A_165 : i32 to index
      %swap3A_179 = tpu.vector_load %arg8[%swap3A] {strides = array<i32>} : memref<8000xi32, #tpu.memory_space<vmem>>, vector<16xi32>,
      %swap3A_180 = vector.shape_cast %swap3A_179 : vector<16xi32> to vector<16xi32>
      %swap3A_181 = vector.shape_cast %add3A_178 : vector<16xi32> to vector<16xi32>
      tpu.vector_store %arg8[%swap3A], %swap3A_181 {strides = array<i32>} : memref<8000xi32, #tpu.memory_space<vmem>>, vector<16xi32>,
    }
    %scan3A_65 = arith.constant 250 : i32
    %dma_start3A = arith.constant 0 : i32
    %dma_start3A_66 = tpu.memref_slice %arg8[%dma_start3A] : memref<8000xi32, #tpu.memory_space<vmem>> -> memref<80xi32, #tpu.memory_space<vmem>>
    %dma_start3A_67 = arith.constant 0 : i32
    %dma_start3A_68 = arith.constant 0 : i32
    %dma_start3A_69 = tpu.memref_slice %arg2[%dma_start3A_67, %dma_start3A_68] : memref<160000x128xf32, #tpu.memory_space<hbm>> -> memref<160000x128xf32, #tpu.memory_space<hbm>>
    tpu.enqueue_indirect_dma source(%dma_start3A_69 : memref<160000x128xf32, #tpu.memory_space<hbm>>) target(%arg13 : memref<80x128xf32, #tpu.memory_space<vmem>>) offsets(%dma_start3A_66 : memref<80xi32, #tpu.memory_space<vmem>>) semaphore(%arg16 : memref<!tpu.dma_semaphore, #tpu.memory_space<semaphore_mem>>)
    %add3A_70 = arith.constant 0 : i32
    %add3A_71 = arith.addi %mul3A_2, %add3A_70 : i32
    %dma_start3A_72 = tpu.memref_slice %arg5[%add3A_71] : memref<320000xi32, #tpu.memory_space<hbm>> -> memref<80xi32, #tpu.memory_space<hbm>>
    %dma_start3A_73 = tpu.memref_slice %arg5[%add3A_71] : memref<320000xi32, #tpu.memory_space<hbm>> -> memref<80xi32, #tpu.memory_space<hbm>>
    tpu.enqueue_dma source(%dma_start3A_73 : memref<80xi32, #tpu.memory_space<hbm>>) target(%arg10 : memref<80xi32, #tpu.memory_space<vmem>>) target_semaphore(%arg19 : memref<!tpu.dma_semaphore, #tpu.memory_space<semaphore_mem>>)
    %dma_start3A_74 = arith.constant 80 : i32
    %dma_start3A_75 = tpu.memref_slice %arg8[%dma_start3A_74] : memref<8000xi32, #tpu.memory_space<vmem>> -> memref<80xi32, #tpu.memory_space<vmem>>
    %dma_start3A_76 = arith.constant 0 : i32
    %dma_start3A_77 = arith.constant 0 : i32
    %dma_start3A_78 = tpu.memref_slice %arg2[%dma_start3A_76, %dma_start3A_77] : memref<160000x128xf32, #tpu.memory_space<hbm>> -> memref<160000x128xf32, #tpu.memory_space<hbm>>
    tpu.enqueue_indirect_dma source(%dma_start3A_78 : memref<160000x128xf32, #tpu.memory_space<hbm>>) target(%arg14 : memref<80x128xf32, #tpu.memory_space<vmem>>) offsets(%dma_start3A_75 : memref<80xi32, #tpu.memory_space<vmem>>) semaphore(%arg17 : memref<!tpu.dma_semaphore, #tpu.memory_space<semaphore_mem>>)
    %add3A_79 = arith.constant 80 : i32
    %add3A_80 = arith.addi %mul3A_2, %add3A_79 : i32
    %dma_start3A_81 = tpu.memref_slice %arg5[%add3A_80] : memref<320000xi32, #tpu.memory_space<hbm>> -> memref<80xi32, #tpu.memory_space<hbm>>
    %dma_start3A_82 = tpu.memref_slice %arg5[%add3A_80] : memref<320000xi32, #tpu.memory_space<hbm>> -> memref<80xi32, #tpu.memory_space<hbm>>
    tpu.enqueue_dma source(%dma_start3A_82 : memref<80xi32, #tpu.memory_space<hbm>>) target(%arg11 : memref<80xi32, #tpu.memory_space<vmem>>) target_semaphore(%arg20 : memref<!tpu.dma_semaphore, #tpu.memory_space<semaphore_mem>>)
    %dma_start3A_83 = arith.constant 160 : i32
    %dma_start3A_84 = tpu.memref_slice %arg8[%dma_start3A_83] : memref<8000xi32, #tpu.memory_space<vmem>> -> memref<80xi32, #tpu.memory_space<vmem>>
    %dma_start3A_85 = arith.constant 0 : i32
    %dma_start3A_86 = arith.constant 0 : i32
    %dma_start3A_87 = tpu.memref_slice %arg2[%dma_start3A_85, %dma_start3A_86] : memref<160000x128xf32, #tpu.memory_space<hbm>> -> memref<160000x128xf32, #tpu.memory_space<hbm>>
    tpu.enqueue_indirect_dma source(%dma_start3A_87 : memref<160000x128xf32, #tpu.memory_space<hbm>>) target(%arg15 : memref<80x128xf32, #tpu.memory_space<vmem>>) offsets(%dma_start3A_84 : memref<80xi32, #tpu.memory_space<vmem>>) semaphore(%arg18 : memref<!tpu.dma_semaphore, #tpu.memory_space<semaphore_mem>>)
    %add3A_88 = arith.constant 160 : i32
    %add3A_89 = arith.addi %mul3A_2, %add3A_88 : i32
    %dma_start3A_90 = tpu.memref_slice %arg5[%add3A_89] : memref<320000xi32, #tpu.memory_space<hbm>> -> memref<80xi32, #tpu.memory_space<hbm>>
    %dma_start3A_91 = tpu.memref_slice %arg5[%add3A_89] : memref<320000xi32, #tpu.memory_space<hbm>> -> memref<80xi32, #tpu.memory_space<hbm>>
    tpu.enqueue_dma source(%dma_start3A_91 : memref<80xi32, #tpu.memory_space<hbm>>) target(%arg12 : memref<80xi32, #tpu.memory_space<vmem>>) target_semaphore(%arg21 : memref<!tpu.dma_semaphore, #tpu.memory_space<semaphore_mem>>)
    %barrier3A = arith.constant 0 : index
    tpu.barrier barrier_id(%barrier3A)
    %scan3A_92 = arith.constant 0 : i32
    %scan3A_93 = arith.constant 0 : i32
    %scan3A_94 = arith.constant 83 : i32
    %scan3A_95 = arith.addi %scan3A_93, %scan3A_94 : i32
    %scan3A_96 = arith.constant 1 : i32
    scf.for %scan3A_161 = %scan3A_93 to %scan3A_95 step %scan3A_96  : i32 {
      %mul3A_162 = arith.constant 3 : i32
      %mul3A_163 = arith.muli %mul3A_162, %scan3A_161 : i32
      %add3A_164 = arith.constant 0 : i32
      %add3A_165 = arith.addi %mul3A_163, %add3A_164 : i32
      %dma_wait3A_166 = arith.constant 0 : i32
      %dma_wait3A_167 = tpu.memref_slice %arg8[%dma_wait3A_166] : memref<8000xi32, #tpu.memory_space<vmem>> -> memref<80xi32, #tpu.memory_space<vmem>>
      %dma_wait3A_168 = arith.constant 0 : i32
      %dma_wait3A_169 = arith.constant 0 : i32
      %dma_wait3A_170 = tpu.memref_slice %arg2[%dma_wait3A_168, %dma_wait3A_169] : memref<160000x128xf32, #tpu.memory_space<hbm>> -> memref<160000x128xf32, #tpu.memory_space<hbm>>
      tpu.wait_indirect_dma semaphore(%arg16 : memref<!tpu.dma_semaphore, #tpu.memory_space<semaphore_mem>>) src(%dma_wait3A_170 : memref<160000x128xf32, #tpu.memory_space<hbm>>) dst(%arg13 : memref<80x128xf32, #tpu.memory_space<vmem>>)
      %dma_wait3A_171 = tpu.memref_slice %arg5[%mul3A_2] : memref<320000xi32, #tpu.memory_space<hbm>> -> memref<80xi32, #tpu.memory_space<hbm>>
      %dma_wait3A_172 = tpu.memref_slice %arg5[%mul3A_2] : memref<320000xi32, #tpu.memory_space<hbm>> -> memref<80xi32, #tpu.memory_space<hbm>>
      tpu.wait_dma2 semaphore(%arg19 : memref<!tpu.dma_semaphore, #tpu.memory_space<semaphore_mem>>) src(%dma_wait3A_172 : memref<80xi32, #tpu.memory_space<hbm>>) dst(%arg10 : memref<80xi32, #tpu.memory_space<vmem>>)
      "tpu.region"() ({
        %run_scoped3A = tpu.sem_alloc : memref<!tpu.dma_semaphore, #tpu.memory_space<semaphore_mem>>
        %dma_start3A_429 = arith.constant 0 : i32
        %dma_start3A_430 = arith.constant 0 : i32
        %dma_start3A_431 = tpu.memref_slice %arg7[%dma_start3A_429, %dma_start3A_430] : memref<10000x128xf32, #tpu.memory_space<vmem_shared>> -> memref<10000x128xf32, #tpu.memory_space<vmem_shared>>
        tpu.enqueue_indirect_dma source(%arg13 : memref<80x128xf32, #tpu.memory_space<vmem>>) target(%dma_start3A_431 : memref<10000x128xf32, #tpu.memory_space<vmem_shared>>) offsets(%arg10 : memref<80xi32, #tpu.memory_space<vmem>>) semaphore(%run_scoped3A : memref<!tpu.dma_semaphore, #tpu.memory_space<semaphore_mem>>) {add = true}
        %dma_wait3A_432 = arith.constant 0 : i32
        %dma_wait3A_433 = arith.constant 0 : i32
        %dma_wait3A_434 = tpu.memref_slice %arg7[%dma_wait3A_432, %dma_wait3A_433] : memref<10000x128xf32, #tpu.memory_space<vmem_shared>> -> memref<10000x128xf32, #tpu.memory_space<vmem_shared>>
        tpu.wait_indirect_dma semaphore(%run_scoped3A : memref<!tpu.dma_semaphore, #tpu.memory_space<semaphore_mem>>) src(%arg13 : memref<80x128xf32, #tpu.memory_space<vmem>>) dst(%dma_wait3A_434 : memref<10000x128xf32, #tpu.memory_space<vmem_shared>>)
        tpu.yield
      }) : () -> ()
      %add3A_173 = arith.constant 3 : i32
      %add3A_174 = arith.addi %add3A_165, %add3A_173 : i32
      %lt3A_175 = arith.constant 250 : i32
      %lt3A_176 = arith.cmpi slt, %add3A_174, %lt3A_175 : i32
      %convert_element_type3A_177 = arith.extui %lt3A_176 : i1 to i32
      %cond3A_178 = arith.constant 0 : i32
      %cond3A_179 = arith.cmpi ne, %convert_element_type3A_177, %cond3A_178 : i32
      scf.if %cond3A_179 {
        %jit3A_429 = arith.constant 100 : i32
        %eq3A_430 = arith.constant 0 : i32
        %eq3A_431 = arith.cmpi eq, %jit3A_429, %eq3A_430 : i32
        %jit3A_432 = arith.constant 1 : i32
        %select_n3A_433 = arith.select %eq3A_431, %jit3A_432, %jit3A_429 : i32
        %rem3A_434 = arith.remsi %add3A_174, %select_n3A_433 : i32
        %ne3A_435 = arith.constant 0 : i32
        %ne3A_436 = arith.cmpi ne, %rem3A_434, %ne3A_435 : i32
        %lt3A_437 = arith.constant 0 : i32
        %lt3A_438 = arith.cmpi slt, %rem3A_434, %lt3A_437 : i32
        %lt3A_439 = arith.constant 0 : i32
        %lt3A_440 = arith.cmpi slt, %select_n3A_433, %lt3A_439 : i32
        %ne3A_441 = arith.xori %lt3A_438, %lt3A_440 : i1
        %and3A_442 = arith.andi %ne3A_441, %ne3A_436 : i1
        %add3A_443 = arith.addi %rem3A_434, %select_n3A_433 : i32
        %select_n3A_444 = arith.select %and3A_442, %add3A_443, %rem3A_434 : i32
        %mul3A_445 = arith.constant 80 : i32
        %mul3A_446 = arith.muli %select_n3A_444, %mul3A_445 : i32
        %dma_start3A_447 = tpu.memref_slice %arg8[%mul3A_446] : memref<8000xi32, #tpu.memory_space<vmem>> -> memref<80xi32, #tpu.memory_space<vmem>>
        %dma_start3A_448 = arith.constant 0 : i32
        %dma_start3A_449 = arith.constant 0 : i32
        %dma_start3A_450 = tpu.memref_slice %arg2[%dma_start3A_448, %dma_start3A_449] : memref<160000x128xf32, #tpu.memory_space<hbm>> -> memref<160000x128xf32, #tpu.memory_space<hbm>>
        tpu.enqueue_indirect_dma source(%dma_start3A_450 : memref<160000x128xf32, #tpu.memory_space<hbm>>) target(%arg13 : memref<80x128xf32, #tpu.memory_space<vmem>>) offsets(%dma_start3A_447 : memref<80xi32, #tpu.memory_space<vmem>>) semaphore(%arg16 : memref<!tpu.dma_semaphore, #tpu.memory_space<semaphore_mem>>)
        %mul3A_451 = arith.constant 80 : i32
        %mul3A_452 = arith.muli %add3A_174, %mul3A_451 : i32
        %add3A_453 = arith.addi %mul3A_2, %mul3A_452 : i32
        %dma_start3A_454 = tpu.memref_slice %arg5[%add3A_453] : memref<320000xi32, #tpu.memory_space<hbm>> -> memref<80xi32, #tpu.memory_space<hbm>>
        %dma_start3A_455 = tpu.memref_slice %arg5[%add3A_453] : memref<320000xi32, #tpu.memory_space<hbm>> -> memref<80xi32, #tpu.memory_space<hbm>>
        tpu.enqueue_dma source(%dma_start3A_455 : memref<80xi32, #tpu.memory_space<hbm>>) target(%arg10 : memref<80xi32, #tpu.memory_space<vmem>>) target_semaphore(%arg19 : memref<!tpu.dma_semaphore, #tpu.memory_space<semaphore_mem>>)
      } else {
      }
      %jit3A = arith.constant 50 : i32
      %div3A = arith.divsi %add3A_165, %jit3A : i32
      %sign3A = arith.constant 0 : i32
      %sign3A_180 = arith.cmpi sgt, %add3A_165, %sign3A : i32
      %sign3A_181 = arith.extui %sign3A_180 : i1 to i32
      %sign3A_182 = arith.constant 0 : i32
      %sign3A_183 = arith.cmpi slt, %add3A_165, %sign3A_182 : i32
      %sign3A_184 = arith.extui %sign3A_183 : i1 to i32
      %sign3A_185 = arith.subi %sign3A_181, %sign3A_184 : i32
      %sign3A_186 = arith.constant 0 : i32
      %sign3A_187 = arith.cmpi sgt, %jit3A, %sign3A_186 : i32
      %sign3A_188 = arith.extui %sign3A_187 : i1 to i32
      %sign3A_189 = arith.constant 0 : i32
      %sign3A_190 = arith.cmpi slt, %jit3A, %sign3A_189 : i32
      %sign3A_191 = arith.extui %sign3A_190 : i1 to i32
      %sign3A_192 = arith.subi %sign3A_188, %sign3A_191 : i32
      %ne3A = arith.cmpi ne, %sign3A_185, %sign3A_192 : i32
      %rem3A = arith.remsi %add3A_165, %jit3A : i32
      %ne3A_193 = arith.constant 0 : i32
      %ne3A_194 = arith.cmpi ne, %rem3A, %ne3A_193 : i32
      %and3A = arith.andi %ne3A, %ne3A_194 : i1
      %sub3A = arith.constant 1 : i32
      %sub3A_195 = arith.subi %div3A, %sub3A : i32
      %select_n3A = arith.select %and3A, %sub3A_195, %div3A : i32
      %add3A_196 = arith.constant 1 : i32
      %add3A_197 = arith.addi %select_n3A, %add3A_196 : i32
      %jit3A_198 = arith.constant 50 : i32
      %eq3A = arith.constant 0 : i32
      %eq3A_199 = arith.cmpi eq, %jit3A_198, %eq3A : i32
      %jit3A_200 = arith.constant 1 : i32
      %select_n3A_201 = arith.select %eq3A_199, %jit3A_200, %jit3A_198 : i32
      %rem3A_202 = arith.remsi %add3A_165, %select_n3A_201 : i32
      %ne3A_203 = arith.constant 0 : i32
      %ne3A_204 = arith.cmpi ne, %rem3A_202, %ne3A_203 : i32
      %lt3A_205 = arith.constant 0 : i32
      %lt3A_206 = arith.cmpi slt, %rem3A_202, %lt3A_205 : i32
      %lt3A_207 = arith.constant 0 : i32
      %lt3A_208 = arith.cmpi slt, %select_n3A_201, %lt3A_207 : i32
      %ne3A_209 = arith.xori %lt3A_206, %lt3A_208 : i1
      %and3A_210 = arith.andi %ne3A_209, %ne3A_204 : i1
      %add3A_211 = arith.addi %rem3A_202, %select_n3A_201 : i32
      %select_n3A_212 = arith.select %and3A_210, %add3A_211, %rem3A_202 : i32
      %eq3A_213 = arith.constant 0 : i32
      %eq3A_214 = arith.cmpi eq, %select_n3A_212, %eq3A_213 : i32
      %lt3A_215 = arith.constant 5 : i32
      %lt3A_216 = arith.cmpi slt, %add3A_197, %lt3A_215 : i32
      %and3A_217 = arith.andi %eq3A_214, %lt3A_216 : i1
      %convert_element_type3A_218 = arith.extui %and3A_217 : i1 to i32
      %cond3A_219 = arith.constant 0 : i32
      %cond3A_220 = arith.cmpi ne, %convert_element_type3A_218, %cond3A_219 : i32
      scf.if %cond3A_220 {
        %jit3A_429 = arith.constant 2 : i32
        %eq3A_430 = arith.constant 0 : i32
        %eq3A_431 = arith.cmpi eq, %jit3A_429, %eq3A_430 : i32
        %jit3A_432 = arith.constant 1 : i32
        %select_n3A_433 = arith.select %eq3A_431, %jit3A_432, %jit3A_429 : i32
        %rem3A_434 = arith.remsi %add3A_197, %select_n3A_433 : i32
        %ne3A_435 = arith.constant 0 : i32
        %ne3A_436 = arith.cmpi ne, %rem3A_434, %ne3A_435 : i32
        %lt3A_437 = arith.constant 0 : i32
        %lt3A_438 = arith.cmpi slt, %rem3A_434, %lt3A_437 : i32
        %lt3A_439 = arith.constant 0 : i32
        %lt3A_440 = arith.cmpi slt, %select_n3A_433, %lt3A_439 : i32
        %ne3A_441 = arith.xori %lt3A_438, %lt3A_440 : i1
        %and3A_442 = arith.andi %ne3A_441, %ne3A_436 : i1
        %add3A_443 = arith.addi %rem3A_434, %select_n3A_433 : i32
        %select_n3A_444 = arith.select %and3A_442, %add3A_443, %rem3A_434 : i32
        %mul3A_445 = arith.constant 4000 : i32
        %mul3A_446 = arith.muli %select_n3A_444, %mul3A_445 : i32
        %mul3A_447 = arith.constant 4000 : i32
        %mul3A_448 = arith.muli %add3A_197, %mul3A_447 : i32
        %add3A_449 = arith.addi %mul3A_2, %mul3A_448 : i32
        %dma_start3A_450 = tpu.memref_slice %arg8[%mul3A_446] : memref<8000xi32, #tpu.memory_space<vmem>> -> memref<4000xi32, #tpu.memory_space<vmem>>
        %dma_start3A_451 = tpu.memref_slice %arg3[%add3A_449] : memref<320000xi32, #tpu.memory_space<hbm>> -> memref<4000xi32, #tpu.memory_space<hbm>>
        %dma_start3A_452 = tpu.memref_slice %arg8[%mul3A_446] : memref<8000xi32, #tpu.memory_space<vmem>> -> memref<4000xi32, #tpu.memory_space<vmem>>
        %dma_start3A_453 = tpu.memref_slice %arg3[%add3A_449] : memref<320000xi32, #tpu.memory_space<hbm>> -> memref<4000xi32, #tpu.memory_space<hbm>>
        tpu.enqueue_dma source(%dma_start3A_453 : memref<4000xi32, #tpu.memory_space<hbm>>) target(%dma_start3A_452 : memref<4000xi32, #tpu.memory_space<vmem>>) target_semaphore(%arg22 : memref<!tpu.dma_semaphore, #tpu.memory_space<semaphore_mem>>)
        %mul3A_454 = arith.constant 4000 : i32
        %mul3A_455 = arith.muli %add3A_197, %mul3A_454 : i32
        %add3A_456 = arith.addi %mul3A_2, %mul3A_455 : i32
        %dma_start3A_457 = tpu.memref_slice %arg4[%add3A_456] : memref<320000xi32, #tpu.memory_space<hbm>> -> memref<4000xi32, #tpu.memory_space<hbm>>
        %dma_start3A_458 = tpu.memref_slice %arg4[%add3A_456] : memref<320000xi32, #tpu.memory_space<hbm>> -> memref<4000xi32, #tpu.memory_space<hbm>>
        tpu.enqueue_dma source(%dma_start3A_458 : memref<4000xi32, #tpu.memory_space<hbm>>) target(%arg9 : memref<4000xi32, #tpu.memory_space<vmem>>) target_semaphore(%arg22 : memref<!tpu.dma_semaphore, #tpu.memory_space<semaphore_mem>>)
      } else {
      }
      %jit3A_221 = arith.constant 50 : i32
      %eq3A_222 = arith.constant 0 : i32
      %eq3A_223 = arith.cmpi eq, %jit3A_221, %eq3A_222 : i32
      %jit3A_224 = arith.constant 1 : i32
      %select_n3A_225 = arith.select %eq3A_223, %jit3A_224, %jit3A_221 : i32
      %rem3A_226 = arith.remsi %add3A_165, %select_n3A_225 : i32
      %ne3A_227 = arith.constant 0 : i32
      %ne3A_228 = arith.cmpi ne, %rem3A_226, %ne3A_227 : i32
      %lt3A_229 = arith.constant 0 : i32
      %lt3A_230 = arith.cmpi slt, %rem3A_226, %lt3A_229 : i32
      %lt3A_231 = arith.constant 0 : i32
      %lt3A_232 = arith.cmpi slt, %select_n3A_225, %lt3A_231 : i32
      %ne3A_233 = arith.xori %lt3A_230, %lt3A_232 : i1
      %and3A_234 = arith.andi %ne3A_233, %ne3A_228 : i1
      %add3A_235 = arith.addi %rem3A_226, %select_n3A_225 : i32
      %select_n3A_236 = arith.select %and3A_234, %add3A_235, %rem3A_226 : i32
      %eq3A_237 = arith.constant 44 : i32
      %eq3A_238 = arith.cmpi eq, %select_n3A_236, %eq3A_237 : i32
      %lt3A_239 = arith.constant 5 : i32
      %lt3A_240 = arith.cmpi slt, %add3A_197, %lt3A_239 : i32
      %and3A_241 = arith.andi %eq3A_238, %lt3A_240 : i1
      %convert_element_type3A_242 = arith.extui %and3A_241 : i1 to i32
      %cond3A_243 = arith.constant 0 : i32
      %cond3A_244 = arith.cmpi ne, %convert_element_type3A_242, %cond3A_243 : i32
      scf.if %cond3A_244 {
        %dma_wait3A_429 = arith.constant 0 : i32
        %dma_wait3A_430 = tpu.memref_slice %arg8[%dma_wait3A_429] : memref<8000xi32, #tpu.memory_space<vmem>> -> memref<4000xi32, #tpu.memory_space<vmem>>
        %dma_wait3A_431 = tpu.memref_slice %arg3[%mul3A_2] : memref<320000xi32, #tpu.memory_space<hbm>> -> memref<4000xi32, #tpu.memory_space<hbm>>
        %dma_wait3A_432 = arith.constant 0 : i32
        %dma_wait3A_433 = tpu.memref_slice %arg8[%dma_wait3A_432] : memref<8000xi32, #tpu.memory_space<vmem>> -> memref<4000xi32, #tpu.memory_space<vmem>>
        %dma_wait3A_434 = tpu.memref_slice %arg3[%mul3A_2] : memref<320000xi32, #tpu.memory_space<hbm>> -> memref<4000xi32, #tpu.memory_space<hbm>>
        tpu.wait_dma2 semaphore(%arg22 : memref<!tpu.dma_semaphore, #tpu.memory_space<semaphore_mem>>) src(%dma_wait3A_434 : memref<4000xi32, #tpu.memory_space<hbm>>) dst(%dma_wait3A_433 : memref<4000xi32, #tpu.memory_space<vmem>>)
        %dma_wait3A_435 = tpu.memref_slice %arg4[%mul3A_2] : memref<320000xi32, #tpu.memory_space<hbm>> -> memref<4000xi32, #tpu.memory_space<hbm>>
        %dma_wait3A_436 = tpu.memref_slice %arg4[%mul3A_2] : memref<320000xi32, #tpu.memory_space<hbm>> -> memref<4000xi32, #tpu.memory_space<hbm>>
        tpu.wait_dma2 semaphore(%arg22 : memref<!tpu.dma_semaphore, #tpu.memory_space<semaphore_mem>>) src(%dma_wait3A_436 : memref<4000xi32, #tpu.memory_space<hbm>>) dst(%arg9 : memref<4000xi32, #tpu.memory_space<vmem>>)
        %jit3A_437 = arith.constant 2 : i32
        %eq3A_438 = arith.constant 0 : i32
        %eq3A_439 = arith.cmpi eq, %jit3A_437, %eq3A_438 : i32
        %jit3A_440 = arith.constant 1 : i32
        %select_n3A_441 = arith.select %eq3A_439, %jit3A_440, %jit3A_437 : i32
        %rem3A_442 = arith.remsi %add3A_197, %select_n3A_441 : i32
        %ne3A_443 = arith.constant 0 : i32
        %ne3A_444 = arith.cmpi ne, %rem3A_442, %ne3A_443 : i32
        %lt3A_445 = arith.constant 0 : i32
        %lt3A_446 = arith.cmpi slt, %rem3A_442, %lt3A_445 : i32
        %lt3A_447 = arith.constant 0 : i32
        %lt3A_448 = arith.cmpi slt, %select_n3A_441, %lt3A_447 : i32
        %ne3A_449 = arith.xori %lt3A_446, %lt3A_448 : i1
        %and3A_450 = arith.andi %ne3A_449, %ne3A_444 : i1
        %add3A_451 = arith.addi %rem3A_442, %select_n3A_441 : i32
        %select_n3A_452 = arith.select %and3A_450, %add3A_451, %rem3A_442 : i32
        %mul3A_453 = arith.constant 4000 : i32
        %mul3A_454 = arith.muli %select_n3A_452, %mul3A_453 : i32
        %scan3A_455 = arith.constant 0 : i32
        %scan3A_456 = arith.constant 0 : i32
        %scan3A_457 = arith.constant 250 : i32
        %scan3A_458 = arith.addi %scan3A_456, %scan3A_457 : i32
        %scan3A_459 = arith.constant 1 : i32
        scf.for %scan3A_461 = %scan3A_456 to %scan3A_458 step %scan3A_459  : i32 {
          %mul3A_462 = arith.constant 16 : i32
          %mul3A_463 = arith.muli %scan3A_461, %mul3A_462 : i32
          %add3A_464 = arith.addi %mul3A_454, %mul3A_463 : i32
          %mul3A_465 = arith.constant 16 : i32
          %mul3A_466 = arith.muli %scan3A_461, %mul3A_465 : i32
          %get3A = arith.index_cast %mul3A_466 : i32 to index
          %get3A_467 = tpu.vector_load %arg9[%get3A] {strides = array<i32>} : memref<4000xi32, #tpu.memory_space<vmem>>, vector<16xi32>,
          %get3A_468 = vector.shape_cast %get3A_467 : vector<16xi32> to vector<16xi32>
          %mul3A_469 = arith.constant 10000 : i32
          %mul3A_470 = vector.broadcast %mul3A_469 : i32 to vector<16xi32>
          %mul3A_471 = arith.muli %get3A_468, %mul3A_470 : vector<16xi32>
          %add3A_472 = vector.broadcast %mul3A_0 : i32 to vector<16xi32>
          %add3A_473 = arith.addi %add3A_472, %mul3A_471 : vector<16xi32>
          %get3A_474 = arith.index_cast %add3A_464 : i32 to index
          %get3A_475 = tpu.vector_load %arg8[%get3A_474] {strides = array<i32>} : memref<8000xi32, #tpu.memory_space<vmem>>, vector<16xi32>,
          %get3A_476 = vector.shape_cast %get3A_475 : vector<16xi32> to vector<16xi32>
          %add3A_477 = arith.addi %add3A_473, %get3A_476 : vector<16xi32>
          %swap3A = arith.index_cast %add3A_464 : i32 to index
          %swap3A_478 = tpu.vector_load %arg8[%swap3A] {strides = array<i32>} : memref<8000xi32, #tpu.memory_space<vmem>>, vector<16xi32>,
          %swap3A_479 = vector.shape_cast %swap3A_478 : vector<16xi32> to vector<16xi32>
          %swap3A_480 = vector.shape_cast %add3A_477 : vector<16xi32> to vector<16xi32>
          tpu.vector_store %arg8[%swap3A], %swap3A_480 {strides = array<i32>} : memref<8000xi32, #tpu.memory_space<vmem>>, vector<16xi32>,
        }
        %scan3A_460 = arith.constant 250 : i32
      } else {
      }
      %mul3A_245 = arith.constant 3 : i32
      %mul3A_246 = arith.muli %mul3A_245, %scan3A_161 : i32
      %add3A_247 = arith.constant 1 : i32
      %add3A_248 = arith.addi %mul3A_246, %add3A_247 : i32
      %dma_wait3A_249 = arith.constant 0 : i32
      %dma_wait3A_250 = tpu.memref_slice %arg8[%dma_wait3A_249] : memref<8000xi32, #tpu.memory_space<vmem>> -> memref<80xi32, #tpu.memory_space<vmem>>
      %dma_wait3A_251 = arith.constant 0 : i32
      %dma_wait3A_252 = arith.constant 0 : i32
      %dma_wait3A_253 = tpu.memref_slice %arg2[%dma_wait3A_251, %dma_wait3A_252] : memref<160000x128xf32, #tpu.memory_space<hbm>> -> memref<160000x128xf32, #tpu.memory_space<hbm>>
      tpu.wait_indirect_dma semaphore(%arg17 : memref<!tpu.dma_semaphore, #tpu.memory_space<semaphore_mem>>) src(%dma_wait3A_253 : memref<160000x128xf32, #tpu.memory_space<hbm>>) dst(%arg14 : memref<80x128xf32, #tpu.memory_space<vmem>>)
      %dma_wait3A_254 = tpu.memref_slice %arg5[%mul3A_2] : memref<320000xi32, #tpu.memory_space<hbm>> -> memref<80xi32, #tpu.memory_space<hbm>>
      %dma_wait3A_255 = tpu.memref_slice %arg5[%mul3A_2] : memref<320000xi32, #tpu.memory_space<hbm>> -> memref<80xi32, #tpu.memory_space<hbm>>
      tpu.wait_dma2 semaphore(%arg20 : memref<!tpu.dma_semaphore, #tpu.memory_space<semaphore_mem>>) src(%dma_wait3A_255 : memref<80xi32, #tpu.memory_space<hbm>>) dst(%arg11 : memref<80xi32, #tpu.memory_space<vmem>>)
      "tpu.region"() ({
        %run_scoped3A = tpu.sem_alloc : memref<!tpu.dma_semaphore, #tpu.memory_space<semaphore_mem>>
        %dma_start3A_429 = arith.constant 0 : i32
        %dma_start3A_430 = arith.constant 0 : i32
        %dma_start3A_431 = tpu.memref_slice %arg7[%dma_start3A_429, %dma_start3A_430] : memref<10000x128xf32, #tpu.memory_space<vmem_shared>> -> memref<10000x128xf32, #tpu.memory_space<vmem_shared>>
        tpu.enqueue_indirect_dma source(%arg14 : memref<80x128xf32, #tpu.memory_space<vmem>>) target(%dma_start3A_431 : memref<10000x128xf32, #tpu.memory_space<vmem_shared>>) offsets(%arg11 : memref<80xi32, #tpu.memory_space<vmem>>) semaphore(%run_scoped3A : memref<!tpu.dma_semaphore, #tpu.memory_space<semaphore_mem>>) {add = true}
        %dma_wait3A_432 = arith.constant 0 : i32
        %dma_wait3A_433 = arith.constant 0 : i32
        %dma_wait3A_434 = tpu.memref_slice %arg7[%dma_wait3A_432, %dma_wait3A_433] : memref<10000x128xf32, #tpu.memory_space<vmem_shared>> -> memref<10000x128xf32, #tpu.memory_space<vmem_shared>>
        tpu.wait_indirect_dma semaphore(%run_scoped3A : memref<!tpu.dma_semaphore, #tpu.memory_space<semaphore_mem>>) src(%arg14 : memref<80x128xf32, #tpu.memory_space<vmem>>) dst(%dma_wait3A_434 : memref<10000x128xf32, #tpu.memory_space<vmem_shared>>)
        tpu.yield
      }) : () -> ()
      %add3A_256 = arith.constant 3 : i32
      %add3A_257 = arith.addi %add3A_248, %add3A_256 : i32
      %lt3A_258 = arith.constant 250 : i32
      %lt3A_259 = arith.cmpi slt, %add3A_257, %lt3A_258 : i32
      %convert_element_type3A_260 = arith.extui %lt3A_259 : i1 to i32
      %cond3A_261 = arith.constant 0 : i32
      %cond3A_262 = arith.cmpi ne, %convert_element_type3A_260, %cond3A_261 : i32
      scf.if %cond3A_262 {
        %jit3A_429 = arith.constant 100 : i32
        %eq3A_430 = arith.constant 0 : i32
        %eq3A_431 = arith.cmpi eq, %jit3A_429, %eq3A_430 : i32
        %jit3A_432 = arith.constant 1 : i32
        %select_n3A_433 = arith.select %eq3A_431, %jit3A_432, %jit3A_429 : i32
        %rem3A_434 = arith.remsi %add3A_257, %select_n3A_433 : i32
        %ne3A_435 = arith.constant 0 : i32
        %ne3A_436 = arith.cmpi ne, %rem3A_434, %ne3A_435 : i32
        %lt3A_437 = arith.constant 0 : i32
        %lt3A_438 = arith.cmpi slt, %rem3A_434, %lt3A_437 : i32
        %lt3A_439 = arith.constant 0 : i32
        %lt3A_440 = arith.cmpi slt, %select_n3A_433, %lt3A_439 : i32
        %ne3A_441 = arith.xori %lt3A_438, %lt3A_440 : i1
        %and3A_442 = arith.andi %ne3A_441, %ne3A_436 : i1
        %add3A_443 = arith.addi %rem3A_434, %select_n3A_433 : i32
        %select_n3A_444 = arith.select %and3A_442, %add3A_443, %rem3A_434 : i32
        %mul3A_445 = arith.constant 80 : i32
        %mul3A_446 = arith.muli %select_n3A_444, %mul3A_445 : i32
        %dma_start3A_447 = tpu.memref_slice %arg8[%mul3A_446] : memref<8000xi32, #tpu.memory_space<vmem>> -> memref<80xi32, #tpu.memory_space<vmem>>
        %dma_start3A_448 = arith.constant 0 : i32
        %dma_start3A_449 = arith.constant 0 : i32
        %dma_start3A_450 = tpu.memref_slice %arg2[%dma_start3A_448, %dma_start3A_449] : memref<160000x128xf32, #tpu.memory_space<hbm>> -> memref<160000x128xf32, #tpu.memory_space<hbm>>
        tpu.enqueue_indirect_dma source(%dma_start3A_450 : memref<160000x128xf32, #tpu.memory_space<hbm>>) target(%arg14 : memref<80x128xf32, #tpu.memory_space<vmem>>) offsets(%dma_start3A_447 : memref<80xi32, #tpu.memory_space<vmem>>) semaphore(%arg17 : memref<!tpu.dma_semaphore, #tpu.memory_space<semaphore_mem>>)
        %mul3A_451 = arith.constant 80 : i32
        %mul3A_452 = arith.muli %add3A_257, %mul3A_451 : i32
        %add3A_453 = arith.addi %mul3A_2, %mul3A_452 : i32
        %dma_start3A_454 = tpu.memref_slice %arg5[%add3A_453] : memref<320000xi32, #tpu.memory_space<hbm>> -> memref<80xi32, #tpu.memory_space<hbm>>
        %dma_start3A_455 = tpu.memref_slice %arg5[%add3A_453] : memref<320000xi32, #tpu.memory_space<hbm>> -> memref<80xi32, #tpu.memory_space<hbm>>
        tpu.enqueue_dma source(%dma_start3A_455 : memref<80xi32, #tpu.memory_space<hbm>>) target(%arg11 : memref<80xi32, #tpu.memory_space<vmem>>) target_semaphore(%arg20 : memref<!tpu.dma_semaphore, #tpu.memory_space<semaphore_mem>>)
      } else {
      }
      %jit3A_263 = arith.constant 50 : i32
      %div3A_264 = arith.divsi %add3A_248, %jit3A_263 : i32
      %sign3A_265 = arith.constant 0 : i32
      %sign3A_266 = arith.cmpi sgt, %add3A_248, %sign3A_265 : i32
      %sign3A_267 = arith.extui %sign3A_266 : i1 to i32
      %sign3A_268 = arith.constant 0 : i32
      %sign3A_269 = arith.cmpi slt, %add3A_248, %sign3A_268 : i32
      %sign3A_270 = arith.extui %sign3A_269 : i1 to i32
      %sign3A_271 = arith.subi %sign3A_267, %sign3A_270 : i32
      %sign3A_272 = arith.constant 0 : i32
      %sign3A_273 = arith.cmpi sgt, %jit3A_263, %sign3A_272 : i32
      %sign3A_274 = arith.extui %sign3A_273 : i1 to i32
      %sign3A_275 = arith.constant 0 : i32
      %sign3A_276 = arith.cmpi slt, %jit3A_263, %sign3A_275 : i32
      %sign3A_277 = arith.extui %sign3A_276 : i1 to i32
      %sign3A_278 = arith.subi %sign3A_274, %sign3A_277 : i32
      %ne3A_279 = arith.cmpi ne, %sign3A_271, %sign3A_278 : i32
      %rem3A_280 = arith.remsi %add3A_248, %jit3A_263 : i32
      %ne3A_281 = arith.constant 0 : i32
      %ne3A_282 = arith.cmpi ne, %rem3A_280, %ne3A_281 : i32
      %and3A_283 = arith.andi %ne3A_279, %ne3A_282 : i1
      %sub3A_284 = arith.constant 1 : i32
      %sub3A_285 = arith.subi %div3A_264, %sub3A_284 : i32
      %select_n3A_286 = arith.select %and3A_283, %sub3A_285, %div3A_264 : i32
      %add3A_287 = arith.constant 1 : i32
      %add3A_288 = arith.addi %select_n3A_286, %add3A_287 : i32
      %jit3A_289 = arith.constant 50 : i32
      %eq3A_290 = arith.constant 0 : i32
      %eq3A_291 = arith.cmpi eq, %jit3A_289, %eq3A_290 : i32
      %jit3A_292 = arith.constant 1 : i32
      %select_n3A_293 = arith.select %eq3A_291, %jit3A_292, %jit3A_289 : i32
      %rem3A_294 = arith.remsi %add3A_248, %select_n3A_293 : i32
      %ne3A_295 = arith.constant 0 : i32
      %ne3A_296 = arith.cmpi ne, %rem3A_294, %ne3A_295 : i32
      %lt3A_297 = arith.constant 0 : i32
      %lt3A_298 = arith.cmpi slt, %rem3A_294, %lt3A_297 : i32
      %lt3A_299 = arith.constant 0 : i32
      %lt3A_300 = arith.cmpi slt, %select_n3A_293, %lt3A_299 : i32
      %ne3A_301 = arith.xori %lt3A_298, %lt3A_300 : i1
      %and3A_302 = arith.andi %ne3A_301, %ne3A_296 : i1
      %add3A_303 = arith.addi %rem3A_294, %select_n3A_293 : i32
      %select_n3A_304 = arith.select %and3A_302, %add3A_303, %rem3A_294 : i32
      %eq3A_305 = arith.constant 0 : i32
      %eq3A_306 = arith.cmpi eq, %select_n3A_304, %eq3A_305 : i32
      %lt3A_307 = arith.constant 5 : i32
      %lt3A_308 = arith.cmpi slt, %add3A_288, %lt3A_307 : i32
      %and3A_309 = arith.andi %eq3A_306, %lt3A_308 : i1
      %convert_element_type3A_310 = arith.extui %and3A_309 : i1 to i32
      %cond3A_311 = arith.constant 0 : i32
      %cond3A_312 = arith.cmpi ne, %convert_element_type3A_310, %cond3A_311 : i32
      scf.if %cond3A_312 {
        %jit3A_429 = arith.constant 2 : i32
        %eq3A_430 = arith.constant 0 : i32
        %eq3A_431 = arith.cmpi eq, %jit3A_429, %eq3A_430 : i32
        %jit3A_432 = arith.constant 1 : i32
        %select_n3A_433 = arith.select %eq3A_431, %jit3A_432, %jit3A_429 : i32
        %rem3A_434 = arith.remsi %add3A_288, %select_n3A_433 : i32
        %ne3A_435 = arith.constant 0 : i32
        %ne3A_436 = arith.cmpi ne, %rem3A_434, %ne3A_435 : i32
        %lt3A_437 = arith.constant 0 : i32
        %lt3A_438 = arith.cmpi slt, %rem3A_434, %lt3A_437 : i32
        %lt3A_439 = arith.constant 0 : i32
        %lt3A_440 = arith.cmpi slt, %select_n3A_433, %lt3A_439 : i32
        %ne3A_441 = arith.xori %lt3A_438, %lt3A_440 : i1
        %and3A_442 = arith.andi %ne3A_441, %ne3A_436 : i1
        %add3A_443 = arith.addi %rem3A_434, %select_n3A_433 : i32
        %select_n3A_444 = arith.select %and3A_442, %add3A_443, %rem3A_434 : i32
        %mul3A_445 = arith.constant 4000 : i32
        %mul3A_446 = arith.muli %select_n3A_444, %mul3A_445 : i32
        %mul3A_447 = arith.constant 4000 : i32
        %mul3A_448 = arith.muli %add3A_288, %mul3A_447 : i32
        %add3A_449 = arith.addi %mul3A_2, %mul3A_448 : i32
        %dma_start3A_450 = tpu.memref_slice %arg8[%mul3A_446] : memref<8000xi32, #tpu.memory_space<vmem>> -> memref<4000xi32, #tpu.memory_space<vmem>>
        %dma_start3A_451 = tpu.memref_slice %arg3[%add3A_449] : memref<320000xi32, #tpu.memory_space<hbm>> -> memref<4000xi32, #tpu.memory_space<hbm>>
        %dma_start3A_452 = tpu.memref_slice %arg8[%mul3A_446] : memref<8000xi32, #tpu.memory_space<vmem>> -> memref<4000xi32, #tpu.memory_space<vmem>>
        %dma_start3A_453 = tpu.memref_slice %arg3[%add3A_449] : memref<320000xi32, #tpu.memory_space<hbm>> -> memref<4000xi32, #tpu.memory_space<hbm>>
        tpu.enqueue_dma source(%dma_start3A_453 : memref<4000xi32, #tpu.memory_space<hbm>>) target(%dma_start3A_452 : memref<4000xi32, #tpu.memory_space<vmem>>) target_semaphore(%arg22 : memref<!tpu.dma_semaphore, #tpu.memory_space<semaphore_mem>>)
        %mul3A_454 = arith.constant 4000 : i32
        %mul3A_455 = arith.muli %add3A_288, %mul3A_454 : i32
        %add3A_456 = arith.addi %mul3A_2, %mul3A_455 : i32
        %dma_start3A_457 = tpu.memref_slice %arg4[%add3A_456] : memref<320000xi32, #tpu.memory_space<hbm>> -> memref<4000xi32, #tpu.memory_space<hbm>>
        %dma_start3A_458 = tpu.memref_slice %arg4[%add3A_456] : memref<320000xi32, #tpu.memory_space<hbm>> -> memref<4000xi32, #tpu.memory_space<hbm>>
        tpu.enqueue_dma source(%dma_start3A_458 : memref<4000xi32, #tpu.memory_space<hbm>>) target(%arg9 : memref<4000xi32, #tpu.memory_space<vmem>>) target_semaphore(%arg22 : memref<!tpu.dma_semaphore, #tpu.memory_space<semaphore_mem>>)
      } else {
      }
      %jit3A_313 = arith.constant 50 : i32
      %eq3A_314 = arith.constant 0 : i32
      %eq3A_315 = arith.cmpi eq, %jit3A_313, %eq3A_314 : i32
      %jit3A_316 = arith.constant 1 : i32
      %select_n3A_317 = arith.select %eq3A_315, %jit3A_316, %jit3A_313 : i32
      %rem3A_318 = arith.remsi %add3A_248, %select_n3A_317 : i32
      %ne3A_319 = arith.constant 0 : i32
      %ne3A_320 = arith.cmpi ne, %rem3A_318, %ne3A_319 : i32
      %lt3A_321 = arith.constant 0 : i32
      %lt3A_322 = arith.cmpi slt, %rem3A_318, %lt3A_321 : i32
      %lt3A_323 = arith.constant 0 : i32
      %lt3A_324 = arith.cmpi slt, %select_n3A_317, %lt3A_323 : i32
      %ne3A_325 = arith.xori %lt3A_322, %lt3A_324 : i1
      %and3A_326 = arith.andi %ne3A_325, %ne3A_320 : i1
      %add3A_327 = arith.addi %rem3A_318, %select_n3A_317 : i32
      %select_n3A_328 = arith.select %and3A_326, %add3A_327, %rem3A_318 : i32
      %eq3A_329 = arith.constant 44 : i32
      %eq3A_330 = arith.cmpi eq, %select_n3A_328, %eq3A_329 : i32
      %lt3A_331 = arith.constant 5 : i32
      %lt3A_332 = arith.cmpi slt, %add3A_288, %lt3A_331 : i32
      %and3A_333 = arith.andi %eq3A_330, %lt3A_332 : i1
      %convert_element_type3A_334 = arith.extui %and3A_333 : i1 to i32
      %cond3A_335 = arith.constant 0 : i32
      %cond3A_336 = arith.cmpi ne, %convert_element_type3A_334, %cond3A_335 : i32
      scf.if %cond3A_336 {
        %dma_wait3A_429 = arith.constant 0 : i32
        %dma_wait3A_430 = tpu.memref_slice %arg8[%dma_wait3A_429] : memref<8000xi32, #tpu.memory_space<vmem>> -> memref<4000xi32, #tpu.memory_space<vmem>>
        %dma_wait3A_431 = tpu.memref_slice %arg3[%mul3A_2] : memref<320000xi32, #tpu.memory_space<hbm>> -> memref<4000xi32, #tpu.memory_space<hbm>>
        %dma_wait3A_432 = arith.constant 0 : i32
        %dma_wait3A_433 = tpu.memref_slice %arg8[%dma_wait3A_432] : memref<8000xi32, #tpu.memory_space<vmem>> -> memref<4000xi32, #tpu.memory_space<vmem>>
        %dma_wait3A_434 = tpu.memref_slice %arg3[%mul3A_2] : memref<320000xi32, #tpu.memory_space<hbm>> -> memref<4000xi32, #tpu.memory_space<hbm>>
        tpu.wait_dma2 semaphore(%arg22 : memref<!tpu.dma_semaphore, #tpu.memory_space<semaphore_mem>>) src(%dma_wait3A_434 : memref<4000xi32, #tpu.memory_space<hbm>>) dst(%dma_wait3A_433 : memref<4000xi32, #tpu.memory_space<vmem>>)
        %dma_wait3A_435 = tpu.memref_slice %arg4[%mul3A_2] : memref<320000xi32, #tpu.memory_space<hbm>> -> memref<4000xi32, #tpu.memory_space<hbm>>
        %dma_wait3A_436 = tpu.memref_slice %arg4[%mul3A_2] : memref<320000xi32, #tpu.memory_space<hbm>> -> memref<4000xi32, #tpu.memory_space<hbm>>
        tpu.wait_dma2 semaphore(%arg22 : memref<!tpu.dma_semaphore, #tpu.memory_space<semaphore_mem>>) src(%dma_wait3A_436 : memref<4000xi32, #tpu.memory_space<hbm>>) dst(%arg9 : memref<4000xi32, #tpu.memory_space<vmem>>)
        %jit3A_437 = arith.constant 2 : i32
        %eq3A_438 = arith.constant 0 : i32
        %eq3A_439 = arith.cmpi eq, %jit3A_437, %eq3A_438 : i32
        %jit3A_440 = arith.constant 1 : i32
        %select_n3A_441 = arith.select %eq3A_439, %jit3A_440, %jit3A_437 : i32
        %rem3A_442 = arith.remsi %add3A_288, %select_n3A_441 : i32
        %ne3A_443 = arith.constant 0 : i32
        %ne3A_444 = arith.cmpi ne, %rem3A_442, %ne3A_443 : i32
        %lt3A_445 = arith.constant 0 : i32
        %lt3A_446 = arith.cmpi slt, %rem3A_442, %lt3A_445 : i32
        %lt3A_447 = arith.constant 0 : i32
        %lt3A_448 = arith.cmpi slt, %select_n3A_441, %lt3A_447 : i32
        %ne3A_449 = arith.xori %lt3A_446, %lt3A_448 : i1
        %and3A_450 = arith.andi %ne3A_449, %ne3A_444 : i1
        %add3A_451 = arith.addi %rem3A_442, %select_n3A_441 : i32
        %select_n3A_452 = arith.select %and3A_450, %add3A_451, %rem3A_442 : i32
        %mul3A_453 = arith.constant 4000 : i32
        %mul3A_454 = arith.muli %select_n3A_452, %mul3A_453 : i32
        %scan3A_455 = arith.constant 0 : i32
        %scan3A_456 = arith.constant 0 : i32
        %scan3A_457 = arith.constant 250 : i32
        %scan3A_458 = arith.addi %scan3A_456, %scan3A_457 : i32
        %scan3A_459 = arith.constant 1 : i32
        scf.for %scan3A_461 = %scan3A_456 to %scan3A_458 step %scan3A_459  : i32 {
          %mul3A_462 = arith.constant 16 : i32
          %mul3A_463 = arith.muli %scan3A_461, %mul3A_462 : i32
          %add3A_464 = arith.addi %mul3A_454, %mul3A_463 : i32
          %mul3A_465 = arith.constant 16 : i32
          %mul3A_466 = arith.muli %scan3A_461, %mul3A_465 : i32
          %get3A = arith.index_cast %mul3A_466 : i32 to index
          %get3A_467 = tpu.vector_load %arg9[%get3A] {strides = array<i32>} : memref<4000xi32, #tpu.memory_space<vmem>>, vector<16xi32>,
          %get3A_468 = vector.shape_cast %get3A_467 : vector<16xi32> to vector<16xi32>
          %mul3A_469 = arith.constant 10000 : i32
          %mul3A_470 = vector.broadcast %mul3A_469 : i32 to vector<16xi32>
          %mul3A_471 = arith.muli %get3A_468, %mul3A_470 : vector<16xi32>
          %add3A_472 = vector.broadcast %mul3A_0 : i32 to vector<16xi32>
          %add3A_473 = arith.addi %add3A_472, %mul3A_471 : vector<16xi32>
          %get3A_474 = arith.index_cast %add3A_464 : i32 to index
          %get3A_475 = tpu.vector_load %arg8[%get3A_474] {strides = array<i32>} : memref<8000xi32, #tpu.memory_space<vmem>>, vector<16xi32>,
          %get3A_476 = vector.shape_cast %get3A_475 : vector<16xi32> to vector<16xi32>
          %add3A_477 = arith.addi %add3A_473, %get3A_476 : vector<16xi32>
          %swap3A = arith.index_cast %add3A_464 : i32 to index
          %swap3A_478 = tpu.vector_load %arg8[%swap3A] {strides = array<i32>} : memref<8000xi32, #tpu.memory_space<vmem>>, vector<16xi32>,
          %swap3A_479 = vector.shape_cast %swap3A_478 : vector<16xi32> to vector<16xi32>
          %swap3A_480 = vector.shape_cast %add3A_477 : vector<16xi32> to vector<16xi32>
          tpu.vector_store %arg8[%swap3A], %swap3A_480 {strides = array<i32>} : memref<8000xi32, #tpu.memory_space<vmem>>, vector<16xi32>,
        }
        %scan3A_460 = arith.constant 250 : i32
      } else {
      }
      %mul3A_337 = arith.constant 3 : i32
      %mul3A_338 = arith.muli %mul3A_337, %scan3A_161 : i32
      %add3A_339 = arith.constant 2 : i32
      %add3A_340 = arith.addi %mul3A_338, %add3A_339 : i32
      %dma_wait3A_341 = arith.constant 0 : i32
      %dma_wait3A_342 = tpu.memref_slice %arg8[%dma_wait3A_341] : memref<8000xi32, #tpu.memory_space<vmem>> -> memref<80xi32, #tpu.memory_space<vmem>>
      %dma_wait3A_343 = arith.constant 0 : i32
      %dma_wait3A_344 = arith.constant 0 : i32
      %dma_wait3A_345 = tpu.memref_slice %arg2[%dma_wait3A_343, %dma_wait3A_344] : memref<160000x128xf32, #tpu.memory_space<hbm>> -> memref<160000x128xf32, #tpu.memory_space<hbm>>
      tpu.wait_indirect_dma semaphore(%arg18 : memref<!tpu.dma_semaphore, #tpu.memory_space<semaphore_mem>>) src(%dma_wait3A_345 : memref<160000x128xf32, #tpu.memory_space<hbm>>) dst(%arg15 : memref<80x128xf32, #tpu.memory_space<vmem>>)
      %dma_wait3A_346 = tpu.memref_slice %arg5[%mul3A_2] : memref<320000xi32, #tpu.memory_space<hbm>> -> memref<80xi32, #tpu.memory_space<hbm>>
      %dma_wait3A_347 = tpu.memref_slice %arg5[%mul3A_2] : memref<320000xi32, #tpu.memory_space<hbm>> -> memref<80xi32, #tpu.memory_space<hbm>>
      tpu.wait_dma2 semaphore(%arg21 : memref<!tpu.dma_semaphore, #tpu.memory_space<semaphore_mem>>) src(%dma_wait3A_347 : memref<80xi32, #tpu.memory_space<hbm>>) dst(%arg12 : memref<80xi32, #tpu.memory_space<vmem>>)
      "tpu.region"() ({
        %run_scoped3A = tpu.sem_alloc : memref<!tpu.dma_semaphore, #tpu.memory_space<semaphore_mem>>
        %dma_start3A_429 = arith.constant 0 : i32
        %dma_start3A_430 = arith.constant 0 : i32
        %dma_start3A_431 = tpu.memref_slice %arg7[%dma_start3A_429, %dma_start3A_430] : memref<10000x128xf32, #tpu.memory_space<vmem_shared>> -> memref<10000x128xf32, #tpu.memory_space<vmem_shared>>
        tpu.enqueue_indirect_dma source(%arg15 : memref<80x128xf32, #tpu.memory_space<vmem>>) target(%dma_start3A_431 : memref<10000x128xf32, #tpu.memory_space<vmem_shared>>) offsets(%arg12 : memref<80xi32, #tpu.memory_space<vmem>>) semaphore(%run_scoped3A : memref<!tpu.dma_semaphore, #tpu.memory_space<semaphore_mem>>) {add = true}
        %dma_wait3A_432 = arith.constant 0 : i32
        %dma_wait3A_433 = arith.constant 0 : i32
        %dma_wait3A_434 = tpu.memref_slice %arg7[%dma_wait3A_432, %dma_wait3A_433] : memref<10000x128xf32, #tpu.memory_space<vmem_shared>> -> memref<10000x128xf32, #tpu.memory_space<vmem_shared>>
        tpu.wait_indirect_dma semaphore(%run_scoped3A : memref<!tpu.dma_semaphore, #tpu.memory_space<semaphore_mem>>) src(%arg15 : memref<80x128xf32, #tpu.memory_space<vmem>>) dst(%dma_wait3A_434 : memref<10000x128xf32, #tpu.memory_space<vmem_shared>>)
        tpu.yield
      }) : () -> ()
      %add3A_348 = arith.constant 3 : i32
      %add3A_349 = arith.addi %add3A_340, %add3A_348 : i32
      %lt3A_350 = arith.constant 250 : i32
      %lt3A_351 = arith.cmpi slt, %add3A_349, %lt3A_350 : i32
      %convert_element_type3A_352 = arith.extui %lt3A_351 : i1 to i32
      %cond3A_353 = arith.constant 0 : i32
      %cond3A_354 = arith.cmpi ne, %convert_element_type3A_352, %cond3A_353 : i32
      scf.if %cond3A_354 {
        %jit3A_429 = arith.constant 100 : i32
        %eq3A_430 = arith.constant 0 : i32
        %eq3A_431 = arith.cmpi eq, %jit3A_429, %eq3A_430 : i32
        %jit3A_432 = arith.constant 1 : i32
        %select_n3A_433 = arith.select %eq3A_431, %jit3A_432, %jit3A_429 : i32
        %rem3A_434 = arith.remsi %add3A_349, %select_n3A_433 : i32
        %ne3A_435 = arith.constant 0 : i32
        %ne3A_436 = arith.cmpi ne, %rem3A_434, %ne3A_435 : i32
        %lt3A_437 = arith.constant 0 : i32
        %lt3A_438 = arith.cmpi slt, %rem3A_434, %lt3A_437 : i32
        %lt3A_439 = arith.constant 0 : i32
        %lt3A_440 = arith.cmpi slt, %select_n3A_433, %lt3A_439 : i32
        %ne3A_441 = arith.xori %lt3A_438, %lt3A_440 : i1
        %and3A_442 = arith.andi %ne3A_441, %ne3A_436 : i1
        %add3A_443 = arith.addi %rem3A_434, %select_n3A_433 : i32
        %select_n3A_444 = arith.select %and3A_442, %add3A_443, %rem3A_434 : i32
        %mul3A_445 = arith.constant 80 : i32
        %mul3A_446 = arith.muli %select_n3A_444, %mul3A_445 : i32
        %dma_start3A_447 = tpu.memref_slice %arg8[%mul3A_446] : memref<8000xi32, #tpu.memory_space<vmem>> -> memref<80xi32, #tpu.memory_space<vmem>>
        %dma_start3A_448 = arith.constant 0 : i32
        %dma_start3A_449 = arith.constant 0 : i32
        %dma_start3A_450 = tpu.memref_slice %arg2[%dma_start3A_448, %dma_start3A_449] : memref<160000x128xf32, #tpu.memory_space<hbm>> -> memref<160000x128xf32, #tpu.memory_space<hbm>>
        tpu.enqueue_indirect_dma source(%dma_start3A_450 : memref<160000x128xf32, #tpu.memory_space<hbm>>) target(%arg15 : memref<80x128xf32, #tpu.memory_space<vmem>>) offsets(%dma_start3A_447 : memref<80xi32, #tpu.memory_space<vmem>>) semaphore(%arg18 : memref<!tpu.dma_semaphore, #tpu.memory_space<semaphore_mem>>)
        %mul3A_451 = arith.constant 80 : i32
        %mul3A_452 = arith.muli %add3A_349, %mul3A_451 : i32
        %add3A_453 = arith.addi %mul3A_2, %mul3A_452 : i32
        %dma_start3A_454 = tpu.memref_slice %arg5[%add3A_453] : memref<320000xi32, #tpu.memory_space<hbm>> -> memref<80xi32, #tpu.memory_space<hbm>>
        %dma_start3A_455 = tpu.memref_slice %arg5[%add3A_453] : memref<320000xi32, #tpu.memory_space<hbm>> -> memref<80xi32, #tpu.memory_space<hbm>>
        tpu.enqueue_dma source(%dma_start3A_455 : memref<80xi32, #tpu.memory_space<hbm>>) target(%arg12 : memref<80xi32, #tpu.memory_space<vmem>>) target_semaphore(%arg21 : memref<!tpu.dma_semaphore, #tpu.memory_space<semaphore_mem>>)
      } else {
      }
      %jit3A_355 = arith.constant 50 : i32
      %div3A_356 = arith.divsi %add3A_340, %jit3A_355 : i32
      %sign3A_357 = arith.constant 0 : i32
      %sign3A_358 = arith.cmpi sgt, %add3A_340, %sign3A_357 : i32
      %sign3A_359 = arith.extui %sign3A_358 : i1 to i32
      %sign3A_360 = arith.constant 0 : i32
      %sign3A_361 = arith.cmpi slt, %add3A_340, %sign3A_360 : i32
      %sign3A_362 = arith.extui %sign3A_361 : i1 to i32
      %sign3A_363 = arith.subi %sign3A_359, %sign3A_362 : i32
      %sign3A_364 = arith.constant 0 : i32
      %sign3A_365 = arith.cmpi sgt, %jit3A_355, %sign3A_364 : i32
      %sign3A_366 = arith.extui %sign3A_365 : i1 to i32
      %sign3A_367 = arith.constant 0 : i32
      %sign3A_368 = arith.cmpi slt, %jit3A_355, %sign3A_367 : i32
      %sign3A_369 = arith.extui %sign3A_368 : i1 to i32
      %sign3A_370 = arith.subi %sign3A_366, %sign3A_369 : i32
      %ne3A_371 = arith.cmpi ne, %sign3A_363, %sign3A_370 : i32
      %rem3A_372 = arith.remsi %add3A_340, %jit3A_355 : i32
      %ne3A_373 = arith.constant 0 : i32
      %ne3A_374 = arith.cmpi ne, %rem3A_372, %ne3A_373 : i32
      %and3A_375 = arith.andi %ne3A_371, %ne3A_374 : i1
      %sub3A_376 = arith.constant 1 : i32
      %sub3A_377 = arith.subi %div3A_356, %sub3A_376 : i32
      %select_n3A_378 = arith.select %and3A_375, %sub3A_377, %div3A_356 : i32
      %add3A_379 = arith.constant 1 : i32
      %add3A_380 = arith.addi %select_n3A_378, %add3A_379 : i32
      %jit3A_381 = arith.constant 50 : i32
      %eq3A_382 = arith.constant 0 : i32
      %eq3A_383 = arith.cmpi eq, %jit3A_381, %eq3A_382 : i32
      %jit3A_384 = arith.constant 1 : i32
      %select_n3A_385 = arith.select %eq3A_383, %jit3A_384, %jit3A_381 : i32
      %rem3A_386 = arith.remsi %add3A_340, %select_n3A_385 : i32
      %ne3A_387 = arith.constant 0 : i32
      %ne3A_388 = arith.cmpi ne, %rem3A_386, %ne3A_387 : i32
      %lt3A_389 = arith.constant 0 : i32
      %lt3A_390 = arith.cmpi slt, %rem3A_386, %lt3A_389 : i32
      %lt3A_391 = arith.constant 0 : i32
      %lt3A_392 = arith.cmpi slt, %select_n3A_385, %lt3A_391 : i32
      %ne3A_393 = arith.xori %lt3A_390, %lt3A_392 : i1
      %and3A_394 = arith.andi %ne3A_393, %ne3A_388 : i1
      %add3A_395 = arith.addi %rem3A_386, %select_n3A_385 : i32
      %select_n3A_396 = arith.select %and3A_394, %add3A_395, %rem3A_386 : i32
      %eq3A_397 = arith.constant 0 : i32
      %eq3A_398 = arith.cmpi eq, %select_n3A_396, %eq3A_397 : i32
      %lt3A_399 = arith.constant 5 : i32
      %lt3A_400 = arith.cmpi slt, %add3A_380, %lt3A_399 : i32
      %and3A_401 = arith.andi %eq3A_398, %lt3A_400 : i1
      %convert_element_type3A_402 = arith.extui %and3A_401 : i1 to i32
      %cond3A_403 = arith.constant 0 : i32
      %cond3A_404 = arith.cmpi ne, %convert_element_type3A_402, %cond3A_403 : i32
      scf.if %cond3A_404 {
        %jit3A_429 = arith.constant 2 : i32
        %eq3A_430 = arith.constant 0 : i32
        %eq3A_431 = arith.cmpi eq, %jit3A_429, %eq3A_430 : i32
        %jit3A_432 = arith.constant 1 : i32
        %select_n3A_433 = arith.select %eq3A_431, %jit3A_432, %jit3A_429 : i32
        %rem3A_434 = arith.remsi %add3A_380, %select_n3A_433 : i32
        %ne3A_435 = arith.constant 0 : i32
        %ne3A_436 = arith.cmpi ne, %rem3A_434, %ne3A_435 : i32
        %lt3A_437 = arith.constant 0 : i32
        %lt3A_438 = arith.cmpi slt, %rem3A_434, %lt3A_437 : i32
        %lt3A_439 = arith.constant 0 : i32
        %lt3A_440 = arith.cmpi slt, %select_n3A_433, %lt3A_439 : i32
        %ne3A_441 = arith.xori %lt3A_438, %lt3A_440 : i1
        %and3A_442 = arith.andi %ne3A_441, %ne3A_436 : i1
        %add3A_443 = arith.addi %rem3A_434, %select_n3A_433 : i32
        %select_n3A_444 = arith.select %and3A_442, %add3A_443, %rem3A_434 : i32
        %mul3A_445 = arith.constant 4000 : i32
        %mul3A_446 = arith.muli %select_n3A_444, %mul3A_445 : i32
        %mul3A_447 = arith.constant 4000 : i32
        %mul3A_448 = arith.muli %add3A_380, %mul3A_447 : i32
        %add3A_449 = arith.addi %mul3A_2, %mul3A_448 : i32
        %dma_start3A_450 = tpu.memref_slice %arg8[%mul3A_446] : memref<8000xi32, #tpu.memory_space<vmem>> -> memref<4000xi32, #tpu.memory_space<vmem>>
        %dma_start3A_451 = tpu.memref_slice %arg3[%add3A_449] : memref<320000xi32, #tpu.memory_space<hbm>> -> memref<4000xi32, #tpu.memory_space<hbm>>
        %dma_start3A_452 = tpu.memref_slice %arg8[%mul3A_446] : memref<8000xi32, #tpu.memory_space<vmem>> -> memref<4000xi32, #tpu.memory_space<vmem>>
        %dma_start3A_453 = tpu.memref_slice %arg3[%add3A_449] : memref<320000xi32, #tpu.memory_space<hbm>> -> memref<4000xi32, #tpu.memory_space<hbm>>
        tpu.enqueue_dma source(%dma_start3A_453 : memref<4000xi32, #tpu.memory_space<hbm>>) target(%dma_start3A_452 : memref<4000xi32, #tpu.memory_space<vmem>>) target_semaphore(%arg22 : memref<!tpu.dma_semaphore, #tpu.memory_space<semaphore_mem>>)
        %mul3A_454 = arith.constant 4000 : i32
        %mul3A_455 = arith.muli %add3A_380, %mul3A_454 : i32
        %add3A_456 = arith.addi %mul3A_2, %mul3A_455 : i32
        %dma_start3A_457 = tpu.memref_slice %arg4[%add3A_456] : memref<320000xi32, #tpu.memory_space<hbm>> -> memref<4000xi32, #tpu.memory_space<hbm>>
        %dma_start3A_458 = tpu.memref_slice %arg4[%add3A_456] : memref<320000xi32, #tpu.memory_space<hbm>> -> memref<4000xi32, #tpu.memory_space<hbm>>
        tpu.enqueue_dma source(%dma_start3A_458 : memref<4000xi32, #tpu.memory_space<hbm>>) target(%arg9 : memref<4000xi32, #tpu.memory_space<vmem>>) target_semaphore(%arg22 : memref<!tpu.dma_semaphore, #tpu.memory_space<semaphore_mem>>)
      } else {
      }
      %jit3A_405 = arith.constant 50 : i32
      %eq3A_406 = arith.constant 0 : i32
      %eq3A_407 = arith.cmpi eq, %jit3A_405, %eq3A_406 : i32
      %jit3A_408 = arith.constant 1 : i32
      %select_n3A_409 = arith.select %eq3A_407, %jit3A_408, %jit3A_405 : i32
      %rem3A_410 = arith.remsi %add3A_340, %select_n3A_409 : i32
      %ne3A_411 = arith.constant 0 : i32
      %ne3A_412 = arith.cmpi ne, %rem3A_410, %ne3A_411 : i32
      %lt3A_413 = arith.constant 0 : i32
      %lt3A_414 = arith.cmpi slt, %rem3A_410, %lt3A_413 : i32
      %lt3A_415 = arith.constant 0 : i32
      %lt3A_416 = arith.cmpi slt, %select_n3A_409, %lt3A_415 : i32
      %ne3A_417 = arith.xori %lt3A_414, %lt3A_416 : i1
      %and3A_418 = arith.andi %ne3A_417, %ne3A_412 : i1
      %add3A_419 = arith.addi %rem3A_410, %select_n3A_409 : i32
      %select_n3A_420 = arith.select %and3A_418, %add3A_419, %rem3A_410 : i32
      %eq3A_421 = arith.constant 44 : i32
      %eq3A_422 = arith.cmpi eq, %select_n3A_420, %eq3A_421 : i32
      %lt3A_423 = arith.constant 5 : i32
      %lt3A_424 = arith.cmpi slt, %add3A_380, %lt3A_423 : i32
      %and3A_425 = arith.andi %eq3A_422, %lt3A_424 : i1
      %convert_element_type3A_426 = arith.extui %and3A_425 : i1 to i32
      %cond3A_427 = arith.constant 0 : i32
      %cond3A_428 = arith.cmpi ne, %convert_element_type3A_426, %cond3A_427 : i32
      scf.if %cond3A_428 {
        %dma_wait3A_429 = arith.constant 0 : i32
        %dma_wait3A_430 = tpu.memref_slice %arg8[%dma_wait3A_429] : memref<8000xi32, #tpu.memory_space<vmem>> -> memref<4000xi32, #tpu.memory_space<vmem>>
        %dma_wait3A_431 = tpu.memref_slice %arg3[%mul3A_2] : memref<320000xi32, #tpu.memory_space<hbm>> -> memref<4000xi32, #tpu.memory_space<hbm>>
        %dma_wait3A_432 = arith.constant 0 : i32
        %dma_wait3A_433 = tpu.memref_slice %arg8[%dma_wait3A_432] : memref<8000xi32, #tpu.memory_space<vmem>> -> memref<4000xi32, #tpu.memory_space<vmem>>
        %dma_wait3A_434 = tpu.memref_slice %arg3[%mul3A_2] : memref<320000xi32, #tpu.memory_space<hbm>> -> memref<4000xi32, #tpu.memory_space<hbm>>
        tpu.wait_dma2 semaphore(%arg22 : memref<!tpu.dma_semaphore, #tpu.memory_space<semaphore_mem>>) src(%dma_wait3A_434 : memref<4000xi32, #tpu.memory_space<hbm>>) dst(%dma_wait3A_433 : memref<4000xi32, #tpu.memory_space<vmem>>)
        %dma_wait3A_435 = tpu.memref_slice %arg4[%mul3A_2] : memref<320000xi32, #tpu.memory_space<hbm>> -> memref<4000xi32, #tpu.memory_space<hbm>>
        %dma_wait3A_436 = tpu.memref_slice %arg4[%mul3A_2] : memref<320000xi32, #tpu.memory_space<hbm>> -> memref<4000xi32, #tpu.memory_space<hbm>>
        tpu.wait_dma2 semaphore(%arg22 : memref<!tpu.dma_semaphore, #tpu.memory_space<semaphore_mem>>) src(%dma_wait3A_436 : memref<4000xi32, #tpu.memory_space<hbm>>) dst(%arg9 : memref<4000xi32, #tpu.memory_space<vmem>>)
        %jit3A_437 = arith.constant 2 : i32
        %eq3A_438 = arith.constant 0 : i32
        %eq3A_439 = arith.cmpi eq, %jit3A_437, %eq3A_438 : i32
        %jit3A_440 = arith.constant 1 : i32
        %select_n3A_441 = arith.select %eq3A_439, %jit3A_440, %jit3A_437 : i32
        %rem3A_442 = arith.remsi %add3A_380, %select_n3A_441 : i32
        %ne3A_443 = arith.constant 0 : i32
        %ne3A_444 = arith.cmpi ne, %rem3A_442, %ne3A_443 : i32
        %lt3A_445 = arith.constant 0 : i32
        %lt3A_446 = arith.cmpi slt, %rem3A_442, %lt3A_445 : i32
        %lt3A_447 = arith.constant 0 : i32
        %lt3A_448 = arith.cmpi slt, %select_n3A_441, %lt3A_447 : i32
        %ne3A_449 = arith.xori %lt3A_446, %lt3A_448 : i1
        %and3A_450 = arith.andi %ne3A_449, %ne3A_444 : i1
        %add3A_451 = arith.addi %rem3A_442, %select_n3A_441 : i32
        %select_n3A_452 = arith.select %and3A_450, %add3A_451, %rem3A_442 : i32
        %mul3A_453 = arith.constant 4000 : i32
        %mul3A_454 = arith.muli %select_n3A_452, %mul3A_453 : i32
        %scan3A_455 = arith.constant 0 : i32
        %scan3A_456 = arith.constant 0 : i32
        %scan3A_457 = arith.constant 250 : i32
        %scan3A_458 = arith.addi %scan3A_456, %scan3A_457 : i32
        %scan3A_459 = arith.constant 1 : i32
        scf.for %scan3A_461 = %scan3A_456 to %scan3A_458 step %scan3A_459  : i32 {
          %mul3A_462 = arith.constant 16 : i32
          %mul3A_463 = arith.muli %scan3A_461, %mul3A_462 : i32
          %add3A_464 = arith.addi %mul3A_454, %mul3A_463 : i32
          %mul3A_465 = arith.constant 16 : i32
          %mul3A_466 = arith.muli %scan3A_461, %mul3A_465 : i32
          %get3A = arith.index_cast %mul3A_466 : i32 to index
          %get3A_467 = tpu.vector_load %arg9[%get3A] {strides = array<i32>} : memref<4000xi32, #tpu.memory_space<vmem>>, vector<16xi32>,
          %get3A_468 = vector.shape_cast %get3A_467 : vector<16xi32> to vector<16xi32>
          %mul3A_469 = arith.constant 10000 : i32
          %mul3A_470 = vector.broadcast %mul3A_469 : i32 to vector<16xi32>
          %mul3A_471 = arith.muli %get3A_468, %mul3A_470 : vector<16xi32>
          %add3A_472 = vector.broadcast %mul3A_0 : i32 to vector<16xi32>
          %add3A_473 = arith.addi %add3A_472, %mul3A_471 : vector<16xi32>
          %get3A_474 = arith.index_cast %add3A_464 : i32 to index
          %get3A_475 = tpu.vector_load %arg8[%get3A_474] {strides = array<i32>} : memref<8000xi32, #tpu.memory_space<vmem>>, vector<16xi32>,
          %get3A_476 = vector.shape_cast %get3A_475 : vector<16xi32> to vector<16xi32>
          %add3A_477 = arith.addi %add3A_473, %get3A_476 : vector<16xi32>
          %swap3A = arith.index_cast %add3A_464 : i32 to index
          %swap3A_478 = tpu.vector_load %arg8[%swap3A] {strides = array<i32>} : memref<8000xi32, #tpu.memory_space<vmem>>, vector<16xi32>,
          %swap3A_479 = vector.shape_cast %swap3A_478 : vector<16xi32> to vector<16xi32>
          %swap3A_480 = vector.shape_cast %add3A_477 : vector<16xi32> to vector<16xi32>
          tpu.vector_store %arg8[%swap3A], %swap3A_480 {strides = array<i32>} : memref<8000xi32, #tpu.memory_space<vmem>>, vector<16xi32>,
        }
        %scan3A_460 = arith.constant 250 : i32
      } else {
      }
    }
    %scan3A_97 = arith.constant 83 : i32
    %dma_wait3A = arith.constant 0 : i32
    %dma_wait3A_98 = tpu.memref_slice %arg8[%dma_wait3A] : memref<8000xi32, #tpu.memory_space<vmem>> -> memref<80xi32, #tpu.memory_space<vmem>>
    %dma_wait3A_99 = arith.constant 0 : i32
    %dma_wait3A_100 = arith.constant 0 : i32
    %dma_wait3A_101 = tpu.memref_slice %arg2[%dma_wait3A_99, %dma_wait3A_100] : memref<160000x128xf32, #tpu.memory_space<hbm>> -> memref<160000x128xf32, #tpu.memory_space<hbm>>
    tpu.wait_indirect_dma semaphore(%arg16 : memref<!tpu.dma_semaphore, #tpu.memory_space<semaphore_mem>>) src(%dma_wait3A_101 : memref<160000x128xf32, #tpu.memory_space<hbm>>) dst(%arg13 : memref<80x128xf32, #tpu.memory_space<vmem>>)
    %dma_wait3A_102 = tpu.memref_slice %arg5[%mul3A_2] : memref<320000xi32, #tpu.memory_space<hbm>> -> memref<80xi32, #tpu.memory_space<hbm>>
    %dma_wait3A_103 = tpu.memref_slice %arg5[%mul3A_2] : memref<320000xi32, #tpu.memory_space<hbm>> -> memref<80xi32, #tpu.memory_space<hbm>>
    tpu.wait_dma2 semaphore(%arg19 : memref<!tpu.dma_semaphore, #tpu.memory_space<semaphore_mem>>) src(%dma_wait3A_103 : memref<80xi32, #tpu.memory_space<hbm>>) dst(%arg10 : memref<80xi32, #tpu.memory_space<vmem>>)
    "tpu.region"() ({
      %run_scoped3A = tpu.sem_alloc : memref<!tpu.dma_semaphore, #tpu.memory_space<semaphore_mem>>
      %dma_start3A_161 = arith.constant 0 : i32
      %dma_start3A_162 = arith.constant 0 : i32
      %dma_start3A_163 = tpu.memref_slice %arg7[%dma_start3A_161, %dma_start3A_162] : memref<10000x128xf32, #tpu.memory_space<vmem_shared>> -> memref<10000x128xf32, #tpu.memory_space<vmem_shared>>
      tpu.enqueue_indirect_dma source(%arg13 : memref<80x128xf32, #tpu.memory_space<vmem>>) target(%dma_start3A_163 : memref<10000x128xf32, #tpu.memory_space<vmem_shared>>) offsets(%arg10 : memref<80xi32, #tpu.memory_space<vmem>>) semaphore(%run_scoped3A : memref<!tpu.dma_semaphore, #tpu.memory_space<semaphore_mem>>) {add = true}
      %dma_wait3A_164 = arith.constant 0 : i32
      %dma_wait3A_165 = arith.constant 0 : i32
      %dma_wait3A_166 = tpu.memref_slice %arg7[%dma_wait3A_164, %dma_wait3A_165] : memref<10000x128xf32, #tpu.memory_space<vmem_shared>> -> memref<10000x128xf32, #tpu.memory_space<vmem_shared>>
      tpu.wait_indirect_dma semaphore(%run_scoped3A : memref<!tpu.dma_semaphore, #tpu.memory_space<semaphore_mem>>) src(%arg13 : memref<80x128xf32, #tpu.memory_space<vmem>>) dst(%dma_wait3A_166 : memref<10000x128xf32, #tpu.memory_space<vmem_shared>>)
      tpu.yield
    }) : () -> ()
    %barrier3A_104 = arith.constant 0 : index
    tpu.barrier barrier_id(%barrier3A_104)
    %add3A_105 = arith.constant 0 : i32
    %add3A_106 = arith.addi %arg1, %add3A_105 : i32
    %lt3A_107 = arith.constant 125 : i32
    %lt3A_108 = arith.cmpi slt, %add3A_106, %lt3A_107 : i32
    %convert_element_type3A_109 = arith.extui %lt3A_108 : i1 to i32
    %cond3A_110 = arith.constant 0 : i32
    %cond3A_111 = arith.cmpi ne, %convert_element_type3A_109, %cond3A_110 : i32
    scf.if %cond3A_111 {
      %mul3A_161 = arith.constant 80 : i32
      %mul3A_162 = arith.muli %add3A_106, %mul3A_161 : i32
      "tpu.region"() ({
        %run_scoped3A = tpu.sem_alloc : memref<!tpu.dma_semaphore, #tpu.memory_space<semaphore_mem>>
        %dma_start3A_163 = arith.constant 0 : i32
        %dma_start3A_164 = tpu.memref_slice %arg6[%arg0, %mul3A_162, %dma_start3A_163] : memref<2x10000x128xf32, #tpu.memory_space<hbm>> -> memref<1x80x128xf32, #tpu.memory_space<hbm>>
        %dma_start3A_165 = tpu.memref_squeeze %dma_start3A_164 : memref<1x80x128xf32, #tpu.memory_space<hbm>> -> memref<80x128xf32, #tpu.memory_space<hbm>>
        %dma_start3A_166 = arith.constant 0 : i32
        %dma_start3A_167 = tpu.memref_slice %arg7[%mul3A_162, %dma_start3A_166] : memref<10000x128xf32, #tpu.memory_space<vmem_shared>> -> memref<80x128xf32, #tpu.memory_space<vmem_shared>>
        tpu.enqueue_dma source(%dma_start3A_167 : memref<80x128xf32, #tpu.memory_space<vmem_shared>>) target(%dma_start3A_165 : memref<80x128xf32, #tpu.memory_space<hbm>>) target_semaphore(%run_scoped3A : memref<!tpu.dma_semaphore, #tpu.memory_space<semaphore_mem>>)
        %dma_wait3A_168 = arith.constant 0 : i32
        %dma_wait3A_169 = tpu.memref_slice %arg6[%arg0, %mul3A_162, %dma_wait3A_168] : memref<2x10000x128xf32, #tpu.memory_space<hbm>> -> memref<1x80x128xf32, #tpu.memory_space<hbm>>
        %dma_wait3A_170 = tpu.memref_squeeze %dma_wait3A_169 : memref<1x80x128xf32, #tpu.memory_space<hbm>> -> memref<80x128xf32, #tpu.memory_space<hbm>>
        %dma_wait3A_171 = arith.constant 0 : i32
        %dma_wait3A_172 = tpu.memref_slice %arg7[%mul3A_162, %dma_wait3A_171] : memref<10000x128xf32, #tpu.memory_space<vmem_shared>> -> memref<80x128xf32, #tpu.memory_space<vmem_shared>>
        tpu.wait_dma2 semaphore(%run_scoped3A : memref<!tpu.dma_semaphore, #tpu.memory_space<semaphore_mem>>) src(%dma_wait3A_172 : memref<80x128xf32, #tpu.memory_space<vmem_shared>>) dst(%dma_wait3A_170 : memref<80x128xf32, #tpu.memory_space<hbm>>)
        tpu.yield
      }) : () -> ()
    } else {
    }
    %add3A_112 = arith.constant 16 : i32
    %add3A_113 = arith.addi %arg1, %add3A_112 : i32
    %lt3A_114 = arith.constant 125 : i32
    %lt3A_115 = arith.cmpi slt, %add3A_113, %lt3A_114 : i32
    %convert_element_type3A_116 = arith.extui %lt3A_115 : i1 to i32
    %cond3A_117 = arith.constant 0 : i32
    %cond3A_118 = arith.cmpi ne, %convert_element_type3A_116, %cond3A_117 : i32
    scf.if %cond3A_118 {
      %mul3A_161 = arith.constant 80 : i32
      %mul3A_162 = arith.muli %add3A_113, %mul3A_161 : i32
      "tpu.region"() ({
        %run_scoped3A = tpu.sem_alloc : memref<!tpu.dma_semaphore, #tpu.memory_space<semaphore_mem>>
        %dma_start3A_163 = arith.constant 0 : i32
        %dma_start3A_164 = tpu.memref_slice %arg6[%arg0, %mul3A_162, %dma_start3A_163] : memref<2x10000x128xf32, #tpu.memory_space<hbm>> -> memref<1x80x128xf32, #tpu.memory_space<hbm>>
        %dma_start3A_165 = tpu.memref_squeeze %dma_start3A_164 : memref<1x80x128xf32, #tpu.memory_space<hbm>> -> memref<80x128xf32, #tpu.memory_space<hbm>>
        %dma_start3A_166 = arith.constant 0 : i32
        %dma_start3A_167 = tpu.memref_slice %arg7[%mul3A_162, %dma_start3A_166] : memref<10000x128xf32, #tpu.memory_space<vmem_shared>> -> memref<80x128xf32, #tpu.memory_space<vmem_shared>>
        tpu.enqueue_dma source(%dma_start3A_167 : memref<80x128xf32, #tpu.memory_space<vmem_shared>>) target(%dma_start3A_165 : memref<80x128xf32, #tpu.memory_space<hbm>>) target_semaphore(%run_scoped3A : memref<!tpu.dma_semaphore, #tpu.memory_space<semaphore_mem>>)
        %dma_wait3A_168 = arith.constant 0 : i32
        %dma_wait3A_169 = tpu.memref_slice %arg6[%arg0, %mul3A_162, %dma_wait3A_168] : memref<2x10000x128xf32, #tpu.memory_space<hbm>> -> memref<1x80x128xf32, #tpu.memory_space<hbm>>
        %dma_wait3A_170 = tpu.memref_squeeze %dma_wait3A_169 : memref<1x80x128xf32, #tpu.memory_space<hbm>> -> memref<80x128xf32, #tpu.memory_space<hbm>>
        %dma_wait3A_171 = arith.constant 0 : i32
        %dma_wait3A_172 = tpu.memref_slice %arg7[%mul3A_162, %dma_wait3A_171] : memref<10000x128xf32, #tpu.memory_space<vmem_shared>> -> memref<80x128xf32, #tpu.memory_space<vmem_shared>>
        tpu.wait_dma2 semaphore(%run_scoped3A : memref<!tpu.dma_semaphore, #tpu.memory_space<semaphore_mem>>) src(%dma_wait3A_172 : memref<80x128xf32, #tpu.memory_space<vmem_shared>>) dst(%dma_wait3A_170 : memref<80x128xf32, #tpu.memory_space<hbm>>)
        tpu.yield
      }) : () -> ()
    } else {
    }
    %add3A_119 = arith.constant 32 : i32
    %add3A_120 = arith.addi %arg1, %add3A_119 : i32
    %lt3A_121 = arith.constant 125 : i32
    %lt3A_122 = arith.cmpi slt, %add3A_120, %lt3A_121 : i32
    %convert_element_type3A_123 = arith.extui %lt3A_122 : i1 to i32
    %cond3A_124 = arith.constant 0 : i32
    %cond3A_125 = arith.cmpi ne, %convert_element_type3A_123, %cond3A_124 : i32
    scf.if %cond3A_125 {
      %mul3A_161 = arith.constant 80 : i32
      %mul3A_162 = arith.muli %add3A_120, %mul3A_161 : i32
      "tpu.region"() ({
        %run_scoped3A = tpu.sem_alloc : memref<!tpu.dma_semaphore, #tpu.memory_space<semaphore_mem>>
        %dma_start3A_163 = arith.constant 0 : i32
        %dma_start3A_164 = tpu.memref_slice %arg6[%arg0, %mul3A_162, %dma_start3A_163] : memref<2x10000x128xf32, #tpu.memory_space<hbm>> -> memref<1x80x128xf32, #tpu.memory_space<hbm>>
        %dma_start3A_165 = tpu.memref_squeeze %dma_start3A_164 : memref<1x80x128xf32, #tpu.memory_space<hbm>> -> memref<80x128xf32, #tpu.memory_space<hbm>>
        %dma_start3A_166 = arith.constant 0 : i32
        %dma_start3A_167 = tpu.memref_slice %arg7[%mul3A_162, %dma_start3A_166] : memref<10000x128xf32, #tpu.memory_space<vmem_shared>> -> memref<80x128xf32, #tpu.memory_space<vmem_shared>>
        tpu.enqueue_dma source(%dma_start3A_167 : memref<80x128xf32, #tpu.memory_space<vmem_shared>>) target(%dma_start3A_165 : memref<80x128xf32, #tpu.memory_space<hbm>>) target_semaphore(%run_scoped3A : memref<!tpu.dma_semaphore, #tpu.memory_space<semaphore_mem>>)
        %dma_wait3A_168 = arith.constant 0 : i32
        %dma_wait3A_169 = tpu.memref_slice %arg6[%arg0, %mul3A_162, %dma_wait3A_168] : memref<2x10000x128xf32, #tpu.memory_space<hbm>> -> memref<1x80x128xf32, #tpu.memory_space<hbm>>
        %dma_wait3A_170 = tpu.memref_squeeze %dma_wait3A_169 : memref<1x80x128xf32, #tpu.memory_space<hbm>> -> memref<80x128xf32, #tpu.memory_space<hbm>>
        %dma_wait3A_171 = arith.constant 0 : i32
        %dma_wait3A_172 = tpu.memref_slice %arg7[%mul3A_162, %dma_wait3A_171] : memref<10000x128xf32, #tpu.memory_space<vmem_shared>> -> memref<80x128xf32, #tpu.memory_space<vmem_shared>>
        tpu.wait_dma2 semaphore(%run_scoped3A : memref<!tpu.dma_semaphore, #tpu.memory_space<semaphore_mem>>) src(%dma_wait3A_172 : memref<80x128xf32, #tpu.memory_space<vmem_shared>>) dst(%dma_wait3A_170 : memref<80x128xf32, #tpu.memory_space<hbm>>)
        tpu.yield
      }) : () -> ()
    } else {
    }
    %add3A_126 = arith.constant 48 : i32
    %add3A_127 = arith.addi %arg1, %add3A_126 : i32
    %lt3A_128 = arith.constant 125 : i32
    %lt3A_129 = arith.cmpi slt, %add3A_127, %lt3A_128 : i32
    %convert_element_type3A_130 = arith.extui %lt3A_129 : i1 to i32
    %cond3A_131 = arith.constant 0 : i32
    %cond3A_132 = arith.cmpi ne, %convert_element_type3A_130, %cond3A_131 : i32
    scf.if %cond3A_132 {
      %mul3A_161 = arith.constant 80 : i32
      %mul3A_162 = arith.muli %add3A_127, %mul3A_161 : i32
      "tpu.region"() ({
        %run_scoped3A = tpu.sem_alloc : memref<!tpu.dma_semaphore, #tpu.memory_space<semaphore_mem>>
        %dma_start3A_163 = arith.constant 0 : i32
        %dma_start3A_164 = tpu.memref_slice %arg6[%arg0, %mul3A_162, %dma_start3A_163] : memref<2x10000x128xf32, #tpu.memory_space<hbm>> -> memref<1x80x128xf32, #tpu.memory_space<hbm>>
        %dma_start3A_165 = tpu.memref_squeeze %dma_start3A_164 : memref<1x80x128xf32, #tpu.memory_space<hbm>> -> memref<80x128xf32, #tpu.memory_space<hbm>>
        %dma_start3A_166 = arith.constant 0 : i32
        %dma_start3A_167 = tpu.memref_slice %arg7[%mul3A_162, %dma_start3A_166] : memref<10000x128xf32, #tpu.memory_space<vmem_shared>> -> memref<80x128xf32, #tpu.memory_space<vmem_shared>>
        tpu.enqueue_dma source(%dma_start3A_167 : memref<80x128xf32, #tpu.memory_space<vmem_shared>>) target(%dma_start3A_165 : memref<80x128xf32, #tpu.memory_space<hbm>>) target_semaphore(%run_scoped3A : memref<!tpu.dma_semaphore, #tpu.memory_space<semaphore_mem>>)
        %dma_wait3A_168 = arith.constant 0 : i32
        %dma_wait3A_169 = tpu.memref_slice %arg6[%arg0, %mul3A_162, %dma_wait3A_168] : memref<2x10000x128xf32, #tpu.memory_space<hbm>> -> memref<1x80x128xf32, #tpu.memory_space<hbm>>
        %dma_wait3A_170 = tpu.memref_squeeze %dma_wait3A_169 : memref<1x80x128xf32, #tpu.memory_space<hbm>> -> memref<80x128xf32, #tpu.memory_space<hbm>>
        %dma_wait3A_171 = arith.constant 0 : i32
        %dma_wait3A_172 = tpu.memref_slice %arg7[%mul3A_162, %dma_wait3A_171] : memref<10000x128xf32, #tpu.memory_space<vmem_shared>> -> memref<80x128xf32, #tpu.memory_space<vmem_shared>>
        tpu.wait_dma2 semaphore(%run_scoped3A : memref<!tpu.dma_semaphore, #tpu.memory_space<semaphore_mem>>) src(%dma_wait3A_172 : memref<80x128xf32, #tpu.memory_space<vmem_shared>>) dst(%dma_wait3A_170 : memref<80x128xf32, #tpu.memory_space<hbm>>)
        tpu.yield
      }) : () -> ()
    } else {
    }
    %add3A_133 = arith.constant 64 : i32
    %add3A_134 = arith.addi %arg1, %add3A_133 : i32
    %lt3A_135 = arith.constant 125 : i32
    %lt3A_136 = arith.cmpi slt, %add3A_134, %lt3A_135 : i32
    %convert_element_type3A_137 = arith.extui %lt3A_136 : i1 to i32
    %cond3A_138 = arith.constant 0 : i32
    %cond3A_139 = arith.cmpi ne, %convert_element_type3A_137, %cond3A_138 : i32
    scf.if %cond3A_139 {
      %mul3A_161 = arith.constant 80 : i32
      %mul3A_162 = arith.muli %add3A_134, %mul3A_161 : i32
      "tpu.region"() ({
        %run_scoped3A = tpu.sem_alloc : memref<!tpu.dma_semaphore, #tpu.memory_space<semaphore_mem>>
        %dma_start3A_163 = arith.constant 0 : i32
        %dma_start3A_164 = tpu.memref_slice %arg6[%arg0, %mul3A_162, %dma_start3A_163] : memref<2x10000x128xf32, #tpu.memory_space<hbm>> -> memref<1x80x128xf32, #tpu.memory_space<hbm>>
        %dma_start3A_165 = tpu.memref_squeeze %dma_start3A_164 : memref<1x80x128xf32, #tpu.memory_space<hbm>> -> memref<80x128xf32, #tpu.memory_space<hbm>>
        %dma_start3A_166 = arith.constant 0 : i32
        %dma_start3A_167 = tpu.memref_slice %arg7[%mul3A_162, %dma_start3A_166] : memref<10000x128xf32, #tpu.memory_space<vmem_shared>> -> memref<80x128xf32, #tpu.memory_space<vmem_shared>>
        tpu.enqueue_dma source(%dma_start3A_167 : memref<80x128xf32, #tpu.memory_space<vmem_shared>>) target(%dma_start3A_165 : memref<80x128xf32, #tpu.memory_space<hbm>>) target_semaphore(%run_scoped3A : memref<!tpu.dma_semaphore, #tpu.memory_space<semaphore_mem>>)
        %dma_wait3A_168 = arith.constant 0 : i32
        %dma_wait3A_169 = tpu.memref_slice %arg6[%arg0, %mul3A_162, %dma_wait3A_168] : memref<2x10000x128xf32, #tpu.memory_space<hbm>> -> memref<1x80x128xf32, #tpu.memory_space<hbm>>
        %dma_wait3A_170 = tpu.memref_squeeze %dma_wait3A_169 : memref<1x80x128xf32, #tpu.memory_space<hbm>> -> memref<80x128xf32, #tpu.memory_space<hbm>>
        %dma_wait3A_171 = arith.constant 0 : i32
        %dma_wait3A_172 = tpu.memref_slice %arg7[%mul3A_162, %dma_wait3A_171] : memref<10000x128xf32, #tpu.memory_space<vmem_shared>> -> memref<80x128xf32, #tpu.memory_space<vmem_shared>>
        tpu.wait_dma2 semaphore(%run_scoped3A : memref<!tpu.dma_semaphore, #tpu.memory_space<semaphore_mem>>) src(%dma_wait3A_172 : memref<80x128xf32, #tpu.memory_space<vmem_shared>>) dst(%dma_wait3A_170 : memref<80x128xf32, #tpu.memory_space<hbm>>)
        tpu.yield
      }) : () -> ()
    } else {
    }
    %add3A_140 = arith.constant 80 : i32
    %add3A_141 = arith.addi %arg1, %add3A_140 : i32
    %lt3A_142 = arith.constant 125 : i32
    %lt3A_143 = arith.cmpi slt, %add3A_141, %lt3A_142 : i32
    %convert_element_type3A_144 = arith.extui %lt3A_143 : i1 to i32
    %cond3A_145 = arith.constant 0 : i32
    %cond3A_146 = arith.cmpi ne, %convert_element_type3A_144, %cond3A_145 : i32
    scf.if %cond3A_146 {
      %mul3A_161 = arith.constant 80 : i32
      %mul3A_162 = arith.muli %add3A_141, %mul3A_161 : i32
      "tpu.region"() ({
        %run_scoped3A = tpu.sem_alloc : memref<!tpu.dma_semaphore, #tpu.memory_space<semaphore_mem>>
        %dma_start3A_163 = arith.constant 0 : i32
        %dma_start3A_164 = tpu.memref_slice %arg6[%arg0, %mul3A_162, %dma_start3A_163] : memref<2x10000x128xf32, #tpu.memory_space<hbm>> -> memref<1x80x128xf32, #tpu.memory_space<hbm>>
        %dma_start3A_165 = tpu.memref_squeeze %dma_start3A_164 : memref<1x80x128xf32, #tpu.memory_space<hbm>> -> memref<80x128xf32, #tpu.memory_space<hbm>>
        %dma_start3A_166 = arith.constant 0 : i32
        %dma_start3A_167 = tpu.memref_slice %arg7[%mul3A_162, %dma_start3A_166] : memref<10000x128xf32, #tpu.memory_space<vmem_shared>> -> memref<80x128xf32, #tpu.memory_space<vmem_shared>>
        tpu.enqueue_dma source(%dma_start3A_167 : memref<80x128xf32, #tpu.memory_space<vmem_shared>>) target(%dma_start3A_165 : memref<80x128xf32, #tpu.memory_space<hbm>>) target_semaphore(%run_scoped3A : memref<!tpu.dma_semaphore, #tpu.memory_space<semaphore_mem>>)
        %dma_wait3A_168 = arith.constant 0 : i32
        %dma_wait3A_169 = tpu.memref_slice %arg6[%arg0, %mul3A_162, %dma_wait3A_168] : memref<2x10000x128xf32, #tpu.memory_space<hbm>> -> memref<1x80x128xf32, #tpu.memory_space<hbm>>
        %dma_wait3A_170 = tpu.memref_squeeze %dma_wait3A_169 : memref<1x80x128xf32, #tpu.memory_space<hbm>> -> memref<80x128xf32, #tpu.memory_space<hbm>>
        %dma_wait3A_171 = arith.constant 0 : i32
        %dma_wait3A_172 = tpu.memref_slice %arg7[%mul3A_162, %dma_wait3A_171] : memref<10000x128xf32, #tpu.memory_space<vmem_shared>> -> memref<80x128xf32, #tpu.memory_space<vmem_shared>>
        tpu.wait_dma2 semaphore(%run_scoped3A : memref<!tpu.dma_semaphore, #tpu.memory_space<semaphore_mem>>) src(%dma_wait3A_172 : memref<80x128xf32, #tpu.memory_space<vmem_shared>>) dst(%dma_wait3A_170 : memref<80x128xf32, #tpu.memory_space<hbm>>)
        tpu.yield
      }) : () -> ()
    } else {
    }
    %add3A_147 = arith.constant 96 : i32
    %add3A_148 = arith.addi %arg1, %add3A_147 : i32
    %lt3A_149 = arith.constant 125 : i32
    %lt3A_150 = arith.cmpi slt, %add3A_148, %lt3A_149 : i32
    %convert_element_type3A_151 = arith.extui %lt3A_150 : i1 to i32
    %cond3A_152 = arith.constant 0 : i32
    %cond3A_153 = arith.cmpi ne, %convert_element_type3A_151, %cond3A_152 : i32
    scf.if %cond3A_153 {
      %mul3A_161 = arith.constant 80 : i32
      %mul3A_162 = arith.muli %add3A_148, %mul3A_161 : i32
      "tpu.region"() ({
        %run_scoped3A = tpu.sem_alloc : memref<!tpu.dma_semaphore, #tpu.memory_space<semaphore_mem>>
        %dma_start3A_163 = arith.constant 0 : i32
        %dma_start3A_164 = tpu.memref_slice %arg6[%arg0, %mul3A_162, %dma_start3A_163] : memref<2x10000x128xf32, #tpu.memory_space<hbm>> -> memref<1x80x128xf32, #tpu.memory_space<hbm>>
        %dma_start3A_165 = tpu.memref_squeeze %dma_start3A_164 : memref<1x80x128xf32, #tpu.memory_space<hbm>> -> memref<80x128xf32, #tpu.memory_space<hbm>>
        %dma_start3A_166 = arith.constant 0 : i32
        %dma_start3A_167 = tpu.memref_slice %arg7[%mul3A_162, %dma_start3A_166] : memref<10000x128xf32, #tpu.memory_space<vmem_shared>> -> memref<80x128xf32, #tpu.memory_space<vmem_shared>>
        tpu.enqueue_dma source(%dma_start3A_167 : memref<80x128xf32, #tpu.memory_space<vmem_shared>>) target(%dma_start3A_165 : memref<80x128xf32, #tpu.memory_space<hbm>>) target_semaphore(%run_scoped3A : memref<!tpu.dma_semaphore, #tpu.memory_space<semaphore_mem>>)
        %dma_wait3A_168 = arith.constant 0 : i32
        %dma_wait3A_169 = tpu.memref_slice %arg6[%arg0, %mul3A_162, %dma_wait3A_168] : memref<2x10000x128xf32, #tpu.memory_space<hbm>> -> memref<1x80x128xf32, #tpu.memory_space<hbm>>
        %dma_wait3A_170 = tpu.memref_squeeze %dma_wait3A_169 : memref<1x80x128xf32, #tpu.memory_space<hbm>> -> memref<80x128xf32, #tpu.memory_space<hbm>>
        %dma_wait3A_171 = arith.constant 0 : i32
        %dma_wait3A_172 = tpu.memref_slice %arg7[%mul3A_162, %dma_wait3A_171] : memref<10000x128xf32, #tpu.memory_space<vmem_shared>> -> memref<80x128xf32, #tpu.memory_space<vmem_shared>>
        tpu.wait_dma2 semaphore(%run_scoped3A : memref<!tpu.dma_semaphore, #tpu.memory_space<semaphore_mem>>) src(%dma_wait3A_172 : memref<80x128xf32, #tpu.memory_space<vmem_shared>>) dst(%dma_wait3A_170 : memref<80x128xf32, #tpu.memory_space<hbm>>)
        tpu.yield
      }) : () -> ()
    } else {
    }
    %add3A_154 = arith.constant 112 : i32
    %add3A_155 = arith.addi %arg1, %add3A_154 : i32
    %lt3A_156 = arith.constant 125 : i32
    %lt3A_157 = arith.cmpi slt, %add3A_155, %lt3A_156 : i32
    %convert_element_type3A_158 = arith.extui %lt3A_157 : i1 to i32
    %cond3A_159 = arith.constant 0 : i32
    %cond3A_160 = arith.cmpi ne, %convert_element_type3A_158, %cond3A_159 : i32
    scf.if %cond3A_160 {
      %mul3A_161 = arith.constant 80 : i32
      %mul3A_162 = arith.muli %add3A_155, %mul3A_161 : i32
      "tpu.region"() ({
        %run_scoped3A = tpu.sem_alloc : memref<!tpu.dma_semaphore, #tpu.memory_space<semaphore_mem>>
        %dma_start3A_163 = arith.constant 0 : i32
        %dma_start3A_164 = tpu.memref_slice %arg6[%arg0, %mul3A_162, %dma_start3A_163] : memref<2x10000x128xf32, #tpu.memory_space<hbm>> -> memref<1x80x128xf32, #tpu.memory_space<hbm>>
        %dma_start3A_165 = tpu.memref_squeeze %dma_start3A_164 : memref<1x80x128xf32, #tpu.memory_space<hbm>> -> memref<80x128xf32, #tpu.memory_space<hbm>>
        %dma_start3A_166 = arith.constant 0 : i32
        %dma_start3A_167 = tpu.memref_slice %arg7[%mul3A_162, %dma_start3A_166] : memref<10000x128xf32, #tpu.memory_space<vmem_shared>> -> memref<80x128xf32, #tpu.memory_space<vmem_shared>>
        tpu.enqueue_dma source(%dma_start3A_167 : memref<80x128xf32, #tpu.memory_space<vmem_shared>>) target(%dma_start3A_165 : memref<80x128xf32, #tpu.memory_space<hbm>>) target_semaphore(%run_scoped3A : memref<!tpu.dma_semaphore, #tpu.memory_space<semaphore_mem>>)
        %dma_wait3A_168 = arith.constant 0 : i32
        %dma_wait3A_169 = tpu.memref_slice %arg6[%arg0, %mul3A_162, %dma_wait3A_168] : memref<2x10000x128xf32, #tpu.memory_space<hbm>> -> memref<1x80x128xf32, #tpu.memory_space<hbm>>
        %dma_wait3A_170 = tpu.memref_squeeze %dma_wait3A_169 : memref<1x80x128xf32, #tpu.memory_space<hbm>> -> memref<80x128xf32, #tpu.memory_space<hbm>>
        %dma_wait3A_171 = arith.constant 0 : i32
        %dma_wait3A_172 = tpu.memref_slice %arg7[%mul3A_162, %dma_wait3A_171] : memref<10000x128xf32, #tpu.memory_space<vmem_shared>> -> memref<80x128xf32, #tpu.memory_space<vmem_shared>>
        tpu.wait_dma2 semaphore(%run_scoped3A : memref<!tpu.dma_semaphore, #tpu.memory_space<semaphore_mem>>) src(%dma_wait3A_172 : memref<80x128xf32, #tpu.memory_space<vmem_shared>>) dst(%dma_wait3A_170 : memref<80x128xf32, #tpu.memory_space<hbm>>)
        tpu.yield
      }) : () -> ()
    } else {
    }
    return
  }
}

#map = affine_map<(d0, d1) -> (0, 0)>
#map1 = affine_map<(d0, d1) -> (0)>
#map2 = affine_map<(d0, d1) -> (0, 0, 0)>
module attributes {stable_mosaic.version = 14 : i64} {
  func.func @edge_pass(%arg0: i32, %arg1: i32, %arg2: memref<80000x128xf32, #tpu.memory_space<hbm>>, %arg3: memref<320000xi32, #tpu.memory_space<hbm>>, %arg4: memref<320000xi32, #tpu.memory_space<hbm>>, %arg5: memref<320000xi32, #tpu.memory_space<hbm>>, %arg6: memref<2x10000x128xf32, #tpu.memory_space<hbm>>, %arg7: memref<10000x128xf32, #tpu.memory_space<vmem_shared>>, %arg8: memref<4000xi32, #tpu.memory_space<vmem>>, %arg9: memref<2000xi32, #tpu.memory_space<vmem>>, %arg10: memref<80xi32, #tpu.memory_space<vmem>>, %arg11: memref<80xi32, #tpu.memory_space<vmem>>, %arg12: memref<80xi32, #tpu.memory_space<vmem>>, %arg13: memref<80x128xf32, #tpu.memory_space<vmem>>, %arg14: memref<80x128xf32, #tpu.memory_space<vmem>>, %arg15: memref<80x128xf32, #tpu.memory_space<vmem>>, %arg16: memref<!tpu.dma_semaphore, #tpu.memory_space<semaphore_mem>>, %arg17: memref<!tpu.dma_semaphore, #tpu.memory_space<semaphore_mem>>, %arg18: memref<!tpu.dma_semaphore, #tpu.memory_space<semaphore_mem>>, %arg19: memref<!tpu.dma_semaphore, #tpu.memory_space<semaphore_mem>>, %arg20: memref<!tpu.dma_semaphore, #tpu.memory_space<semaphore_mem>>, %arg21: memref<!tpu.dma_semaphore, #tpu.memory_space<semaphore_mem>>, %arg22: memref<!tpu.dma_semaphore, #tpu.memory_space<semaphore_mem>>) attributes {dimension_semantics = [#tpu.dimension_semantics<core_parallel>, #tpu.dimension_semantics<subcore_parallel>], iteration_bounds = array<i64: 2, 16>, scalar_prefetch = 0 : i64, scratch_operands = 16 : i64, tpu.core_type = #tpu.core_type<sc_vector_subcore>, window_params = [{transform_indices = #map}, {transform_indices = #map1}, {transform_indices = #map1}, {transform_indices = #map1}, {transform_indices = #map2}]} {
    %mul3A = arith.constant 2 : i32
    %mul3A_0 = arith.muli %arg1, %mul3A : i32
    %add3A = arith.addi %mul3A_0, %arg0 : i32
    %mul3A_1 = arith.constant 10000 : i32
    %mul3A_2 = arith.muli %add3A, %mul3A_1 : i32
    %scan3A = arith.constant 0 : i32
    %scan3A_3 = arith.constant 0 : i32
    %scan3A_4 = arith.constant 640 : i32
    %scan3A_5 = arith.addi %scan3A_3, %scan3A_4 : i32
    %scan3A_6 = arith.constant 1 : i32
    scf.for %scan3A_169 = %scan3A_3 to %scan3A_5 step %scan3A_6  : i32 {
      %broadcast_in_dim3A = arith.constant 0.000000e+00 : f32
      %broadcast_in_dim3A_170 = vector.broadcast %broadcast_in_dim3A : f32 to vector<16xf32>
      %jit3A = arith.constant 8 : i32
      %div3A = arith.divsi %scan3A_169, %jit3A : i32
      %sign3A = arith.constant 0 : i32
      %sign3A_171 = arith.cmpi sgt, %scan3A_169, %sign3A : i32
      %sign3A_172 = arith.extui %sign3A_171 : i1 to i32
      %sign3A_173 = arith.constant 0 : i32
      %sign3A_174 = arith.cmpi slt, %scan3A_169, %sign3A_173 : i32
      %sign3A_175 = arith.extui %sign3A_174 : i1 to i32
      %sign3A_176 = arith.subi %sign3A_172, %sign3A_175 : i32
      %sign3A_177 = arith.constant 0 : i32
      %sign3A_178 = arith.cmpi sgt, %jit3A, %sign3A_177 : i32
      %sign3A_179 = arith.extui %sign3A_178 : i1 to i32
      %sign3A_180 = arith.constant 0 : i32
      %sign3A_181 = arith.cmpi slt, %jit3A, %sign3A_180 : i32
      %sign3A_182 = arith.extui %sign3A_181 : i1 to i32
      %sign3A_183 = arith.subi %sign3A_179, %sign3A_182 : i32
      %ne3A = arith.cmpi ne, %sign3A_176, %sign3A_183 : i32
      %rem3A = arith.remsi %scan3A_169, %jit3A : i32
      %ne3A_184 = arith.constant 0 : i32
      %ne3A_185 = arith.cmpi ne, %rem3A, %ne3A_184 : i32
      %and3A = arith.andi %ne3A, %ne3A_185 : i1
      %sub3A = arith.constant 1 : i32
      %sub3A_186 = arith.subi %div3A, %sub3A : i32
      %select_n3A = arith.select %and3A, %sub3A_186, %div3A : i32
      %jit3A_187 = arith.constant 8 : i32
      %eq3A = arith.constant 0 : i32
      %eq3A_188 = arith.cmpi eq, %jit3A_187, %eq3A : i32
      %jit3A_189 = arith.constant 1 : i32
      %select_n3A_190 = arith.select %eq3A_188, %jit3A_189, %jit3A_187 : i32
      %rem3A_191 = arith.remsi %scan3A_169, %select_n3A_190 : i32
      %ne3A_192 = arith.constant 0 : i32
      %ne3A_193 = arith.cmpi ne, %rem3A_191, %ne3A_192 : i32
      %lt3A_194 = arith.constant 0 : i32
      %lt3A_195 = arith.cmpi slt, %rem3A_191, %lt3A_194 : i32
      %lt3A_196 = arith.constant 0 : i32
      %lt3A_197 = arith.cmpi slt, %select_n3A_190, %lt3A_196 : i32
      %ne3A_198 = arith.xori %lt3A_195, %lt3A_197 : i1
      %and3A_199 = arith.andi %ne3A_198, %ne3A_193 : i1
      %add3A_200 = arith.addi %rem3A_191, %select_n3A_190 : i32
      %select_n3A_201 = arith.select %and3A_199, %add3A_200, %rem3A_191 : i32
      %mul3A_202 = arith.constant 16 : i32
      %mul3A_203 = arith.muli %select_n3A_201, %mul3A_202 : i32
      %swap3A = arith.index_cast %select_n3A : i32 to index
      %swap3A_204 = arith.index_cast %mul3A_203 : i32 to index
      %swap3A_205 = tpu.vector_load %arg13[%swap3A, %swap3A_204] {strides = array<i32>} : memref<80x128xf32, #tpu.memory_space<vmem>>, vector<1x16xf32>,
      %swap3A_206 = vector.shape_cast %swap3A_205 : vector<1x16xf32> to vector<16xf32>
      %swap3A_207 = vector.shape_cast %broadcast_in_dim3A_170 : vector<16xf32> to vector<1x16xf32>
      tpu.vector_store %arg13[%swap3A, %swap3A_204], %swap3A_207 {strides = array<i32>} : memref<80x128xf32, #tpu.memory_space<vmem>>, vector<1x16xf32>,
    }
    %scan3A_7 = arith.constant 640 : i32
    %add3A_8 = arith.constant 0 : i32
    %add3A_9 = arith.addi %arg1, %add3A_8 : i32
    %lt3A = arith.constant 125 : i32
    %lt3A_10 = arith.cmpi slt, %add3A_9, %lt3A : i32
    %convert_element_type3A = arith.extui %lt3A_10 : i1 to i32
    %cond3A = arith.constant 0 : i32
    %cond3A_11 = arith.cmpi ne, %convert_element_type3A, %cond3A : i32
    scf.if %cond3A_11 {
      %mul3A_169 = arith.constant 80 : i32
      %mul3A_170 = arith.muli %add3A_9, %mul3A_169 : i32
      "tpu.region"() ({
        %run_scoped3A = tpu.sem_alloc : memref<!tpu.dma_semaphore, #tpu.memory_space<semaphore_mem>>
        %dma_start3A_171 = arith.constant 0 : i32
        %dma_start3A_172 = tpu.memref_slice %arg7[%mul3A_170, %dma_start3A_171] : memref<10000x128xf32, #tpu.memory_space<vmem_shared>> -> memref<80x128xf32, #tpu.memory_space<vmem_shared>>
        %dma_start3A_173 = arith.constant 0 : i32
        %dma_start3A_174 = tpu.memref_slice %arg7[%mul3A_170, %dma_start3A_173] : memref<10000x128xf32, #tpu.memory_space<vmem_shared>> -> memref<80x128xf32, #tpu.memory_space<vmem_shared>>
        tpu.enqueue_dma source(%arg13 : memref<80x128xf32, #tpu.memory_space<vmem>>) target(%dma_start3A_174 : memref<80x128xf32, #tpu.memory_space<vmem_shared>>) target_semaphore(%run_scoped3A : memref<!tpu.dma_semaphore, #tpu.memory_space<semaphore_mem>>)
        %dma_wait3A_175 = arith.constant 0 : i32
        %dma_wait3A_176 = tpu.memref_slice %arg7[%mul3A_170, %dma_wait3A_175] : memref<10000x128xf32, #tpu.memory_space<vmem_shared>> -> memref<80x128xf32, #tpu.memory_space<vmem_shared>>
        %dma_wait3A_177 = arith.constant 0 : i32
        %dma_wait3A_178 = tpu.memref_slice %arg7[%mul3A_170, %dma_wait3A_177] : memref<10000x128xf32, #tpu.memory_space<vmem_shared>> -> memref<80x128xf32, #tpu.memory_space<vmem_shared>>
        tpu.wait_dma2 semaphore(%run_scoped3A : memref<!tpu.dma_semaphore, #tpu.memory_space<semaphore_mem>>) src(%arg13 : memref<80x128xf32, #tpu.memory_space<vmem>>) dst(%dma_wait3A_178 : memref<80x128xf32, #tpu.memory_space<vmem_shared>>)
        tpu.yield
      }) : () -> ()
    } else {
    }
    %add3A_12 = arith.constant 16 : i32
    %add3A_13 = arith.addi %arg1, %add3A_12 : i32
    %lt3A_14 = arith.constant 125 : i32
    %lt3A_15 = arith.cmpi slt, %add3A_13, %lt3A_14 : i32
    %convert_element_type3A_16 = arith.extui %lt3A_15 : i1 to i32
    %cond3A_17 = arith.constant 0 : i32
    %cond3A_18 = arith.cmpi ne, %convert_element_type3A_16, %cond3A_17 : i32
    scf.if %cond3A_18 {
      %mul3A_169 = arith.constant 80 : i32
      %mul3A_170 = arith.muli %add3A_13, %mul3A_169 : i32
      "tpu.region"() ({
        %run_scoped3A = tpu.sem_alloc : memref<!tpu.dma_semaphore, #tpu.memory_space<semaphore_mem>>
        %dma_start3A_171 = arith.constant 0 : i32
        %dma_start3A_172 = tpu.memref_slice %arg7[%mul3A_170, %dma_start3A_171] : memref<10000x128xf32, #tpu.memory_space<vmem_shared>> -> memref<80x128xf32, #tpu.memory_space<vmem_shared>>
        %dma_start3A_173 = arith.constant 0 : i32
        %dma_start3A_174 = tpu.memref_slice %arg7[%mul3A_170, %dma_start3A_173] : memref<10000x128xf32, #tpu.memory_space<vmem_shared>> -> memref<80x128xf32, #tpu.memory_space<vmem_shared>>
        tpu.enqueue_dma source(%arg13 : memref<80x128xf32, #tpu.memory_space<vmem>>) target(%dma_start3A_174 : memref<80x128xf32, #tpu.memory_space<vmem_shared>>) target_semaphore(%run_scoped3A : memref<!tpu.dma_semaphore, #tpu.memory_space<semaphore_mem>>)
        %dma_wait3A_175 = arith.constant 0 : i32
        %dma_wait3A_176 = tpu.memref_slice %arg7[%mul3A_170, %dma_wait3A_175] : memref<10000x128xf32, #tpu.memory_space<vmem_shared>> -> memref<80x128xf32, #tpu.memory_space<vmem_shared>>
        %dma_wait3A_177 = arith.constant 0 : i32
        %dma_wait3A_178 = tpu.memref_slice %arg7[%mul3A_170, %dma_wait3A_177] : memref<10000x128xf32, #tpu.memory_space<vmem_shared>> -> memref<80x128xf32, #tpu.memory_space<vmem_shared>>
        tpu.wait_dma2 semaphore(%run_scoped3A : memref<!tpu.dma_semaphore, #tpu.memory_space<semaphore_mem>>) src(%arg13 : memref<80x128xf32, #tpu.memory_space<vmem>>) dst(%dma_wait3A_178 : memref<80x128xf32, #tpu.memory_space<vmem_shared>>)
        tpu.yield
      }) : () -> ()
    } else {
    }
    %add3A_19 = arith.constant 32 : i32
    %add3A_20 = arith.addi %arg1, %add3A_19 : i32
    %lt3A_21 = arith.constant 125 : i32
    %lt3A_22 = arith.cmpi slt, %add3A_20, %lt3A_21 : i32
    %convert_element_type3A_23 = arith.extui %lt3A_22 : i1 to i32
    %cond3A_24 = arith.constant 0 : i32
    %cond3A_25 = arith.cmpi ne, %convert_element_type3A_23, %cond3A_24 : i32
    scf.if %cond3A_25 {
      %mul3A_169 = arith.constant 80 : i32
      %mul3A_170 = arith.muli %add3A_20, %mul3A_169 : i32
      "tpu.region"() ({
        %run_scoped3A = tpu.sem_alloc : memref<!tpu.dma_semaphore, #tpu.memory_space<semaphore_mem>>
        %dma_start3A_171 = arith.constant 0 : i32
        %dma_start3A_172 = tpu.memref_slice %arg7[%mul3A_170, %dma_start3A_171] : memref<10000x128xf32, #tpu.memory_space<vmem_shared>> -> memref<80x128xf32, #tpu.memory_space<vmem_shared>>
        %dma_start3A_173 = arith.constant 0 : i32
        %dma_start3A_174 = tpu.memref_slice %arg7[%mul3A_170, %dma_start3A_173] : memref<10000x128xf32, #tpu.memory_space<vmem_shared>> -> memref<80x128xf32, #tpu.memory_space<vmem_shared>>
        tpu.enqueue_dma source(%arg13 : memref<80x128xf32, #tpu.memory_space<vmem>>) target(%dma_start3A_174 : memref<80x128xf32, #tpu.memory_space<vmem_shared>>) target_semaphore(%run_scoped3A : memref<!tpu.dma_semaphore, #tpu.memory_space<semaphore_mem>>)
        %dma_wait3A_175 = arith.constant 0 : i32
        %dma_wait3A_176 = tpu.memref_slice %arg7[%mul3A_170, %dma_wait3A_175] : memref<10000x128xf32, #tpu.memory_space<vmem_shared>> -> memref<80x128xf32, #tpu.memory_space<vmem_shared>>
        %dma_wait3A_177 = arith.constant 0 : i32
        %dma_wait3A_178 = tpu.memref_slice %arg7[%mul3A_170, %dma_wait3A_177] : memref<10000x128xf32, #tpu.memory_space<vmem_shared>> -> memref<80x128xf32, #tpu.memory_space<vmem_shared>>
        tpu.wait_dma2 semaphore(%run_scoped3A : memref<!tpu.dma_semaphore, #tpu.memory_space<semaphore_mem>>) src(%arg13 : memref<80x128xf32, #tpu.memory_space<vmem>>) dst(%dma_wait3A_178 : memref<80x128xf32, #tpu.memory_space<vmem_shared>>)
        tpu.yield
      }) : () -> ()
    } else {
    }
    %add3A_26 = arith.constant 48 : i32
    %add3A_27 = arith.addi %arg1, %add3A_26 : i32
    %lt3A_28 = arith.constant 125 : i32
    %lt3A_29 = arith.cmpi slt, %add3A_27, %lt3A_28 : i32
    %convert_element_type3A_30 = arith.extui %lt3A_29 : i1 to i32
    %cond3A_31 = arith.constant 0 : i32
    %cond3A_32 = arith.cmpi ne, %convert_element_type3A_30, %cond3A_31 : i32
    scf.if %cond3A_32 {
      %mul3A_169 = arith.constant 80 : i32
      %mul3A_170 = arith.muli %add3A_27, %mul3A_169 : i32
      "tpu.region"() ({
        %run_scoped3A = tpu.sem_alloc : memref<!tpu.dma_semaphore, #tpu.memory_space<semaphore_mem>>
        %dma_start3A_171 = arith.constant 0 : i32
        %dma_start3A_172 = tpu.memref_slice %arg7[%mul3A_170, %dma_start3A_171] : memref<10000x128xf32, #tpu.memory_space<vmem_shared>> -> memref<80x128xf32, #tpu.memory_space<vmem_shared>>
        %dma_start3A_173 = arith.constant 0 : i32
        %dma_start3A_174 = tpu.memref_slice %arg7[%mul3A_170, %dma_start3A_173] : memref<10000x128xf32, #tpu.memory_space<vmem_shared>> -> memref<80x128xf32, #tpu.memory_space<vmem_shared>>
        tpu.enqueue_dma source(%arg13 : memref<80x128xf32, #tpu.memory_space<vmem>>) target(%dma_start3A_174 : memref<80x128xf32, #tpu.memory_space<vmem_shared>>) target_semaphore(%run_scoped3A : memref<!tpu.dma_semaphore, #tpu.memory_space<semaphore_mem>>)
        %dma_wait3A_175 = arith.constant 0 : i32
        %dma_wait3A_176 = tpu.memref_slice %arg7[%mul3A_170, %dma_wait3A_175] : memref<10000x128xf32, #tpu.memory_space<vmem_shared>> -> memref<80x128xf32, #tpu.memory_space<vmem_shared>>
        %dma_wait3A_177 = arith.constant 0 : i32
        %dma_wait3A_178 = tpu.memref_slice %arg7[%mul3A_170, %dma_wait3A_177] : memref<10000x128xf32, #tpu.memory_space<vmem_shared>> -> memref<80x128xf32, #tpu.memory_space<vmem_shared>>
        tpu.wait_dma2 semaphore(%run_scoped3A : memref<!tpu.dma_semaphore, #tpu.memory_space<semaphore_mem>>) src(%arg13 : memref<80x128xf32, #tpu.memory_space<vmem>>) dst(%dma_wait3A_178 : memref<80x128xf32, #tpu.memory_space<vmem_shared>>)
        tpu.yield
      }) : () -> ()
    } else {
    }
    %add3A_33 = arith.constant 64 : i32
    %add3A_34 = arith.addi %arg1, %add3A_33 : i32
    %lt3A_35 = arith.constant 125 : i32
    %lt3A_36 = arith.cmpi slt, %add3A_34, %lt3A_35 : i32
    %convert_element_type3A_37 = arith.extui %lt3A_36 : i1 to i32
    %cond3A_38 = arith.constant 0 : i32
    %cond3A_39 = arith.cmpi ne, %convert_element_type3A_37, %cond3A_38 : i32
    scf.if %cond3A_39 {
      %mul3A_169 = arith.constant 80 : i32
      %mul3A_170 = arith.muli %add3A_34, %mul3A_169 : i32
      "tpu.region"() ({
        %run_scoped3A = tpu.sem_alloc : memref<!tpu.dma_semaphore, #tpu.memory_space<semaphore_mem>>
        %dma_start3A_171 = arith.constant 0 : i32
        %dma_start3A_172 = tpu.memref_slice %arg7[%mul3A_170, %dma_start3A_171] : memref<10000x128xf32, #tpu.memory_space<vmem_shared>> -> memref<80x128xf32, #tpu.memory_space<vmem_shared>>
        %dma_start3A_173 = arith.constant 0 : i32
        %dma_start3A_174 = tpu.memref_slice %arg7[%mul3A_170, %dma_start3A_173] : memref<10000x128xf32, #tpu.memory_space<vmem_shared>> -> memref<80x128xf32, #tpu.memory_space<vmem_shared>>
        tpu.enqueue_dma source(%arg13 : memref<80x128xf32, #tpu.memory_space<vmem>>) target(%dma_start3A_174 : memref<80x128xf32, #tpu.memory_space<vmem_shared>>) target_semaphore(%run_scoped3A : memref<!tpu.dma_semaphore, #tpu.memory_space<semaphore_mem>>)
        %dma_wait3A_175 = arith.constant 0 : i32
        %dma_wait3A_176 = tpu.memref_slice %arg7[%mul3A_170, %dma_wait3A_175] : memref<10000x128xf32, #tpu.memory_space<vmem_shared>> -> memref<80x128xf32, #tpu.memory_space<vmem_shared>>
        %dma_wait3A_177 = arith.constant 0 : i32
        %dma_wait3A_178 = tpu.memref_slice %arg7[%mul3A_170, %dma_wait3A_177] : memref<10000x128xf32, #tpu.memory_space<vmem_shared>> -> memref<80x128xf32, #tpu.memory_space<vmem_shared>>
        tpu.wait_dma2 semaphore(%run_scoped3A : memref<!tpu.dma_semaphore, #tpu.memory_space<semaphore_mem>>) src(%arg13 : memref<80x128xf32, #tpu.memory_space<vmem>>) dst(%dma_wait3A_178 : memref<80x128xf32, #tpu.memory_space<vmem_shared>>)
        tpu.yield
      }) : () -> ()
    } else {
    }
    %add3A_40 = arith.constant 80 : i32
    %add3A_41 = arith.addi %arg1, %add3A_40 : i32
    %lt3A_42 = arith.constant 125 : i32
    %lt3A_43 = arith.cmpi slt, %add3A_41, %lt3A_42 : i32
    %convert_element_type3A_44 = arith.extui %lt3A_43 : i1 to i32
    %cond3A_45 = arith.constant 0 : i32
    %cond3A_46 = arith.cmpi ne, %convert_element_type3A_44, %cond3A_45 : i32
    scf.if %cond3A_46 {
      %mul3A_169 = arith.constant 80 : i32
      %mul3A_170 = arith.muli %add3A_41, %mul3A_169 : i32
      "tpu.region"() ({
        %run_scoped3A = tpu.sem_alloc : memref<!tpu.dma_semaphore, #tpu.memory_space<semaphore_mem>>
        %dma_start3A_171 = arith.constant 0 : i32
        %dma_start3A_172 = tpu.memref_slice %arg7[%mul3A_170, %dma_start3A_171] : memref<10000x128xf32, #tpu.memory_space<vmem_shared>> -> memref<80x128xf32, #tpu.memory_space<vmem_shared>>
        %dma_start3A_173 = arith.constant 0 : i32
        %dma_start3A_174 = tpu.memref_slice %arg7[%mul3A_170, %dma_start3A_173] : memref<10000x128xf32, #tpu.memory_space<vmem_shared>> -> memref<80x128xf32, #tpu.memory_space<vmem_shared>>
        tpu.enqueue_dma source(%arg13 : memref<80x128xf32, #tpu.memory_space<vmem>>) target(%dma_start3A_174 : memref<80x128xf32, #tpu.memory_space<vmem_shared>>) target_semaphore(%run_scoped3A : memref<!tpu.dma_semaphore, #tpu.memory_space<semaphore_mem>>)
        %dma_wait3A_175 = arith.constant 0 : i32
        %dma_wait3A_176 = tpu.memref_slice %arg7[%mul3A_170, %dma_wait3A_175] : memref<10000x128xf32, #tpu.memory_space<vmem_shared>> -> memref<80x128xf32, #tpu.memory_space<vmem_shared>>
        %dma_wait3A_177 = arith.constant 0 : i32
        %dma_wait3A_178 = tpu.memref_slice %arg7[%mul3A_170, %dma_wait3A_177] : memref<10000x128xf32, #tpu.memory_space<vmem_shared>> -> memref<80x128xf32, #tpu.memory_space<vmem_shared>>
        tpu.wait_dma2 semaphore(%run_scoped3A : memref<!tpu.dma_semaphore, #tpu.memory_space<semaphore_mem>>) src(%arg13 : memref<80x128xf32, #tpu.memory_space<vmem>>) dst(%dma_wait3A_178 : memref<80x128xf32, #tpu.memory_space<vmem_shared>>)
        tpu.yield
      }) : () -> ()
    } else {
    }
    %add3A_47 = arith.constant 96 : i32
    %add3A_48 = arith.addi %arg1, %add3A_47 : i32
    %lt3A_49 = arith.constant 125 : i32
    %lt3A_50 = arith.cmpi slt, %add3A_48, %lt3A_49 : i32
    %convert_element_type3A_51 = arith.extui %lt3A_50 : i1 to i32
    %cond3A_52 = arith.constant 0 : i32
    %cond3A_53 = arith.cmpi ne, %convert_element_type3A_51, %cond3A_52 : i32
    scf.if %cond3A_53 {
      %mul3A_169 = arith.constant 80 : i32
      %mul3A_170 = arith.muli %add3A_48, %mul3A_169 : i32
      "tpu.region"() ({
        %run_scoped3A = tpu.sem_alloc : memref<!tpu.dma_semaphore, #tpu.memory_space<semaphore_mem>>
        %dma_start3A_171 = arith.constant 0 : i32
        %dma_start3A_172 = tpu.memref_slice %arg7[%mul3A_170, %dma_start3A_171] : memref<10000x128xf32, #tpu.memory_space<vmem_shared>> -> memref<80x128xf32, #tpu.memory_space<vmem_shared>>
        %dma_start3A_173 = arith.constant 0 : i32
        %dma_start3A_174 = tpu.memref_slice %arg7[%mul3A_170, %dma_start3A_173] : memref<10000x128xf32, #tpu.memory_space<vmem_shared>> -> memref<80x128xf32, #tpu.memory_space<vmem_shared>>
        tpu.enqueue_dma source(%arg13 : memref<80x128xf32, #tpu.memory_space<vmem>>) target(%dma_start3A_174 : memref<80x128xf32, #tpu.memory_space<vmem_shared>>) target_semaphore(%run_scoped3A : memref<!tpu.dma_semaphore, #tpu.memory_space<semaphore_mem>>)
        %dma_wait3A_175 = arith.constant 0 : i32
        %dma_wait3A_176 = tpu.memref_slice %arg7[%mul3A_170, %dma_wait3A_175] : memref<10000x128xf32, #tpu.memory_space<vmem_shared>> -> memref<80x128xf32, #tpu.memory_space<vmem_shared>>
        %dma_wait3A_177 = arith.constant 0 : i32
        %dma_wait3A_178 = tpu.memref_slice %arg7[%mul3A_170, %dma_wait3A_177] : memref<10000x128xf32, #tpu.memory_space<vmem_shared>> -> memref<80x128xf32, #tpu.memory_space<vmem_shared>>
        tpu.wait_dma2 semaphore(%run_scoped3A : memref<!tpu.dma_semaphore, #tpu.memory_space<semaphore_mem>>) src(%arg13 : memref<80x128xf32, #tpu.memory_space<vmem>>) dst(%dma_wait3A_178 : memref<80x128xf32, #tpu.memory_space<vmem_shared>>)
        tpu.yield
      }) : () -> ()
    } else {
    }
    %add3A_54 = arith.constant 112 : i32
    %add3A_55 = arith.addi %arg1, %add3A_54 : i32
    %lt3A_56 = arith.constant 125 : i32
    %lt3A_57 = arith.cmpi slt, %add3A_55, %lt3A_56 : i32
    %convert_element_type3A_58 = arith.extui %lt3A_57 : i1 to i32
    %cond3A_59 = arith.constant 0 : i32
    %cond3A_60 = arith.cmpi ne, %convert_element_type3A_58, %cond3A_59 : i32
    scf.if %cond3A_60 {
      %mul3A_169 = arith.constant 80 : i32
      %mul3A_170 = arith.muli %add3A_55, %mul3A_169 : i32
      "tpu.region"() ({
        %run_scoped3A = tpu.sem_alloc : memref<!tpu.dma_semaphore, #tpu.memory_space<semaphore_mem>>
        %dma_start3A_171 = arith.constant 0 : i32
        %dma_start3A_172 = tpu.memref_slice %arg7[%mul3A_170, %dma_start3A_171] : memref<10000x128xf32, #tpu.memory_space<vmem_shared>> -> memref<80x128xf32, #tpu.memory_space<vmem_shared>>
        %dma_start3A_173 = arith.constant 0 : i32
        %dma_start3A_174 = tpu.memref_slice %arg7[%mul3A_170, %dma_start3A_173] : memref<10000x128xf32, #tpu.memory_space<vmem_shared>> -> memref<80x128xf32, #tpu.memory_space<vmem_shared>>
        tpu.enqueue_dma source(%arg13 : memref<80x128xf32, #tpu.memory_space<vmem>>) target(%dma_start3A_174 : memref<80x128xf32, #tpu.memory_space<vmem_shared>>) target_semaphore(%run_scoped3A : memref<!tpu.dma_semaphore, #tpu.memory_space<semaphore_mem>>)
        %dma_wait3A_175 = arith.constant 0 : i32
        %dma_wait3A_176 = tpu.memref_slice %arg7[%mul3A_170, %dma_wait3A_175] : memref<10000x128xf32, #tpu.memory_space<vmem_shared>> -> memref<80x128xf32, #tpu.memory_space<vmem_shared>>
        %dma_wait3A_177 = arith.constant 0 : i32
        %dma_wait3A_178 = tpu.memref_slice %arg7[%mul3A_170, %dma_wait3A_177] : memref<10000x128xf32, #tpu.memory_space<vmem_shared>> -> memref<80x128xf32, #tpu.memory_space<vmem_shared>>
        tpu.wait_dma2 semaphore(%run_scoped3A : memref<!tpu.dma_semaphore, #tpu.memory_space<semaphore_mem>>) src(%arg13 : memref<80x128xf32, #tpu.memory_space<vmem>>) dst(%dma_wait3A_178 : memref<80x128xf32, #tpu.memory_space<vmem_shared>>)
        tpu.yield
      }) : () -> ()
    } else {
    }
    "tpu.region"() ({
      %run_scoped3A = tpu.sem_alloc : memref<!tpu.dma_semaphore, #tpu.memory_space<semaphore_mem>>
      %dma_start3A_169 = arith.constant 0 : i32
      %dma_start3A_170 = tpu.memref_slice %arg8[%dma_start3A_169] : memref<4000xi32, #tpu.memory_space<vmem>> -> memref<2000xi32, #tpu.memory_space<vmem>>
      %dma_start3A_171 = tpu.memref_slice %arg3[%mul3A_2] : memref<320000xi32, #tpu.memory_space<hbm>> -> memref<2000xi32, #tpu.memory_space<hbm>>
      %dma_start3A_172 = arith.constant 0 : i32
      %dma_start3A_173 = tpu.memref_slice %arg8[%dma_start3A_172] : memref<4000xi32, #tpu.memory_space<vmem>> -> memref<2000xi32, #tpu.memory_space<vmem>>
      %dma_start3A_174 = tpu.memref_slice %arg3[%mul3A_2] : memref<320000xi32, #tpu.memory_space<hbm>> -> memref<2000xi32, #tpu.memory_space<hbm>>
      tpu.enqueue_dma source(%dma_start3A_174 : memref<2000xi32, #tpu.memory_space<hbm>>) target(%dma_start3A_173 : memref<2000xi32, #tpu.memory_space<vmem>>) target_semaphore(%run_scoped3A : memref<!tpu.dma_semaphore, #tpu.memory_space<semaphore_mem>>)
      %dma_wait3A_175 = arith.constant 0 : i32
      %dma_wait3A_176 = tpu.memref_slice %arg8[%dma_wait3A_175] : memref<4000xi32, #tpu.memory_space<vmem>> -> memref<2000xi32, #tpu.memory_space<vmem>>
      %dma_wait3A_177 = tpu.memref_slice %arg3[%mul3A_2] : memref<320000xi32, #tpu.memory_space<hbm>> -> memref<2000xi32, #tpu.memory_space<hbm>>
      %dma_wait3A_178 = arith.constant 0 : i32
      %dma_wait3A_179 = tpu.memref_slice %arg8[%dma_wait3A_178] : memref<4000xi32, #tpu.memory_space<vmem>> -> memref<2000xi32, #tpu.memory_space<vmem>>
      %dma_wait3A_180 = tpu.memref_slice %arg3[%mul3A_2] : memref<320000xi32, #tpu.memory_space<hbm>> -> memref<2000xi32, #tpu.memory_space<hbm>>
      tpu.wait_dma2 semaphore(%run_scoped3A : memref<!tpu.dma_semaphore, #tpu.memory_space<semaphore_mem>>) src(%dma_wait3A_180 : memref<2000xi32, #tpu.memory_space<hbm>>) dst(%dma_wait3A_179 : memref<2000xi32, #tpu.memory_space<vmem>>)
      tpu.yield
    }) : () -> ()
    "tpu.region"() ({
      %run_scoped3A = tpu.sem_alloc : memref<!tpu.dma_semaphore, #tpu.memory_space<semaphore_mem>>
      %dma_start3A_169 = tpu.memref_slice %arg4[%mul3A_2] : memref<320000xi32, #tpu.memory_space<hbm>> -> memref<2000xi32, #tpu.memory_space<hbm>>
      %dma_start3A_170 = tpu.memref_slice %arg4[%mul3A_2] : memref<320000xi32, #tpu.memory_space<hbm>> -> memref<2000xi32, #tpu.memory_space<hbm>>
      tpu.enqueue_dma source(%dma_start3A_170 : memref<2000xi32, #tpu.memory_space<hbm>>) target(%arg9 : memref<2000xi32, #tpu.memory_space<vmem>>) target_semaphore(%run_scoped3A : memref<!tpu.dma_semaphore, #tpu.memory_space<semaphore_mem>>)
      %dma_wait3A_171 = tpu.memref_slice %arg4[%mul3A_2] : memref<320000xi32, #tpu.memory_space<hbm>> -> memref<2000xi32, #tpu.memory_space<hbm>>
      %dma_wait3A_172 = tpu.memref_slice %arg4[%mul3A_2] : memref<320000xi32, #tpu.memory_space<hbm>> -> memref<2000xi32, #tpu.memory_space<hbm>>
      tpu.wait_dma2 semaphore(%run_scoped3A : memref<!tpu.dma_semaphore, #tpu.memory_space<semaphore_mem>>) src(%dma_wait3A_172 : memref<2000xi32, #tpu.memory_space<hbm>>) dst(%arg9 : memref<2000xi32, #tpu.memory_space<vmem>>)
      tpu.yield
    }) : () -> ()
    %scan3A_61 = arith.constant 0 : i32
    %scan3A_62 = arith.constant 0 : i32
    %scan3A_63 = arith.constant 125 : i32
    %scan3A_64 = arith.addi %scan3A_62, %scan3A_63 : i32
    %scan3A_65 = arith.constant 1 : i32
    scf.for %scan3A_169 = %scan3A_62 to %scan3A_64 step %scan3A_65  : i32 {
      %mul3A_170 = arith.constant 16 : i32
      %mul3A_171 = arith.muli %scan3A_169, %mul3A_170 : i32
      %add3A_172 = arith.constant 0 : i32
      %add3A_173 = arith.addi %add3A_172, %mul3A_171 : i32
      %mul3A_174 = arith.constant 16 : i32
      %mul3A_175 = arith.muli %scan3A_169, %mul3A_174 : i32
      %get3A = arith.index_cast %mul3A_175 : i32 to index
      %get3A_176 = tpu.vector_load %arg9[%get3A] {strides = array<i32>} : memref<2000xi32, #tpu.memory_space<vmem>>, vector<16xi32>,
      %get3A_177 = vector.shape_cast %get3A_176 : vector<16xi32> to vector<16xi32>
      %mul3A_178 = arith.constant 10000 : i32
      %mul3A_179 = vector.broadcast %mul3A_178 : i32 to vector<16xi32>
      %mul3A_180 = arith.muli %get3A_177, %mul3A_179 : vector<16xi32>
      %add3A_181 = arith.constant 0 : i32
      %add3A_182 = vector.broadcast %add3A_181 : i32 to vector<16xi32>
      %add3A_183 = arith.addi %add3A_182, %mul3A_180 : vector<16xi32>
      %get3A_184 = arith.index_cast %add3A_173 : i32 to index
      %get3A_185 = tpu.vector_load %arg8[%get3A_184] {strides = array<i32>} : memref<4000xi32, #tpu.memory_space<vmem>>, vector<16xi32>,
      %get3A_186 = vector.shape_cast %get3A_185 : vector<16xi32> to vector<16xi32>
      %add3A_187 = arith.addi %add3A_183, %get3A_186 : vector<16xi32>
      %swap3A = arith.index_cast %add3A_173 : i32 to index
      %swap3A_188 = tpu.vector_load %arg8[%swap3A] {strides = array<i32>} : memref<4000xi32, #tpu.memory_space<vmem>>, vector<16xi32>,
      %swap3A_189 = vector.shape_cast %swap3A_188 : vector<16xi32> to vector<16xi32>
      %swap3A_190 = vector.shape_cast %add3A_187 : vector<16xi32> to vector<16xi32>
      tpu.vector_store %arg8[%swap3A], %swap3A_190 {strides = array<i32>} : memref<4000xi32, #tpu.memory_space<vmem>>, vector<16xi32>,
    }
    %scan3A_66 = arith.constant 125 : i32
    %dma_start3A = arith.constant 0 : i32
    %dma_start3A_67 = tpu.memref_slice %arg8[%dma_start3A] : memref<4000xi32, #tpu.memory_space<vmem>> -> memref<80xi32, #tpu.memory_space<vmem>>
    %dma_start3A_68 = arith.constant 0 : i32
    %dma_start3A_69 = arith.constant 0 : i32
    %dma_start3A_70 = tpu.memref_slice %arg2[%dma_start3A_68, %dma_start3A_69] : memref<80000x128xf32, #tpu.memory_space<hbm>> -> memref<80000x128xf32, #tpu.memory_space<hbm>>
    tpu.enqueue_indirect_dma source(%dma_start3A_70 : memref<80000x128xf32, #tpu.memory_space<hbm>>) target(%arg13 : memref<80x128xf32, #tpu.memory_space<vmem>>) offsets(%dma_start3A_67 : memref<80xi32, #tpu.memory_space<vmem>>) semaphore(%arg16 : memref<!tpu.dma_semaphore, #tpu.memory_space<semaphore_mem>>)
    %add3A_71 = arith.constant 0 : i32
    %add3A_72 = arith.addi %mul3A_2, %add3A_71 : i32
    %dma_start3A_73 = tpu.memref_slice %arg5[%add3A_72] : memref<320000xi32, #tpu.memory_space<hbm>> -> memref<80xi32, #tpu.memory_space<hbm>>
    %dma_start3A_74 = tpu.memref_slice %arg5[%add3A_72] : memref<320000xi32, #tpu.memory_space<hbm>> -> memref<80xi32, #tpu.memory_space<hbm>>
    tpu.enqueue_dma source(%dma_start3A_74 : memref<80xi32, #tpu.memory_space<hbm>>) target(%arg10 : memref<80xi32, #tpu.memory_space<vmem>>) target_semaphore(%arg19 : memref<!tpu.dma_semaphore, #tpu.memory_space<semaphore_mem>>)
    %dma_start3A_75 = arith.constant 80 : i32
    %dma_start3A_76 = tpu.memref_slice %arg8[%dma_start3A_75] : memref<4000xi32, #tpu.memory_space<vmem>> -> memref<80xi32, #tpu.memory_space<vmem>>
    %dma_start3A_77 = arith.constant 0 : i32
    %dma_start3A_78 = arith.constant 0 : i32
    %dma_start3A_79 = tpu.memref_slice %arg2[%dma_start3A_77, %dma_start3A_78] : memref<80000x128xf32, #tpu.memory_space<hbm>> -> memref<80000x128xf32, #tpu.memory_space<hbm>>
    tpu.enqueue_indirect_dma source(%dma_start3A_79 : memref<80000x128xf32, #tpu.memory_space<hbm>>) target(%arg14 : memref<80x128xf32, #tpu.memory_space<vmem>>) offsets(%dma_start3A_76 : memref<80xi32, #tpu.memory_space<vmem>>) semaphore(%arg17 : memref<!tpu.dma_semaphore, #tpu.memory_space<semaphore_mem>>)
    %add3A_80 = arith.constant 80 : i32
    %add3A_81 = arith.addi %mul3A_2, %add3A_80 : i32
    %dma_start3A_82 = tpu.memref_slice %arg5[%add3A_81] : memref<320000xi32, #tpu.memory_space<hbm>> -> memref<80xi32, #tpu.memory_space<hbm>>
    %dma_start3A_83 = tpu.memref_slice %arg5[%add3A_81] : memref<320000xi32, #tpu.memory_space<hbm>> -> memref<80xi32, #tpu.memory_space<hbm>>
    tpu.enqueue_dma source(%dma_start3A_83 : memref<80xi32, #tpu.memory_space<hbm>>) target(%arg11 : memref<80xi32, #tpu.memory_space<vmem>>) target_semaphore(%arg20 : memref<!tpu.dma_semaphore, #tpu.memory_space<semaphore_mem>>)
    %dma_start3A_84 = arith.constant 160 : i32
    %dma_start3A_85 = tpu.memref_slice %arg8[%dma_start3A_84] : memref<4000xi32, #tpu.memory_space<vmem>> -> memref<80xi32, #tpu.memory_space<vmem>>
    %dma_start3A_86 = arith.constant 0 : i32
    %dma_start3A_87 = arith.constant 0 : i32
    %dma_start3A_88 = tpu.memref_slice %arg2[%dma_start3A_86, %dma_start3A_87] : memref<80000x128xf32, #tpu.memory_space<hbm>> -> memref<80000x128xf32, #tpu.memory_space<hbm>>
    tpu.enqueue_indirect_dma source(%dma_start3A_88 : memref<80000x128xf32, #tpu.memory_space<hbm>>) target(%arg15 : memref<80x128xf32, #tpu.memory_space<vmem>>) offsets(%dma_start3A_85 : memref<80xi32, #tpu.memory_space<vmem>>) semaphore(%arg18 : memref<!tpu.dma_semaphore, #tpu.memory_space<semaphore_mem>>)
    %add3A_89 = arith.constant 160 : i32
    %add3A_90 = arith.addi %mul3A_2, %add3A_89 : i32
    %dma_start3A_91 = tpu.memref_slice %arg5[%add3A_90] : memref<320000xi32, #tpu.memory_space<hbm>> -> memref<80xi32, #tpu.memory_space<hbm>>
    %dma_start3A_92 = tpu.memref_slice %arg5[%add3A_90] : memref<320000xi32, #tpu.memory_space<hbm>> -> memref<80xi32, #tpu.memory_space<hbm>>
    tpu.enqueue_dma source(%dma_start3A_92 : memref<80xi32, #tpu.memory_space<hbm>>) target(%arg12 : memref<80xi32, #tpu.memory_space<vmem>>) target_semaphore(%arg21 : memref<!tpu.dma_semaphore, #tpu.memory_space<semaphore_mem>>)
    %barrier3A = arith.constant 0 : index
    tpu.barrier barrier_id(%barrier3A)
    %scan3A_93 = arith.constant 0 : i32
    %scan3A_94 = arith.constant 0 : i32
    %scan3A_95 = arith.constant 41 : i32
    %scan3A_96 = arith.addi %scan3A_94, %scan3A_95 : i32
    %scan3A_97 = arith.constant 1 : i32
    scf.for %scan3A_169 = %scan3A_94 to %scan3A_96 step %scan3A_97  : i32 {
      %mul3A_170 = arith.constant 3 : i32
      %mul3A_171 = arith.muli %mul3A_170, %scan3A_169 : i32
      %add3A_172 = arith.constant 0 : i32
      %add3A_173 = arith.addi %mul3A_171, %add3A_172 : i32
      %dma_wait3A_174 = arith.constant 0 : i32
      %dma_wait3A_175 = tpu.memref_slice %arg8[%dma_wait3A_174] : memref<4000xi32, #tpu.memory_space<vmem>> -> memref<80xi32, #tpu.memory_space<vmem>>
      %dma_wait3A_176 = arith.constant 0 : i32
      %dma_wait3A_177 = arith.constant 0 : i32
      %dma_wait3A_178 = tpu.memref_slice %arg2[%dma_wait3A_176, %dma_wait3A_177] : memref<80000x128xf32, #tpu.memory_space<hbm>> -> memref<80000x128xf32, #tpu.memory_space<hbm>>
      tpu.wait_indirect_dma semaphore(%arg16 : memref<!tpu.dma_semaphore, #tpu.memory_space<semaphore_mem>>) src(%dma_wait3A_178 : memref<80000x128xf32, #tpu.memory_space<hbm>>) dst(%arg13 : memref<80x128xf32, #tpu.memory_space<vmem>>)
      %dma_wait3A_179 = tpu.memref_slice %arg5[%mul3A_2] : memref<320000xi32, #tpu.memory_space<hbm>> -> memref<80xi32, #tpu.memory_space<hbm>>
      %dma_wait3A_180 = tpu.memref_slice %arg5[%mul3A_2] : memref<320000xi32, #tpu.memory_space<hbm>> -> memref<80xi32, #tpu.memory_space<hbm>>
      tpu.wait_dma2 semaphore(%arg19 : memref<!tpu.dma_semaphore, #tpu.memory_space<semaphore_mem>>) src(%dma_wait3A_180 : memref<80xi32, #tpu.memory_space<hbm>>) dst(%arg10 : memref<80xi32, #tpu.memory_space<vmem>>)
      "tpu.region"() ({
        %run_scoped3A = tpu.sem_alloc : memref<!tpu.dma_semaphore, #tpu.memory_space<semaphore_mem>>
        %dma_start3A_437 = arith.constant 0 : i32
        %dma_start3A_438 = arith.constant 0 : i32
        %dma_start3A_439 = tpu.memref_slice %arg7[%dma_start3A_437, %dma_start3A_438] : memref<10000x128xf32, #tpu.memory_space<vmem_shared>> -> memref<10000x128xf32, #tpu.memory_space<vmem_shared>>
        tpu.enqueue_indirect_dma source(%arg13 : memref<80x128xf32, #tpu.memory_space<vmem>>) target(%dma_start3A_439 : memref<10000x128xf32, #tpu.memory_space<vmem_shared>>) offsets(%arg10 : memref<80xi32, #tpu.memory_space<vmem>>) semaphore(%run_scoped3A : memref<!tpu.dma_semaphore, #tpu.memory_space<semaphore_mem>>) {add = true}
        %dma_wait3A_440 = arith.constant 0 : i32
        %dma_wait3A_441 = arith.constant 0 : i32
        %dma_wait3A_442 = tpu.memref_slice %arg7[%dma_wait3A_440, %dma_wait3A_441] : memref<10000x128xf32, #tpu.memory_space<vmem_shared>> -> memref<10000x128xf32, #tpu.memory_space<vmem_shared>>
        tpu.wait_indirect_dma semaphore(%run_scoped3A : memref<!tpu.dma_semaphore, #tpu.memory_space<semaphore_mem>>) src(%arg13 : memref<80x128xf32, #tpu.memory_space<vmem>>) dst(%dma_wait3A_442 : memref<10000x128xf32, #tpu.memory_space<vmem_shared>>)
        tpu.yield
      }) : () -> ()
      %add3A_181 = arith.constant 3 : i32
      %add3A_182 = arith.addi %add3A_173, %add3A_181 : i32
      %lt3A_183 = arith.constant 125 : i32
      %lt3A_184 = arith.cmpi slt, %add3A_182, %lt3A_183 : i32
      %convert_element_type3A_185 = arith.extui %lt3A_184 : i1 to i32
      %cond3A_186 = arith.constant 0 : i32
      %cond3A_187 = arith.cmpi ne, %convert_element_type3A_185, %cond3A_186 : i32
      scf.if %cond3A_187 {
        %jit3A_437 = arith.constant 50 : i32
        %eq3A_438 = arith.constant 0 : i32
        %eq3A_439 = arith.cmpi eq, %jit3A_437, %eq3A_438 : i32
        %jit3A_440 = arith.constant 1 : i32
        %select_n3A_441 = arith.select %eq3A_439, %jit3A_440, %jit3A_437 : i32
        %rem3A_442 = arith.remsi %add3A_182, %select_n3A_441 : i32
        %ne3A_443 = arith.constant 0 : i32
        %ne3A_444 = arith.cmpi ne, %rem3A_442, %ne3A_443 : i32
        %lt3A_445 = arith.constant 0 : i32
        %lt3A_446 = arith.cmpi slt, %rem3A_442, %lt3A_445 : i32
        %lt3A_447 = arith.constant 0 : i32
        %lt3A_448 = arith.cmpi slt, %select_n3A_441, %lt3A_447 : i32
        %ne3A_449 = arith.xori %lt3A_446, %lt3A_448 : i1
        %and3A_450 = arith.andi %ne3A_449, %ne3A_444 : i1
        %add3A_451 = arith.addi %rem3A_442, %select_n3A_441 : i32
        %select_n3A_452 = arith.select %and3A_450, %add3A_451, %rem3A_442 : i32
        %mul3A_453 = arith.constant 80 : i32
        %mul3A_454 = arith.muli %select_n3A_452, %mul3A_453 : i32
        %dma_start3A_455 = tpu.memref_slice %arg8[%mul3A_454] : memref<4000xi32, #tpu.memory_space<vmem>> -> memref<80xi32, #tpu.memory_space<vmem>>
        %dma_start3A_456 = arith.constant 0 : i32
        %dma_start3A_457 = arith.constant 0 : i32
        %dma_start3A_458 = tpu.memref_slice %arg2[%dma_start3A_456, %dma_start3A_457] : memref<80000x128xf32, #tpu.memory_space<hbm>> -> memref<80000x128xf32, #tpu.memory_space<hbm>>
        tpu.enqueue_indirect_dma source(%dma_start3A_458 : memref<80000x128xf32, #tpu.memory_space<hbm>>) target(%arg13 : memref<80x128xf32, #tpu.memory_space<vmem>>) offsets(%dma_start3A_455 : memref<80xi32, #tpu.memory_space<vmem>>) semaphore(%arg16 : memref<!tpu.dma_semaphore, #tpu.memory_space<semaphore_mem>>)
        %mul3A_459 = arith.constant 80 : i32
        %mul3A_460 = arith.muli %add3A_182, %mul3A_459 : i32
        %add3A_461 = arith.addi %mul3A_2, %mul3A_460 : i32
        %dma_start3A_462 = tpu.memref_slice %arg5[%add3A_461] : memref<320000xi32, #tpu.memory_space<hbm>> -> memref<80xi32, #tpu.memory_space<hbm>>
        %dma_start3A_463 = tpu.memref_slice %arg5[%add3A_461] : memref<320000xi32, #tpu.memory_space<hbm>> -> memref<80xi32, #tpu.memory_space<hbm>>
        tpu.enqueue_dma source(%dma_start3A_463 : memref<80xi32, #tpu.memory_space<hbm>>) target(%arg10 : memref<80xi32, #tpu.memory_space<vmem>>) target_semaphore(%arg19 : memref<!tpu.dma_semaphore, #tpu.memory_space<semaphore_mem>>)
      } else {
      }
      %jit3A = arith.constant 25 : i32
      %div3A = arith.divsi %add3A_173, %jit3A : i32
      %sign3A = arith.constant 0 : i32
      %sign3A_188 = arith.cmpi sgt, %add3A_173, %sign3A : i32
      %sign3A_189 = arith.extui %sign3A_188 : i1 to i32
      %sign3A_190 = arith.constant 0 : i32
      %sign3A_191 = arith.cmpi slt, %add3A_173, %sign3A_190 : i32
      %sign3A_192 = arith.extui %sign3A_191 : i1 to i32
      %sign3A_193 = arith.subi %sign3A_189, %sign3A_192 : i32
      %sign3A_194 = arith.constant 0 : i32
      %sign3A_195 = arith.cmpi sgt, %jit3A, %sign3A_194 : i32
      %sign3A_196 = arith.extui %sign3A_195 : i1 to i32
      %sign3A_197 = arith.constant 0 : i32
      %sign3A_198 = arith.cmpi slt, %jit3A, %sign3A_197 : i32
      %sign3A_199 = arith.extui %sign3A_198 : i1 to i32
      %sign3A_200 = arith.subi %sign3A_196, %sign3A_199 : i32
      %ne3A = arith.cmpi ne, %sign3A_193, %sign3A_200 : i32
      %rem3A = arith.remsi %add3A_173, %jit3A : i32
      %ne3A_201 = arith.constant 0 : i32
      %ne3A_202 = arith.cmpi ne, %rem3A, %ne3A_201 : i32
      %and3A = arith.andi %ne3A, %ne3A_202 : i1
      %sub3A = arith.constant 1 : i32
      %sub3A_203 = arith.subi %div3A, %sub3A : i32
      %select_n3A = arith.select %and3A, %sub3A_203, %div3A : i32
      %add3A_204 = arith.constant 1 : i32
      %add3A_205 = arith.addi %select_n3A, %add3A_204 : i32
      %jit3A_206 = arith.constant 25 : i32
      %eq3A = arith.constant 0 : i32
      %eq3A_207 = arith.cmpi eq, %jit3A_206, %eq3A : i32
      %jit3A_208 = arith.constant 1 : i32
      %select_n3A_209 = arith.select %eq3A_207, %jit3A_208, %jit3A_206 : i32
      %rem3A_210 = arith.remsi %add3A_173, %select_n3A_209 : i32
      %ne3A_211 = arith.constant 0 : i32
      %ne3A_212 = arith.cmpi ne, %rem3A_210, %ne3A_211 : i32
      %lt3A_213 = arith.constant 0 : i32
      %lt3A_214 = arith.cmpi slt, %rem3A_210, %lt3A_213 : i32
      %lt3A_215 = arith.constant 0 : i32
      %lt3A_216 = arith.cmpi slt, %select_n3A_209, %lt3A_215 : i32
      %ne3A_217 = arith.xori %lt3A_214, %lt3A_216 : i1
      %and3A_218 = arith.andi %ne3A_217, %ne3A_212 : i1
      %add3A_219 = arith.addi %rem3A_210, %select_n3A_209 : i32
      %select_n3A_220 = arith.select %and3A_218, %add3A_219, %rem3A_210 : i32
      %eq3A_221 = arith.constant 0 : i32
      %eq3A_222 = arith.cmpi eq, %select_n3A_220, %eq3A_221 : i32
      %lt3A_223 = arith.constant 5 : i32
      %lt3A_224 = arith.cmpi slt, %add3A_205, %lt3A_223 : i32
      %and3A_225 = arith.andi %eq3A_222, %lt3A_224 : i1
      %convert_element_type3A_226 = arith.extui %and3A_225 : i1 to i32
      %cond3A_227 = arith.constant 0 : i32
      %cond3A_228 = arith.cmpi ne, %convert_element_type3A_226, %cond3A_227 : i32
      scf.if %cond3A_228 {
        %jit3A_437 = arith.constant 2 : i32
        %eq3A_438 = arith.constant 0 : i32
        %eq3A_439 = arith.cmpi eq, %jit3A_437, %eq3A_438 : i32
        %jit3A_440 = arith.constant 1 : i32
        %select_n3A_441 = arith.select %eq3A_439, %jit3A_440, %jit3A_437 : i32
        %rem3A_442 = arith.remsi %add3A_205, %select_n3A_441 : i32
        %ne3A_443 = arith.constant 0 : i32
        %ne3A_444 = arith.cmpi ne, %rem3A_442, %ne3A_443 : i32
        %lt3A_445 = arith.constant 0 : i32
        %lt3A_446 = arith.cmpi slt, %rem3A_442, %lt3A_445 : i32
        %lt3A_447 = arith.constant 0 : i32
        %lt3A_448 = arith.cmpi slt, %select_n3A_441, %lt3A_447 : i32
        %ne3A_449 = arith.xori %lt3A_446, %lt3A_448 : i1
        %and3A_450 = arith.andi %ne3A_449, %ne3A_444 : i1
        %add3A_451 = arith.addi %rem3A_442, %select_n3A_441 : i32
        %select_n3A_452 = arith.select %and3A_450, %add3A_451, %rem3A_442 : i32
        %mul3A_453 = arith.constant 2000 : i32
        %mul3A_454 = arith.muli %select_n3A_452, %mul3A_453 : i32
        %mul3A_455 = arith.constant 2000 : i32
        %mul3A_456 = arith.muli %add3A_205, %mul3A_455 : i32
        %add3A_457 = arith.addi %mul3A_2, %mul3A_456 : i32
        %dma_start3A_458 = tpu.memref_slice %arg8[%mul3A_454] : memref<4000xi32, #tpu.memory_space<vmem>> -> memref<2000xi32, #tpu.memory_space<vmem>>
        %dma_start3A_459 = tpu.memref_slice %arg3[%add3A_457] : memref<320000xi32, #tpu.memory_space<hbm>> -> memref<2000xi32, #tpu.memory_space<hbm>>
        %dma_start3A_460 = tpu.memref_slice %arg8[%mul3A_454] : memref<4000xi32, #tpu.memory_space<vmem>> -> memref<2000xi32, #tpu.memory_space<vmem>>
        %dma_start3A_461 = tpu.memref_slice %arg3[%add3A_457] : memref<320000xi32, #tpu.memory_space<hbm>> -> memref<2000xi32, #tpu.memory_space<hbm>>
        tpu.enqueue_dma source(%dma_start3A_461 : memref<2000xi32, #tpu.memory_space<hbm>>) target(%dma_start3A_460 : memref<2000xi32, #tpu.memory_space<vmem>>) target_semaphore(%arg22 : memref<!tpu.dma_semaphore, #tpu.memory_space<semaphore_mem>>)
        %mul3A_462 = arith.constant 2000 : i32
        %mul3A_463 = arith.muli %add3A_205, %mul3A_462 : i32
        %add3A_464 = arith.addi %mul3A_2, %mul3A_463 : i32
        %dma_start3A_465 = tpu.memref_slice %arg4[%add3A_464] : memref<320000xi32, #tpu.memory_space<hbm>> -> memref<2000xi32, #tpu.memory_space<hbm>>
        %dma_start3A_466 = tpu.memref_slice %arg4[%add3A_464] : memref<320000xi32, #tpu.memory_space<hbm>> -> memref<2000xi32, #tpu.memory_space<hbm>>
        tpu.enqueue_dma source(%dma_start3A_466 : memref<2000xi32, #tpu.memory_space<hbm>>) target(%arg9 : memref<2000xi32, #tpu.memory_space<vmem>>) target_semaphore(%arg22 : memref<!tpu.dma_semaphore, #tpu.memory_space<semaphore_mem>>)
      } else {
      }
      %jit3A_229 = arith.constant 25 : i32
      %eq3A_230 = arith.constant 0 : i32
      %eq3A_231 = arith.cmpi eq, %jit3A_229, %eq3A_230 : i32
      %jit3A_232 = arith.constant 1 : i32
      %select_n3A_233 = arith.select %eq3A_231, %jit3A_232, %jit3A_229 : i32
      %rem3A_234 = arith.remsi %add3A_173, %select_n3A_233 : i32
      %ne3A_235 = arith.constant 0 : i32
      %ne3A_236 = arith.cmpi ne, %rem3A_234, %ne3A_235 : i32
      %lt3A_237 = arith.constant 0 : i32
      %lt3A_238 = arith.cmpi slt, %rem3A_234, %lt3A_237 : i32
      %lt3A_239 = arith.constant 0 : i32
      %lt3A_240 = arith.cmpi slt, %select_n3A_233, %lt3A_239 : i32
      %ne3A_241 = arith.xori %lt3A_238, %lt3A_240 : i1
      %and3A_242 = arith.andi %ne3A_241, %ne3A_236 : i1
      %add3A_243 = arith.addi %rem3A_234, %select_n3A_233 : i32
      %select_n3A_244 = arith.select %and3A_242, %add3A_243, %rem3A_234 : i32
      %eq3A_245 = arith.constant 19 : i32
      %eq3A_246 = arith.cmpi eq, %select_n3A_244, %eq3A_245 : i32
      %lt3A_247 = arith.constant 5 : i32
      %lt3A_248 = arith.cmpi slt, %add3A_205, %lt3A_247 : i32
      %and3A_249 = arith.andi %eq3A_246, %lt3A_248 : i1
      %convert_element_type3A_250 = arith.extui %and3A_249 : i1 to i32
      %cond3A_251 = arith.constant 0 : i32
      %cond3A_252 = arith.cmpi ne, %convert_element_type3A_250, %cond3A_251 : i32
      scf.if %cond3A_252 {
        %dma_wait3A_437 = arith.constant 0 : i32
        %dma_wait3A_438 = tpu.memref_slice %arg8[%dma_wait3A_437] : memref<4000xi32, #tpu.memory_space<vmem>> -> memref<2000xi32, #tpu.memory_space<vmem>>
        %dma_wait3A_439 = tpu.memref_slice %arg3[%mul3A_2] : memref<320000xi32, #tpu.memory_space<hbm>> -> memref<2000xi32, #tpu.memory_space<hbm>>
        %dma_wait3A_440 = arith.constant 0 : i32
        %dma_wait3A_441 = tpu.memref_slice %arg8[%dma_wait3A_440] : memref<4000xi32, #tpu.memory_space<vmem>> -> memref<2000xi32, #tpu.memory_space<vmem>>
        %dma_wait3A_442 = tpu.memref_slice %arg3[%mul3A_2] : memref<320000xi32, #tpu.memory_space<hbm>> -> memref<2000xi32, #tpu.memory_space<hbm>>
        tpu.wait_dma2 semaphore(%arg22 : memref<!tpu.dma_semaphore, #tpu.memory_space<semaphore_mem>>) src(%dma_wait3A_442 : memref<2000xi32, #tpu.memory_space<hbm>>) dst(%dma_wait3A_441 : memref<2000xi32, #tpu.memory_space<vmem>>)
        %dma_wait3A_443 = tpu.memref_slice %arg4[%mul3A_2] : memref<320000xi32, #tpu.memory_space<hbm>> -> memref<2000xi32, #tpu.memory_space<hbm>>
        %dma_wait3A_444 = tpu.memref_slice %arg4[%mul3A_2] : memref<320000xi32, #tpu.memory_space<hbm>> -> memref<2000xi32, #tpu.memory_space<hbm>>
        tpu.wait_dma2 semaphore(%arg22 : memref<!tpu.dma_semaphore, #tpu.memory_space<semaphore_mem>>) src(%dma_wait3A_444 : memref<2000xi32, #tpu.memory_space<hbm>>) dst(%arg9 : memref<2000xi32, #tpu.memory_space<vmem>>)
        %jit3A_445 = arith.constant 2 : i32
        %eq3A_446 = arith.constant 0 : i32
        %eq3A_447 = arith.cmpi eq, %jit3A_445, %eq3A_446 : i32
        %jit3A_448 = arith.constant 1 : i32
        %select_n3A_449 = arith.select %eq3A_447, %jit3A_448, %jit3A_445 : i32
        %rem3A_450 = arith.remsi %add3A_205, %select_n3A_449 : i32
        %ne3A_451 = arith.constant 0 : i32
        %ne3A_452 = arith.cmpi ne, %rem3A_450, %ne3A_451 : i32
        %lt3A_453 = arith.constant 0 : i32
        %lt3A_454 = arith.cmpi slt, %rem3A_450, %lt3A_453 : i32
        %lt3A_455 = arith.constant 0 : i32
        %lt3A_456 = arith.cmpi slt, %select_n3A_449, %lt3A_455 : i32
        %ne3A_457 = arith.xori %lt3A_454, %lt3A_456 : i1
        %and3A_458 = arith.andi %ne3A_457, %ne3A_452 : i1
        %add3A_459 = arith.addi %rem3A_450, %select_n3A_449 : i32
        %select_n3A_460 = arith.select %and3A_458, %add3A_459, %rem3A_450 : i32
        %mul3A_461 = arith.constant 2000 : i32
        %mul3A_462 = arith.muli %select_n3A_460, %mul3A_461 : i32
        %scan3A_463 = arith.constant 0 : i32
        %scan3A_464 = arith.constant 0 : i32
        %scan3A_465 = arith.constant 125 : i32
        %scan3A_466 = arith.addi %scan3A_464, %scan3A_465 : i32
        %scan3A_467 = arith.constant 1 : i32
        scf.for %scan3A_469 = %scan3A_464 to %scan3A_466 step %scan3A_467  : i32 {
          %mul3A_470 = arith.constant 16 : i32
          %mul3A_471 = arith.muli %scan3A_469, %mul3A_470 : i32
          %add3A_472 = arith.addi %mul3A_462, %mul3A_471 : i32
          %mul3A_473 = arith.constant 16 : i32
          %mul3A_474 = arith.muli %scan3A_469, %mul3A_473 : i32
          %get3A = arith.index_cast %mul3A_474 : i32 to index
          %get3A_475 = tpu.vector_load %arg9[%get3A] {strides = array<i32>} : memref<2000xi32, #tpu.memory_space<vmem>>, vector<16xi32>,
          %get3A_476 = vector.shape_cast %get3A_475 : vector<16xi32> to vector<16xi32>
          %mul3A_477 = arith.constant 10000 : i32
          %mul3A_478 = vector.broadcast %mul3A_477 : i32 to vector<16xi32>
          %mul3A_479 = arith.muli %get3A_476, %mul3A_478 : vector<16xi32>
          %add3A_480 = arith.constant 0 : i32
          %add3A_481 = vector.broadcast %add3A_480 : i32 to vector<16xi32>
          %add3A_482 = arith.addi %add3A_481, %mul3A_479 : vector<16xi32>
          %get3A_483 = arith.index_cast %add3A_472 : i32 to index
          %get3A_484 = tpu.vector_load %arg8[%get3A_483] {strides = array<i32>} : memref<4000xi32, #tpu.memory_space<vmem>>, vector<16xi32>,
          %get3A_485 = vector.shape_cast %get3A_484 : vector<16xi32> to vector<16xi32>
          %add3A_486 = arith.addi %add3A_482, %get3A_485 : vector<16xi32>
          %swap3A = arith.index_cast %add3A_472 : i32 to index
          %swap3A_487 = tpu.vector_load %arg8[%swap3A] {strides = array<i32>} : memref<4000xi32, #tpu.memory_space<vmem>>, vector<16xi32>,
          %swap3A_488 = vector.shape_cast %swap3A_487 : vector<16xi32> to vector<16xi32>
          %swap3A_489 = vector.shape_cast %add3A_486 : vector<16xi32> to vector<16xi32>
          tpu.vector_store %arg8[%swap3A], %swap3A_489 {strides = array<i32>} : memref<4000xi32, #tpu.memory_space<vmem>>, vector<16xi32>,
        }
        %scan3A_468 = arith.constant 125 : i32
      } else {
      }
      %mul3A_253 = arith.constant 3 : i32
      %mul3A_254 = arith.muli %mul3A_253, %scan3A_169 : i32
      %add3A_255 = arith.constant 1 : i32
      %add3A_256 = arith.addi %mul3A_254, %add3A_255 : i32
      %dma_wait3A_257 = arith.constant 0 : i32
      %dma_wait3A_258 = tpu.memref_slice %arg8[%dma_wait3A_257] : memref<4000xi32, #tpu.memory_space<vmem>> -> memref<80xi32, #tpu.memory_space<vmem>>
      %dma_wait3A_259 = arith.constant 0 : i32
      %dma_wait3A_260 = arith.constant 0 : i32
      %dma_wait3A_261 = tpu.memref_slice %arg2[%dma_wait3A_259, %dma_wait3A_260] : memref<80000x128xf32, #tpu.memory_space<hbm>> -> memref<80000x128xf32, #tpu.memory_space<hbm>>
      tpu.wait_indirect_dma semaphore(%arg17 : memref<!tpu.dma_semaphore, #tpu.memory_space<semaphore_mem>>) src(%dma_wait3A_261 : memref<80000x128xf32, #tpu.memory_space<hbm>>) dst(%arg14 : memref<80x128xf32, #tpu.memory_space<vmem>>)
      %dma_wait3A_262 = tpu.memref_slice %arg5[%mul3A_2] : memref<320000xi32, #tpu.memory_space<hbm>> -> memref<80xi32, #tpu.memory_space<hbm>>
      %dma_wait3A_263 = tpu.memref_slice %arg5[%mul3A_2] : memref<320000xi32, #tpu.memory_space<hbm>> -> memref<80xi32, #tpu.memory_space<hbm>>
      tpu.wait_dma2 semaphore(%arg20 : memref<!tpu.dma_semaphore, #tpu.memory_space<semaphore_mem>>) src(%dma_wait3A_263 : memref<80xi32, #tpu.memory_space<hbm>>) dst(%arg11 : memref<80xi32, #tpu.memory_space<vmem>>)
      "tpu.region"() ({
        %run_scoped3A = tpu.sem_alloc : memref<!tpu.dma_semaphore, #tpu.memory_space<semaphore_mem>>
        %dma_start3A_437 = arith.constant 0 : i32
        %dma_start3A_438 = arith.constant 0 : i32
        %dma_start3A_439 = tpu.memref_slice %arg7[%dma_start3A_437, %dma_start3A_438] : memref<10000x128xf32, #tpu.memory_space<vmem_shared>> -> memref<10000x128xf32, #tpu.memory_space<vmem_shared>>
        tpu.enqueue_indirect_dma source(%arg14 : memref<80x128xf32, #tpu.memory_space<vmem>>) target(%dma_start3A_439 : memref<10000x128xf32, #tpu.memory_space<vmem_shared>>) offsets(%arg11 : memref<80xi32, #tpu.memory_space<vmem>>) semaphore(%run_scoped3A : memref<!tpu.dma_semaphore, #tpu.memory_space<semaphore_mem>>) {add = true}
        %dma_wait3A_440 = arith.constant 0 : i32
        %dma_wait3A_441 = arith.constant 0 : i32
        %dma_wait3A_442 = tpu.memref_slice %arg7[%dma_wait3A_440, %dma_wait3A_441] : memref<10000x128xf32, #tpu.memory_space<vmem_shared>> -> memref<10000x128xf32, #tpu.memory_space<vmem_shared>>
        tpu.wait_indirect_dma semaphore(%run_scoped3A : memref<!tpu.dma_semaphore, #tpu.memory_space<semaphore_mem>>) src(%arg14 : memref<80x128xf32, #tpu.memory_space<vmem>>) dst(%dma_wait3A_442 : memref<10000x128xf32, #tpu.memory_space<vmem_shared>>)
        tpu.yield
      }) : () -> ()
      %add3A_264 = arith.constant 3 : i32
      %add3A_265 = arith.addi %add3A_256, %add3A_264 : i32
      %lt3A_266 = arith.constant 125 : i32
      %lt3A_267 = arith.cmpi slt, %add3A_265, %lt3A_266 : i32
      %convert_element_type3A_268 = arith.extui %lt3A_267 : i1 to i32
      %cond3A_269 = arith.constant 0 : i32
      %cond3A_270 = arith.cmpi ne, %convert_element_type3A_268, %cond3A_269 : i32
      scf.if %cond3A_270 {
        %jit3A_437 = arith.constant 50 : i32
        %eq3A_438 = arith.constant 0 : i32
        %eq3A_439 = arith.cmpi eq, %jit3A_437, %eq3A_438 : i32
        %jit3A_440 = arith.constant 1 : i32
        %select_n3A_441 = arith.select %eq3A_439, %jit3A_440, %jit3A_437 : i32
        %rem3A_442 = arith.remsi %add3A_265, %select_n3A_441 : i32
        %ne3A_443 = arith.constant 0 : i32
        %ne3A_444 = arith.cmpi ne, %rem3A_442, %ne3A_443 : i32
        %lt3A_445 = arith.constant 0 : i32
        %lt3A_446 = arith.cmpi slt, %rem3A_442, %lt3A_445 : i32
        %lt3A_447 = arith.constant 0 : i32
        %lt3A_448 = arith.cmpi slt, %select_n3A_441, %lt3A_447 : i32
        %ne3A_449 = arith.xori %lt3A_446, %lt3A_448 : i1
        %and3A_450 = arith.andi %ne3A_449, %ne3A_444 : i1
        %add3A_451 = arith.addi %rem3A_442, %select_n3A_441 : i32
        %select_n3A_452 = arith.select %and3A_450, %add3A_451, %rem3A_442 : i32
        %mul3A_453 = arith.constant 80 : i32
        %mul3A_454 = arith.muli %select_n3A_452, %mul3A_453 : i32
        %dma_start3A_455 = tpu.memref_slice %arg8[%mul3A_454] : memref<4000xi32, #tpu.memory_space<vmem>> -> memref<80xi32, #tpu.memory_space<vmem>>
        %dma_start3A_456 = arith.constant 0 : i32
        %dma_start3A_457 = arith.constant 0 : i32
        %dma_start3A_458 = tpu.memref_slice %arg2[%dma_start3A_456, %dma_start3A_457] : memref<80000x128xf32, #tpu.memory_space<hbm>> -> memref<80000x128xf32, #tpu.memory_space<hbm>>
        tpu.enqueue_indirect_dma source(%dma_start3A_458 : memref<80000x128xf32, #tpu.memory_space<hbm>>) target(%arg14 : memref<80x128xf32, #tpu.memory_space<vmem>>) offsets(%dma_start3A_455 : memref<80xi32, #tpu.memory_space<vmem>>) semaphore(%arg17 : memref<!tpu.dma_semaphore, #tpu.memory_space<semaphore_mem>>)
        %mul3A_459 = arith.constant 80 : i32
        %mul3A_460 = arith.muli %add3A_265, %mul3A_459 : i32
        %add3A_461 = arith.addi %mul3A_2, %mul3A_460 : i32
        %dma_start3A_462 = tpu.memref_slice %arg5[%add3A_461] : memref<320000xi32, #tpu.memory_space<hbm>> -> memref<80xi32, #tpu.memory_space<hbm>>
        %dma_start3A_463 = tpu.memref_slice %arg5[%add3A_461] : memref<320000xi32, #tpu.memory_space<hbm>> -> memref<80xi32, #tpu.memory_space<hbm>>
        tpu.enqueue_dma source(%dma_start3A_463 : memref<80xi32, #tpu.memory_space<hbm>>) target(%arg11 : memref<80xi32, #tpu.memory_space<vmem>>) target_semaphore(%arg20 : memref<!tpu.dma_semaphore, #tpu.memory_space<semaphore_mem>>)
      } else {
      }
      %jit3A_271 = arith.constant 25 : i32
      %div3A_272 = arith.divsi %add3A_256, %jit3A_271 : i32
      %sign3A_273 = arith.constant 0 : i32
      %sign3A_274 = arith.cmpi sgt, %add3A_256, %sign3A_273 : i32
      %sign3A_275 = arith.extui %sign3A_274 : i1 to i32
      %sign3A_276 = arith.constant 0 : i32
      %sign3A_277 = arith.cmpi slt, %add3A_256, %sign3A_276 : i32
      %sign3A_278 = arith.extui %sign3A_277 : i1 to i32
      %sign3A_279 = arith.subi %sign3A_275, %sign3A_278 : i32
      %sign3A_280 = arith.constant 0 : i32
      %sign3A_281 = arith.cmpi sgt, %jit3A_271, %sign3A_280 : i32
      %sign3A_282 = arith.extui %sign3A_281 : i1 to i32
      %sign3A_283 = arith.constant 0 : i32
      %sign3A_284 = arith.cmpi slt, %jit3A_271, %sign3A_283 : i32
      %sign3A_285 = arith.extui %sign3A_284 : i1 to i32
      %sign3A_286 = arith.subi %sign3A_282, %sign3A_285 : i32
      %ne3A_287 = arith.cmpi ne, %sign3A_279, %sign3A_286 : i32
      %rem3A_288 = arith.remsi %add3A_256, %jit3A_271 : i32
      %ne3A_289 = arith.constant 0 : i32
      %ne3A_290 = arith.cmpi ne, %rem3A_288, %ne3A_289 : i32
      %and3A_291 = arith.andi %ne3A_287, %ne3A_290 : i1
      %sub3A_292 = arith.constant 1 : i32
      %sub3A_293 = arith.subi %div3A_272, %sub3A_292 : i32
      %select_n3A_294 = arith.select %and3A_291, %sub3A_293, %div3A_272 : i32
      %add3A_295 = arith.constant 1 : i32
      %add3A_296 = arith.addi %select_n3A_294, %add3A_295 : i32
      %jit3A_297 = arith.constant 25 : i32
      %eq3A_298 = arith.constant 0 : i32
      %eq3A_299 = arith.cmpi eq, %jit3A_297, %eq3A_298 : i32
      %jit3A_300 = arith.constant 1 : i32
      %select_n3A_301 = arith.select %eq3A_299, %jit3A_300, %jit3A_297 : i32
      %rem3A_302 = arith.remsi %add3A_256, %select_n3A_301 : i32
      %ne3A_303 = arith.constant 0 : i32
      %ne3A_304 = arith.cmpi ne, %rem3A_302, %ne3A_303 : i32
      %lt3A_305 = arith.constant 0 : i32
      %lt3A_306 = arith.cmpi slt, %rem3A_302, %lt3A_305 : i32
      %lt3A_307 = arith.constant 0 : i32
      %lt3A_308 = arith.cmpi slt, %select_n3A_301, %lt3A_307 : i32
      %ne3A_309 = arith.xori %lt3A_306, %lt3A_308 : i1
      %and3A_310 = arith.andi %ne3A_309, %ne3A_304 : i1
      %add3A_311 = arith.addi %rem3A_302, %select_n3A_301 : i32
      %select_n3A_312 = arith.select %and3A_310, %add3A_311, %rem3A_302 : i32
      %eq3A_313 = arith.constant 0 : i32
      %eq3A_314 = arith.cmpi eq, %select_n3A_312, %eq3A_313 : i32
      %lt3A_315 = arith.constant 5 : i32
      %lt3A_316 = arith.cmpi slt, %add3A_296, %lt3A_315 : i32
      %and3A_317 = arith.andi %eq3A_314, %lt3A_316 : i1
      %convert_element_type3A_318 = arith.extui %and3A_317 : i1 to i32
      %cond3A_319 = arith.constant 0 : i32
      %cond3A_320 = arith.cmpi ne, %convert_element_type3A_318, %cond3A_319 : i32
      scf.if %cond3A_320 {
        %jit3A_437 = arith.constant 2 : i32
        %eq3A_438 = arith.constant 0 : i32
        %eq3A_439 = arith.cmpi eq, %jit3A_437, %eq3A_438 : i32
        %jit3A_440 = arith.constant 1 : i32
        %select_n3A_441 = arith.select %eq3A_439, %jit3A_440, %jit3A_437 : i32
        %rem3A_442 = arith.remsi %add3A_296, %select_n3A_441 : i32
        %ne3A_443 = arith.constant 0 : i32
        %ne3A_444 = arith.cmpi ne, %rem3A_442, %ne3A_443 : i32
        %lt3A_445 = arith.constant 0 : i32
        %lt3A_446 = arith.cmpi slt, %rem3A_442, %lt3A_445 : i32
        %lt3A_447 = arith.constant 0 : i32
        %lt3A_448 = arith.cmpi slt, %select_n3A_441, %lt3A_447 : i32
        %ne3A_449 = arith.xori %lt3A_446, %lt3A_448 : i1
        %and3A_450 = arith.andi %ne3A_449, %ne3A_444 : i1
        %add3A_451 = arith.addi %rem3A_442, %select_n3A_441 : i32
        %select_n3A_452 = arith.select %and3A_450, %add3A_451, %rem3A_442 : i32
        %mul3A_453 = arith.constant 2000 : i32
        %mul3A_454 = arith.muli %select_n3A_452, %mul3A_453 : i32
        %mul3A_455 = arith.constant 2000 : i32
        %mul3A_456 = arith.muli %add3A_296, %mul3A_455 : i32
        %add3A_457 = arith.addi %mul3A_2, %mul3A_456 : i32
        %dma_start3A_458 = tpu.memref_slice %arg8[%mul3A_454] : memref<4000xi32, #tpu.memory_space<vmem>> -> memref<2000xi32, #tpu.memory_space<vmem>>
        %dma_start3A_459 = tpu.memref_slice %arg3[%add3A_457] : memref<320000xi32, #tpu.memory_space<hbm>> -> memref<2000xi32, #tpu.memory_space<hbm>>
        %dma_start3A_460 = tpu.memref_slice %arg8[%mul3A_454] : memref<4000xi32, #tpu.memory_space<vmem>> -> memref<2000xi32, #tpu.memory_space<vmem>>
        %dma_start3A_461 = tpu.memref_slice %arg3[%add3A_457] : memref<320000xi32, #tpu.memory_space<hbm>> -> memref<2000xi32, #tpu.memory_space<hbm>>
        tpu.enqueue_dma source(%dma_start3A_461 : memref<2000xi32, #tpu.memory_space<hbm>>) target(%dma_start3A_460 : memref<2000xi32, #tpu.memory_space<vmem>>) target_semaphore(%arg22 : memref<!tpu.dma_semaphore, #tpu.memory_space<semaphore_mem>>)
        %mul3A_462 = arith.constant 2000 : i32
        %mul3A_463 = arith.muli %add3A_296, %mul3A_462 : i32
        %add3A_464 = arith.addi %mul3A_2, %mul3A_463 : i32
        %dma_start3A_465 = tpu.memref_slice %arg4[%add3A_464] : memref<320000xi32, #tpu.memory_space<hbm>> -> memref<2000xi32, #tpu.memory_space<hbm>>
        %dma_start3A_466 = tpu.memref_slice %arg4[%add3A_464] : memref<320000xi32, #tpu.memory_space<hbm>> -> memref<2000xi32, #tpu.memory_space<hbm>>
        tpu.enqueue_dma source(%dma_start3A_466 : memref<2000xi32, #tpu.memory_space<hbm>>) target(%arg9 : memref<2000xi32, #tpu.memory_space<vmem>>) target_semaphore(%arg22 : memref<!tpu.dma_semaphore, #tpu.memory_space<semaphore_mem>>)
      } else {
      }
      %jit3A_321 = arith.constant 25 : i32
      %eq3A_322 = arith.constant 0 : i32
      %eq3A_323 = arith.cmpi eq, %jit3A_321, %eq3A_322 : i32
      %jit3A_324 = arith.constant 1 : i32
      %select_n3A_325 = arith.select %eq3A_323, %jit3A_324, %jit3A_321 : i32
      %rem3A_326 = arith.remsi %add3A_256, %select_n3A_325 : i32
      %ne3A_327 = arith.constant 0 : i32
      %ne3A_328 = arith.cmpi ne, %rem3A_326, %ne3A_327 : i32
      %lt3A_329 = arith.constant 0 : i32
      %lt3A_330 = arith.cmpi slt, %rem3A_326, %lt3A_329 : i32
      %lt3A_331 = arith.constant 0 : i32
      %lt3A_332 = arith.cmpi slt, %select_n3A_325, %lt3A_331 : i32
      %ne3A_333 = arith.xori %lt3A_330, %lt3A_332 : i1
      %and3A_334 = arith.andi %ne3A_333, %ne3A_328 : i1
      %add3A_335 = arith.addi %rem3A_326, %select_n3A_325 : i32
      %select_n3A_336 = arith.select %and3A_334, %add3A_335, %rem3A_326 : i32
      %eq3A_337 = arith.constant 19 : i32
      %eq3A_338 = arith.cmpi eq, %select_n3A_336, %eq3A_337 : i32
      %lt3A_339 = arith.constant 5 : i32
      %lt3A_340 = arith.cmpi slt, %add3A_296, %lt3A_339 : i32
      %and3A_341 = arith.andi %eq3A_338, %lt3A_340 : i1
      %convert_element_type3A_342 = arith.extui %and3A_341 : i1 to i32
      %cond3A_343 = arith.constant 0 : i32
      %cond3A_344 = arith.cmpi ne, %convert_element_type3A_342, %cond3A_343 : i32
      scf.if %cond3A_344 {
        %dma_wait3A_437 = arith.constant 0 : i32
        %dma_wait3A_438 = tpu.memref_slice %arg8[%dma_wait3A_437] : memref<4000xi32, #tpu.memory_space<vmem>> -> memref<2000xi32, #tpu.memory_space<vmem>>
        %dma_wait3A_439 = tpu.memref_slice %arg3[%mul3A_2] : memref<320000xi32, #tpu.memory_space<hbm>> -> memref<2000xi32, #tpu.memory_space<hbm>>
        %dma_wait3A_440 = arith.constant 0 : i32
        %dma_wait3A_441 = tpu.memref_slice %arg8[%dma_wait3A_440] : memref<4000xi32, #tpu.memory_space<vmem>> -> memref<2000xi32, #tpu.memory_space<vmem>>
        %dma_wait3A_442 = tpu.memref_slice %arg3[%mul3A_2] : memref<320000xi32, #tpu.memory_space<hbm>> -> memref<2000xi32, #tpu.memory_space<hbm>>
        tpu.wait_dma2 semaphore(%arg22 : memref<!tpu.dma_semaphore, #tpu.memory_space<semaphore_mem>>) src(%dma_wait3A_442 : memref<2000xi32, #tpu.memory_space<hbm>>) dst(%dma_wait3A_441 : memref<2000xi32, #tpu.memory_space<vmem>>)
        %dma_wait3A_443 = tpu.memref_slice %arg4[%mul3A_2] : memref<320000xi32, #tpu.memory_space<hbm>> -> memref<2000xi32, #tpu.memory_space<hbm>>
        %dma_wait3A_444 = tpu.memref_slice %arg4[%mul3A_2] : memref<320000xi32, #tpu.memory_space<hbm>> -> memref<2000xi32, #tpu.memory_space<hbm>>
        tpu.wait_dma2 semaphore(%arg22 : memref<!tpu.dma_semaphore, #tpu.memory_space<semaphore_mem>>) src(%dma_wait3A_444 : memref<2000xi32, #tpu.memory_space<hbm>>) dst(%arg9 : memref<2000xi32, #tpu.memory_space<vmem>>)
        %jit3A_445 = arith.constant 2 : i32
        %eq3A_446 = arith.constant 0 : i32
        %eq3A_447 = arith.cmpi eq, %jit3A_445, %eq3A_446 : i32
        %jit3A_448 = arith.constant 1 : i32
        %select_n3A_449 = arith.select %eq3A_447, %jit3A_448, %jit3A_445 : i32
        %rem3A_450 = arith.remsi %add3A_296, %select_n3A_449 : i32
        %ne3A_451 = arith.constant 0 : i32
        %ne3A_452 = arith.cmpi ne, %rem3A_450, %ne3A_451 : i32
        %lt3A_453 = arith.constant 0 : i32
        %lt3A_454 = arith.cmpi slt, %rem3A_450, %lt3A_453 : i32
        %lt3A_455 = arith.constant 0 : i32
        %lt3A_456 = arith.cmpi slt, %select_n3A_449, %lt3A_455 : i32
        %ne3A_457 = arith.xori %lt3A_454, %lt3A_456 : i1
        %and3A_458 = arith.andi %ne3A_457, %ne3A_452 : i1
        %add3A_459 = arith.addi %rem3A_450, %select_n3A_449 : i32
        %select_n3A_460 = arith.select %and3A_458, %add3A_459, %rem3A_450 : i32
        %mul3A_461 = arith.constant 2000 : i32
        %mul3A_462 = arith.muli %select_n3A_460, %mul3A_461 : i32
        %scan3A_463 = arith.constant 0 : i32
        %scan3A_464 = arith.constant 0 : i32
        %scan3A_465 = arith.constant 125 : i32
        %scan3A_466 = arith.addi %scan3A_464, %scan3A_465 : i32
        %scan3A_467 = arith.constant 1 : i32
        scf.for %scan3A_469 = %scan3A_464 to %scan3A_466 step %scan3A_467  : i32 {
          %mul3A_470 = arith.constant 16 : i32
          %mul3A_471 = arith.muli %scan3A_469, %mul3A_470 : i32
          %add3A_472 = arith.addi %mul3A_462, %mul3A_471 : i32
          %mul3A_473 = arith.constant 16 : i32
          %mul3A_474 = arith.muli %scan3A_469, %mul3A_473 : i32
          %get3A = arith.index_cast %mul3A_474 : i32 to index
          %get3A_475 = tpu.vector_load %arg9[%get3A] {strides = array<i32>} : memref<2000xi32, #tpu.memory_space<vmem>>, vector<16xi32>,
          %get3A_476 = vector.shape_cast %get3A_475 : vector<16xi32> to vector<16xi32>
          %mul3A_477 = arith.constant 10000 : i32
          %mul3A_478 = vector.broadcast %mul3A_477 : i32 to vector<16xi32>
          %mul3A_479 = arith.muli %get3A_476, %mul3A_478 : vector<16xi32>
          %add3A_480 = arith.constant 0 : i32
          %add3A_481 = vector.broadcast %add3A_480 : i32 to vector<16xi32>
          %add3A_482 = arith.addi %add3A_481, %mul3A_479 : vector<16xi32>
          %get3A_483 = arith.index_cast %add3A_472 : i32 to index
          %get3A_484 = tpu.vector_load %arg8[%get3A_483] {strides = array<i32>} : memref<4000xi32, #tpu.memory_space<vmem>>, vector<16xi32>,
          %get3A_485 = vector.shape_cast %get3A_484 : vector<16xi32> to vector<16xi32>
          %add3A_486 = arith.addi %add3A_482, %get3A_485 : vector<16xi32>
          %swap3A = arith.index_cast %add3A_472 : i32 to index
          %swap3A_487 = tpu.vector_load %arg8[%swap3A] {strides = array<i32>} : memref<4000xi32, #tpu.memory_space<vmem>>, vector<16xi32>,
          %swap3A_488 = vector.shape_cast %swap3A_487 : vector<16xi32> to vector<16xi32>
          %swap3A_489 = vector.shape_cast %add3A_486 : vector<16xi32> to vector<16xi32>
          tpu.vector_store %arg8[%swap3A], %swap3A_489 {strides = array<i32>} : memref<4000xi32, #tpu.memory_space<vmem>>, vector<16xi32>,
        }
        %scan3A_468 = arith.constant 125 : i32
      } else {
      }
      %mul3A_345 = arith.constant 3 : i32
      %mul3A_346 = arith.muli %mul3A_345, %scan3A_169 : i32
      %add3A_347 = arith.constant 2 : i32
      %add3A_348 = arith.addi %mul3A_346, %add3A_347 : i32
      %dma_wait3A_349 = arith.constant 0 : i32
      %dma_wait3A_350 = tpu.memref_slice %arg8[%dma_wait3A_349] : memref<4000xi32, #tpu.memory_space<vmem>> -> memref<80xi32, #tpu.memory_space<vmem>>
      %dma_wait3A_351 = arith.constant 0 : i32
      %dma_wait3A_352 = arith.constant 0 : i32
      %dma_wait3A_353 = tpu.memref_slice %arg2[%dma_wait3A_351, %dma_wait3A_352] : memref<80000x128xf32, #tpu.memory_space<hbm>> -> memref<80000x128xf32, #tpu.memory_space<hbm>>
      tpu.wait_indirect_dma semaphore(%arg18 : memref<!tpu.dma_semaphore, #tpu.memory_space<semaphore_mem>>) src(%dma_wait3A_353 : memref<80000x128xf32, #tpu.memory_space<hbm>>) dst(%arg15 : memref<80x128xf32, #tpu.memory_space<vmem>>)
      %dma_wait3A_354 = tpu.memref_slice %arg5[%mul3A_2] : memref<320000xi32, #tpu.memory_space<hbm>> -> memref<80xi32, #tpu.memory_space<hbm>>
      %dma_wait3A_355 = tpu.memref_slice %arg5[%mul3A_2] : memref<320000xi32, #tpu.memory_space<hbm>> -> memref<80xi32, #tpu.memory_space<hbm>>
      tpu.wait_dma2 semaphore(%arg21 : memref<!tpu.dma_semaphore, #tpu.memory_space<semaphore_mem>>) src(%dma_wait3A_355 : memref<80xi32, #tpu.memory_space<hbm>>) dst(%arg12 : memref<80xi32, #tpu.memory_space<vmem>>)
      "tpu.region"() ({
        %run_scoped3A = tpu.sem_alloc : memref<!tpu.dma_semaphore, #tpu.memory_space<semaphore_mem>>
        %dma_start3A_437 = arith.constant 0 : i32
        %dma_start3A_438 = arith.constant 0 : i32
        %dma_start3A_439 = tpu.memref_slice %arg7[%dma_start3A_437, %dma_start3A_438] : memref<10000x128xf32, #tpu.memory_space<vmem_shared>> -> memref<10000x128xf32, #tpu.memory_space<vmem_shared>>
        tpu.enqueue_indirect_dma source(%arg15 : memref<80x128xf32, #tpu.memory_space<vmem>>) target(%dma_start3A_439 : memref<10000x128xf32, #tpu.memory_space<vmem_shared>>) offsets(%arg12 : memref<80xi32, #tpu.memory_space<vmem>>) semaphore(%run_scoped3A : memref<!tpu.dma_semaphore, #tpu.memory_space<semaphore_mem>>) {add = true}
        %dma_wait3A_440 = arith.constant 0 : i32
        %dma_wait3A_441 = arith.constant 0 : i32
        %dma_wait3A_442 = tpu.memref_slice %arg7[%dma_wait3A_440, %dma_wait3A_441] : memref<10000x128xf32, #tpu.memory_space<vmem_shared>> -> memref<10000x128xf32, #tpu.memory_space<vmem_shared>>
        tpu.wait_indirect_dma semaphore(%run_scoped3A : memref<!tpu.dma_semaphore, #tpu.memory_space<semaphore_mem>>) src(%arg15 : memref<80x128xf32, #tpu.memory_space<vmem>>) dst(%dma_wait3A_442 : memref<10000x128xf32, #tpu.memory_space<vmem_shared>>)
        tpu.yield
      }) : () -> ()
      %add3A_356 = arith.constant 3 : i32
      %add3A_357 = arith.addi %add3A_348, %add3A_356 : i32
      %lt3A_358 = arith.constant 125 : i32
      %lt3A_359 = arith.cmpi slt, %add3A_357, %lt3A_358 : i32
      %convert_element_type3A_360 = arith.extui %lt3A_359 : i1 to i32
      %cond3A_361 = arith.constant 0 : i32
      %cond3A_362 = arith.cmpi ne, %convert_element_type3A_360, %cond3A_361 : i32
      scf.if %cond3A_362 {
        %jit3A_437 = arith.constant 50 : i32
        %eq3A_438 = arith.constant 0 : i32
        %eq3A_439 = arith.cmpi eq, %jit3A_437, %eq3A_438 : i32
        %jit3A_440 = arith.constant 1 : i32
        %select_n3A_441 = arith.select %eq3A_439, %jit3A_440, %jit3A_437 : i32
        %rem3A_442 = arith.remsi %add3A_357, %select_n3A_441 : i32
        %ne3A_443 = arith.constant 0 : i32
        %ne3A_444 = arith.cmpi ne, %rem3A_442, %ne3A_443 : i32
        %lt3A_445 = arith.constant 0 : i32
        %lt3A_446 = arith.cmpi slt, %rem3A_442, %lt3A_445 : i32
        %lt3A_447 = arith.constant 0 : i32
        %lt3A_448 = arith.cmpi slt, %select_n3A_441, %lt3A_447 : i32
        %ne3A_449 = arith.xori %lt3A_446, %lt3A_448 : i1
        %and3A_450 = arith.andi %ne3A_449, %ne3A_444 : i1
        %add3A_451 = arith.addi %rem3A_442, %select_n3A_441 : i32
        %select_n3A_452 = arith.select %and3A_450, %add3A_451, %rem3A_442 : i32
        %mul3A_453 = arith.constant 80 : i32
        %mul3A_454 = arith.muli %select_n3A_452, %mul3A_453 : i32
        %dma_start3A_455 = tpu.memref_slice %arg8[%mul3A_454] : memref<4000xi32, #tpu.memory_space<vmem>> -> memref<80xi32, #tpu.memory_space<vmem>>
        %dma_start3A_456 = arith.constant 0 : i32
        %dma_start3A_457 = arith.constant 0 : i32
        %dma_start3A_458 = tpu.memref_slice %arg2[%dma_start3A_456, %dma_start3A_457] : memref<80000x128xf32, #tpu.memory_space<hbm>> -> memref<80000x128xf32, #tpu.memory_space<hbm>>
        tpu.enqueue_indirect_dma source(%dma_start3A_458 : memref<80000x128xf32, #tpu.memory_space<hbm>>) target(%arg15 : memref<80x128xf32, #tpu.memory_space<vmem>>) offsets(%dma_start3A_455 : memref<80xi32, #tpu.memory_space<vmem>>) semaphore(%arg18 : memref<!tpu.dma_semaphore, #tpu.memory_space<semaphore_mem>>)
        %mul3A_459 = arith.constant 80 : i32
        %mul3A_460 = arith.muli %add3A_357, %mul3A_459 : i32
        %add3A_461 = arith.addi %mul3A_2, %mul3A_460 : i32
        %dma_start3A_462 = tpu.memref_slice %arg5[%add3A_461] : memref<320000xi32, #tpu.memory_space<hbm>> -> memref<80xi32, #tpu.memory_space<hbm>>
        %dma_start3A_463 = tpu.memref_slice %arg5[%add3A_461] : memref<320000xi32, #tpu.memory_space<hbm>> -> memref<80xi32, #tpu.memory_space<hbm>>
        tpu.enqueue_dma source(%dma_start3A_463 : memref<80xi32, #tpu.memory_space<hbm>>) target(%arg12 : memref<80xi32, #tpu.memory_space<vmem>>) target_semaphore(%arg21 : memref<!tpu.dma_semaphore, #tpu.memory_space<semaphore_mem>>)
      } else {
      }
      %jit3A_363 = arith.constant 25 : i32
      %div3A_364 = arith.divsi %add3A_348, %jit3A_363 : i32
      %sign3A_365 = arith.constant 0 : i32
      %sign3A_366 = arith.cmpi sgt, %add3A_348, %sign3A_365 : i32
      %sign3A_367 = arith.extui %sign3A_366 : i1 to i32
      %sign3A_368 = arith.constant 0 : i32
      %sign3A_369 = arith.cmpi slt, %add3A_348, %sign3A_368 : i32
      %sign3A_370 = arith.extui %sign3A_369 : i1 to i32
      %sign3A_371 = arith.subi %sign3A_367, %sign3A_370 : i32
      %sign3A_372 = arith.constant 0 : i32
      %sign3A_373 = arith.cmpi sgt, %jit3A_363, %sign3A_372 : i32
      %sign3A_374 = arith.extui %sign3A_373 : i1 to i32
      %sign3A_375 = arith.constant 0 : i32
      %sign3A_376 = arith.cmpi slt, %jit3A_363, %sign3A_375 : i32
      %sign3A_377 = arith.extui %sign3A_376 : i1 to i32
      %sign3A_378 = arith.subi %sign3A_374, %sign3A_377 : i32
      %ne3A_379 = arith.cmpi ne, %sign3A_371, %sign3A_378 : i32
      %rem3A_380 = arith.remsi %add3A_348, %jit3A_363 : i32
      %ne3A_381 = arith.constant 0 : i32
      %ne3A_382 = arith.cmpi ne, %rem3A_380, %ne3A_381 : i32
      %and3A_383 = arith.andi %ne3A_379, %ne3A_382 : i1
      %sub3A_384 = arith.constant 1 : i32
      %sub3A_385 = arith.subi %div3A_364, %sub3A_384 : i32
      %select_n3A_386 = arith.select %and3A_383, %sub3A_385, %div3A_364 : i32
      %add3A_387 = arith.constant 1 : i32
      %add3A_388 = arith.addi %select_n3A_386, %add3A_387 : i32
      %jit3A_389 = arith.constant 25 : i32
      %eq3A_390 = arith.constant 0 : i32
      %eq3A_391 = arith.cmpi eq, %jit3A_389, %eq3A_390 : i32
      %jit3A_392 = arith.constant 1 : i32
      %select_n3A_393 = arith.select %eq3A_391, %jit3A_392, %jit3A_389 : i32
      %rem3A_394 = arith.remsi %add3A_348, %select_n3A_393 : i32
      %ne3A_395 = arith.constant 0 : i32
      %ne3A_396 = arith.cmpi ne, %rem3A_394, %ne3A_395 : i32
      %lt3A_397 = arith.constant 0 : i32
      %lt3A_398 = arith.cmpi slt, %rem3A_394, %lt3A_397 : i32
      %lt3A_399 = arith.constant 0 : i32
      %lt3A_400 = arith.cmpi slt, %select_n3A_393, %lt3A_399 : i32
      %ne3A_401 = arith.xori %lt3A_398, %lt3A_400 : i1
      %and3A_402 = arith.andi %ne3A_401, %ne3A_396 : i1
      %add3A_403 = arith.addi %rem3A_394, %select_n3A_393 : i32
      %select_n3A_404 = arith.select %and3A_402, %add3A_403, %rem3A_394 : i32
      %eq3A_405 = arith.constant 0 : i32
      %eq3A_406 = arith.cmpi eq, %select_n3A_404, %eq3A_405 : i32
      %lt3A_407 = arith.constant 5 : i32
      %lt3A_408 = arith.cmpi slt, %add3A_388, %lt3A_407 : i32
      %and3A_409 = arith.andi %eq3A_406, %lt3A_408 : i1
      %convert_element_type3A_410 = arith.extui %and3A_409 : i1 to i32
      %cond3A_411 = arith.constant 0 : i32
      %cond3A_412 = arith.cmpi ne, %convert_element_type3A_410, %cond3A_411 : i32
      scf.if %cond3A_412 {
        %jit3A_437 = arith.constant 2 : i32
        %eq3A_438 = arith.constant 0 : i32
        %eq3A_439 = arith.cmpi eq, %jit3A_437, %eq3A_438 : i32
        %jit3A_440 = arith.constant 1 : i32
        %select_n3A_441 = arith.select %eq3A_439, %jit3A_440, %jit3A_437 : i32
        %rem3A_442 = arith.remsi %add3A_388, %select_n3A_441 : i32
        %ne3A_443 = arith.constant 0 : i32
        %ne3A_444 = arith.cmpi ne, %rem3A_442, %ne3A_443 : i32
        %lt3A_445 = arith.constant 0 : i32
        %lt3A_446 = arith.cmpi slt, %rem3A_442, %lt3A_445 : i32
        %lt3A_447 = arith.constant 0 : i32
        %lt3A_448 = arith.cmpi slt, %select_n3A_441, %lt3A_447 : i32
        %ne3A_449 = arith.xori %lt3A_446, %lt3A_448 : i1
        %and3A_450 = arith.andi %ne3A_449, %ne3A_444 : i1
        %add3A_451 = arith.addi %rem3A_442, %select_n3A_441 : i32
        %select_n3A_452 = arith.select %and3A_450, %add3A_451, %rem3A_442 : i32
        %mul3A_453 = arith.constant 2000 : i32
        %mul3A_454 = arith.muli %select_n3A_452, %mul3A_453 : i32
        %mul3A_455 = arith.constant 2000 : i32
        %mul3A_456 = arith.muli %add3A_388, %mul3A_455 : i32
        %add3A_457 = arith.addi %mul3A_2, %mul3A_456 : i32
        %dma_start3A_458 = tpu.memref_slice %arg8[%mul3A_454] : memref<4000xi32, #tpu.memory_space<vmem>> -> memref<2000xi32, #tpu.memory_space<vmem>>
        %dma_start3A_459 = tpu.memref_slice %arg3[%add3A_457] : memref<320000xi32, #tpu.memory_space<hbm>> -> memref<2000xi32, #tpu.memory_space<hbm>>
        %dma_start3A_460 = tpu.memref_slice %arg8[%mul3A_454] : memref<4000xi32, #tpu.memory_space<vmem>> -> memref<2000xi32, #tpu.memory_space<vmem>>
        %dma_start3A_461 = tpu.memref_slice %arg3[%add3A_457] : memref<320000xi32, #tpu.memory_space<hbm>> -> memref<2000xi32, #tpu.memory_space<hbm>>
        tpu.enqueue_dma source(%dma_start3A_461 : memref<2000xi32, #tpu.memory_space<hbm>>) target(%dma_start3A_460 : memref<2000xi32, #tpu.memory_space<vmem>>) target_semaphore(%arg22 : memref<!tpu.dma_semaphore, #tpu.memory_space<semaphore_mem>>)
        %mul3A_462 = arith.constant 2000 : i32
        %mul3A_463 = arith.muli %add3A_388, %mul3A_462 : i32
        %add3A_464 = arith.addi %mul3A_2, %mul3A_463 : i32
        %dma_start3A_465 = tpu.memref_slice %arg4[%add3A_464] : memref<320000xi32, #tpu.memory_space<hbm>> -> memref<2000xi32, #tpu.memory_space<hbm>>
        %dma_start3A_466 = tpu.memref_slice %arg4[%add3A_464] : memref<320000xi32, #tpu.memory_space<hbm>> -> memref<2000xi32, #tpu.memory_space<hbm>>
        tpu.enqueue_dma source(%dma_start3A_466 : memref<2000xi32, #tpu.memory_space<hbm>>) target(%arg9 : memref<2000xi32, #tpu.memory_space<vmem>>) target_semaphore(%arg22 : memref<!tpu.dma_semaphore, #tpu.memory_space<semaphore_mem>>)
      } else {
      }
      %jit3A_413 = arith.constant 25 : i32
      %eq3A_414 = arith.constant 0 : i32
      %eq3A_415 = arith.cmpi eq, %jit3A_413, %eq3A_414 : i32
      %jit3A_416 = arith.constant 1 : i32
      %select_n3A_417 = arith.select %eq3A_415, %jit3A_416, %jit3A_413 : i32
      %rem3A_418 = arith.remsi %add3A_348, %select_n3A_417 : i32
      %ne3A_419 = arith.constant 0 : i32
      %ne3A_420 = arith.cmpi ne, %rem3A_418, %ne3A_419 : i32
      %lt3A_421 = arith.constant 0 : i32
      %lt3A_422 = arith.cmpi slt, %rem3A_418, %lt3A_421 : i32
      %lt3A_423 = arith.constant 0 : i32
      %lt3A_424 = arith.cmpi slt, %select_n3A_417, %lt3A_423 : i32
      %ne3A_425 = arith.xori %lt3A_422, %lt3A_424 : i1
      %and3A_426 = arith.andi %ne3A_425, %ne3A_420 : i1
      %add3A_427 = arith.addi %rem3A_418, %select_n3A_417 : i32
      %select_n3A_428 = arith.select %and3A_426, %add3A_427, %rem3A_418 : i32
      %eq3A_429 = arith.constant 19 : i32
      %eq3A_430 = arith.cmpi eq, %select_n3A_428, %eq3A_429 : i32
      %lt3A_431 = arith.constant 5 : i32
      %lt3A_432 = arith.cmpi slt, %add3A_388, %lt3A_431 : i32
      %and3A_433 = arith.andi %eq3A_430, %lt3A_432 : i1
      %convert_element_type3A_434 = arith.extui %and3A_433 : i1 to i32
      %cond3A_435 = arith.constant 0 : i32
      %cond3A_436 = arith.cmpi ne, %convert_element_type3A_434, %cond3A_435 : i32
      scf.if %cond3A_436 {
        %dma_wait3A_437 = arith.constant 0 : i32
        %dma_wait3A_438 = tpu.memref_slice %arg8[%dma_wait3A_437] : memref<4000xi32, #tpu.memory_space<vmem>> -> memref<2000xi32, #tpu.memory_space<vmem>>
        %dma_wait3A_439 = tpu.memref_slice %arg3[%mul3A_2] : memref<320000xi32, #tpu.memory_space<hbm>> -> memref<2000xi32, #tpu.memory_space<hbm>>
        %dma_wait3A_440 = arith.constant 0 : i32
        %dma_wait3A_441 = tpu.memref_slice %arg8[%dma_wait3A_440] : memref<4000xi32, #tpu.memory_space<vmem>> -> memref<2000xi32, #tpu.memory_space<vmem>>
        %dma_wait3A_442 = tpu.memref_slice %arg3[%mul3A_2] : memref<320000xi32, #tpu.memory_space<hbm>> -> memref<2000xi32, #tpu.memory_space<hbm>>
        tpu.wait_dma2 semaphore(%arg22 : memref<!tpu.dma_semaphore, #tpu.memory_space<semaphore_mem>>) src(%dma_wait3A_442 : memref<2000xi32, #tpu.memory_space<hbm>>) dst(%dma_wait3A_441 : memref<2000xi32, #tpu.memory_space<vmem>>)
        %dma_wait3A_443 = tpu.memref_slice %arg4[%mul3A_2] : memref<320000xi32, #tpu.memory_space<hbm>> -> memref<2000xi32, #tpu.memory_space<hbm>>
        %dma_wait3A_444 = tpu.memref_slice %arg4[%mul3A_2] : memref<320000xi32, #tpu.memory_space<hbm>> -> memref<2000xi32, #tpu.memory_space<hbm>>
        tpu.wait_dma2 semaphore(%arg22 : memref<!tpu.dma_semaphore, #tpu.memory_space<semaphore_mem>>) src(%dma_wait3A_444 : memref<2000xi32, #tpu.memory_space<hbm>>) dst(%arg9 : memref<2000xi32, #tpu.memory_space<vmem>>)
        %jit3A_445 = arith.constant 2 : i32
        %eq3A_446 = arith.constant 0 : i32
        %eq3A_447 = arith.cmpi eq, %jit3A_445, %eq3A_446 : i32
        %jit3A_448 = arith.constant 1 : i32
        %select_n3A_449 = arith.select %eq3A_447, %jit3A_448, %jit3A_445 : i32
        %rem3A_450 = arith.remsi %add3A_388, %select_n3A_449 : i32
        %ne3A_451 = arith.constant 0 : i32
        %ne3A_452 = arith.cmpi ne, %rem3A_450, %ne3A_451 : i32
        %lt3A_453 = arith.constant 0 : i32
        %lt3A_454 = arith.cmpi slt, %rem3A_450, %lt3A_453 : i32
        %lt3A_455 = arith.constant 0 : i32
        %lt3A_456 = arith.cmpi slt, %select_n3A_449, %lt3A_455 : i32
        %ne3A_457 = arith.xori %lt3A_454, %lt3A_456 : i1
        %and3A_458 = arith.andi %ne3A_457, %ne3A_452 : i1
        %add3A_459 = arith.addi %rem3A_450, %select_n3A_449 : i32
        %select_n3A_460 = arith.select %and3A_458, %add3A_459, %rem3A_450 : i32
        %mul3A_461 = arith.constant 2000 : i32
        %mul3A_462 = arith.muli %select_n3A_460, %mul3A_461 : i32
        %scan3A_463 = arith.constant 0 : i32
        %scan3A_464 = arith.constant 0 : i32
        %scan3A_465 = arith.constant 125 : i32
        %scan3A_466 = arith.addi %scan3A_464, %scan3A_465 : i32
        %scan3A_467 = arith.constant 1 : i32
        scf.for %scan3A_469 = %scan3A_464 to %scan3A_466 step %scan3A_467  : i32 {
          %mul3A_470 = arith.constant 16 : i32
          %mul3A_471 = arith.muli %scan3A_469, %mul3A_470 : i32
          %add3A_472 = arith.addi %mul3A_462, %mul3A_471 : i32
          %mul3A_473 = arith.constant 16 : i32
          %mul3A_474 = arith.muli %scan3A_469, %mul3A_473 : i32
          %get3A = arith.index_cast %mul3A_474 : i32 to index
          %get3A_475 = tpu.vector_load %arg9[%get3A] {strides = array<i32>} : memref<2000xi32, #tpu.memory_space<vmem>>, vector<16xi32>,
          %get3A_476 = vector.shape_cast %get3A_475 : vector<16xi32> to vector<16xi32>
          %mul3A_477 = arith.constant 10000 : i32
          %mul3A_478 = vector.broadcast %mul3A_477 : i32 to vector<16xi32>
          %mul3A_479 = arith.muli %get3A_476, %mul3A_478 : vector<16xi32>
          %add3A_480 = arith.constant 0 : i32
          %add3A_481 = vector.broadcast %add3A_480 : i32 to vector<16xi32>
          %add3A_482 = arith.addi %add3A_481, %mul3A_479 : vector<16xi32>
          %get3A_483 = arith.index_cast %add3A_472 : i32 to index
          %get3A_484 = tpu.vector_load %arg8[%get3A_483] {strides = array<i32>} : memref<4000xi32, #tpu.memory_space<vmem>>, vector<16xi32>,
          %get3A_485 = vector.shape_cast %get3A_484 : vector<16xi32> to vector<16xi32>
          %add3A_486 = arith.addi %add3A_482, %get3A_485 : vector<16xi32>
          %swap3A = arith.index_cast %add3A_472 : i32 to index
          %swap3A_487 = tpu.vector_load %arg8[%swap3A] {strides = array<i32>} : memref<4000xi32, #tpu.memory_space<vmem>>, vector<16xi32>,
          %swap3A_488 = vector.shape_cast %swap3A_487 : vector<16xi32> to vector<16xi32>
          %swap3A_489 = vector.shape_cast %add3A_486 : vector<16xi32> to vector<16xi32>
          tpu.vector_store %arg8[%swap3A], %swap3A_489 {strides = array<i32>} : memref<4000xi32, #tpu.memory_space<vmem>>, vector<16xi32>,
        }
        %scan3A_468 = arith.constant 125 : i32
      } else {
      }
    }
    %scan3A_98 = arith.constant 41 : i32
    %dma_wait3A = arith.constant 0 : i32
    %dma_wait3A_99 = tpu.memref_slice %arg8[%dma_wait3A] : memref<4000xi32, #tpu.memory_space<vmem>> -> memref<80xi32, #tpu.memory_space<vmem>>
    %dma_wait3A_100 = arith.constant 0 : i32
    %dma_wait3A_101 = arith.constant 0 : i32
    %dma_wait3A_102 = tpu.memref_slice %arg2[%dma_wait3A_100, %dma_wait3A_101] : memref<80000x128xf32, #tpu.memory_space<hbm>> -> memref<80000x128xf32, #tpu.memory_space<hbm>>
    tpu.wait_indirect_dma semaphore(%arg16 : memref<!tpu.dma_semaphore, #tpu.memory_space<semaphore_mem>>) src(%dma_wait3A_102 : memref<80000x128xf32, #tpu.memory_space<hbm>>) dst(%arg13 : memref<80x128xf32, #tpu.memory_space<vmem>>)
    %dma_wait3A_103 = tpu.memref_slice %arg5[%mul3A_2] : memref<320000xi32, #tpu.memory_space<hbm>> -> memref<80xi32, #tpu.memory_space<hbm>>
    %dma_wait3A_104 = tpu.memref_slice %arg5[%mul3A_2] : memref<320000xi32, #tpu.memory_space<hbm>> -> memref<80xi32, #tpu.memory_space<hbm>>
    tpu.wait_dma2 semaphore(%arg19 : memref<!tpu.dma_semaphore, #tpu.memory_space<semaphore_mem>>) src(%dma_wait3A_104 : memref<80xi32, #tpu.memory_space<hbm>>) dst(%arg10 : memref<80xi32, #tpu.memory_space<vmem>>)
    "tpu.region"() ({
      %run_scoped3A = tpu.sem_alloc : memref<!tpu.dma_semaphore, #tpu.memory_space<semaphore_mem>>
      %dma_start3A_169 = arith.constant 0 : i32
      %dma_start3A_170 = arith.constant 0 : i32
      %dma_start3A_171 = tpu.memref_slice %arg7[%dma_start3A_169, %dma_start3A_170] : memref<10000x128xf32, #tpu.memory_space<vmem_shared>> -> memref<10000x128xf32, #tpu.memory_space<vmem_shared>>
      tpu.enqueue_indirect_dma source(%arg13 : memref<80x128xf32, #tpu.memory_space<vmem>>) target(%dma_start3A_171 : memref<10000x128xf32, #tpu.memory_space<vmem_shared>>) offsets(%arg10 : memref<80xi32, #tpu.memory_space<vmem>>) semaphore(%run_scoped3A : memref<!tpu.dma_semaphore, #tpu.memory_space<semaphore_mem>>) {add = true}
      %dma_wait3A_172 = arith.constant 0 : i32
      %dma_wait3A_173 = arith.constant 0 : i32
      %dma_wait3A_174 = tpu.memref_slice %arg7[%dma_wait3A_172, %dma_wait3A_173] : memref<10000x128xf32, #tpu.memory_space<vmem_shared>> -> memref<10000x128xf32, #tpu.memory_space<vmem_shared>>
      tpu.wait_indirect_dma semaphore(%run_scoped3A : memref<!tpu.dma_semaphore, #tpu.memory_space<semaphore_mem>>) src(%arg13 : memref<80x128xf32, #tpu.memory_space<vmem>>) dst(%dma_wait3A_174 : memref<10000x128xf32, #tpu.memory_space<vmem_shared>>)
      tpu.yield
    }) : () -> ()
    %dma_wait3A_105 = arith.constant 0 : i32
    %dma_wait3A_106 = tpu.memref_slice %arg8[%dma_wait3A_105] : memref<4000xi32, #tpu.memory_space<vmem>> -> memref<80xi32, #tpu.memory_space<vmem>>
    %dma_wait3A_107 = arith.constant 0 : i32
    %dma_wait3A_108 = arith.constant 0 : i32
    %dma_wait3A_109 = tpu.memref_slice %arg2[%dma_wait3A_107, %dma_wait3A_108] : memref<80000x128xf32, #tpu.memory_space<hbm>> -> memref<80000x128xf32, #tpu.memory_space<hbm>>
    tpu.wait_indirect_dma semaphore(%arg17 : memref<!tpu.dma_semaphore, #tpu.memory_space<semaphore_mem>>) src(%dma_wait3A_109 : memref<80000x128xf32, #tpu.memory_space<hbm>>) dst(%arg14 : memref<80x128xf32, #tpu.memory_space<vmem>>)
    %dma_wait3A_110 = tpu.memref_slice %arg5[%mul3A_2] : memref<320000xi32, #tpu.memory_space<hbm>> -> memref<80xi32, #tpu.memory_space<hbm>>
    %dma_wait3A_111 = tpu.memref_slice %arg5[%mul3A_2] : memref<320000xi32, #tpu.memory_space<hbm>> -> memref<80xi32, #tpu.memory_space<hbm>>
    tpu.wait_dma2 semaphore(%arg20 : memref<!tpu.dma_semaphore, #tpu.memory_space<semaphore_mem>>) src(%dma_wait3A_111 : memref<80xi32, #tpu.memory_space<hbm>>) dst(%arg11 : memref<80xi32, #tpu.memory_space<vmem>>)
    "tpu.region"() ({
      %run_scoped3A = tpu.sem_alloc : memref<!tpu.dma_semaphore, #tpu.memory_space<semaphore_mem>>
      %dma_start3A_169 = arith.constant 0 : i32
      %dma_start3A_170 = arith.constant 0 : i32
      %dma_start3A_171 = tpu.memref_slice %arg7[%dma_start3A_169, %dma_start3A_170] : memref<10000x128xf32, #tpu.memory_space<vmem_shared>> -> memref<10000x128xf32, #tpu.memory_space<vmem_shared>>
      tpu.enqueue_indirect_dma source(%arg14 : memref<80x128xf32, #tpu.memory_space<vmem>>) target(%dma_start3A_171 : memref<10000x128xf32, #tpu.memory_space<vmem_shared>>) offsets(%arg11 : memref<80xi32, #tpu.memory_space<vmem>>) semaphore(%run_scoped3A : memref<!tpu.dma_semaphore, #tpu.memory_space<semaphore_mem>>) {add = true}
      %dma_wait3A_172 = arith.constant 0 : i32
      %dma_wait3A_173 = arith.constant 0 : i32
      %dma_wait3A_174 = tpu.memref_slice %arg7[%dma_wait3A_172, %dma_wait3A_173] : memref<10000x128xf32, #tpu.memory_space<vmem_shared>> -> memref<10000x128xf32, #tpu.memory_space<vmem_shared>>
      tpu.wait_indirect_dma semaphore(%run_scoped3A : memref<!tpu.dma_semaphore, #tpu.memory_space<semaphore_mem>>) src(%arg14 : memref<80x128xf32, #tpu.memory_space<vmem>>) dst(%dma_wait3A_174 : memref<10000x128xf32, #tpu.memory_space<vmem_shared>>)
      tpu.yield
    }) : () -> ()
    %barrier3A_112 = arith.constant 0 : index
    tpu.barrier barrier_id(%barrier3A_112)
    %add3A_113 = arith.constant 0 : i32
    %add3A_114 = arith.addi %arg1, %add3A_113 : i32
    %lt3A_115 = arith.constant 125 : i32
    %lt3A_116 = arith.cmpi slt, %add3A_114, %lt3A_115 : i32
    %convert_element_type3A_117 = arith.extui %lt3A_116 : i1 to i32
    %cond3A_118 = arith.constant 0 : i32
    %cond3A_119 = arith.cmpi ne, %convert_element_type3A_117, %cond3A_118 : i32
    scf.if %cond3A_119 {
      %mul3A_169 = arith.constant 80 : i32
      %mul3A_170 = arith.muli %add3A_114, %mul3A_169 : i32
      "tpu.region"() ({
        %run_scoped3A = tpu.sem_alloc : memref<!tpu.dma_semaphore, #tpu.memory_space<semaphore_mem>>
        %dma_start3A_171 = arith.constant 0 : i32
        %dma_start3A_172 = tpu.memref_slice %arg6[%arg0, %mul3A_170, %dma_start3A_171] : memref<2x10000x128xf32, #tpu.memory_space<hbm>> -> memref<1x80x128xf32, #tpu.memory_space<hbm>>
        %dma_start3A_173 = tpu.memref_squeeze %dma_start3A_172 : memref<1x80x128xf32, #tpu.memory_space<hbm>> -> memref<80x128xf32, #tpu.memory_space<hbm>>
        %dma_start3A_174 = arith.constant 0 : i32
        %dma_start3A_175 = tpu.memref_slice %arg7[%mul3A_170, %dma_start3A_174] : memref<10000x128xf32, #tpu.memory_space<vmem_shared>> -> memref<80x128xf32, #tpu.memory_space<vmem_shared>>
        tpu.enqueue_dma source(%dma_start3A_175 : memref<80x128xf32, #tpu.memory_space<vmem_shared>>) target(%dma_start3A_173 : memref<80x128xf32, #tpu.memory_space<hbm>>) target_semaphore(%run_scoped3A : memref<!tpu.dma_semaphore, #tpu.memory_space<semaphore_mem>>)
        %dma_wait3A_176 = arith.constant 0 : i32
        %dma_wait3A_177 = tpu.memref_slice %arg6[%arg0, %mul3A_170, %dma_wait3A_176] : memref<2x10000x128xf32, #tpu.memory_space<hbm>> -> memref<1x80x128xf32, #tpu.memory_space<hbm>>
        %dma_wait3A_178 = tpu.memref_squeeze %dma_wait3A_177 : memref<1x80x128xf32, #tpu.memory_space<hbm>> -> memref<80x128xf32, #tpu.memory_space<hbm>>
        %dma_wait3A_179 = arith.constant 0 : i32
        %dma_wait3A_180 = tpu.memref_slice %arg7[%mul3A_170, %dma_wait3A_179] : memref<10000x128xf32, #tpu.memory_space<vmem_shared>> -> memref<80x128xf32, #tpu.memory_space<vmem_shared>>
        tpu.wait_dma2 semaphore(%run_scoped3A : memref<!tpu.dma_semaphore, #tpu.memory_space<semaphore_mem>>) src(%dma_wait3A_180 : memref<80x128xf32, #tpu.memory_space<vmem_shared>>) dst(%dma_wait3A_178 : memref<80x128xf32, #tpu.memory_space<hbm>>)
        tpu.yield
      }) : () -> ()
    } else {
    }
    %add3A_120 = arith.constant 16 : i32
    %add3A_121 = arith.addi %arg1, %add3A_120 : i32
    %lt3A_122 = arith.constant 125 : i32
    %lt3A_123 = arith.cmpi slt, %add3A_121, %lt3A_122 : i32
    %convert_element_type3A_124 = arith.extui %lt3A_123 : i1 to i32
    %cond3A_125 = arith.constant 0 : i32
    %cond3A_126 = arith.cmpi ne, %convert_element_type3A_124, %cond3A_125 : i32
    scf.if %cond3A_126 {
      %mul3A_169 = arith.constant 80 : i32
      %mul3A_170 = arith.muli %add3A_121, %mul3A_169 : i32
      "tpu.region"() ({
        %run_scoped3A = tpu.sem_alloc : memref<!tpu.dma_semaphore, #tpu.memory_space<semaphore_mem>>
        %dma_start3A_171 = arith.constant 0 : i32
        %dma_start3A_172 = tpu.memref_slice %arg6[%arg0, %mul3A_170, %dma_start3A_171] : memref<2x10000x128xf32, #tpu.memory_space<hbm>> -> memref<1x80x128xf32, #tpu.memory_space<hbm>>
        %dma_start3A_173 = tpu.memref_squeeze %dma_start3A_172 : memref<1x80x128xf32, #tpu.memory_space<hbm>> -> memref<80x128xf32, #tpu.memory_space<hbm>>
        %dma_start3A_174 = arith.constant 0 : i32
        %dma_start3A_175 = tpu.memref_slice %arg7[%mul3A_170, %dma_start3A_174] : memref<10000x128xf32, #tpu.memory_space<vmem_shared>> -> memref<80x128xf32, #tpu.memory_space<vmem_shared>>
        tpu.enqueue_dma source(%dma_start3A_175 : memref<80x128xf32, #tpu.memory_space<vmem_shared>>) target(%dma_start3A_173 : memref<80x128xf32, #tpu.memory_space<hbm>>) target_semaphore(%run_scoped3A : memref<!tpu.dma_semaphore, #tpu.memory_space<semaphore_mem>>)
        %dma_wait3A_176 = arith.constant 0 : i32
        %dma_wait3A_177 = tpu.memref_slice %arg6[%arg0, %mul3A_170, %dma_wait3A_176] : memref<2x10000x128xf32, #tpu.memory_space<hbm>> -> memref<1x80x128xf32, #tpu.memory_space<hbm>>
        %dma_wait3A_178 = tpu.memref_squeeze %dma_wait3A_177 : memref<1x80x128xf32, #tpu.memory_space<hbm>> -> memref<80x128xf32, #tpu.memory_space<hbm>>
        %dma_wait3A_179 = arith.constant 0 : i32
        %dma_wait3A_180 = tpu.memref_slice %arg7[%mul3A_170, %dma_wait3A_179] : memref<10000x128xf32, #tpu.memory_space<vmem_shared>> -> memref<80x128xf32, #tpu.memory_space<vmem_shared>>
        tpu.wait_dma2 semaphore(%run_scoped3A : memref<!tpu.dma_semaphore, #tpu.memory_space<semaphore_mem>>) src(%dma_wait3A_180 : memref<80x128xf32, #tpu.memory_space<vmem_shared>>) dst(%dma_wait3A_178 : memref<80x128xf32, #tpu.memory_space<hbm>>)
        tpu.yield
      }) : () -> ()
    } else {
    }
    %add3A_127 = arith.constant 32 : i32
    %add3A_128 = arith.addi %arg1, %add3A_127 : i32
    %lt3A_129 = arith.constant 125 : i32
    %lt3A_130 = arith.cmpi slt, %add3A_128, %lt3A_129 : i32
    %convert_element_type3A_131 = arith.extui %lt3A_130 : i1 to i32
    %cond3A_132 = arith.constant 0 : i32
    %cond3A_133 = arith.cmpi ne, %convert_element_type3A_131, %cond3A_132 : i32
    scf.if %cond3A_133 {
      %mul3A_169 = arith.constant 80 : i32
      %mul3A_170 = arith.muli %add3A_128, %mul3A_169 : i32
      "tpu.region"() ({
        %run_scoped3A = tpu.sem_alloc : memref<!tpu.dma_semaphore, #tpu.memory_space<semaphore_mem>>
        %dma_start3A_171 = arith.constant 0 : i32
        %dma_start3A_172 = tpu.memref_slice %arg6[%arg0, %mul3A_170, %dma_start3A_171] : memref<2x10000x128xf32, #tpu.memory_space<hbm>> -> memref<1x80x128xf32, #tpu.memory_space<hbm>>
        %dma_start3A_173 = tpu.memref_squeeze %dma_start3A_172 : memref<1x80x128xf32, #tpu.memory_space<hbm>> -> memref<80x128xf32, #tpu.memory_space<hbm>>
        %dma_start3A_174 = arith.constant 0 : i32
        %dma_start3A_175 = tpu.memref_slice %arg7[%mul3A_170, %dma_start3A_174] : memref<10000x128xf32, #tpu.memory_space<vmem_shared>> -> memref<80x128xf32, #tpu.memory_space<vmem_shared>>
        tpu.enqueue_dma source(%dma_start3A_175 : memref<80x128xf32, #tpu.memory_space<vmem_shared>>) target(%dma_start3A_173 : memref<80x128xf32, #tpu.memory_space<hbm>>) target_semaphore(%run_scoped3A : memref<!tpu.dma_semaphore, #tpu.memory_space<semaphore_mem>>)
        %dma_wait3A_176 = arith.constant 0 : i32
        %dma_wait3A_177 = tpu.memref_slice %arg6[%arg0, %mul3A_170, %dma_wait3A_176] : memref<2x10000x128xf32, #tpu.memory_space<hbm>> -> memref<1x80x128xf32, #tpu.memory_space<hbm>>
        %dma_wait3A_178 = tpu.memref_squeeze %dma_wait3A_177 : memref<1x80x128xf32, #tpu.memory_space<hbm>> -> memref<80x128xf32, #tpu.memory_space<hbm>>
        %dma_wait3A_179 = arith.constant 0 : i32
        %dma_wait3A_180 = tpu.memref_slice %arg7[%mul3A_170, %dma_wait3A_179] : memref<10000x128xf32, #tpu.memory_space<vmem_shared>> -> memref<80x128xf32, #tpu.memory_space<vmem_shared>>
        tpu.wait_dma2 semaphore(%run_scoped3A : memref<!tpu.dma_semaphore, #tpu.memory_space<semaphore_mem>>) src(%dma_wait3A_180 : memref<80x128xf32, #tpu.memory_space<vmem_shared>>) dst(%dma_wait3A_178 : memref<80x128xf32, #tpu.memory_space<hbm>>)
        tpu.yield
      }) : () -> ()
    } else {
    }
    %add3A_134 = arith.constant 48 : i32
    %add3A_135 = arith.addi %arg1, %add3A_134 : i32
    %lt3A_136 = arith.constant 125 : i32
    %lt3A_137 = arith.cmpi slt, %add3A_135, %lt3A_136 : i32
    %convert_element_type3A_138 = arith.extui %lt3A_137 : i1 to i32
    %cond3A_139 = arith.constant 0 : i32
    %cond3A_140 = arith.cmpi ne, %convert_element_type3A_138, %cond3A_139 : i32
    scf.if %cond3A_140 {
      %mul3A_169 = arith.constant 80 : i32
      %mul3A_170 = arith.muli %add3A_135, %mul3A_169 : i32
      "tpu.region"() ({
        %run_scoped3A = tpu.sem_alloc : memref<!tpu.dma_semaphore, #tpu.memory_space<semaphore_mem>>
        %dma_start3A_171 = arith.constant 0 : i32
        %dma_start3A_172 = tpu.memref_slice %arg6[%arg0, %mul3A_170, %dma_start3A_171] : memref<2x10000x128xf32, #tpu.memory_space<hbm>> -> memref<1x80x128xf32, #tpu.memory_space<hbm>>
        %dma_start3A_173 = tpu.memref_squeeze %dma_start3A_172 : memref<1x80x128xf32, #tpu.memory_space<hbm>> -> memref<80x128xf32, #tpu.memory_space<hbm>>
        %dma_start3A_174 = arith.constant 0 : i32
        %dma_start3A_175 = tpu.memref_slice %arg7[%mul3A_170, %dma_start3A_174] : memref<10000x128xf32, #tpu.memory_space<vmem_shared>> -> memref<80x128xf32, #tpu.memory_space<vmem_shared>>
        tpu.enqueue_dma source(%dma_start3A_175 : memref<80x128xf32, #tpu.memory_space<vmem_shared>>) target(%dma_start3A_173 : memref<80x128xf32, #tpu.memory_space<hbm>>) target_semaphore(%run_scoped3A : memref<!tpu.dma_semaphore, #tpu.memory_space<semaphore_mem>>)
        %dma_wait3A_176 = arith.constant 0 : i32
        %dma_wait3A_177 = tpu.memref_slice %arg6[%arg0, %mul3A_170, %dma_wait3A_176] : memref<2x10000x128xf32, #tpu.memory_space<hbm>> -> memref<1x80x128xf32, #tpu.memory_space<hbm>>
        %dma_wait3A_178 = tpu.memref_squeeze %dma_wait3A_177 : memref<1x80x128xf32, #tpu.memory_space<hbm>> -> memref<80x128xf32, #tpu.memory_space<hbm>>
        %dma_wait3A_179 = arith.constant 0 : i32
        %dma_wait3A_180 = tpu.memref_slice %arg7[%mul3A_170, %dma_wait3A_179] : memref<10000x128xf32, #tpu.memory_space<vmem_shared>> -> memref<80x128xf32, #tpu.memory_space<vmem_shared>>
        tpu.wait_dma2 semaphore(%run_scoped3A : memref<!tpu.dma_semaphore, #tpu.memory_space<semaphore_mem>>) src(%dma_wait3A_180 : memref<80x128xf32, #tpu.memory_space<vmem_shared>>) dst(%dma_wait3A_178 : memref<80x128xf32, #tpu.memory_space<hbm>>)
        tpu.yield
      }) : () -> ()
    } else {
    }
    %add3A_141 = arith.constant 64 : i32
    %add3A_142 = arith.addi %arg1, %add3A_141 : i32
    %lt3A_143 = arith.constant 125 : i32
    %lt3A_144 = arith.cmpi slt, %add3A_142, %lt3A_143 : i32
    %convert_element_type3A_145 = arith.extui %lt3A_144 : i1 to i32
    %cond3A_146 = arith.constant 0 : i32
    %cond3A_147 = arith.cmpi ne, %convert_element_type3A_145, %cond3A_146 : i32
    scf.if %cond3A_147 {
      %mul3A_169 = arith.constant 80 : i32
      %mul3A_170 = arith.muli %add3A_142, %mul3A_169 : i32
      "tpu.region"() ({
        %run_scoped3A = tpu.sem_alloc : memref<!tpu.dma_semaphore, #tpu.memory_space<semaphore_mem>>
        %dma_start3A_171 = arith.constant 0 : i32
        %dma_start3A_172 = tpu.memref_slice %arg6[%arg0, %mul3A_170, %dma_start3A_171] : memref<2x10000x128xf32, #tpu.memory_space<hbm>> -> memref<1x80x128xf32, #tpu.memory_space<hbm>>
        %dma_start3A_173 = tpu.memref_squeeze %dma_start3A_172 : memref<1x80x128xf32, #tpu.memory_space<hbm>> -> memref<80x128xf32, #tpu.memory_space<hbm>>
        %dma_start3A_174 = arith.constant 0 : i32
        %dma_start3A_175 = tpu.memref_slice %arg7[%mul3A_170, %dma_start3A_174] : memref<10000x128xf32, #tpu.memory_space<vmem_shared>> -> memref<80x128xf32, #tpu.memory_space<vmem_shared>>
        tpu.enqueue_dma source(%dma_start3A_175 : memref<80x128xf32, #tpu.memory_space<vmem_shared>>) target(%dma_start3A_173 : memref<80x128xf32, #tpu.memory_space<hbm>>) target_semaphore(%run_scoped3A : memref<!tpu.dma_semaphore, #tpu.memory_space<semaphore_mem>>)
        %dma_wait3A_176 = arith.constant 0 : i32
        %dma_wait3A_177 = tpu.memref_slice %arg6[%arg0, %mul3A_170, %dma_wait3A_176] : memref<2x10000x128xf32, #tpu.memory_space<hbm>> -> memref<1x80x128xf32, #tpu.memory_space<hbm>>
        %dma_wait3A_178 = tpu.memref_squeeze %dma_wait3A_177 : memref<1x80x128xf32, #tpu.memory_space<hbm>> -> memref<80x128xf32, #tpu.memory_space<hbm>>
        %dma_wait3A_179 = arith.constant 0 : i32
        %dma_wait3A_180 = tpu.memref_slice %arg7[%mul3A_170, %dma_wait3A_179] : memref<10000x128xf32, #tpu.memory_space<vmem_shared>> -> memref<80x128xf32, #tpu.memory_space<vmem_shared>>
        tpu.wait_dma2 semaphore(%run_scoped3A : memref<!tpu.dma_semaphore, #tpu.memory_space<semaphore_mem>>) src(%dma_wait3A_180 : memref<80x128xf32, #tpu.memory_space<vmem_shared>>) dst(%dma_wait3A_178 : memref<80x128xf32, #tpu.memory_space<hbm>>)
        tpu.yield
      }) : () -> ()
    } else {
    }
    %add3A_148 = arith.constant 80 : i32
    %add3A_149 = arith.addi %arg1, %add3A_148 : i32
    %lt3A_150 = arith.constant 125 : i32
    %lt3A_151 = arith.cmpi slt, %add3A_149, %lt3A_150 : i32
    %convert_element_type3A_152 = arith.extui %lt3A_151 : i1 to i32
    %cond3A_153 = arith.constant 0 : i32
    %cond3A_154 = arith.cmpi ne, %convert_element_type3A_152, %cond3A_153 : i32
    scf.if %cond3A_154 {
      %mul3A_169 = arith.constant 80 : i32
      %mul3A_170 = arith.muli %add3A_149, %mul3A_169 : i32
      "tpu.region"() ({
        %run_scoped3A = tpu.sem_alloc : memref<!tpu.dma_semaphore, #tpu.memory_space<semaphore_mem>>
        %dma_start3A_171 = arith.constant 0 : i32
        %dma_start3A_172 = tpu.memref_slice %arg6[%arg0, %mul3A_170, %dma_start3A_171] : memref<2x10000x128xf32, #tpu.memory_space<hbm>> -> memref<1x80x128xf32, #tpu.memory_space<hbm>>
        %dma_start3A_173 = tpu.memref_squeeze %dma_start3A_172 : memref<1x80x128xf32, #tpu.memory_space<hbm>> -> memref<80x128xf32, #tpu.memory_space<hbm>>
        %dma_start3A_174 = arith.constant 0 : i32
        %dma_start3A_175 = tpu.memref_slice %arg7[%mul3A_170, %dma_start3A_174] : memref<10000x128xf32, #tpu.memory_space<vmem_shared>> -> memref<80x128xf32, #tpu.memory_space<vmem_shared>>
        tpu.enqueue_dma source(%dma_start3A_175 : memref<80x128xf32, #tpu.memory_space<vmem_shared>>) target(%dma_start3A_173 : memref<80x128xf32, #tpu.memory_space<hbm>>) target_semaphore(%run_scoped3A : memref<!tpu.dma_semaphore, #tpu.memory_space<semaphore_mem>>)
        %dma_wait3A_176 = arith.constant 0 : i32
        %dma_wait3A_177 = tpu.memref_slice %arg6[%arg0, %mul3A_170, %dma_wait3A_176] : memref<2x10000x128xf32, #tpu.memory_space<hbm>> -> memref<1x80x128xf32, #tpu.memory_space<hbm>>
        %dma_wait3A_178 = tpu.memref_squeeze %dma_wait3A_177 : memref<1x80x128xf32, #tpu.memory_space<hbm>> -> memref<80x128xf32, #tpu.memory_space<hbm>>
        %dma_wait3A_179 = arith.constant 0 : i32
        %dma_wait3A_180 = tpu.memref_slice %arg7[%mul3A_170, %dma_wait3A_179] : memref<10000x128xf32, #tpu.memory_space<vmem_shared>> -> memref<80x128xf32, #tpu.memory_space<vmem_shared>>
        tpu.wait_dma2 semaphore(%run_scoped3A : memref<!tpu.dma_semaphore, #tpu.memory_space<semaphore_mem>>) src(%dma_wait3A_180 : memref<80x128xf32, #tpu.memory_space<vmem_shared>>) dst(%dma_wait3A_178 : memref<80x128xf32, #tpu.memory_space<hbm>>)
        tpu.yield
      }) : () -> ()
    } else {
    }
    %add3A_155 = arith.constant 96 : i32
    %add3A_156 = arith.addi %arg1, %add3A_155 : i32
    %lt3A_157 = arith.constant 125 : i32
    %lt3A_158 = arith.cmpi slt, %add3A_156, %lt3A_157 : i32
    %convert_element_type3A_159 = arith.extui %lt3A_158 : i1 to i32
    %cond3A_160 = arith.constant 0 : i32
    %cond3A_161 = arith.cmpi ne, %convert_element_type3A_159, %cond3A_160 : i32
    scf.if %cond3A_161 {
      %mul3A_169 = arith.constant 80 : i32
      %mul3A_170 = arith.muli %add3A_156, %mul3A_169 : i32
      "tpu.region"() ({
        %run_scoped3A = tpu.sem_alloc : memref<!tpu.dma_semaphore, #tpu.memory_space<semaphore_mem>>
        %dma_start3A_171 = arith.constant 0 : i32
        %dma_start3A_172 = tpu.memref_slice %arg6[%arg0, %mul3A_170, %dma_start3A_171] : memref<2x10000x128xf32, #tpu.memory_space<hbm>> -> memref<1x80x128xf32, #tpu.memory_space<hbm>>
        %dma_start3A_173 = tpu.memref_squeeze %dma_start3A_172 : memref<1x80x128xf32, #tpu.memory_space<hbm>> -> memref<80x128xf32, #tpu.memory_space<hbm>>
        %dma_start3A_174 = arith.constant 0 : i32
        %dma_start3A_175 = tpu.memref_slice %arg7[%mul3A_170, %dma_start3A_174] : memref<10000x128xf32, #tpu.memory_space<vmem_shared>> -> memref<80x128xf32, #tpu.memory_space<vmem_shared>>
        tpu.enqueue_dma source(%dma_start3A_175 : memref<80x128xf32, #tpu.memory_space<vmem_shared>>) target(%dma_start3A_173 : memref<80x128xf32, #tpu.memory_space<hbm>>) target_semaphore(%run_scoped3A : memref<!tpu.dma_semaphore, #tpu.memory_space<semaphore_mem>>)
        %dma_wait3A_176 = arith.constant 0 : i32
        %dma_wait3A_177 = tpu.memref_slice %arg6[%arg0, %mul3A_170, %dma_wait3A_176] : memref<2x10000x128xf32, #tpu.memory_space<hbm>> -> memref<1x80x128xf32, #tpu.memory_space<hbm>>
        %dma_wait3A_178 = tpu.memref_squeeze %dma_wait3A_177 : memref<1x80x128xf32, #tpu.memory_space<hbm>> -> memref<80x128xf32, #tpu.memory_space<hbm>>
        %dma_wait3A_179 = arith.constant 0 : i32
        %dma_wait3A_180 = tpu.memref_slice %arg7[%mul3A_170, %dma_wait3A_179] : memref<10000x128xf32, #tpu.memory_space<vmem_shared>> -> memref<80x128xf32, #tpu.memory_space<vmem_shared>>
        tpu.wait_dma2 semaphore(%run_scoped3A : memref<!tpu.dma_semaphore, #tpu.memory_space<semaphore_mem>>) src(%dma_wait3A_180 : memref<80x128xf32, #tpu.memory_space<vmem_shared>>) dst(%dma_wait3A_178 : memref<80x128xf32, #tpu.memory_space<hbm>>)
        tpu.yield
      }) : () -> ()
    } else {
    }
    %add3A_162 = arith.constant 112 : i32
    %add3A_163 = arith.addi %arg1, %add3A_162 : i32
    %lt3A_164 = arith.constant 125 : i32
    %lt3A_165 = arith.cmpi slt, %add3A_163, %lt3A_164 : i32
    %convert_element_type3A_166 = arith.extui %lt3A_165 : i1 to i32
    %cond3A_167 = arith.constant 0 : i32
    %cond3A_168 = arith.cmpi ne, %convert_element_type3A_166, %cond3A_167 : i32
    scf.if %cond3A_168 {
      %mul3A_169 = arith.constant 80 : i32
      %mul3A_170 = arith.muli %add3A_163, %mul3A_169 : i32
      "tpu.region"() ({
        %run_scoped3A = tpu.sem_alloc : memref<!tpu.dma_semaphore, #tpu.memory_space<semaphore_mem>>
        %dma_start3A_171 = arith.constant 0 : i32
        %dma_start3A_172 = tpu.memref_slice %arg6[%arg0, %mul3A_170, %dma_start3A_171] : memref<2x10000x128xf32, #tpu.memory_space<hbm>> -> memref<1x80x128xf32, #tpu.memory_space<hbm>>
        %dma_start3A_173 = tpu.memref_squeeze %dma_start3A_172 : memref<1x80x128xf32, #tpu.memory_space<hbm>> -> memref<80x128xf32, #tpu.memory_space<hbm>>
        %dma_start3A_174 = arith.constant 0 : i32
        %dma_start3A_175 = tpu.memref_slice %arg7[%mul3A_170, %dma_start3A_174] : memref<10000x128xf32, #tpu.memory_space<vmem_shared>> -> memref<80x128xf32, #tpu.memory_space<vmem_shared>>
        tpu.enqueue_dma source(%dma_start3A_175 : memref<80x128xf32, #tpu.memory_space<vmem_shared>>) target(%dma_start3A_173 : memref<80x128xf32, #tpu.memory_space<hbm>>) target_semaphore(%run_scoped3A : memref<!tpu.dma_semaphore, #tpu.memory_space<semaphore_mem>>)
        %dma_wait3A_176 = arith.constant 0 : i32
        %dma_wait3A_177 = tpu.memref_slice %arg6[%arg0, %mul3A_170, %dma_wait3A_176] : memref<2x10000x128xf32, #tpu.memory_space<hbm>> -> memref<1x80x128xf32, #tpu.memory_space<hbm>>
        %dma_wait3A_178 = tpu.memref_squeeze %dma_wait3A_177 : memref<1x80x128xf32, #tpu.memory_space<hbm>> -> memref<80x128xf32, #tpu.memory_space<hbm>>
        %dma_wait3A_179 = arith.constant 0 : i32
        %dma_wait3A_180 = tpu.memref_slice %arg7[%mul3A_170, %dma_wait3A_179] : memref<10000x128xf32, #tpu.memory_space<vmem_shared>> -> memref<80x128xf32, #tpu.memory_space<vmem_shared>>
        tpu.wait_dma2 semaphore(%run_scoped3A : memref<!tpu.dma_semaphore, #tpu.memory_space<semaphore_mem>>) src(%dma_wait3A_180 : memref<80x128xf32, #tpu.memory_space<vmem_shared>>) dst(%dma_wait3A_178 : memref<80x128xf32, #tpu.memory_space<hbm>>)
        tpu.yield
      }) : () -> ()
    } else {
    }
    return
  }
}

module attributes {stable_mosaic.version = 14 : i64} {
  func.func @body(%arg0: i32, %arg1: memref<1x8x8xf32, #tpu.memory_space<vmem>>, %arg2: memref<1x8x32768xf32, #tpu.memory_space<vmem>>, %arg3: memref<1x8x32768xf32, #tpu.memory_space<vmem>>) attributes {dimension_semantics = [#tpu.dimension_semantics<arbitrary>], iteration_bounds = array<i64: 2>, scalar_prefetch = 0 : i64, scratch_operands = 0 : i64, tpu.core_type = #tpu.core_type<tc>, window_params = [{transform_indices = @transform_0, window_bounds = array<i64: 1, 8, 8>}, {transform_indices = @transform_1, window_bounds = array<i64: 1, 8, 32768>}, {transform_indices = @transform_2, window_bounds = array<i64: 1, 8, 32768>}]} {
    %get3A = arith.constant 0 : index
    %get3A_0 = arith.constant 0 : index
    %get3A_1 = arith.constant 0 : index
    %get3A_2 = vector.load %arg1[%get3A, %get3A_0, %get3A_1] : memref<1x8x8xf32, #tpu.memory_space<vmem>>, vector<1x8x8xf32>
    %get3A_3 = vector.shape_cast %get3A_2 : vector<1x8x8xf32> to vector<8x8xf32>
    %get3A_4 = arith.constant 0 : index
    %get3A_5 = arith.constant 0 : index
    %get3A_6 = arith.constant 0 : index
    %get3A_7 = vector.load %arg2[%get3A_4, %get3A_5, %get3A_6] : memref<1x8x32768xf32, #tpu.memory_space<vmem>>, vector<1x8x32768xf32>
    %get3A_8 = vector.shape_cast %get3A_7 : vector<1x8x32768xf32> to vector<8x32768xf32>
    %dot_general3A = arith.constant dense<0.000000e+00> : vector<8x32768xf32>
    %dot_general3A_9 = tpu.matmul %get3A_3, %get3A_8, %dot_general3A {dimension_numbers = #tpu.dot_dimension_numbers<[1], [0], [0], [1], [0, 0, 1, 1], [], []>, transpose_lhs_hint = false} : vector<8x8xf32>, vector<8x32768xf32>, vector<8x32768xf32> -> vector<8x32768xf32>
    %swap3A = arith.constant 0 : index
    %swap3A_10 = arith.constant 0 : index
    %swap3A_11 = arith.constant 0 : index
    %swap3A_12 = vector.load %arg3[%swap3A, %swap3A_10, %swap3A_11] : memref<1x8x32768xf32, #tpu.memory_space<vmem>>, vector<1x8x32768xf32>
    %swap3A_13 = vector.shape_cast %swap3A_12 : vector<1x8x32768xf32> to vector<8x32768xf32>
    %swap3A_14 = vector.shape_cast %dot_general3A_9 : vector<8x32768xf32> to vector<1x8x32768xf32>
    tpu.vector_store %arg3[%swap3A, %swap3A_10, %swap3A_11], %swap3A_14 {strides = array<i32>} : memref<1x8x32768xf32, #tpu.memory_space<vmem>>, vector<1x8x32768xf32>,
    return
  }
  func.func @transform_0(%arg0: i32) -> (i32, i32, i32) {
    %c0_i32 = arith.constant 0 : i32
    %c0_i32_0 = arith.constant 0 : i32
    %c0_i32_1 = arith.constant 0 : i32
    return %arg0, %c0_i32, %c0_i32_0 : i32, i32, i32
  }
  func.func @transform_1(%arg0: i32) -> (i32, i32, i32) {
    %c0_i32 = arith.constant 0 : i32
    %c0_i32_0 = arith.constant 0 : i32
    %c0_i32_1 = arith.constant 0 : i32
    return %arg0, %c0_i32, %c0_i32_0 : i32, i32, i32
  }
  func.func @transform_2(%arg0: i32) -> (i32, i32, i32) {
    %c0_i32 = arith.constant 0 : i32
    %c0_i32_0 = arith.constant 0 : i32
    %c0_i32_1 = arith.constant 0 : i32
    return %arg0, %c0_i32, %c0_i32_0 : i32, i32, i32
  }
}

module attributes {stable_mosaic.version = 14 : i64} {
  func.func @body(%arg0: i32, %arg1: i32, %arg2: memref<2000x128xf32, #tpu.memory_space<vmem>>, %arg3: memref<1x1x128x256xf32, #tpu.memory_space<vmem>>, %arg4: memref<2x1x2000x128xf32, #tpu.memory_space<vmem>>) attributes {dimension_semantics = [#tpu.dimension_semantics<arbitrary>, #tpu.dimension_semantics<arbitrary>], iteration_bounds = array<i64: 5, 8>, scalar_prefetch = 0 : i64, scratch_operands = 0 : i64, tpu.core_type = #tpu.core_type<tc>, window_params = [{transform_indices = @transform_0, window_bounds = array<i64: 2000, 128>}, {transform_indices = @transform_1, window_bounds = array<i64: 1, 1, 128, 256>}, {transform_indices = @transform_2, window_bounds = array<i64: 2, 1, 2000, 128>}]} {
    %get3A = arith.constant 0 : index
    %get3A_0 = arith.constant 0 : index
    %get3A_1 = vector.load %arg2[%get3A, %get3A_0] : memref<2000x128xf32, #tpu.memory_space<vmem>>, vector<2000x128xf32>
    %get3A_2 = arith.constant 0 : index
    %get3A_3 = arith.constant 0 : index
    %get3A_4 = arith.constant 0 : index
    %get3A_5 = arith.constant 0 : index
    %get3A_6 = vector.load %arg3[%get3A_2, %get3A_3, %get3A_4, %get3A_5] : memref<1x1x128x256xf32, #tpu.memory_space<vmem>>, vector<1x1x128x256xf32>
    %get3A_7 = vector.shape_cast %get3A_6 : vector<1x1x128x256xf32> to vector<128x256xf32>
    %dot_general3A = arith.constant dense<0.000000e+00> : vector<2000x256xf32>
    %dot_general3A_8 = tpu.matmul %get3A_1, %get3A_7, %dot_general3A {dimension_numbers = #tpu.dot_dimension_numbers<[1], [0], [0], [1], [0, 0, 1, 1], [], []>, transpose_lhs_hint = false} : vector<2000x128xf32>, vector<128x256xf32>, vector<2000x256xf32> -> vector<2000x256xf32>
    %slice3A = vector.extract_strided_slice %dot_general3A_8 {offsets = [0, 0], sizes = [2000, 128], strides = [1, 1]} : vector<2000x256xf32> to vector<2000x128xf32>
    %swap3A = arith.constant 0 : index
    %swap3A_9 = arith.constant 0 : index
    %swap3A_10 = arith.constant 0 : index
    %swap3A_11 = arith.constant 0 : index
    %swap3A_12 = vector.load %arg4[%swap3A, %swap3A_9, %swap3A_10, %swap3A_11] : memref<2x1x2000x128xf32, #tpu.memory_space<vmem>>, vector<1x1x2000x128xf32>
    %swap3A_13 = vector.shape_cast %swap3A_12 : vector<1x1x2000x128xf32> to vector<2000x128xf32>
    %swap3A_14 = vector.shape_cast %slice3A : vector<2000x128xf32> to vector<1x1x2000x128xf32>
    tpu.vector_store %arg4[%swap3A, %swap3A_9, %swap3A_10, %swap3A_11], %swap3A_14 {strides = array<i32>} : memref<2x1x2000x128xf32, #tpu.memory_space<vmem>>, vector<1x1x2000x128xf32>,
    %slice3A_15 = vector.extract_strided_slice %dot_general3A_8 {offsets = [0, 128], sizes = [2000, 128], strides = [1, 1]} : vector<2000x256xf32> to vector<2000x128xf32>
    %swap3A_16 = arith.constant 1 : index
    %swap3A_17 = arith.constant 0 : index
    %swap3A_18 = arith.constant 0 : index
    %swap3A_19 = arith.constant 0 : index
    %swap3A_20 = vector.load %arg4[%swap3A_16, %swap3A_17, %swap3A_18, %swap3A_19] : memref<2x1x2000x128xf32, #tpu.memory_space<vmem>>, vector<1x1x2000x128xf32>
    %swap3A_21 = vector.shape_cast %swap3A_20 : vector<1x1x2000x128xf32> to vector<2000x128xf32>
    %swap3A_22 = vector.shape_cast %slice3A_15 : vector<2000x128xf32> to vector<1x1x2000x128xf32>
    tpu.vector_store %arg4[%swap3A_16, %swap3A_17, %swap3A_18, %swap3A_19], %swap3A_22 {strides = array<i32>} : memref<2x1x2000x128xf32, #tpu.memory_space<vmem>>, vector<1x1x2000x128xf32>,
    return
  }
  func.func @transform_0(%arg0: i32, %arg1: i32) -> (i32, i32) {
    %c0_i32 = arith.constant 0 : i32
    %c0_i32_0 = arith.constant 0 : i32
    return %arg0, %c0_i32 : i32, i32
  }
  func.func @transform_1(%arg0: i32, %arg1: i32) -> (i32, i32, i32, i32) {
    %c0_i32 = arith.constant 0 : i32
    %c0_i32_0 = arith.constant 0 : i32
    %c0_i32_1 = arith.constant 0 : i32
    %c0_i32_2 = arith.constant 0 : i32
    return %c0_i32, %arg1, %c0_i32_0, %c0_i32_1 : i32, i32, i32, i32
  }
  func.func @transform_2(%arg0: i32, %arg1: i32) -> (i32, i32, i32, i32) {
    %c0_i32 = arith.constant 0 : i32
    %c0_i32_0 = arith.constant 0 : i32
    %c0_i32_1 = arith.constant 0 : i32
    return %c0_i32, %arg1, %arg0, %c0_i32_0 : i32, i32, i32, i32
  }
}

module attributes {stable_mosaic.version = 14 : i64} {
  func.func @body(%arg0: i32, %arg1: memref<1x2000x128xf32, #tpu.memory_space<vmem>>, %arg2: memref<1x2000x128xf32, #tpu.memory_space<vmem>>, %arg3: memref<2000x128xf32, #tpu.memory_space<vmem>>, %arg4: memref<128x256xf32, #tpu.memory_space<vmem>>, %arg5: memref<1x256xf32, #tpu.memory_space<vmem>>, %arg6: memref<1x8x256x128xf32, #tpu.memory_space<vmem>>, %arg7: memref<2000x256xf32, #tpu.memory_space<vmem>>, %arg8: memref<1x8x2000x128xf32, #tpu.memory_space<vmem>>) attributes {dimension_semantics = [#tpu.dimension_semantics<arbitrary>], iteration_bounds = array<i64: 5>, scalar_prefetch = 0 : i64, scratch_operands = 0 : i64, tpu.core_type = #tpu.core_type<tc>, window_params = [{transform_indices = @transform_0, window_bounds = array<i64: 1, 2000, 128>}, {transform_indices = @transform_1, window_bounds = array<i64: 1, 2000, 128>}, {transform_indices = @transform_2, window_bounds = array<i64: 2000, 128>}, {pipeline_mode = #tpu.pipeline_mode<synchronous>, transform_indices = @transform_3, window_bounds = array<i64: 128, 256>}, {pipeline_mode = #tpu.pipeline_mode<synchronous>, transform_indices = @transform_4, window_bounds = array<i64: 1, 256>}, {transform_indices = @transform_5, window_bounds = array<i64: 1, 8, 256, 128>}, {transform_indices = @transform_6, window_bounds = array<i64: 2000, 256>}, {transform_indices = @transform_7, window_bounds = array<i64: 1, 8, 2000, 128>}]} {
    %get3A = arith.constant 0 : index
    %get3A_0 = arith.constant 0 : index
    %get3A_1 = vector.load %arg3[%get3A, %get3A_0] : memref<2000x128xf32, #tpu.memory_space<vmem>>, vector<2000x128xf32>
    %get3A_2 = arith.constant 0 : index
    %get3A_3 = arith.constant 0 : index
    %get3A_4 = vector.load %arg4[%get3A_2, %get3A_3] : memref<128x256xf32, #tpu.memory_space<vmem>>, vector<128x256xf32>
    %dot_general3A = arith.constant dense<0.000000e+00> : vector<2000x256xf32>
    %dot_general3A_5 = tpu.matmul %get3A_1, %get3A_4, %dot_general3A {dimension_numbers = #tpu.dot_dimension_numbers<[1], [0], [0], [1], [0, 0, 1, 1], [], []>, transpose_lhs_hint = false} : vector<2000x128xf32>, vector<128x256xf32>, vector<2000x256xf32> -> vector<2000x256xf32>
    %get3A_6 = arith.constant 0 : index
    %get3A_7 = arith.constant 0 : index
    %get3A_8 = arith.constant 0 : index
    %get3A_9 = vector.load %arg1[%get3A_6, %get3A_7, %get3A_8] : memref<1x2000x128xf32, #tpu.memory_space<vmem>>, vector<1x2000x128xf32>
    %get3A_10 = vector.shape_cast %get3A_9 : vector<1x2000x128xf32> to vector<2000x128xf32>
    %get3A_11 = arith.constant 0 : index
    %get3A_12 = arith.constant 0 : index
    %get3A_13 = arith.constant 0 : index
    %get3A_14 = vector.load %arg2[%get3A_11, %get3A_12, %get3A_13] : memref<1x2000x128xf32, #tpu.memory_space<vmem>>, vector<1x2000x128xf32>
    %get3A_15 = vector.shape_cast %get3A_14 : vector<1x2000x128xf32> to vector<2000x128xf32>
    %concatenate3A = tpu.concatenate %get3A_10, %get3A_15 in 1 : vector<2000x128xf32>, vector<2000x128xf32> -> vector<2000x256xf32>
    %add3A = arith.addf %concatenate3A, %dot_general3A_5 : vector<2000x256xf32>
    %get3A_16 = arith.constant 0 : index
    %get3A_17 = arith.constant 0 : index
    %get3A_18 = vector.load %arg5[%get3A_16, %get3A_17] : memref<1x256xf32, #tpu.memory_space<vmem>>, vector<1x256xf32>
    %add3A_19 = vector.broadcast %get3A_18 : vector<1x256xf32> to vector<2000x256xf32>
    %add3A_20 = arith.addf %add3A, %add3A_19 : vector<2000x256xf32>
    %max3A = arith.constant 0.000000e+00 : f32
    %max3A_21 = vector.broadcast %max3A : f32 to vector<2000x256xf32>
    %max3A_22 = arith.maximumf %add3A_20, %max3A_21 : vector<2000x256xf32>
    %swap3A = arith.constant 0 : index
    %swap3A_23 = arith.constant 0 : index
    %swap3A_24 = vector.load %arg7[%swap3A, %swap3A_23] : memref<2000x256xf32, #tpu.memory_space<vmem>>, vector<2000x256xf32>
    tpu.vector_store %arg7[%swap3A, %swap3A_23], %max3A_22 {strides = array<i32>} : memref<2000x256xf32, #tpu.memory_space<vmem>>, vector<2000x256xf32>,
    %get3A_25 = arith.constant 0 : index
    %get3A_26 = arith.constant 0 : index
    %get3A_27 = arith.constant 0 : index
    %get3A_28 = arith.constant 0 : index
    %get3A_29 = vector.load %arg6[%get3A_25, %get3A_26, %get3A_27, %get3A_28] : memref<1x8x256x128xf32, #tpu.memory_space<vmem>>, vector<1x1x256x128xf32>
    %get3A_30 = vector.shape_cast %get3A_29 : vector<1x1x256x128xf32> to vector<256x128xf32>
    %dot_general3A_31 = arith.constant dense<0.000000e+00> : vector<2000x128xf32>
    %dot_general3A_32 = tpu.matmul %max3A_22, %get3A_30, %dot_general3A_31 {dimension_numbers = #tpu.dot_dimension_numbers<[1], [0], [0], [1], [0, 0, 1, 1], [], []>, transpose_lhs_hint = false} : vector<2000x256xf32>, vector<256x128xf32>, vector<2000x128xf32> -> vector<2000x128xf32>
    %swap3A_33 = arith.constant 0 : index
    %swap3A_34 = arith.constant 0 : index
    %swap3A_35 = arith.constant 0 : index
    %swap3A_36 = arith.constant 0 : index
    %swap3A_37 = vector.load %arg8[%swap3A_33, %swap3A_34, %swap3A_35, %swap3A_36] : memref<1x8x2000x128xf32, #tpu.memory_space<vmem>>, vector<1x1x2000x128xf32>
    %swap3A_38 = vector.shape_cast %swap3A_37 : vector<1x1x2000x128xf32> to vector<2000x128xf32>
    %swap3A_39 = vector.shape_cast %dot_general3A_32 : vector<2000x128xf32> to vector<1x1x2000x128xf32>
    tpu.vector_store %arg8[%swap3A_33, %swap3A_34, %swap3A_35, %swap3A_36], %swap3A_39 {strides = array<i32>} : memref<1x8x2000x128xf32, #tpu.memory_space<vmem>>, vector<1x1x2000x128xf32>,
    %get3A_40 = arith.constant 0 : index
    %get3A_41 = arith.constant 1 : index
    %get3A_42 = arith.constant 0 : index
    %get3A_43 = arith.constant 0 : index
    %get3A_44 = vector.load %arg6[%get3A_40, %get3A_41, %get3A_42, %get3A_43] : memref<1x8x256x128xf32, #tpu.memory_space<vmem>>, vector<1x1x256x128xf32>
    %get3A_45 = vector.shape_cast %get3A_44 : vector<1x1x256x128xf32> to vector<256x128xf32>
    %dot_general3A_46 = arith.constant dense<0.000000e+00> : vector<2000x128xf32>
    %dot_general3A_47 = tpu.matmul %max3A_22, %get3A_45, %dot_general3A_46 {dimension_numbers = #tpu.dot_dimension_numbers<[1], [0], [0], [1], [0, 0, 1, 1], [], []>, transpose_lhs_hint = false} : vector<2000x256xf32>, vector<256x128xf32>, vector<2000x128xf32> -> vector<2000x128xf32>
    %swap3A_48 = arith.constant 0 : index
    %swap3A_49 = arith.constant 1 : index
    %swap3A_50 = arith.constant 0 : index
    %swap3A_51 = arith.constant 0 : index
    %swap3A_52 = vector.load %arg8[%swap3A_48, %swap3A_49, %swap3A_50, %swap3A_51] : memref<1x8x2000x128xf32, #tpu.memory_space<vmem>>, vector<1x1x2000x128xf32>
    %swap3A_53 = vector.shape_cast %swap3A_52 : vector<1x1x2000x128xf32> to vector<2000x128xf32>
    %swap3A_54 = vector.shape_cast %dot_general3A_47 : vector<2000x128xf32> to vector<1x1x2000x128xf32>
    tpu.vector_store %arg8[%swap3A_48, %swap3A_49, %swap3A_50, %swap3A_51], %swap3A_54 {strides = array<i32>} : memref<1x8x2000x128xf32, #tpu.memory_space<vmem>>, vector<1x1x2000x128xf32>,
    %get3A_55 = arith.constant 0 : index
    %get3A_56 = arith.constant 2 : index
    %get3A_57 = arith.constant 0 : index
    %get3A_58 = arith.constant 0 : index
    %get3A_59 = vector.load %arg6[%get3A_55, %get3A_56, %get3A_57, %get3A_58] : memref<1x8x256x128xf32, #tpu.memory_space<vmem>>, vector<1x1x256x128xf32>
    %get3A_60 = vector.shape_cast %get3A_59 : vector<1x1x256x128xf32> to vector<256x128xf32>
    %dot_general3A_61 = arith.constant dense<0.000000e+00> : vector<2000x128xf32>
    %dot_general3A_62 = tpu.matmul %max3A_22, %get3A_60, %dot_general3A_61 {dimension_numbers = #tpu.dot_dimension_numbers<[1], [0], [0], [1], [0, 0, 1, 1], [], []>, transpose_lhs_hint = false} : vector<2000x256xf32>, vector<256x128xf32>, vector<2000x128xf32> -> vector<2000x128xf32>
    %swap3A_63 = arith.constant 0 : index
    %swap3A_64 = arith.constant 2 : index
    %swap3A_65 = arith.constant 0 : index
    %swap3A_66 = arith.constant 0 : index
    %swap3A_67 = vector.load %arg8[%swap3A_63, %swap3A_64, %swap3A_65, %swap3A_66] : memref<1x8x2000x128xf32, #tpu.memory_space<vmem>>, vector<1x1x2000x128xf32>
    %swap3A_68 = vector.shape_cast %swap3A_67 : vector<1x1x2000x128xf32> to vector<2000x128xf32>
    %swap3A_69 = vector.shape_cast %dot_general3A_62 : vector<2000x128xf32> to vector<1x1x2000x128xf32>
    tpu.vector_store %arg8[%swap3A_63, %swap3A_64, %swap3A_65, %swap3A_66], %swap3A_69 {strides = array<i32>} : memref<1x8x2000x128xf32, #tpu.memory_space<vmem>>, vector<1x1x2000x128xf32>,
    %get3A_70 = arith.constant 0 : index
    %get3A_71 = arith.constant 3 : index
    %get3A_72 = arith.constant 0 : index
    %get3A_73 = arith.constant 0 : index
    %get3A_74 = vector.load %arg6[%get3A_70, %get3A_71, %get3A_72, %get3A_73] : memref<1x8x256x128xf32, #tpu.memory_space<vmem>>, vector<1x1x256x128xf32>
    %get3A_75 = vector.shape_cast %get3A_74 : vector<1x1x256x128xf32> to vector<256x128xf32>
    %dot_general3A_76 = arith.constant dense<0.000000e+00> : vector<2000x128xf32>
    %dot_general3A_77 = tpu.matmul %max3A_22, %get3A_75, %dot_general3A_76 {dimension_numbers = #tpu.dot_dimension_numbers<[1], [0], [0], [1], [0, 0, 1, 1], [], []>, transpose_lhs_hint = false} : vector<2000x256xf32>, vector<256x128xf32>, vector<2000x128xf32> -> vector<2000x128xf32>
    %swap3A_78 = arith.constant 0 : index
    %swap3A_79 = arith.constant 3 : index
    %swap3A_80 = arith.constant 0 : index
    %swap3A_81 = arith.constant 0 : index
    %swap3A_82 = vector.load %arg8[%swap3A_78, %swap3A_79, %swap3A_80, %swap3A_81] : memref<1x8x2000x128xf32, #tpu.memory_space<vmem>>, vector<1x1x2000x128xf32>
    %swap3A_83 = vector.shape_cast %swap3A_82 : vector<1x1x2000x128xf32> to vector<2000x128xf32>
    %swap3A_84 = vector.shape_cast %dot_general3A_77 : vector<2000x128xf32> to vector<1x1x2000x128xf32>
    tpu.vector_store %arg8[%swap3A_78, %swap3A_79, %swap3A_80, %swap3A_81], %swap3A_84 {strides = array<i32>} : memref<1x8x2000x128xf32, #tpu.memory_space<vmem>>, vector<1x1x2000x128xf32>,
    %get3A_85 = arith.constant 0 : index
    %get3A_86 = arith.constant 4 : index
    %get3A_87 = arith.constant 0 : index
    %get3A_88 = arith.constant 0 : index
    %get3A_89 = vector.load %arg6[%get3A_85, %get3A_86, %get3A_87, %get3A_88] : memref<1x8x256x128xf32, #tpu.memory_space<vmem>>, vector<1x1x256x128xf32>
    %get3A_90 = vector.shape_cast %get3A_89 : vector<1x1x256x128xf32> to vector<256x128xf32>
    %dot_general3A_91 = arith.constant dense<0.000000e+00> : vector<2000x128xf32>
    %dot_general3A_92 = tpu.matmul %max3A_22, %get3A_90, %dot_general3A_91 {dimension_numbers = #tpu.dot_dimension_numbers<[1], [0], [0], [1], [0, 0, 1, 1], [], []>, transpose_lhs_hint = false} : vector<2000x256xf32>, vector<256x128xf32>, vector<2000x128xf32> -> vector<2000x128xf32>
    %swap3A_93 = arith.constant 0 : index
    %swap3A_94 = arith.constant 4 : index
    %swap3A_95 = arith.constant 0 : index
    %swap3A_96 = arith.constant 0 : index
    %swap3A_97 = vector.load %arg8[%swap3A_93, %swap3A_94, %swap3A_95, %swap3A_96] : memref<1x8x2000x128xf32, #tpu.memory_space<vmem>>, vector<1x1x2000x128xf32>
    %swap3A_98 = vector.shape_cast %swap3A_97 : vector<1x1x2000x128xf32> to vector<2000x128xf32>
    %swap3A_99 = vector.shape_cast %dot_general3A_92 : vector<2000x128xf32> to vector<1x1x2000x128xf32>
    tpu.vector_store %arg8[%swap3A_93, %swap3A_94, %swap3A_95, %swap3A_96], %swap3A_99 {strides = array<i32>} : memref<1x8x2000x128xf32, #tpu.memory_space<vmem>>, vector<1x1x2000x128xf32>,
    %get3A_100 = arith.constant 0 : index
    %get3A_101 = arith.constant 5 : index
    %get3A_102 = arith.constant 0 : index
    %get3A_103 = arith.constant 0 : index
    %get3A_104 = vector.load %arg6[%get3A_100, %get3A_101, %get3A_102, %get3A_103] : memref<1x8x256x128xf32, #tpu.memory_space<vmem>>, vector<1x1x256x128xf32>
    %get3A_105 = vector.shape_cast %get3A_104 : vector<1x1x256x128xf32> to vector<256x128xf32>
    %dot_general3A_106 = arith.constant dense<0.000000e+00> : vector<2000x128xf32>
    %dot_general3A_107 = tpu.matmul %max3A_22, %get3A_105, %dot_general3A_106 {dimension_numbers = #tpu.dot_dimension_numbers<[1], [0], [0], [1], [0, 0, 1, 1], [], []>, transpose_lhs_hint = false} : vector<2000x256xf32>, vector<256x128xf32>, vector<2000x128xf32> -> vector<2000x128xf32>
    %swap3A_108 = arith.constant 0 : index
    %swap3A_109 = arith.constant 5 : index
    %swap3A_110 = arith.constant 0 : index
    %swap3A_111 = arith.constant 0 : index
    %swap3A_112 = vector.load %arg8[%swap3A_108, %swap3A_109, %swap3A_110, %swap3A_111] : memref<1x8x2000x128xf32, #tpu.memory_space<vmem>>, vector<1x1x2000x128xf32>
    %swap3A_113 = vector.shape_cast %swap3A_112 : vector<1x1x2000x128xf32> to vector<2000x128xf32>
    %swap3A_114 = vector.shape_cast %dot_general3A_107 : vector<2000x128xf32> to vector<1x1x2000x128xf32>
    tpu.vector_store %arg8[%swap3A_108, %swap3A_109, %swap3A_110, %swap3A_111], %swap3A_114 {strides = array<i32>} : memref<1x8x2000x128xf32, #tpu.memory_space<vmem>>, vector<1x1x2000x128xf32>,
    %get3A_115 = arith.constant 0 : index
    %get3A_116 = arith.constant 6 : index
    %get3A_117 = arith.constant 0 : index
    %get3A_118 = arith.constant 0 : index
    %get3A_119 = vector.load %arg6[%get3A_115, %get3A_116, %get3A_117, %get3A_118] : memref<1x8x256x128xf32, #tpu.memory_space<vmem>>, vector<1x1x256x128xf32>
    %get3A_120 = vector.shape_cast %get3A_119 : vector<1x1x256x128xf32> to vector<256x128xf32>
    %dot_general3A_121 = arith.constant dense<0.000000e+00> : vector<2000x128xf32>
    %dot_general3A_122 = tpu.matmul %max3A_22, %get3A_120, %dot_general3A_121 {dimension_numbers = #tpu.dot_dimension_numbers<[1], [0], [0], [1], [0, 0, 1, 1], [], []>, transpose_lhs_hint = false} : vector<2000x256xf32>, vector<256x128xf32>, vector<2000x128xf32> -> vector<2000x128xf32>
    %swap3A_123 = arith.constant 0 : index
    %swap3A_124 = arith.constant 6 : index
    %swap3A_125 = arith.constant 0 : index
    %swap3A_126 = arith.constant 0 : index
    %swap3A_127 = vector.load %arg8[%swap3A_123, %swap3A_124, %swap3A_125, %swap3A_126] : memref<1x8x2000x128xf32, #tpu.memory_space<vmem>>, vector<1x1x2000x128xf32>
    %swap3A_128 = vector.shape_cast %swap3A_127 : vector<1x1x2000x128xf32> to vector<2000x128xf32>
    %swap3A_129 = vector.shape_cast %dot_general3A_122 : vector<2000x128xf32> to vector<1x1x2000x128xf32>
    tpu.vector_store %arg8[%swap3A_123, %swap3A_124, %swap3A_125, %swap3A_126], %swap3A_129 {strides = array<i32>} : memref<1x8x2000x128xf32, #tpu.memory_space<vmem>>, vector<1x1x2000x128xf32>,
    %get3A_130 = arith.constant 0 : index
    %get3A_131 = arith.constant 7 : index
    %get3A_132 = arith.constant 0 : index
    %get3A_133 = arith.constant 0 : index
    %get3A_134 = vector.load %arg6[%get3A_130, %get3A_131, %get3A_132, %get3A_133] : memref<1x8x256x128xf32, #tpu.memory_space<vmem>>, vector<1x1x256x128xf32>
    %get3A_135 = vector.shape_cast %get3A_134 : vector<1x1x256x128xf32> to vector<256x128xf32>
    %dot_general3A_136 = arith.constant dense<0.000000e+00> : vector<2000x128xf32>
    %dot_general3A_137 = tpu.matmul %max3A_22, %get3A_135, %dot_general3A_136 {dimension_numbers = #tpu.dot_dimension_numbers<[1], [0], [0], [1], [0, 0, 1, 1], [], []>, transpose_lhs_hint = false} : vector<2000x256xf32>, vector<256x128xf32>, vector<2000x128xf32> -> vector<2000x128xf32>
    %swap3A_138 = arith.constant 0 : index
    %swap3A_139 = arith.constant 7 : index
    %swap3A_140 = arith.constant 0 : index
    %swap3A_141 = arith.constant 0 : index
    %swap3A_142 = vector.load %arg8[%swap3A_138, %swap3A_139, %swap3A_140, %swap3A_141] : memref<1x8x2000x128xf32, #tpu.memory_space<vmem>>, vector<1x1x2000x128xf32>
    %swap3A_143 = vector.shape_cast %swap3A_142 : vector<1x1x2000x128xf32> to vector<2000x128xf32>
    %swap3A_144 = vector.shape_cast %dot_general3A_137 : vector<2000x128xf32> to vector<1x1x2000x128xf32>
    tpu.vector_store %arg8[%swap3A_138, %swap3A_139, %swap3A_140, %swap3A_141], %swap3A_144 {strides = array<i32>} : memref<1x8x2000x128xf32, #tpu.memory_space<vmem>>, vector<1x1x2000x128xf32>,
    return
  }
  func.func @transform_0(%arg0: i32) -> (i32, i32, i32) {
    %c0_i32 = arith.constant 0 : i32
    %c0_i32_0 = arith.constant 0 : i32
    %c0_i32_1 = arith.constant 0 : i32
    return %c0_i32, %arg0, %c0_i32_0 : i32, i32, i32
  }
  func.func @transform_1(%arg0: i32) -> (i32, i32, i32) {
    %c1_i32 = arith.constant 1 : i32
    %c0_i32 = arith.constant 0 : i32
    %c0_i32_0 = arith.constant 0 : i32
    return %c1_i32, %arg0, %c0_i32 : i32, i32, i32
  }
  func.func @transform_2(%arg0: i32) -> (i32, i32) {
    %c0_i32 = arith.constant 0 : i32
    %c0_i32_0 = arith.constant 0 : i32
    return %arg0, %c0_i32 : i32, i32
  }
  func.func @transform_3(%arg0: i32) -> (i32, i32) {
    %c0_i32 = arith.constant 0 : i32
    %c0_i32_0 = arith.constant 0 : i32
    %c0_i32_1 = arith.constant 0 : i32
    return %c0_i32, %c0_i32_0 : i32, i32
  }
  func.func @transform_4(%arg0: i32) -> (i32, i32) {
    %c0_i32 = arith.constant 0 : i32
    %c0_i32_0 = arith.constant 0 : i32
    %c0_i32_1 = arith.constant 0 : i32
    return %c0_i32, %c0_i32_0 : i32, i32
  }
  func.func @transform_5(%arg0: i32) -> (i32, i32, i32, i32) {
    %c1_i32 = arith.constant 1 : i32
    %c0_i32 = arith.constant 0 : i32
    %c0_i32_0 = arith.constant 0 : i32
    %c0_i32_1 = arith.constant 0 : i32
    %c0_i32_2 = arith.constant 0 : i32
    return %c1_i32, %c0_i32, %c0_i32_0, %c0_i32_1 : i32, i32, i32, i32
  }
  func.func @transform_6(%arg0: i32) -> (i32, i32) {
    %c0_i32 = arith.constant 0 : i32
    %c0_i32_0 = arith.constant 0 : i32
    return %arg0, %c0_i32 : i32, i32
  }
  func.func @transform_7(%arg0: i32) -> (i32, i32, i32, i32) {
    %c0_i32 = arith.constant 0 : i32
    %c0_i32_0 = arith.constant 0 : i32
    %c0_i32_1 = arith.constant 0 : i32
    %c0_i32_2 = arith.constant 0 : i32
    return %c0_i32, %c0_i32_0, %arg0, %c0_i32_1 : i32, i32, i32, i32
  }
}

module attributes {stable_mosaic.version = 14 : i64} {
  func.func @body(%arg0: i32, %arg1: memref<1x2000x128xf32, #tpu.memory_space<vmem>>, %arg2: memref<1x2000x128xf32, #tpu.memory_space<vmem>>, %arg3: memref<2000x256xf32, #tpu.memory_space<vmem>>, %arg4: memref<256x128xf32, #tpu.memory_space<vmem>>, %arg5: memref<1x128xf32, #tpu.memory_space<vmem>>, %arg6: memref<2000x128xf32, #tpu.memory_space<vmem>>) attributes {dimension_semantics = [#tpu.dimension_semantics<arbitrary>], iteration_bounds = array<i64: 5>, scalar_prefetch = 0 : i64, scratch_operands = 0 : i64, tpu.core_type = #tpu.core_type<tc>, window_params = [{transform_indices = @transform_0, window_bounds = array<i64: 1, 2000, 128>}, {transform_indices = @transform_1, window_bounds = array<i64: 1, 2000, 128>}, {transform_indices = @transform_2, window_bounds = array<i64: 2000, 256>}, {pipeline_mode = #tpu.pipeline_mode<synchronous>, transform_indices = @transform_3, window_bounds = array<i64: 256, 128>}, {pipeline_mode = #tpu.pipeline_mode<synchronous>, transform_indices = @transform_4, window_bounds = array<i64: 1, 128>}, {transform_indices = @transform_5, window_bounds = array<i64: 2000, 128>}]} {
    %get3A = arith.constant 0 : index
    %get3A_0 = arith.constant 0 : index
    %get3A_1 = vector.load %arg3[%get3A, %get3A_0] : memref<2000x256xf32, #tpu.memory_space<vmem>>, vector<2000x256xf32>
    %get3A_2 = arith.constant 0 : index
    %get3A_3 = arith.constant 0 : index
    %get3A_4 = vector.load %arg4[%get3A_2, %get3A_3] : memref<256x128xf32, #tpu.memory_space<vmem>>, vector<256x128xf32>
    %dot_general3A = arith.constant dense<0.000000e+00> : vector<2000x128xf32>
    %dot_general3A_5 = tpu.matmul %get3A_1, %get3A_4, %dot_general3A {dimension_numbers = #tpu.dot_dimension_numbers<[1], [0], [0], [1], [0, 0, 1, 1], [], []>, transpose_lhs_hint = false} : vector<2000x256xf32>, vector<256x128xf32>, vector<2000x128xf32> -> vector<2000x128xf32>
    %get3A_6 = arith.constant 0 : index
    %get3A_7 = arith.constant 0 : index
    %get3A_8 = arith.constant 0 : index
    %get3A_9 = vector.load %arg1[%get3A_6, %get3A_7, %get3A_8] : memref<1x2000x128xf32, #tpu.memory_space<vmem>>, vector<1x2000x128xf32>
    %get3A_10 = vector.shape_cast %get3A_9 : vector<1x2000x128xf32> to vector<2000x128xf32>
    %get3A_11 = arith.constant 0 : index
    %get3A_12 = arith.constant 0 : index
    %get3A_13 = arith.constant 0 : index
    %get3A_14 = vector.load %arg2[%get3A_11, %get3A_12, %get3A_13] : memref<1x2000x128xf32, #tpu.memory_space<vmem>>, vector<1x2000x128xf32>
    %get3A_15 = vector.shape_cast %get3A_14 : vector<1x2000x128xf32> to vector<2000x128xf32>
    %add3A = arith.addf %get3A_10, %get3A_15 : vector<2000x128xf32>
    %add3A_16 = arith.addf %add3A, %dot_general3A_5 : vector<2000x128xf32>
    %get3A_17 = arith.constant 0 : index
    %get3A_18 = arith.constant 0 : index
    %get3A_19 = vector.load %arg5[%get3A_17, %get3A_18] : memref<1x128xf32, #tpu.memory_space<vmem>>, vector<1x128xf32>
    %add3A_20 = vector.broadcast %get3A_19 : vector<1x128xf32> to vector<2000x128xf32>
    %add3A_21 = arith.addf %add3A_16, %add3A_20 : vector<2000x128xf32>
    %swap3A = arith.constant 0 : index
    %swap3A_22 = arith.constant 0 : index
    %swap3A_23 = vector.load %arg6[%swap3A, %swap3A_22] : memref<2000x128xf32, #tpu.memory_space<vmem>>, vector<2000x128xf32>
    tpu.vector_store %arg6[%swap3A, %swap3A_22], %add3A_21 {strides = array<i32>} : memref<2000x128xf32, #tpu.memory_space<vmem>>, vector<2000x128xf32>,
    return
  }
  func.func @transform_0(%arg0: i32) -> (i32, i32, i32) {
    %c0_i32 = arith.constant 0 : i32
    %c0_i32_0 = arith.constant 0 : i32
    %c0_i32_1 = arith.constant 0 : i32
    return %c0_i32, %arg0, %c0_i32_0 : i32, i32, i32
  }
  func.func @transform_1(%arg0: i32) -> (i32, i32, i32) {
    %c1_i32 = arith.constant 1 : i32
    %c0_i32 = arith.constant 0 : i32
    %c0_i32_0 = arith.constant 0 : i32
    return %c1_i32, %arg0, %c0_i32 : i32, i32, i32
  }
  func.func @transform_2(%arg0: i32) -> (i32, i32) {
    %c0_i32 = arith.constant 0 : i32
    %c0_i32_0 = arith.constant 0 : i32
    return %arg0, %c0_i32 : i32, i32
  }
  func.func @transform_3(%arg0: i32) -> (i32, i32) {
    %c0_i32 = arith.constant 0 : i32
    %c0_i32_0 = arith.constant 0 : i32
    %c0_i32_1 = arith.constant 0 : i32
    return %c0_i32, %c0_i32_0 : i32, i32
  }
  func.func @transform_4(%arg0: i32) -> (i32, i32) {
    %c0_i32 = arith.constant 0 : i32
    %c0_i32_0 = arith.constant 0 : i32
    %c0_i32_1 = arith.constant 0 : i32
    return %c0_i32, %c0_i32_0 : i32, i32
  }
  func.func @transform_5(%arg0: i32) -> (i32, i32) {
    %c0_i32 = arith.constant 0 : i32
    %c0_i32_0 = arith.constant 0 : i32
    return %arg0, %c0_i32 : i32, i32
  }
}

</mosaic_0001>

<sc_bundles>
// kernel: kernel.11.cloned.1.call-start
scs
__scs_entry_jumppad:
0x0: {  	(pc) =	sbr.rel $0x88, $3  }
0x1: {  	(tag) =	ssettag $0x0;
	lr =	simm.s32 $0x1  }
0x2: {  	[smem:$0x3F96] =	sst lr;
	_ =	strace $0xD0000000  }
0x3: {  	_ = 	snop  }
0x4: {  	_ = 	snop  }
0x5: {  	_ = 	snop  }
0x6: {  	_ = 	snop  }
0x7: {  	_ = 	snop  }
__scs_overlays_trampoline_lowered:
0x8: {  	[smem:$0x3FA5] =	sst s0  }
0x9: {  	[smem:$0x3FA6] =	sst s1  }
0xa: {  	[smem:$0x3FA7] =	sst s2  }
0xb: {  	[smem:$0x3FA8] =	sst s3  }
0xc: {  	[smem:$0x3FA9] =	sst s4  }
0xd: {  	[smem:$0x3FAA] =	sst s5  }
0xe: {  	[smem:$0x3FAB] =	sst s6  }
0xf: {  	[smem:$0x3FAC] =	sst s7  }
0x10: {  	[smem:$0x3FAD] =	sst s8  }
0x11: {  	[smem:$0x3FAE] =	sst s9;
	s0 =	simm.s32 @!p0 $0x0  }
0x12: {  	s1 =	sld [smem:$0x3F94];
	s0 =	simm.s32 @p0 $0x1  }
0x13: {  	[smem:$0x3FAF] =	sst s0;
	s0 =	simm.s32 @!p1 $0x0  }
0x14: {  	s2 =	sld [smem:$0x3F93];
	s0 =	simm.s32 @p1 $0x1  }
0x15: {  	[smem:$0x3FB0] =	sst s0;
	s0 =	simm.s32 @!p2 $0x0  }
0x16: {  	s3 =	sld [smem:$0x3FDB];
	s0 =	simm.s32 @p2 $0x1  }
0x17: {  	s4 =	simm.s32 $0x1BF5;
	[smem:$0x3FB2] =	sst s0  }
0x18: {  	s0 =	sld [smem:$0x3F95];
	_ =	swait.ge [sflag:s4], $0x0  }
0x19: {  	s7 =	sld [smem:$0x3F96]  }
0x1a: {  	s8 =	sadd.s32 $0xFFFFE003, lr  }
0x1b: {  	s9 =	sadd.s32 $0xFFFFFEF7, lr;
	s5 =	simm.s32 $0xFFFFFFFF;
	p2 =	slt.u32 s8, $0xFFFFF086  }
0x1c: {  	p1 =	slt.u32 s9, $0xF7A;
	s5 =	simm.s32 @!p2 $0x0  }
0x1d: {  	s5 =	simm.s32 @p1 $0x1;
	p0 =	seq.s32 s7, s2  }
0x1e: {  	s7 =	smul.u32 @!p0 $0xF7A, s2;
	p2 =	seq.s32 @!p0 s5, $0x0  }
0x1f: {  	s9 =	smul.u32 $0xF7A, s1;
	s8 =	simm.s32 @!p0 $0x1BF5;
	p2 =	por !p2, p0  }
0x20: {  	[sflag:s8] =	ssyncset.s32 @!p0 $0xFFFFF086;
	s6 =	sadd.s32 @!p0 s3, s7;
	s7 =	simm.s32 @!p0 $0x108  }
0x21: {  	s3 =	sadd.s32 s3, s9;
	s6 =	sadd.s32 @!p0 $0x88, s6;
	s7 =	simm.s32 @p2 $0x1082  }
0x22: {  	[simem:s7], [sflag:s8] =	dma.local @!p0 [hbm:s6], $0xF7A  }
0x23: {  	s9 =	sor.u32 $0xD0000000, s2;
	s6 =	simm.s32 $0x108;
	_ =	swait.ge @!p0 [sflag:s8], $0x0  }
0x24: {  	s3 =	sadd.s32 $0x88, s3;
	s6 =	simm.s32 @!p1 $0x1082;
	[sflag:s4] =	ssyncset.s32 $0xFFFFF086  }
0x25: {  	[simem:s6], [sflag:s4] =	dma.local [hbm:s3], $0xF7A  }
0x26: {  	[smem:$0x3F96] =	sst s1;
	(tag) =	ssettag s2;
	_ =	strace s9  }
0x27: {  	s1 =	sld [smem:$0x3FA6]  }
0x28: {  	s2 =	sld [smem:$0x3FA7]  }
0x29: {  	s4 =	sld [smem:$0x3FA9]  }
0x2a: {  	p0 =	seq.s32 s5, $0x0;
	s5 =	sld [smem:$0x3FAA]  }
0x2b: {  	s6 =	sld [smem:$0x3FAB]  }
0x2c: {  	s7 =	sld [smem:$0x3FAC]  }
0x2d: {  	s3 =	simm.s32 $0x108;
	s8 =	sld [smem:$0x3FAD]  }
0x2e: {  	s3 =	simm.s32 @!p0 $0x1082;
	s9 =	sld [smem:$0x3FAE]  }
0x2f: {  	lr =	sadd.s32 s0, s3;
	s0 =	sld [smem:$0x3FA5]  }
0x30: {  	s3 =	sld [smem:$0x3FA8]  }
0x31: {  	[smem:$0x3FB1] =	sst s10  }
0x32: {  	s10 =	sld [smem:$0x3FAF];
	_ =	sdelay $0x3  }
0x33: {  	p0 =	seq.s32 s10, $0x1;
	s10 =	sld [smem:$0x3FB1];
	_ =	sdelay $0x3  }
0x34: {  	[smem:$0x3FB1] =	sst s10  }
0x35: {  	s10 =	sld [smem:$0x3FB0];
	_ =	sdelay $0x3  }
0x36: {  	p1 =	seq.s32 s10, $0x1;
	s10 =	sld [smem:$0x3FB1];
	_ =	sdelay $0x3  }
0x37: {  	[smem:$0x3FB1] =	sst s10  }
0x38: {  	s10 =	sld [smem:$0x3FB2]  }
0x39: {  	_ = 	snop;
	(pc) =	sbr.ind lr, $3  }
0x3a: {  	_ = 	snop  }
0x3b: {  	_ = 	snop  }
0x3c: {  	p2 =	seq.s32 s10, $0x1;
	s10 =	sld [smem:$0x3FB1]  }
0x3d: {  	_ =	shalt  }
0x3e: {  	_ =	shalt  }
0x3f: {  	_ =	shalt  }
0x40: {  	_ =	shalt  }
0x41: {  	_ =	shalt  }
0x42: {  	_ =	shalt  }
0x43: {  	_ =	shalt  }
0x44: {  	_ =	shalt  }
0x45: {  	_ =	shalt  }
0x46: {  	_ =	shalt  }
0x47: {  	_ =	shalt  }
0x48: {  	_ =	shalt  }
0x49: {  	_ =	shalt  }
0x4a: {  	_ =	shalt  }
0x4b: {  	_ =	shalt  }
0x4c: {  	_ =	shalt  }
0x4d: {  	_ =	shalt  }
0x4e: {  	_ =	shalt  }
0x4f: {  	_ =	shalt  }
0x50: {  	_ =	shalt  }
0x51: {  	_ =	shalt  }
0x52: {  	_ =	shalt  }
0x53: {  	_ =	shalt  }
0x54: {  	_ =	shalt  }
0x55: {  	_ =	shalt  }
0x56: {  	_ =	shalt  }
0x57: {  	_ =	shalt  }
0x58: {  	_ =	shalt  }
0x59: {  	_ =	shalt  }
0x5a: {  	_ =	shalt  }
0x5b: {  	_ =	shalt  }
0x5c: {  	_ =	shalt  }
0x5d: {  	_ =	shalt  }
0x5e: {  	_ =	shalt  }
0x5f: {  	_ =	shalt  }
0x60: {  	_ =	shalt  }
0x61: {  	_ =	shalt  }
0x62: {  	_ =	shalt  }
0x63: {  	_ =	shalt  }
0x64: {  	_ =	shalt  }
0x65: {  	_ =	shalt  }
0x66: {  	_ =	shalt  }
0x67: {  	_ =	shalt  }
0x68: {  	_ =	shalt  }
0x69: {  	_ =	shalt  }
0x6a: {  	_ =	shalt  }
0x6b: {  	_ =	shalt  }
0x6c: {  	_ =	shalt  }
0x6d: {  	_ =	shalt  }
0x6e: {  	_ =	shalt  }
0x6f: {  	_ =	shalt  }
0x70: {  	_ =	shalt  }
0x71: {  	_ =	shalt  }
0x72: {  	_ =	shalt  }
0x73: {  	_ =	shalt  }
0x74: {  	_ =	shalt  }
0x75: {  	_ =	shalt  }
0x76: {  	_ =	shalt  }
0x77: {  	_ =	shalt  }
0x78: {  	_ =	shalt  }
0x79: {  	_ =	shalt  }
0x7a: {  	_ =	shalt  }
0x7b: {  	_ =	shalt  }
0x7c: {  	_ =	shalt  }
0x7d: {  	_ =	shalt  }
0x7e: {  	_ =	shalt  }
0x7f: {  	_ =	shalt  }
0x80: {  	_ =	shalt  }
0x81: {  	_ =	shalt  }
0x82: {  	_ =	shalt  }
0x83: {  	_ =	shalt  }
0x84: {  	_ =	shalt  }
0x85: {  	_ =	shalt  }
0x86: {  	_ =	shalt  }
0x87: {  	_ =	shalt  }
.Lfunc_end0:
.L_simem_size_0:
called_computation.1_lowered:
.L_overlay_start_0:
0x88: {  	s2 =	sld [smem:$0x3FD9]  }
0x89: {  	s3 =	sld [smem:$0x3FFE];
	_ =	sdelay $0x1  }
0x8a: {  	s1 =	srdreg.scid  }
0x8b: {  	s0 =	sand.u32 $0x1, s1  }
0x8c: {  	s17 =	sshll.u32 s0, $0xA;
	s2 =	sadd.s32 s3, s2  }
0x8d: {  	s2 =	sadd.s32 s2, s17  }
0x8e: {  	[smem:$0x3FBD] =	sst s2  }
0x8f: {  	_ = 	snop  }
0x90: {  	s2 =	sld [smem:$0x3FC7]  }
0x91: {  	s18 =	sld [smem:$0x3FD0];
	(tm) =	ssettm $0x1  }
0x92: {  	s4 =	sld [smem:$0x3FFB];
	_ =	sdelay $0x3  }
0x93: {  	_ =	strace s4  }
0x94: {  	s4 =	sld [smem:$0x3FFC];
	_ =	sdelay $0x3  }
0x95: {  	_ =	strace s4  }
0x96: {  	s4 =	sld [smem:$0x3FFD];
	_ =	sdelay $0x3  }
0x97: {  	_ =	strace s4  }
0x98: {  	_ =	strace $0x8FFFFFFF  }
0x99: {  	s19 =	sld [smem:$0x3FDB];
	_ =	sdelay $0x1  }
0x9a: {  	s5 =	simm.s32 $_scs_section_size  }
0x9b: {  	s6 =	simm.s32 $_size__tile_overlayer_lowered;
	s7 =	simm.s32 $_tile_overlayer_lowered  }
0x9c: {  	s22 =	simm.s32 $0x1BFF;
	s21 =	sshll.u32 s7, $0x1;
	s4 =	sadd.s32 s5, s19  }
0x9d: {  	s8 =	simm.s32 $0x0;
	s20 =	sshll.u32 s6, $0x1;
	s6 =	sadd.s32 s21, s4  }
0x9e: {  	[timem:s8], [sflag:s22] =	dma.local [hbm:s6], s20  }
0x9f: {  	_ =	swait.ge [sflag:s22], s20  }
0xa0: {  	s5 =	ssub.s32 $0x0, s20;
	[sflag:s22] =	ssyncset.done $0x0  }
0xa1: {  	[sflag:s22] =	ssyncadd.s32 s5;
	_ =	sdelay $0x1  }
0xa2: {  	s23 =	simm.s32 $0x1B8B  }
0xa3: {  	_ =	swait.ge [sflag:s23], $0x1  }
0xa4: {  	[sflag:s23] =	ssyncset.done $0x0  }
0xa5: {  	s25 =	simm.s32 $0x1B8E;
	s24 =	sld [smem:$0x3FFE];
	[sflag:s23] =	ssyncadd.s32 $0xFFFFFFFF  }
0xa6: {  	s26 =	simm.s32 $execute0_lowered;
	[smem:$0x3FD2] =	sst s25  }
0xa7: {  	s6 =	sshll.u32 s26, $0x1;
	_ =	strace $0x80000049;
	[dreg:$0x1] =	wrdreg $0xFFFFFFFF  }
0xa8: {  	s28 =	simm.s32 $_size_execute0_lowered;
	s4 =	sadd.s32 s4, s6;
	[dreg:$0x0] =	wrdreg $0x0  }
0xa9: {  	s6 =	sshll.u32 s28, $0x1;
	[dreg:$0x2] =	wrdreg s4  }
0xaa: {  	[dreg:$0x3] =	wrdreg s6  }
0xab: {  	[dreg:$0x4] =	wrdreg $0xC0  }
0xac: {  	_ =	task [dreg:s8], $0x5FFFF  }
0xad: {  	[dreg:$0x1] =	wrdreg $0xFFFFFFFF  }
0xae: {  	[dreg:$0x0] =	wrdreg $0x60  }
0xaf: {  	[dreg:$0x2] =	wrdreg s24  }
0xb0: {  	[dreg:$0x3] =	wrdreg s2  }
0xb1: {  	[dreg:$0x4] =	wrdreg s18  }
0xb2: {  	[dreg:$0x5] =	wrdreg $0x0  }
0xb3: {  	[dreg:$0x6] =	wrdreg $0x9  }
0xb4: {  	_ =	task.clear_ibuf [dreg:s8], $0x7FFFF;
	_ =	strace $0x90000049  }
0xb5: {  	s29 =	simm.s32 $0x9;
	_ =	strace $0x8000004B  }
0xb6: {  	_ =	swait.ge [sflag:s29], $0x1  }
0xb7: {  	[sflag:s29] =	ssyncadd.s32 $0xFFFFFFFF  }
0xb8: {  	_ =	strace $0x9000004B  }
0xb9: {  	_ =	sfence  }
0xba: {  	s30 =	sld [smem:$0x0];
	_ =	sdelay $0x2  }
0xbb: {  	s31 =	sshll.u32 s1, $0xD;
	s1 =	sshrl.u32 s1, $0x2  }
0xbc: {  	s3 =	sand.u32 $0x4000, s31;
	s1 =	sadd.s32 s1, s30  }
0xbd: {  	s0 =	sor.u32 s3, s0;
	s1 =	sshll.u32 s1, $0x11  }
0xbe: {  	s0 =	sor.u32 s1, s0  }
0xbf: {  	s0 =	sadd.s32 $0x8F2B, s0  }
0xc0: {  	[sflag:s0] =	ssyncadd.remote.s32 $0x1  }
0xc1: {  	_ =	sfence.sel $0xFFFF  }
0xc2: {  	[dreg:$0x0] =	wrdreg $0xFFFFFFFF;
	(pc) =	sbr.abs _section_cstart, $3  }
0xc3: {  	[dreg:$0x1] =	wrdreg $0xFFFFFFFF  }
0xc4: {  	_ =	task.clear_ibuf [dreg:s8], $0x2FFFF;
	_ =	strace $0x9FFFFFFF  }
0xc5: {  	(tm) =	ssettm $0x7FFFFFFF  }
tec
execute0_lowered:
.L_overlay_start_1:
0x0: {  	(tag) =	ssettag $0x1  }
0x1: {  	s0 =	rddreg [dreg:$0x0];
	s2 =	srdreg.scid  }
0x2: {  	s25 =	stileid.u32;
	s1 =	rddreg [dreg:$0x1]  }
0x3: {  	s3 =	rddreg [dreg:$0x2];
	s2 =	sand.u32 $0x1, s2;
	s9 =	smul.u32 $0x2800, s25  }
0x4: {  	s6 =	simm.s32 $0x0;
	s8 =	sor.u32 $0x10, s25;
	s7 =	smul.u32 $0x138800, s2  }
0x5: {  	s29 =	simm.s32 $0x5;
	s10 =	sor.u32 $0x20, s25;
	s11 =	smul.u32 $0x2800, s8  }
0x6: {  	s30 =	simm.s32 $0x3;
	s13 =	sor.u32 $0x30, s25;
	s14 =	smul.u32 $0x2800, s10  }
0x7: {  	s31 =	simm.s32 $0x6;
	s17 =	sor.u32 $0x40, s25;
	s15 =	smul.u32 $0x2800, s13  }
0x8: {  	s28 =	simm.s32 $0x7;
	s18 =	sor.u32 $0x50, s25;
	s19 =	smul.u32 $0x2800, s17  }
0x9: {  	s4 =	sshll.u32 s25, $0x1;
	s20 =	sor.u32 $0x60, s25;
	s26 =	smul.u32 $0x2800, s18  }
0xa: {  	[smem:$0x7FF] =	sst s6;
	s21 =	sor.u32 $0x70, s25;
	s22 =	smul.u32 $0x2800, s20  }
0xb: {  	s12 =	sadd.s32 $0x144200, s0;
	p0 =	sgt.u32 s25, $0xC;
	s23 =	smul.u32 $0x2800, s21  }
0xc: {  	s5 =	sor.u32 s2, s4;
	s2 =	ssub.s32 $0x2, s2;
	s8 =	smul.u32 $0xA000, s8  }
0xd: {  	s4 =	rddreg [dreg:$0x3];
	s10 =	smul.u32 $0xA000, s10;
	s16 =	sshrl.u32 s2, $0x1  }
0xe: {  	_ =	strace $0x8000004A;
	s5 =	smul.u32 $0x2710, s5;
	s2 =	ssub.s32 s2, s16  }
0xf: {  	s9 =	sadd.s32 s9, s7;
	s11 =	sadd.s32 s7, s11;
	s14 =	sadd.s32 s7, s14  }
0x10: {  	s15 =	sadd.s32 s7, s15;
	s19 =	sadd.s32 s7, s19;
	s16 =	sadd.s32 s7, s26  }
0x11: {  	s22 =	sadd.s32 s7, s22;
	s7 =	sadd.s32 s7, s23;
	s23 =	smul.u32 $0xA000, s25  }
0x12: {  	s8 =	sshrl.u32 s8, $0x2;
	s10 =	sshrl.u32 s10, $0x2;
	s25 =	simm.s32 $0x1  }
0x13: {  	s9 =	sshrl.u32 s9, $0x3;
	s11 =	sshrl.u32 s11, $0x3;
	s14 =	sshrl.u32 s14, $0x3  }
0x14: {  	s24 =	sshrl.u32 s15, $0x3;
	s26 =	sshrl.u32 s19, $0x3;
	s15 =	sshrl.u32 s16, $0x3  }
0x15: {  	s16 =	sshrl.u32 s22, $0x3;
	s7 =	sshrl.u32 s7, $0x3;
	s2 =	smax.u32 s2, $0x1  }
0x16: {  	s9 =	sadd.s32 s12, s9;
	s11 =	sadd.s32 s12, s11;
	[dreg:$0x17] =	wrdreg s2  }
0x17: {  	s19 =	sadd.s32 s12, s16;
	s7 =	sadd.s32 s12, s7;
	[dreg:$0x5] =	wrdreg s9  }
0x18: {  	s22 =	sshrl.u32 s23, $0x2;
	s23 =	smul.u32 $0xA000, s13;
	[dreg:$0x6] =	wrdreg s11  }
0x19: {  	s16 =	sadd.s32 $0x1C00, s0;
	s13 =	smul.u32 $0xA000, s20;
	[dreg:$0xb] =	wrdreg s19  }
0x1a: {  	s2 =	simm.s32 $0x15200;
	s9 =	sadd.s32 s12, s14;
	[dreg:$0xc] =	wrdreg s7  }
0x1b: {  	s11 =	sadd.s32 s12, s24;
	s14 =	sadd.s32 s12, s26;
	[dreg:$0x7] =	wrdreg s9  }
0x1c: {  	s24 =	sadd.s32 s22, s4;
	s26 =	smul.u32 $0xA000, s17;
	[dreg:$0x8] =	wrdreg s11  }
0x1d: {  	s7 =	sadd.s32 s8, s4;
	s17 =	smul.u32 $0xA000, s21;
	[dreg:$0x9] =	wrdreg s14  }
0x1e: {  	s21 =	sshrl.u32 s5, $0x3;
	s9 =	sadd.s32 s12, s15;
	[dreg:$0xd] =	wrdreg s24  }
0x1f: {  	s15 =	sadd.s32 $0xBA00, s0;
	s11 =	smul.u32 $0xA000, s18;
	[dreg:$0xe] =	wrdreg s7  }
0x20: {  	s12 =	sadd.s32 s10, s4;
	s14 =	sshrl.u32 s23, $0x2;
	s19 =	sshrl.u32 s13, $0x2  }
0x21: {  	s22 =	sadd.s32 s16, s21;
	s23 =	sadd.s32 s1, s21;
	[dreg:$0xa] =	wrdreg s9  }
0x22: {  	s10 =	simm.s32 $0x15080;
	s13 =	simm.s32 $0x1A200;
	[dreg:$0xf] =	wrdreg s12  }
0x23: {  	s7 =	simm.s32 $0x2;
	s0 =	sshrl.u32 s26, $0x2;
	[dreg:$0x14] =	wrdreg s22  }
0x24: {  	s8 =	sadd.s32 s14, s4;
	s20 =	sshrl.u32 s17, $0x2;
	[dreg:$0x15] =	wrdreg s23  }
0x25: {  	s9 =	simm.s32 $0x50;
	s12 =	simm.s32 $0x15100;
	s14 =	simm.s32 $0x15180  }
0x26: {  	[dreg:$0x10] =	wrdreg s8;
	s0 =	sadd.s32 s0, s4;
	s18 =	sshrl.u32 s11, $0x2  }
0x27: {  	s17 =	simm.s32 $0x0;
	[dreg:$0x11] =	wrdreg s0;
	s0 =	sadd.s32 s18, s4  }
.Ltmp0:
0x28: {  	[dreg:$0x12] =	wrdreg s0;
	s0 =	sadd.s32 s19, s4;
	(pc) =	sbr.rel .LBB2_1-.Ltmp0, $4  }
0x29: {  	s24 =	sadd.s32 s20, s4;
	[dreg:$0x13] =	wrdreg s0;
	s0 =	sadd.s32 s3, s21  }
0x2a: {  	s8 =	simm.s32 $0x14880;
	s26 =	sadd.s32 $0xA, s0;
	[dreg:$0x16] =	wrdreg s0  }
0x2b: {  	s11 =	simm.s32 $0x17A00;
	s0 =	sadd.s32 $0x14, s0;
	[dreg:$0x18] =	wrdreg s26  }
0x2c: {  	v0 =	vimm.f32 $0.0e+00;
	[dreg:$0x19] =	wrdreg s0;
	s0 =	simm.s32 $0x8;
	s26 =	simm.s32 $0x4  }
.LBB2_26:
0x2d: {  	_ =	swait.ge [sflag:s25], $0x2800  }
0x2e: {  	[sflag:s25] =	ssyncset.done $0x0  }
0x2f: {  	[sflag:s25] =	ssyncadd.s32 $0xFFFFD800  }
0x30: {  	_ =	swait.ge [sflag:s26], $0x50  }
0x31: {  	[sflag:s26] =	ssyncset.done $0x0  }
0x32: {  	[sflag:s26] =	ssyncadd.s32 $0xFFFFFFB0  }
0x33: {  	[spmem:s4] =	stream.indirect.scatter.add.f32 [tilespmem:s2], [sflag:$0x8], $0x80, s10, s9, $0xb8;
	[tilespmem:$0x1CA00] =	vst v63  }
0x34: {  	_ =	swait.ge [sflag:s0], $0x2800  }
0x35: {  	[sflag:s0] =	ssyncset.done $0x0  }
0x36: {  	[sflag:s0] =	ssyncadd.s32 $0xFFFFD800  }
0x37: {  	_ =	swait.ge [sflag:s7], $0x2800  }
0x38: {  	[sflag:s7] =	ssyncset.done $0x0  }
0x39: {  	[sflag:s7] =	ssyncadd.s32 $0xFFFFD800  }
0x3a: {  	_ =	swait.ge [sflag:s29], $0x50  }
0x3b: {  	[sflag:s29] =	ssyncset.done $0x0  }
0x3c: {  	[sflag:s29] =	ssyncadd.s32 $0xFFFFFFB0  }
0x3d: {  	[spmem:s4] =	stream.indirect.scatter.add.f32 [tilespmem:s11], [sflag:$0x8], $0x80, s12, s9, $0xb8;
	[tilespmem:$0x1CA00] =	vst v63  }
0x3e: {  	_ =	swait.ge [sflag:s0], $0x2800  }
0x3f: {  	[sflag:s0] =	ssyncset.done $0x0  }
0x40: {  	[sflag:s0] =	ssyncadd.s32 $0xFFFFD800  }
0x41: {  	s18 =	stileid.u32;
	[bflag:$0x0] =	sbarrier.arrive $0xFFFF  }
0x42: {  	s18 =	sshll.u32 s18, $0x6;
	s19 =	rddreg [dreg:$0xd]  }
0x43: {  	s18 =	sor.u32 $0x1C08, s18;
	s20 =	rddreg [dreg:$0x5];
	s19 =	sshrl.u32 s19, $0x3  }
0x44: {  	[hbm:s20], [sflag:s18] =	dma.local [spmem:s19], $0x500  }
0x45: {  	_ =	swait.ge [sflag:s0], $0x500  }
0x46: {  	[sflag:s0] =	ssyncset.done $0x0;
	s22 =	rddreg [dreg:$0xe]  }
0x47: {  	s23 =	rddreg [dreg:$0x6];
	[sflag:s0] =	ssyncadd.s32 $0xFFFFFB00;
	s19 =	sshrl.u32 s22, $0x3  }
0x48: {  	[hbm:s23], [sflag:s18] =	dma.local [spmem:s19], $0x500  }
0x49: {  	_ =	swait.ge [sflag:s0], $0x500  }
0x4a: {  	[sflag:s0] =	ssyncset.done $0x0;
	s20 =	rddreg [dreg:$0xf]  }
0x4b: {  	s21 =	rddreg [dreg:$0x7];
	[sflag:s0] =	ssyncadd.s32 $0xFFFFFB00;
	s19 =	sshrl.u32 s20, $0x3  }
0x4c: {  	[hbm:s21], [sflag:s18] =	dma.local [spmem:s19], $0x500  }
0x4d: {  	_ =	swait.ge [sflag:s0], $0x500  }
0x4e: {  	[sflag:s0] =	ssyncset.done $0x0;
	s22 =	rddreg [dreg:$0x10]  }
0x4f: {  	s23 =	rddreg [dreg:$0x8];
	[sflag:s0] =	ssyncadd.s32 $0xFFFFFB00;
	s19 =	sshrl.u32 s22, $0x3  }
0x50: {  	[hbm:s23], [sflag:s18] =	dma.local [spmem:s19], $0x500  }
0x51: {  	_ =	swait.ge [sflag:s0], $0x500  }
0x52: {  	[sflag:s0] =	ssyncset.done $0x0;
	s20 =	rddreg [dreg:$0x11]  }
0x53: {  	s21 =	rddreg [dreg:$0x9];
	[sflag:s0] =	ssyncadd.s32 $0xFFFFFB00;
	s19 =	sshrl.u32 s20, $0x3  }
0x54: {  	[hbm:s21], [sflag:s18] =	dma.local [spmem:s19], $0x500  }
0x55: {  	_ =	swait.ge [sflag:s0], $0x500  }
0x56: {  	[sflag:s0] =	ssyncset.done $0x0;
	s22 =	rddreg [dreg:$0x12]  }
0x57: {  	s23 =	rddreg [dreg:$0xa];
	[sflag:s0] =	ssyncadd.s32 $0xFFFFFB00;
	s19 =	sshrl.u32 s22, $0x3  }
0x58: {  	[hbm:s23], [sflag:s18] =	dma.local [spmem:s19], $0x500  }
0x59: {  	_ =	swait.ge [sflag:s0], $0x500  }
0x5a: {  	[sflag:s0] =	ssyncset.done $0x0;
	s21 =	rddreg [dreg:$0x13]  }
0x5b: {  	s22 =	rddreg [dreg:$0xb];
	[sflag:s0] =	ssyncadd.s32 $0xFFFFFB00;
	s19 =	sshrl.u32 s21, $0x3  }
0x5c: {  	[hbm:s22], [sflag:s18] =	dma.local [spmem:s19], $0x500  }
0x5d: {  	_ =	swait.ge [sflag:s0], $0x500  }
0x5e: {  	[sflag:s0] =	ssyncset.done $0x0  }
0x5f: {  	s19 =	sshrl.u32 @!p0 s24, $0x3;
	s20 =	rddreg [dreg:$0xc];
	[sflag:s0] =	ssyncadd.s32 $0xFFFFFB00  }
0x60: {  	[hbm:s20], [sflag:s18] =	dma.local @!p0 [spmem:s19], $0x500  }
0x61: {  	s18 =	simm.s32 @!p0 $0x8  }
0x62: {  	_ =	swait.ge @!p0 [sflag:s18], $0x500  }
0x63: {  	s17 =	sadd.s32 $0x1, s17;
	s23 =	rddreg [dreg:$0x17]  }
0x64: {  	p1 =	sne.s32 s17, s23  }
.Ltmp1:
0x65: {  	_ = 	snop;
	(pc) =	sbr.rel @!p1 .LBB2_27-.Ltmp1, $3  }
0x66: {  	_ =	sdelay $0x1  }
0x67: {  	[sflag:s18] =	ssyncset.done @!p0 $0x0  }
0x68: {  	[sflag:s18] =	ssyncadd.s32 @!p0 $0xFFFFFB00  }
.LBB2_1:
0x69: {  	s18 =	sand.u32 $0xFE00, s6  }
0x6a: {  	s19 =	sand.u32 $0x70, s6;
	s20 =	sshrl.u32 s18, $0x2  }
0x6b: {  	s18 =	simm.s32 $0x40;
	s20 =	sor.u32 s19, s20;
	s19 =	simm.s32 $0x0  }
.LBB2_2:
0x6c: {  	p1 =	sne.s32 s18, $0x9FC0  }
0x6d: {  	[tilespmem:s20+$0x15200] =	vst v0;
	s19 =	sadd.s32 $0x10, s19;
	s20 =	smov.u32 s18;
	s18 =	sadd.s32 $0x40, s18  }
.Ltmp2:
0x6e: {  	(pc) =	sbr.rel @p1 .LBB2_2-.Ltmp2, $4  }
0x6f: {  	_ = 	snop  }
0x70: {  	s20 =	sand.u32 $0xFE00, s20  }
0x71: {  	s21 =	sand.u32 $0x70, s19;
	s20 =	sshrl.u32 s20, $0x2  }
0x72: {  	s20 =	sor.u32 s21, s20  }
0x73: {  	[tilespmem:s20+$0x15200] =	vst v0;
	s18 =	rddreg [dreg:$0xd]  }
0x74: {  	[spmem:s18] =	stream.linear.scatter [tilespmem:s2], [sflag:$0x8], $0x2800, $0x38;
	[tilespmem:$0x1CA00] =	vst v63  }
0x75: {  	_ =	swait.ge [sflag:s0], $0x2800  }
0x76: {  	[sflag:s0] =	ssyncset.done $0x0  }
0x77: {  	s20 =	rddreg [dreg:$0xe];
	[sflag:s0] =	ssyncadd.s32 $0xFFFFD800  }
0x78: {  	[spmem:s20] =	stream.linear.scatter [tilespmem:s2], [sflag:$0x8], $0x2800, $0x38;
	[tilespmem:$0x1CA00] =	vst v63  }
0x79: {  	_ =	swait.ge [sflag:s0], $0x2800  }
0x7a: {  	[sflag:s0] =	ssyncset.done $0x0  }
0x7b: {  	s21 =	rddreg [dreg:$0xf];
	[sflag:s0] =	ssyncadd.s32 $0xFFFFD800  }
0x7c: {  	[spmem:s21] =	stream.linear.scatter [tilespmem:s2], [sflag:$0x8], $0x2800, $0x38;
	[tilespmem:$0x1CA00] =	vst v63  }
0x7d: {  	_ =	swait.ge [sflag:s0], $0x2800  }
0x7e: {  	[sflag:s0] =	ssyncset.done $0x0  }
0x7f: {  	s22 =	rddreg [dreg:$0x10];
	[sflag:s0] =	ssyncadd.s32 $0xFFFFD800  }
0x80: {  	[spmem:s22] =	stream.linear.scatter [tilespmem:s2], [sflag:$0x8], $0x2800, $0x38;
	[tilespmem:$0x1CA00] =	vst v63  }
0x81: {  	_ =	swait.ge [sflag:s0], $0x2800  }
0x82: {  	[sflag:s0] =	ssyncset.done $0x0  }
0x83: {  	s23 =	rddreg [dreg:$0x11];
	[sflag:s0] =	ssyncadd.s32 $0xFFFFD800  }
0x84: {  	[spmem:s23] =	stream.linear.scatter [tilespmem:s2], [sflag:$0x8], $0x2800, $0x38;
	[tilespmem:$0x1CA00] =	vst v63  }
0x85: {  	_ =	swait.ge [sflag:s0], $0x2800  }
0x86: {  	[sflag:s0] =	ssyncset.done $0x0  }
0x87: {  	s19 =	rddreg [dreg:$0x12];
	[sflag:s0] =	ssyncadd.s32 $0xFFFFD800  }
0x88: {  	[spmem:s19] =	stream.linear.scatter [tilespmem:s2], [sflag:$0x8], $0x2800, $0x38;
	[tilespmem:$0x1CA00] =	vst v63  }
0x89: {  	_ =	swait.ge [sflag:s0], $0x2800  }
0x8a: {  	[sflag:s0] =	ssyncset.done $0x0  }
0x8b: {  	s20 =	rddreg [dreg:$0x13];
	[sflag:s0] =	ssyncadd.s32 $0xFFFFD800  }
0x8c: {  	[spmem:s20] =	stream.linear.scatter [tilespmem:s2], [sflag:$0x8], $0x2800, $0x38;
	[tilespmem:$0x1CA00] =	vst v63  }
0x8d: {  	_ =	swait.ge [sflag:s0], $0x2800  }
0x8e: {  	[sflag:s0] =	ssyncset.done $0x0  }
0x8f: {  	s18 =	simm.s32 @!p0 $0x15200;
	[sflag:s0] =	ssyncadd.s32 $0xFFFFD800  }
0x90: {  	[spmem:s24] =	stream.linear.scatter @!p0 [tilespmem:s18], [sflag:$0x8], $0x2800, $0x38;
	[tilespmem:$0x1CA00] =	vst v63  }
0x91: {  	s18 =	simm.s32 @!p0 $0x8  }
0x92: {  	_ =	swait.ge @!p0 [sflag:s18], $0x2800  }
0x93: {  	s21 =	simm.s32 $0x0;
	[sflag:s18] =	ssyncset.done @!p0 $0x0  }
0x94: {  	s22 =	simm.s32 $0x13880;
	s19 =	rddreg [dreg:$0x14];
	[sflag:s18] =	ssyncadd.s32 @!p0 $0xFFFFD800  }
0x95: {  	[tilespmem:s22], [sflag:$0x8] =	stream.linear.gather [hbm4b:s19+s21], $0x7D0, $0x38;
	[tilespmem:$0x1CA00] =	vst v63  }
0x96: {  	_ =	swait.ge [sflag:s0], $0x7D0  }
0x97: {  	[sflag:s0] =	ssyncset.done $0x0  }
0x98: {  	s23 =	rddreg [dreg:$0x15];
	[sflag:s0] =	ssyncadd.s32 $0xFFFFF830  }
0x99: {  	[tilespmem:s8], [sflag:$0x8] =	stream.linear.gather [hbm4b:s23+s21], $0x7D0, $0x38;
	[tilespmem:$0x1CA00] =	vst v63  }
0x9a: {  	_ =	swait.ge [sflag:s0], $0x7D0  }
0x9b: {  	[sflag:s0] =	ssyncset.done $0x0  }
0x9c: {  	s18 =	simm.s32 $0x0;
	[sflag:s0] =	ssyncadd.s32 $0xFFFFF830  }
0x9d: {  	v2 =	vld [tilespmem:s18+$0x14880];
	_ =	sdelay $0x1  }
0x9e: {  	v1 =	vld [tilespmem:s18+$0x13880];
	_ =	sdelay $0x2  }
0x9f: {  	v2 =	vmul.u32 $0x2710, v2  }
0xa0: {  	s20 =	simm.s32 $0x80;
	s19 =	simm.s32 $0x10  }
.LBB2_4:
0xa1: {  	p1 =	sne.s32 s20, $0x1F00;
	v3 =	vld [tilespmem:s19+$0x14880];
	v1 =	vadd.s32 v1, v2  }
0xa2: {  	[tilespmem:s18+$0x13880] =	vst v1;
	s18 =	smov.u32 s19  }
.Ltmp3:
0xa3: {  	v1 =	vld [tilespmem:s18+$0x13880];
	(pc) =	sbr.rel @p1 .LBB2_4-.Ltmp3, $3  }
0xa4: {  	_ =	sdelay $0x1  }
0xa5: {  	v2 =	vmul.u32 $0x2710, v3  }
0xa6: {  	s19 =	sshra.s32 s20, $0x2;
	s20 =	sadd.s32 $0x40, s20  }
0xa7: {  	v3 =	vld [tilespmem:s19+$0x14880];
	v1 =	vadd.s32 v1, v2  }
0xa8: {  	[tilespmem:s18+$0x13880] =	vst v1  }
0xa9: {  	v1 =	vld [tilespmem:s19+$0x13880];
	_ =	sdelay $0x2  }
0xaa: {  	v2 =	vmul.u32 $0x2710, v3;
	_ =	sdelay $0x1  }
0xab: {  	v1 =	vadd.s32 v1, v2  }
0xac: {  	s22 =	simm.s32 $0x13880;
	[tilespmem:s19+$0x13880] =	vst v1  }
0xad: {  	[tilespmem:s2], [sflag:$0x1] =	stream.indirect.gather [hbm4b:s15+s9], $0x80, s22, s9, $0xb8;
	[tilespmem:$0x1CA00] =	vst v63  }
0xae: {  	s23 =	rddreg [dreg:$0x16];
	s18 =	simm.s32 $0x0  }
0xaf: {  	[tilespmem:s10], [sflag:$0x4] =	stream.linear.gather [hbm4b:s23+s18], $0x50, $0x38;
	[tilespmem:$0x1CA00] =	vst v63  }
0xb0: {  	s20 =	simm.s32 $0x138D0  }
0xb1: {  	[tilespmem:s11], [sflag:$0x2] =	stream.indirect.gather [hbm4b:s15+s9], $0x80, s20, s9, $0xb8;
	[tilespmem:$0x1CA00] =	vst v63  }
0xb2: {  	s21 =	rddreg [dreg:$0x18]  }
0xb3: {  	[tilespmem:s12], [sflag:$0x5] =	stream.linear.gather [hbm4b:s21+s18], $0x50, $0x38;
	[tilespmem:$0x1CA00] =	vst v63  }
0xb4: {  	s22 =	simm.s32 $0x13920  }
0xb5: {  	[tilespmem:s13], [sflag:$0x3] =	stream.indirect.gather [hbm4b:s15+s9], $0x80, s22, s9, $0xb8;
	[tilespmem:$0x1CA00] =	vst v63  }
.Ltmp4:
0xb6: {  	_ = 	snop;
	(pc) =	sbr.rel .LBB2_6-.Ltmp4, $3  }
0xb7: {  	s23 =	rddreg [dreg:$0x19]  }
0xb8: {  	[tilespmem:s14], [sflag:$0x6] =	stream.linear.gather [hbm4b:s23+s18], $0x50, $0x38;
	[tilespmem:$0x1CA00] =	vst v63  }
0xb9: {  	[bflag:$0x0] =	sbarrier.arrive $0xFFFF;
	_ =	sdelay $0x1  }
.LBB2_20:
0xba: {  	s20 =	smul.u32 $0x7D0, s19;
	_ =	sdelay $0x1  }
0xbb: {  	s22 =	sand.u32 $0x1, s19;
	s20 =	sadd.s32 s5, s20  }
0xbc: {  	s19 =	simm.s32 $0x14050;
	p1 =	seq.s32 s22, $0x1;
	s20 =	sshrl.u32 s20, $0x3  }
0xbd: {  	s19 =	simm.s32 @!p1 $0x13880;
	s21 =	sadd.s32 s16, s20  }
0xbe: {  	[tilespmem:s19], [sflag:$0x7] =	stream.linear.gather [hbm4b:s21+s6], $0x7D0, $0x38;
	[tilespmem:$0x1CA00] =	vst v63  }
0xbf: {  	s18 =	sadd.s32 $0x1, s18;
	s23 =	sadd.s32 s1, s20  }
0xc0: {  	[tilespmem:s8], [sflag:$0x7] =	stream.linear.gather [hbm4b:s23+s6], $0x7D0, $0x38;
	[tilespmem:$0x1CA00] =	vst v63  }
.LBB2_6:
0xc1: {  	s19 =	smul.u32 $0x3, s18;
	_ =	sdelay $0x1  }
0xc2: {  	_ =	swait.ge [sflag:s25], $0x2800;
	s20 =	sadd.s32 $0x3, s19  }
0xc3: {  	[sflag:s25] =	ssyncset.done $0x0;
	s21 =	sand.u32 $0xFF, s20  }
0xc4: {  	[sflag:s25] =	ssyncadd.s32 $0xFFFFD800;
	s21 =	smul.u32 $0x29, s21  }
0xc5: {  	_ =	swait.ge [sflag:s26], $0x50  }
0xc6: {  	[sflag:s26] =	ssyncset.done $0x0;
	s21 =	sshrl.u32 s21, $0xB  }
0xc7: {  	[sflag:s26] =	ssyncadd.s32 $0xFFFFFFB0;
	s21 =	smul.u32 $0x32, s21  }
0xc8: {  	[spmem:s4] =	stream.indirect.scatter.add.f32 [tilespmem:s2], [sflag:$0x8], $0x80, s10, s9, $0xb8;
	[tilespmem:$0x1CA00] =	vst v63  }
0xc9: {  	s22 =	smul.u32 $0x7B, s18;
	s21 =	ssub.s32 s20, s21  }
0xca: {  	s20 =	smul.u32 $0x50, s20;
	s21 =	sand.u32 $0xFF, s21  }
0xcb: {  	s23 =	sshrl.u32 s22, $0xA;
	s21 =	smul.u32 $0x140, s21  }
0xcc: {  	s22 =	sand.u32 $0x3F, s23;
	_ =	swait.ge [sflag:s0], $0x2800  }
0xcd: {  	[sflag:s0] =	ssyncset.done $0x0;
	s20 =	sadd.s32 s5, s20;
	s21 =	sshrl.u32 s21, $0x2  }
0xce: {  	[sflag:s0] =	ssyncadd.s32 $0xFFFFD800;
	s20 =	sshrl.u32 s20, $0x3;
	s21 =	sadd.s32 $0x13880, s21  }
0xcf: {  	[tilespmem:s2], [sflag:$0x1] =	stream.indirect.gather [hbm4b:s15+s9], $0x80, s21, s9, $0xb8;
	[tilespmem:$0x1CA00] =	vst v63  }
0xd0: {  	s20 =	sadd.s32 s3, s20;
	s21 =	smul.u32 $0x19, s22  }
0xd1: {  	[tilespmem:s10], [sflag:$0x4] =	stream.linear.gather [hbm4b:s20+s6], $0x50, $0x38;
	[tilespmem:$0x1CA00] =	vst v63  }
0xd2: {  	p1 =	sgt.u32 s18, $0x21;
	s20 =	ssub.s32 s19, s21  }
0xd3: {  	s21 =	sand.u32 @!p1 $0xFF, s20  }
0xd4: {  	p2 =	sne.s32 @!p1 s21, $0x0  }
0xd5: {  	p2 =	por p1, p2  }
.Ltmp5:
0xd6: {  	_ = 	snop;
	(pc) =	sbr.rel @p2 .LBB2_8-.Ltmp5, $2  }
0xd7: {  	_ =	sdelay $0x2  }
0xd8: {  	s20 =	sadd.s32 $0x1, s22  }
0xd9: {  	s21 =	smul.u32 $0x7D0, s20;
	_ =	sdelay $0x1  }
0xda: {  	s22 =	sand.u32 $0x1, s20;
	s20 =	simm.s32 $0x14050;
	s21 =	sadd.s32 s5, s21  }
.Ltmp6:
0xdb: {  	p1 =	seq.s32 s22, $0x1;
	s21 =	sshrl.u32 s21, $0x3;
	(pc) =	sbr.rel .LBB2_12-.Ltmp6, $4  }
0xdc: {  	s20 =	simm.s32 @!p1 $0x13880;
	s22 =	sadd.s32 s16, s21  }
0xdd: {  	[tilespmem:s20], [sflag:$0x7] =	stream.linear.gather [hbm4b:s22+s6], $0x7D0, $0x38;
	[tilespmem:$0x1CA00] =	vst v63  }
0xde: {  	s23 =	sadd.s32 s1, s21  }
0xdf: {  	[tilespmem:s8], [sflag:$0x7] =	stream.linear.gather [hbm4b:s23+s6], $0x7D0, $0x38;
	[tilespmem:$0x1CA00] =	vst v63  }
.LBB2_8:
0xe0: {  	p2 =	sne.s32 @!p1 s21, $0x13  }
0xe1: {  	p1 =	por p1, p2  }
.Ltmp7:
0xe2: {  	_ = 	snop;
	(pc) =	sbr.rel @p1 .LBB2_12-.Ltmp7, $1  }
0xe3: {  	_ =	sdelay $0x3  }
0xe4: {  	s20 =	sand.u32 $0x1, s20  }
0xe5: {  	_ =	swait.ge [sflag:s28], $0x7D0;
	p1 =	seq.s32 s20, $0x1;
	s20 =	simm.s32 $0x14050  }
0xe6: {  	[sflag:s28] =	ssyncset.done $0x0;
	s20 =	simm.s32 @!p1 $0x13880  }
0xe7: {  	[sflag:s28] =	ssyncadd.s32 $0xFFFFF830;
	v1 =	vmov s20  }
0xe8: {  	_ =	swait.ge [sflag:s28], $0x7D0  }
0xe9: {  	[sflag:s28] =	ssyncset.done $0x0  }
0xea: {  	s21 =	simm.s32 $0x40;
	s20 =	simm.s32 $0x0;
	[sflag:s28] =	ssyncadd.s32 $0xFFFFF830  }
.LBB2_10:
0xeb: {  	p1 =	sne.s32 s21, $0x1F00;
	v2 =	vld [tilespmem:s20+$0x14880]  }
0xec: {  	v3 =	vld.idx.msk [tilespmem:v1+s20+$0x0 ss:$0x1], $0xffff;
	_ =	sdelay $0x2  }
.Ltmp8:
0xed: {  	(pc) =	sbr.rel @p1 .LBB2_10-.Ltmp8, $3  }
0xee: {  	v2 =	vmul.u32 $0x2710, v2;
	_ =	sdelay $0x1  }
0xef: {  	v2 =	vadd.s32 v3, v2  }
0xf0: {  	[tilespmem:v1+s20+$0x0 ss:$0x1] =	vst.idx.msk $0xffff, v2;
	s20 =	sshra.s32 s21, $0x2;
	s21 =	sadd.s32 $0x40, s21  }
0xf1: {  	_ =	sdelay $0x1  }
0xf2: {  	v2 =	vld [tilespmem:s20+$0x14880];
	_ =	sdelay $0x1  }
0xf3: {  	v3 =	vld.idx.msk [tilespmem:v1+s20+$0x0 ss:$0x1], $0xffff;
	_ =	sdelay $0x2  }
0xf4: {  	v2 =	vmul.u32 $0x2710, v2;
	_ =	sdelay $0x1  }
0xf5: {  	v2 =	vadd.s32 v3, v2  }
0xf6: {  	[tilespmem:v1+s20+$0x0 ss:$0x1] =	vst.idx.msk $0xffff, v2  }
.LBB2_12:
0xf7: {  	_ =	swait.ge [sflag:s7], $0x2800  }
0xf8: {  	s20 =	sadd.s32 $0x4, s19;
	[sflag:s7] =	ssyncset.done $0x0  }
0xf9: {  	s21 =	smulhi.u32 $0x51EB851F, s20;
	[sflag:s7] =	ssyncadd.s32 $0xFFFFD800  }
0xfa: {  	_ =	swait.ge [sflag:s29], $0x50  }
0xfb: {  	s21 =	sshrl.u32 s21, $0x4;
	[sflag:s29] =	ssyncset.done $0x0  }
0xfc: {  	s21 =	smul.u32 $0x32, s21;
	[sflag:s29] =	ssyncadd.s32 $0xFFFFFFB0  }
0xfd: {  	[spmem:s4] =	stream.indirect.scatter.add.f32 [tilespmem:s11], [sflag:$0x8], $0x80, s12, s9, $0xb8;
	[tilespmem:$0x1CA00] =	vst v63  }
0xfe: {  	s21 =	ssub.s32 s20, s21  }
0xff: {  	s21 =	smul.u32 $0x140, s21  }
0x100: {  	_ =	swait.ge [sflag:s0], $0x2800  }
0x101: {  	[sflag:s0] =	ssyncset.done $0x0;
	s21 =	sshrl.u32 s21, $0x2  }
0x102: {  	[sflag:s0] =	ssyncadd.s32 $0xFFFFD800;
	s21 =	sadd.s32 $0x13880, s21  }
0x103: {  	[tilespmem:s11], [sflag:$0x2] =	stream.indirect.gather [hbm4b:s15+s9], $0x80, s21, s9, $0xb8;
	[tilespmem:$0x1CA00] =	vst v63  }
0x104: {  	s21 =	sadd.s32 $0x1, s19  }
0x105: {  	s22 =	smulhi.u32 $0x51EB851F, s21;
	_ =	sdelay $0x1  }
0x106: {  	s22 =	sshrl.u32 s22, $0x3  }
0x107: {  	s23 =	smul.u32 $0x19, s22;
	_ =	sdelay $0x1  }
0x108: {  	p1 =	sgt.u32 s18, $0x20;
	s21 =	ssub.s32 s21, s23  }
0x109: {  	s20 =	smul.u32 $0x50, s20;
	p2 =	sne.s32 @!p1 s21, $0x0  }
0x10a: {  	p2 =	por p1, p2  }
.Ltmp9:
0x10b: {  	s20 =	sadd.s32 s5, s20;
	(pc) =	sbr.rel @p2 .LBB2_14-.Ltmp9, $4  }
0x10c: {  	s20 =	sshrl.u32 s20, $0x3  }
0x10d: {  	s20 =	sadd.s32 s3, s20  }
0x10e: {  	[tilespmem:s12], [sflag:$0x5] =	stream.linear.gather [hbm4b:s20+s6], $0x50, $0x38;
	[tilespmem:$0x1CA00] =	vst v63  }
0x10f: {  	s20 =	sadd.s32 $0x1, s22  }
0x110: {  	s21 =	smul.u32 $0x7D0, s20;
	_ =	sdelay $0x1  }
0x111: {  	s22 =	sand.u32 $0x1, s20;
	s20 =	simm.s32 $0x14050;
	s21 =	sadd.s32 s5, s21  }
.Ltmp10:
0x112: {  	p2 =	seq.s32 s22, $0x1;
	s21 =	sshrl.u32 s21, $0x3;
	(pc) =	sbr.rel .LBB2_18-.Ltmp10, $4  }
0x113: {  	s20 =	simm.s32 @!p2 $0x13880;
	s22 =	sadd.s32 s16, s21  }
0x114: {  	[tilespmem:s20], [sflag:$0x7] =	stream.linear.gather [hbm4b:s22+s6], $0x7D0, $0x38;
	[tilespmem:$0x1CA00] =	vst v63  }
0x115: {  	s23 =	sadd.s32 s1, s21  }
0x116: {  	[tilespmem:s8], [sflag:$0x7] =	stream.linear.gather [hbm4b:s23+s6], $0x7D0, $0x38;
	[tilespmem:$0x1CA00] =	vst v63  }
.LBB2_14:
0x117: {  	p2 =	sne.s32 @!p1 s21, $0x13  }
0x118: {  	p2 =	por p1, p2  }
.Ltmp11:
0x119: {  	_ = 	snop;
	(pc) =	sbr.rel @p2 .LBB2_18-.Ltmp11, $1  }
0x11a: {  	_ =	sdelay $0x3  }
0x11b: {  	s20 =	sand.u32 $0x1, s20  }
0x11c: {  	_ =	swait.ge [sflag:s28], $0x7D0;
	p2 =	seq.s32 s20, $0x1;
	s20 =	simm.s32 $0x14050  }
0x11d: {  	[sflag:s28] =	ssyncset.done $0x0;
	s20 =	simm.s32 @!p2 $0x13880  }
0x11e: {  	[sflag:s28] =	ssyncadd.s32 $0xFFFFF830;
	v1 =	vmov s20  }
0x11f: {  	_ =	swait.ge [sflag:s28], $0x7D0  }
0x120: {  	[sflag:s28] =	ssyncset.done $0x0  }
0x121: {  	s21 =	simm.s32 $0x40;
	s20 =	simm.s32 $0x0;
	[sflag:s28] =	ssyncadd.s32 $0xFFFFF830  }
.LBB2_16:
0x122: {  	p2 =	sne.s32 s21, $0x1F00;
	v2 =	vld [tilespmem:s20+$0x14880]  }
0x123: {  	v3 =	vld.idx.msk [tilespmem:v1+s20+$0x0 ss:$0x1], $0xffff;
	_ =	sdelay $0x2  }
.Ltmp12:
0x124: {  	(pc) =	sbr.rel @p2 .LBB2_16-.Ltmp12, $3  }
0x125: {  	v2 =	vmul.u32 $0x2710, v2;
	_ =	sdelay $0x1  }
0x126: {  	v2 =	vadd.s32 v3, v2  }
0x127: {  	[tilespmem:v1+s20+$0x0 ss:$0x1] =	vst.idx.msk $0xffff, v2;
	s20 =	sshra.s32 s21, $0x2;
	s21 =	sadd.s32 $0x40, s21  }
0x128: {  	_ =	sdelay $0x1  }
0x129: {  	v2 =	vld [tilespmem:s20+$0x14880];
	_ =	sdelay $0x1  }
0x12a: {  	v3 =	vld.idx.msk [tilespmem:v1+s20+$0x0 ss:$0x1], $0xffff;
	_ =	sdelay $0x2  }
0x12b: {  	v2 =	vmul.u32 $0x2710, v2;
	_ =	sdelay $0x1  }
0x12c: {  	v2 =	vadd.s32 v3, v2  }
0x12d: {  	[tilespmem:v1+s20+$0x0 ss:$0x1] =	vst.idx.msk $0xffff, v2  }
.LBB2_18:
0x12e: {  	_ =	swait.ge [sflag:s30], $0x2800  }
0x12f: {  	[sflag:s30] =	ssyncset.done $0x0  }
0x130: {  	[sflag:s30] =	ssyncadd.s32 $0xFFFFD800  }
0x131: {  	_ =	swait.ge [sflag:s31], $0x50  }
0x132: {  	p2 =	seq.s32 s18, $0x28;
	[sflag:s31] =	ssyncset.done $0x0  }
.Ltmp13:
0x133: {  	[sflag:s31] =	ssyncadd.s32 $0xFFFFFFB0;
	(pc) =	sbr.rel @p2 .LBB2_26-.Ltmp13, $4  }
0x134: {  	[spmem:s4] =	stream.indirect.scatter.add.f32 [tilespmem:s13], [sflag:$0x8], $0x80, s14, s9, $0xb8;
	[tilespmem:$0x1CA00] =	vst v63  }
0x135: {  	_ =	swait.ge [sflag:s0], $0x2800  }
0x136: {  	[sflag:s0] =	ssyncset.done $0x0  }
0x137: {  	[sflag:s0] =	ssyncadd.s32 $0xFFFFD800  }
0x138: {  	s20 =	sadd.s32 $0x5, s19  }
0x139: {  	s21 =	smulhi.u32 $0x51EB851F, s20;
	_ =	sdelay $0x1  }
0x13a: {  	s21 =	sshrl.u32 s21, $0x4  }
0x13b: {  	s21 =	smul.u32 $0x32, s21;
	_ =	sdelay $0x1  }
0x13c: {  	s21 =	ssub.s32 s20, s21  }
0x13d: {  	s21 =	smul.u32 $0x140, s21  }
0x13e: {  	s20 =	smul.u32 $0x50, s20  }
0x13f: {  	s19 =	sadd.s32 $0x2, s19;
	s21 =	sshrl.u32 s21, $0x2  }
0x140: {  	s23 =	smulhi.u32 $0x51EB851F, s19;
	s20 =	sadd.s32 s5, s20;
	s21 =	sadd.s32 $0x13880, s21  }
0x141: {  	[tilespmem:s13], [sflag:$0x3] =	stream.indirect.gather [hbm4b:s15+s9], $0x80, s21, s9, $0xb8;
	[tilespmem:$0x1CA00] =	vst v63  }
0x142: {  	s20 =	sshrl.u32 s20, $0x3;
	s21 =	sshrl.u32 s23, $0x3  }
0x143: {  	s20 =	sadd.s32 s3, s20;
	s22 =	smul.u32 $0x19, s21  }
0x144: {  	[tilespmem:s14], [sflag:$0x6] =	stream.linear.gather [hbm4b:s20+s6], $0x50, $0x38;
	[tilespmem:$0x1CA00] =	vst v63  }
0x145: {  	s20 =	ssub.s32 s19, s22  }
0x146: {  	p2 =	sne.s32 @!p1 s20, $0x0  }
0x147: {  	p2 =	por p1, p2  }
.Ltmp14:
0x148: {  	_ = 	snop;
	(pc) =	sbr.rel @!p2 .LBB2_20-.Ltmp14, $2  }
0x149: {  	_ =	sdelay $0x2  }
0x14a: {  	s19 =	sadd.s32 $0x1, s21  }
0x14b: {  	p2 =	sne.s32 @!p1 s20, $0x13  }
0x14c: {  	p1 =	por p1, p2  }
.Ltmp15:
0x14d: {  	_ = 	snop;
	(pc) =	sbr.rel @p1 .LBB2_25-.Ltmp15, $1  }
0x14e: {  	_ =	sdelay $0x3  }
0x14f: {  	s19 =	sand.u32 $0x1, s19  }
0x150: {  	_ =	swait.ge [sflag:s28], $0x7D0;
	p1 =	seq.s32 s19, $0x1;
	s19 =	simm.s32 $0x14050  }
0x151: {  	[sflag:s28] =	ssyncset.done $0x0;
	s19 =	simm.s32 @!p1 $0x13880  }
0x152: {  	[sflag:s28] =	ssyncadd.s32 $0xFFFFF830;
	v1 =	vmov s19  }
0x153: {  	_ =	swait.ge [sflag:s28], $0x7D0  }
0x154: {  	[sflag:s28] =	ssyncset.done $0x0  }
0x155: {  	s20 =	simm.s32 $0x40;
	s19 =	simm.s32 $0x0;
	[sflag:s28] =	ssyncadd.s32 $0xFFFFF830  }
.LBB2_23:
0x156: {  	p1 =	sne.s32 s20, $0x1F00;
	v2 =	vld [tilespmem:s19+$0x14880]  }
0x157: {  	v3 =	vld.idx.msk [tilespmem:v1+s19+$0x0 ss:$0x1], $0xffff;
	_ =	sdelay $0x2  }
.Ltmp16:
0x158: {  	(pc) =	sbr.rel @p1 .LBB2_23-.Ltmp16, $3  }
0x159: {  	v2 =	vmul.u32 $0x2710, v2;
	_ =	sdelay $0x1  }
0x15a: {  	v2 =	vadd.s32 v3, v2  }
0x15b: {  	[tilespmem:v1+s19+$0x0 ss:$0x1] =	vst.idx.msk $0xffff, v2;
	s19 =	sshra.s32 s20, $0x2;
	s20 =	sadd.s32 $0x40, s20  }
0x15c: {  	_ =	sdelay $0x1  }
0x15d: {  	v2 =	vld [tilespmem:s19+$0x14880];
	_ =	sdelay $0x1  }
0x15e: {  	v3 =	vld.idx.msk [tilespmem:v1+s19+$0x0 ss:$0x1], $0xffff;
	_ =	sdelay $0x2  }
0x15f: {  	v2 =	vmul.u32 $0x2710, v2;
	_ =	sdelay $0x1  }
0x160: {  	v2 =	vadd.s32 v3, v2  }
0x161: {  	[tilespmem:v1+s19+$0x0 ss:$0x1] =	vst.idx.msk $0xffff, v2  }
.LBB2_25:
.Ltmp17:
0x162: {  	(pc) =	sbr.rel .LBB2_6-.Ltmp17, $2  }
0x163: {  	_ =	sdelay $0x2  }
0x164: {  	s18 =	sadd.s32 $0x1, s18  }
.LBB2_27:
0x165: {  	_ =	sfence.sel $0x180000  }
0x166: {  	[bflag:$0x0] =	sbarrier.arrive $0xFFFF  }
0x167: {  	_ =	strace $0x9000004A  }
0x168: {  	s0 =	stileid.u32;
	[bflag:$0x2] =	sbarrier.arrive $0xFFFF  }
0x169: {  	p0 =	sne.s32 s0, $0x0;
	s0 =	rddreg [dreg:$0x4]  }
0x16a: {  	s0 =	sadd.s32 @!p0 $0x100000, s0  }
0x16b: {  	[sflag:s0] =	ssyncadd.tile.s32 @!p0 $0x1;
	_ =	shalt  }
.Lfunc_end2:
_tile_overlayer_lowered:
.L_overlay_start_2:
0x16c: {  	(tag) =	ssettag $0x2  }
0x16d: {  	s0 =	rddreg [dreg:$0x0];
	s2 =	stileid.u32  }
0x16e: {  	s1 =	rddreg [dreg:$0x1];
	p0 =	sne.s32 s2, $0x0  }
0x16f: {  	s3 =	rddreg [dreg:$0x2];
	[bflag:$0x3] =	sbarrier.arrive $0xFFFF;
	s2 =	simm.s32 @!p0 $0x1C08  }
0x170: {  	[timem:s3], [sflag:s2] =	dma.local @!p0 [hbm:s0], s1  }
0x171: {  	s0 =	simm.s32 @!p0 $0x8  }
0x172: {  	_ =	swait.ge @!p0 [sflag:s0], s1  }
0x173: {  	s1 =	ssub.s32 @!p0 $0x0, s1;
	[sflag:s0] =	ssyncset.done @!p0 $0x0  }
0x174: {  	[sflag:s0] =	ssyncadd.s32 @!p0 s1  }
0x175: {  	[bflag:$0x3] =	sbarrier.arrive $0xFFFF  }
0x176: {  	_ =	shalt  }

// kernel: kernel.8.cloned.1.call-start
scs
__scs_entry_jumppad:
0x0: {  	(pc) =	sbr.rel $0x88, $3  }
0x1: {  	(tag) =	ssettag $0x0;
	lr =	simm.s32 $0x1  }
0x2: {  	[smem:$0x3F96] =	sst lr;
	_ =	strace $0xD0000000  }
0x3: {  	_ = 	snop  }
0x4: {  	_ = 	snop  }
0x5: {  	_ = 	snop  }
0x6: {  	_ = 	snop  }
0x7: {  	_ = 	snop  }
__scs_overlays_trampoline_lowered:
0x8: {  	[smem:$0x3FA5] =	sst s0  }
0x9: {  	[smem:$0x3FA6] =	sst s1  }
0xa: {  	[smem:$0x3FA7] =	sst s2  }
0xb: {  	[smem:$0x3FA8] =	sst s3  }
0xc: {  	[smem:$0x3FA9] =	sst s4  }
0xd: {  	[smem:$0x3FAA] =	sst s5  }
0xe: {  	[smem:$0x3FAB] =	sst s6  }
0xf: {  	[smem:$0x3FAC] =	sst s7  }
0x10: {  	[smem:$0x3FAD] =	sst s8  }
0x11: {  	[smem:$0x3FAE] =	sst s9;
	s0 =	simm.s32 @!p0 $0x0  }
0x12: {  	s1 =	sld [smem:$0x3F94];
	s0 =	simm.s32 @p0 $0x1  }
0x13: {  	[smem:$0x3FAF] =	sst s0;
	s0 =	simm.s32 @!p1 $0x0  }
0x14: {  	s2 =	sld [smem:$0x3F93];
	s0 =	simm.s32 @p1 $0x1  }
0x15: {  	[smem:$0x3FB0] =	sst s0;
	s0 =	simm.s32 @!p2 $0x0  }
0x16: {  	s3 =	sld [smem:$0x3FDB];
	s0 =	simm.s32 @p2 $0x1  }
0x17: {  	s4 =	simm.s32 $0x1BF5;
	[smem:$0x3FB2] =	sst s0  }
0x18: {  	s0 =	sld [smem:$0x3F95];
	_ =	swait.ge [sflag:s4], $0x0  }
0x19: {  	s7 =	sld [smem:$0x3F96]  }
0x1a: {  	s8 =	sadd.s32 $0xFFFFE003, lr  }
0x1b: {  	s9 =	sadd.s32 $0xFFFFFEF7, lr;
	s5 =	simm.s32 $0xFFFFFFFF;
	p2 =	slt.u32 s8, $0xFFFFF086  }
0x1c: {  	p1 =	slt.u32 s9, $0xF7A;
	s5 =	simm.s32 @!p2 $0x0  }
0x1d: {  	s5 =	simm.s32 @p1 $0x1;
	p0 =	seq.s32 s7, s2  }
0x1e: {  	s7 =	smul.u32 @!p0 $0xF7A, s2;
	p2 =	seq.s32 @!p0 s5, $0x0  }
0x1f: {  	s9 =	smul.u32 $0xF7A, s1;
	s8 =	simm.s32 @!p0 $0x1BF5;
	p2 =	por !p2, p0  }
0x20: {  	[sflag:s8] =	ssyncset.s32 @!p0 $0xFFFFF086;
	s6 =	sadd.s32 @!p0 s3, s7;
	s7 =	simm.s32 @!p0 $0x108  }
0x21: {  	s3 =	sadd.s32 s3, s9;
	s6 =	sadd.s32 @!p0 $0x88, s6;
	s7 =	simm.s32 @p2 $0x1082  }
0x22: {  	[simem:s7], [sflag:s8] =	dma.local @!p0 [hbm:s6], $0xF7A  }
0x23: {  	s9 =	sor.u32 $0xD0000000, s2;
	s6 =	simm.s32 $0x108;
	_ =	swait.ge @!p0 [sflag:s8], $0x0  }
0x24: {  	s3 =	sadd.s32 $0x88, s3;
	s6 =	simm.s32 @!p1 $0x1082;
	[sflag:s4] =	ssyncset.s32 $0xFFFFF086  }
0x25: {  	[simem:s6], [sflag:s4] =	dma.local [hbm:s3], $0xF7A  }
0x26: {  	[smem:$0x3F96] =	sst s1;
	(tag) =	ssettag s2;
	_ =	strace s9  }
0x27: {  	s1 =	sld [smem:$0x3FA6]  }
0x28: {  	s2 =	sld [smem:$0x3FA7]  }
0x29: {  	s4 =	sld [smem:$0x3FA9]  }
0x2a: {  	p0 =	seq.s32 s5, $0x0;
	s5 =	sld [smem:$0x3FAA]  }
0x2b: {  	s6 =	sld [smem:$0x3FAB]  }
0x2c: {  	s7 =	sld [smem:$0x3FAC]  }
0x2d: {  	s3 =	simm.s32 $0x108;
	s8 =	sld [smem:$0x3FAD]  }
0x2e: {  	s3 =	simm.s32 @!p0 $0x1082;
	s9 =	sld [smem:$0x3FAE]  }
0x2f: {  	lr =	sadd.s32 s0, s3;
	s0 =	sld [smem:$0x3FA5]  }
0x30: {  	s3 =	sld [smem:$0x3FA8]  }
0x31: {  	[smem:$0x3FB1] =	sst s10  }
0x32: {  	s10 =	sld [smem:$0x3FAF];
	_ =	sdelay $0x3  }
0x33: {  	p0 =	seq.s32 s10, $0x1;
	s10 =	sld [smem:$0x3FB1];
	_ =	sdelay $0x3  }
0x34: {  	[smem:$0x3FB1] =	sst s10  }
0x35: {  	s10 =	sld [smem:$0x3FB0];
	_ =	sdelay $0x3  }
0x36: {  	p1 =	seq.s32 s10, $0x1;
	s10 =	sld [smem:$0x3FB1];
	_ =	sdelay $0x3  }
0x37: {  	[smem:$0x3FB1] =	sst s10  }
0x38: {  	s10 =	sld [smem:$0x3FB2]  }
0x39: {  	_ = 	snop;
	(pc) =	sbr.ind lr, $3  }
0x3a: {  	_ = 	snop  }
0x3b: {  	_ = 	snop  }
0x3c: {  	p2 =	seq.s32 s10, $0x1;
	s10 =	sld [smem:$0x3FB1]  }
0x3d: {  	_ =	shalt  }
0x3e: {  	_ =	shalt  }
0x3f: {  	_ =	shalt  }
0x40: {  	_ =	shalt  }
0x41: {  	_ =	shalt  }
0x42: {  	_ =	shalt  }
0x43: {  	_ =	shalt  }
0x44: {  	_ =	shalt  }
0x45: {  	_ =	shalt  }
0x46: {  	_ =	shalt  }
0x47: {  	_ =	shalt  }
0x48: {  	_ =	shalt  }
0x49: {  	_ =	shalt  }
0x4a: {  	_ =	shalt  }
0x4b: {  	_ =	shalt  }
0x4c: {  	_ =	shalt  }
0x4d: {  	_ =	shalt  }
0x4e: {  	_ =	shalt  }
0x4f: {  	_ =	shalt  }
0x50: {  	_ =	shalt  }
0x51: {  	_ =	shalt  }
0x52: {  	_ =	shalt  }
0x53: {  	_ =	shalt  }
0x54: {  	_ =	shalt  }
0x55: {  	_ =	shalt  }
0x56: {  	_ =	shalt  }
0x57: {  	_ =	shalt  }
0x58: {  	_ =	shalt  }
0x59: {  	_ =	shalt  }
0x5a: {  	_ =	shalt  }
0x5b: {  	_ =	shalt  }
0x5c: {  	_ =	shalt  }
0x5d: {  	_ =	shalt  }
0x5e: {  	_ =	shalt  }
0x5f: {  	_ =	shalt  }
0x60: {  	_ =	shalt  }
0x61: {  	_ =	shalt  }
0x62: {  	_ =	shalt  }
0x63: {  	_ =	shalt  }
0x64: {  	_ =	shalt  }
0x65: {  	_ =	shalt  }
0x66: {  	_ =	shalt  }
0x67: {  	_ =	shalt  }
0x68: {  	_ =	shalt  }
0x69: {  	_ =	shalt  }
0x6a: {  	_ =	shalt  }
0x6b: {  	_ =	shalt  }
0x6c: {  	_ =	shalt  }
0x6d: {  	_ =	shalt  }
0x6e: {  	_ =	shalt  }
0x6f: {  	_ =	shalt  }
0x70: {  	_ =	shalt  }
0x71: {  	_ =	shalt  }
0x72: {  	_ =	shalt  }
0x73: {  	_ =	shalt  }
0x74: {  	_ =	shalt  }
0x75: {  	_ =	shalt  }
0x76: {  	_ =	shalt  }
0x77: {  	_ =	shalt  }
0x78: {  	_ =	shalt  }
0x79: {  	_ =	shalt  }
0x7a: {  	_ =	shalt  }
0x7b: {  	_ =	shalt  }
0x7c: {  	_ =	shalt  }
0x7d: {  	_ =	shalt  }
0x7e: {  	_ =	shalt  }
0x7f: {  	_ =	shalt  }
0x80: {  	_ =	shalt  }
0x81: {  	_ =	shalt  }
0x82: {  	_ =	shalt  }
0x83: {  	_ =	shalt  }
0x84: {  	_ =	shalt  }
0x85: {  	_ =	shalt  }
0x86: {  	_ =	shalt  }
0x87: {  	_ =	shalt  }
.Lfunc_end0:
.L_simem_size_0:
called_computation_lowered:
.L_overlay_start_0:
0x88: {  	s2 =	sld [smem:$0x3FD9]  }
0x89: {  	s3 =	sld [smem:$0x3FFE];
	_ =	sdelay $0x1  }
0x8a: {  	s1 =	srdreg.scid  }
0x8b: {  	s0 =	sand.u32 $0x1, s1  }
0x8c: {  	s17 =	sshll.u32 s0, $0xA;
	s2 =	sadd.s32 s3, s2  }
0x8d: {  	s2 =	sadd.s32 s2, s17  }
0x8e: {  	[smem:$0x3FBD] =	sst s2  }
0x8f: {  	_ = 	snop  }
0x90: {  	s2 =	sld [smem:$0x3FC7]  }
0x91: {  	s18 =	sld [smem:$0x3FD0];
	(tm) =	ssettm $0x1  }
0x92: {  	s4 =	sld [smem:$0x3FFB];
	_ =	sdelay $0x3  }
0x93: {  	_ =	strace s4  }
0x94: {  	s4 =	sld [smem:$0x3FFC];
	_ =	sdelay $0x3  }
0x95: {  	_ =	strace s4  }
0x96: {  	s4 =	sld [smem:$0x3FFD];
	_ =	sdelay $0x3  }
0x97: {  	_ =	strace s4  }
0x98: {  	_ =	strace $0x8FFFFFFF  }
0x99: {  	s19 =	sld [smem:$0x3FDB];
	_ =	sdelay $0x1  }
0x9a: {  	s5 =	simm.s32 $_scs_section_size  }
0x9b: {  	s6 =	simm.s32 $_size__tile_overlayer_lowered;
	s7 =	simm.s32 $_tile_overlayer_lowered  }
0x9c: {  	s22 =	simm.s32 $0x1BFF;
	s21 =	sshll.u32 s7, $0x1;
	s4 =	sadd.s32 s5, s19  }
0x9d: {  	s8 =	simm.s32 $0x0;
	s20 =	sshll.u32 s6, $0x1;
	s6 =	sadd.s32 s21, s4  }
0x9e: {  	[timem:s8], [sflag:s22] =	dma.local [hbm:s6], s20  }
0x9f: {  	_ =	swait.ge [sflag:s22], s20  }
0xa0: {  	s5 =	ssub.s32 $0x0, s20;
	[sflag:s22] =	ssyncset.done $0x0  }
0xa1: {  	[sflag:s22] =	ssyncadd.s32 s5;
	_ =	sdelay $0x1  }
0xa2: {  	s23 =	simm.s32 $0x1B8B  }
0xa3: {  	_ =	swait.ge [sflag:s23], $0x1  }
0xa4: {  	[sflag:s23] =	ssyncset.done $0x0  }
0xa5: {  	s25 =	simm.s32 $0x1B8E;
	s24 =	sld [smem:$0x3FFE];
	[sflag:s23] =	ssyncadd.s32 $0xFFFFFFFF  }
0xa6: {  	s26 =	simm.s32 $execute0_lowered;
	[smem:$0x3FD2] =	sst s25  }
0xa7: {  	s6 =	sshll.u32 s26, $0x1;
	_ =	strace $0x80000046;
	[dreg:$0x1] =	wrdreg $0xFFFFFFFF  }
0xa8: {  	s28 =	simm.s32 $_size_execute0_lowered;
	s4 =	sadd.s32 s4, s6;
	[dreg:$0x0] =	wrdreg $0x0  }
0xa9: {  	s6 =	sshll.u32 s28, $0x1;
	[dreg:$0x2] =	wrdreg s4  }
0xaa: {  	[dreg:$0x3] =	wrdreg s6  }
0xab: {  	[dreg:$0x4] =	wrdreg $0xC0  }
0xac: {  	_ =	task [dreg:s8], $0x5FFFF  }
0xad: {  	[dreg:$0x1] =	wrdreg $0xFFFFFFFF  }
0xae: {  	[dreg:$0x0] =	wrdreg $0x60  }
0xaf: {  	[dreg:$0x2] =	wrdreg s24  }
0xb0: {  	[dreg:$0x3] =	wrdreg s2  }
0xb1: {  	[dreg:$0x4] =	wrdreg s18  }
0xb2: {  	[dreg:$0x5] =	wrdreg $0x0  }
0xb3: {  	[dreg:$0x6] =	wrdreg $0x9  }
0xb4: {  	_ =	task.clear_ibuf [dreg:s8], $0x7FFFF;
	_ =	strace $0x90000046  }
0xb5: {  	s29 =	simm.s32 $0x9;
	_ =	strace $0x80000048  }
0xb6: {  	_ =	swait.ge [sflag:s29], $0x1  }
0xb7: {  	[sflag:s29] =	ssyncadd.s32 $0xFFFFFFFF  }
0xb8: {  	_ =	strace $0x90000048  }
0xb9: {  	_ =	sfence  }
0xba: {  	s30 =	sld [smem:$0x0];
	_ =	sdelay $0x2  }
0xbb: {  	s31 =	sshll.u32 s1, $0xD;
	s1 =	sshrl.u32 s1, $0x2  }
0xbc: {  	s3 =	sand.u32 $0x4000, s31;
	s1 =	sadd.s32 s1, s30  }
0xbd: {  	s0 =	sor.u32 s3, s0;
	s1 =	sshll.u32 s1, $0x11  }
0xbe: {  	s0 =	sor.u32 s1, s0  }
0xbf: {  	s0 =	sadd.s32 $0x8F2B, s0  }
0xc0: {  	[sflag:s0] =	ssyncadd.remote.s32 $0x1  }
0xc1: {  	_ =	sfence.sel $0xFFFF  }
0xc2: {  	[dreg:$0x0] =	wrdreg $0xFFFFFFFF;
	(pc) =	sbr.abs _section_cstart, $3  }
0xc3: {  	[dreg:$0x1] =	wrdreg $0xFFFFFFFF  }
0xc4: {  	_ =	task.clear_ibuf [dreg:s8], $0x2FFFF;
	_ =	strace $0x9FFFFFFF  }
0xc5: {  	(tm) =	ssettm $0x7FFFFFFF  }
tec
execute0_lowered:
.L_overlay_start_1:
0x0: {  	(tag) =	ssettag $0x1  }
0x1: {  	s4 =	rddreg [dreg:$0x0]  }
0x2: {  	s1 =	rddreg [dreg:$0x1]  }
0x3: {  	s0 =	srdreg.scid;
	s25 =	stileid.u32  }
0x4: {  	s2 =	rddreg [dreg:$0x2];
	s0 =	sand.u32 $0x1, s0;
	s8 =	smul.u32 $0x2800, s25  }
0x5: {  	s3 =	rddreg [dreg:$0x3];
	s16 =	smul.u32 $0x13880, s0  }
0x6: {  	s5 =	simm.s32 $0x0;
	s7 =	sor.u32 $0x10, s25;
	s6 =	smul.u32 $0x138800, s0  }
0x7: {  	s29 =	simm.s32 $0x5;
	s10 =	sor.u32 $0x20, s25;
	s11 =	smul.u32 $0x2800, s7  }
0x8: {  	s30 =	simm.s32 $0x3;
	s12 =	sor.u32 $0x30, s25;
	s13 =	smul.u32 $0x2800, s10  }
0x9: {  	s31 =	simm.s32 $0x6;
	s17 =	sor.u32 $0x40, s25;
	s15 =	smul.u32 $0x2800, s12  }
0xa: {  	s28 =	simm.s32 $0x7;
	s18 =	sor.u32 $0x50, s25;
	s26 =	smul.u32 $0x2800, s17  }
0xb: {  	[smem:$0x7FF] =	sst s5;
	s19 =	sor.u32 $0x60, s25;
	s21 =	smul.u32 $0x2800, s18  }
0xc: {  	s9 =	sadd.s32 $0x27CA00, s4;
	s20 =	sor.u32 $0x70, s25;
	s22 =	smul.u32 $0x2800, s19  }
0xd: {  	p0 =	sgt.u32 s25, $0xC;
	s0 =	ssub.s32 $0x2, s0;
	s23 =	smul.u32 $0x2800, s20  }
0xe: {  	_ =	strace $0x80000047;
	s7 =	smul.u32 $0xA000, s7;
	s14 =	sshrl.u32 s0, $0x1  }
0xf: {  	s0 =	ssub.s32 s0, s14;
	s8 =	sadd.s32 s8, s6;
	s11 =	sadd.s32 s6, s11  }
0x10: {  	s13 =	sadd.s32 s6, s13;
	s15 =	sadd.s32 s6, s15;
	s14 =	sadd.s32 s6, s26  }
0x11: {  	s21 =	sadd.s32 s6, s21;
	s22 =	sadd.s32 s6, s22;
	s6 =	sadd.s32 s6, s23  }
0x12: {  	s23 =	smul.u32 $0xA000, s25;
	v0 =	vmov s16;
	s16 =	simm.s32 $0x0;
	s8 =	sshrl.u32 s8, $0x3  }
0x13: {  	s11 =	sshrl.u32 s11, $0x3;
	s13 =	sshrl.u32 s13, $0x3;
	s24 =	sshrl.u32 s15, $0x3  }
0x14: {  	s6 =	sshrl.u32 s6, $0x3;
	s0 =	smax.u32 s0, $0x1;
	s8 =	sadd.s32 s9, s8  }
0x15: {  	s26 =	sadd.s32 s9, s24;
	s6 =	sadd.s32 s9, s6;
	[dreg:$0x17] =	wrdreg s0  }
0x16: {  	s24 =	sshrl.u32 s7, $0x2;
	s0 =	simm.s32 $0x16980;
	[dreg:$0x5] =	wrdreg s8  }
0x17: {  	s8 =	sadd.s32 s9, s11;
	[dreg:$0x8] =	wrdreg s26;
	s11 =	sshrl.u32 s14, $0x3  }
0x18: {  	s14 =	sshrl.u32 s22, $0x3;
	s22 =	sshrl.u32 s23, $0x2;
	s23 =	smul.u32 $0xA000, s12  }
0x19: {  	s7 =	simm.s32 $0x15800;
	[dreg:$0xc] =	wrdreg s6;
	s26 =	smul.u32 $0xA000, s17  }
0x1a: {  	[dreg:$0x6] =	wrdreg s8;
	s8 =	sadd.s32 s9, s13;
	s13 =	sshrl.u32 s21, $0x3  }
0x1b: {  	s15 =	sadd.s32 s9, s14;
	s14 =	sadd.s32 $0xBA00, s4;
	[dreg:$0x7] =	wrdreg s8  }
0x1c: {  	s21 =	smul.u32 $0xA000, s10;
	s8 =	sadd.s32 s9, s11;
	[dreg:$0xb] =	wrdreg s15  }
0x1d: {  	s15 =	sadd.s32 $0x1C00, s4;
	s4 =	sadd.s32 s22, s3;
	s10 =	sshrl.u32 s23, $0x2  }
0x1e: {  	s11 =	smul.u32 $0xA000, s19;
	s12 =	sshrl.u32 s26, $0x2;
	[dreg:$0x9] =	wrdreg s8  }
0x1f: {  	s8 =	sadd.s32 s9, s13;
	[dreg:$0xd] =	wrdreg s4;
	s9 =	smul.u32 $0xA000, s18  }
0x20: {  	s4 =	sadd.s32 s24, s3;
	s13 =	smul.u32 $0xA000, s20;
	[dreg:$0xa] =	wrdreg s8  }
0x21: {  	s6 =	sshrl.u32 s21, $0x2;
	s21 =	smul.u32 $0x4E20, s25;
	[dreg:$0xe] =	wrdreg s4  }
0x22: {  	s4 =	sadd.s32 s6, s3;
	s18 =	sshrl.u32 s11, $0x2;
	s8 =	simm.s32 $0x50  }
0x23: {  	s11 =	simm.s32 $0x16880;
	s6 =	simm.s32 $0x4;
	[dreg:$0xf] =	wrdreg s4  }
0x24: {  	s4 =	sadd.s32 s10, s3;
	s17 =	sshrl.u32 s9, $0x2;
	s19 =	sshrl.u32 s13, $0x2  }
0x25: {  	s20 =	sshrl.u32 s21, $0x3;
	[dreg:$0x10] =	wrdreg s4;
	s4 =	sadd.s32 s12, s3  }
0x26: {  	s9 =	simm.s32 $0x16800;
	s22 =	sadd.s32 s15, s20;
	[dreg:$0x11] =	wrdreg s4  }
0x27: {  	s10 =	simm.s32 $0x19180;
	s23 =	sadd.s32 s1, s20;
	[dreg:$0x14] =	wrdreg s22  }
0x28: {  	s13 =	simm.s32 $0x16900;
	s4 =	sadd.s32 s17, s3;
	[dreg:$0x15] =	wrdreg s23  }
.Ltmp0:
0x29: {  	[dreg:$0x12] =	wrdreg s4;
	s4 =	sadd.s32 s18, s3;
	(pc) =	sbr.rel .LBB2_1-.Ltmp0, $4  }
0x2a: {  	s24 =	sadd.s32 s19, s3;
	[dreg:$0x13] =	wrdreg s4;
	s4 =	sadd.s32 s2, s20  }
0x2b: {  	s12 =	simm.s32 $0x1B980;
	s25 =	sadd.s32 $0xA, s4;
	[dreg:$0x16] =	wrdreg s4  }
0x2c: {  	s26 =	sadd.s32 $0x14, s4;
	s4 =	simm.s32 $0x8;
	[dreg:$0x18] =	wrdreg s25  }
0x2d: {  	v1 =	vimm.f32 $0.0e+00;
	[dreg:$0x19] =	wrdreg s26;
	s25 =	simm.s32 $0x1;
	s26 =	simm.s32 $0x2  }
.LBB2_26:
0x2e: {  	_ =	swait.ge [sflag:s30], $0x2800  }
0x2f: {  	[sflag:s30] =	ssyncset.done $0x0  }
0x30: {  	[sflag:s30] =	ssyncadd.s32 $0xFFFFD800  }
0x31: {  	_ =	swait.ge [sflag:s31], $0x50  }
0x32: {  	[sflag:s31] =	ssyncset.done $0x0  }
0x33: {  	[sflag:s31] =	ssyncadd.s32 $0xFFFFFFB0  }
0x34: {  	[spmem:s3] =	stream.indirect.scatter.add.f32 [tilespmem:s12], [sflag:$0x8], $0x80, s13, s8, $0xb8;
	[tilespmem:$0x1E180] =	vst v63  }
0x35: {  	_ =	swait.ge [sflag:s4], $0x2800  }
0x36: {  	[sflag:s4] =	ssyncset.done $0x0  }
0x37: {  	[sflag:s4] =	ssyncadd.s32 $0xFFFFD800  }
0x38: {  	_ =	swait.ge [sflag:s25], $0x2800  }
0x39: {  	[sflag:s25] =	ssyncset.done $0x0  }
0x3a: {  	[sflag:s25] =	ssyncadd.s32 $0xFFFFD800  }
0x3b: {  	_ =	swait.ge [sflag:s6], $0x50  }
0x3c: {  	[sflag:s6] =	ssyncset.done $0x0  }
0x3d: {  	[sflag:s6] =	ssyncadd.s32 $0xFFFFFFB0  }
0x3e: {  	[spmem:s3] =	stream.indirect.scatter.add.f32 [tilespmem:s0], [sflag:$0x8], $0x80, s9, s8, $0xb8;
	[tilespmem:$0x1E180] =	vst v63  }
0x3f: {  	_ =	swait.ge [sflag:s4], $0x2800  }
0x40: {  	[sflag:s4] =	ssyncset.done $0x0  }
0x41: {  	[sflag:s4] =	ssyncadd.s32 $0xFFFFD800  }
0x42: {  	s17 =	stileid.u32;
	[bflag:$0x0] =	sbarrier.arrive $0xFFFF  }
0x43: {  	s17 =	sshll.u32 s17, $0x6;
	s18 =	rddreg [dreg:$0xd]  }
0x44: {  	s17 =	sor.u32 $0x1C08, s17;
	s19 =	rddreg [dreg:$0x5];
	s18 =	sshrl.u32 s18, $0x3  }
0x45: {  	[hbm:s19], [sflag:s17] =	dma.local [spmem:s18], $0x500  }
0x46: {  	_ =	swait.ge [sflag:s4], $0x500  }
0x47: {  	[sflag:s4] =	ssyncset.done $0x0;
	s22 =	rddreg [dreg:$0xe]  }
0x48: {  	s23 =	rddreg [dreg:$0x6];
	[sflag:s4] =	ssyncadd.s32 $0xFFFFFB00;
	s18 =	sshrl.u32 s22, $0x3  }
0x49: {  	[hbm:s23], [sflag:s17] =	dma.local [spmem:s18], $0x500  }
0x4a: {  	_ =	swait.ge [sflag:s4], $0x500  }
0x4b: {  	[sflag:s4] =	ssyncset.done $0x0;
	s19 =	rddreg [dreg:$0xf]  }
0x4c: {  	s20 =	rddreg [dreg:$0x7];
	[sflag:s4] =	ssyncadd.s32 $0xFFFFFB00;
	s18 =	sshrl.u32 s19, $0x3  }
0x4d: {  	[hbm:s20], [sflag:s17] =	dma.local [spmem:s18], $0x500  }
0x4e: {  	_ =	swait.ge [sflag:s4], $0x500  }
0x4f: {  	[sflag:s4] =	ssyncset.done $0x0;
	s22 =	rddreg [dreg:$0x10]  }
0x50: {  	s23 =	rddreg [dreg:$0x8];
	[sflag:s4] =	ssyncadd.s32 $0xFFFFFB00;
	s18 =	sshrl.u32 s22, $0x3  }
0x51: {  	[hbm:s23], [sflag:s17] =	dma.local [spmem:s18], $0x500  }
0x52: {  	_ =	swait.ge [sflag:s4], $0x500  }
0x53: {  	[sflag:s4] =	ssyncset.done $0x0;
	s19 =	rddreg [dreg:$0x11]  }
0x54: {  	s20 =	rddreg [dreg:$0x9];
	[sflag:s4] =	ssyncadd.s32 $0xFFFFFB00;
	s18 =	sshrl.u32 s19, $0x3  }
0x55: {  	[hbm:s20], [sflag:s17] =	dma.local [spmem:s18], $0x500  }
0x56: {  	_ =	swait.ge [sflag:s4], $0x500  }
0x57: {  	[sflag:s4] =	ssyncset.done $0x0;
	s22 =	rddreg [dreg:$0x12]  }
0x58: {  	s23 =	rddreg [dreg:$0xa];
	[sflag:s4] =	ssyncadd.s32 $0xFFFFFB00;
	s18 =	sshrl.u32 s22, $0x3  }
0x59: {  	[hbm:s23], [sflag:s17] =	dma.local [spmem:s18], $0x500  }
0x5a: {  	_ =	swait.ge [sflag:s4], $0x500  }
0x5b: {  	[sflag:s4] =	ssyncset.done $0x0;
	s20 =	rddreg [dreg:$0x13]  }
0x5c: {  	s22 =	rddreg [dreg:$0xb];
	[sflag:s4] =	ssyncadd.s32 $0xFFFFFB00;
	s18 =	sshrl.u32 s20, $0x3  }
0x5d: {  	[hbm:s22], [sflag:s17] =	dma.local [spmem:s18], $0x500  }
0x5e: {  	_ =	swait.ge [sflag:s4], $0x500  }
0x5f: {  	[sflag:s4] =	ssyncset.done $0x0  }
0x60: {  	s18 =	sshrl.u32 @!p0 s24, $0x3;
	s19 =	rddreg [dreg:$0xc];
	[sflag:s4] =	ssyncadd.s32 $0xFFFFFB00  }
0x61: {  	[hbm:s19], [sflag:s17] =	dma.local @!p0 [spmem:s18], $0x500  }
0x62: {  	s17 =	simm.s32 @!p0 $0x8  }
0x63: {  	_ =	swait.ge @!p0 [sflag:s17], $0x500  }
0x64: {  	s16 =	sadd.s32 $0x1, s16;
	s23 =	rddreg [dreg:$0x17]  }
0x65: {  	p1 =	sne.s32 s16, s23  }
.Ltmp1:
0x66: {  	_ = 	snop;
	(pc) =	sbr.rel @!p1 .LBB2_27-.Ltmp1, $3  }
0x67: {  	_ =	sdelay $0x1  }
0x68: {  	[sflag:s17] =	ssyncset.done @!p0 $0x0  }
0x69: {  	[sflag:s17] =	ssyncadd.s32 @!p0 $0xFFFFFB00  }
.LBB2_1:
0x6a: {  	s17 =	sand.u32 $0xFE00, s5  }
0x6b: {  	s18 =	sand.u32 $0x70, s5;
	s19 =	sshrl.u32 s17, $0x2  }
0x6c: {  	s17 =	simm.s32 $0x40;
	s19 =	sor.u32 s18, s19;
	s18 =	simm.s32 $0x0  }
.LBB2_2:
0x6d: {  	p1 =	sne.s32 s17, $0x9FC0  }
0x6e: {  	[tilespmem:s19+$0x16980] =	vst v1;
	s18 =	sadd.s32 $0x10, s18;
	s19 =	smov.u32 s17;
	s17 =	sadd.s32 $0x40, s17  }
.Ltmp2:
0x6f: {  	(pc) =	sbr.rel @p1 .LBB2_2-.Ltmp2, $4  }
0x70: {  	_ = 	snop  }
0x71: {  	s19 =	sand.u32 $0xFE00, s19  }
0x72: {  	s20 =	sand.u32 $0x70, s18;
	s19 =	sshrl.u32 s19, $0x2  }
0x73: {  	s19 =	sor.u32 s20, s19  }
0x74: {  	[tilespmem:s19+$0x16980] =	vst v1;
	s17 =	rddreg [dreg:$0xd]  }
0x75: {  	[spmem:s17] =	stream.linear.scatter [tilespmem:s0], [sflag:$0x8], $0x2800, $0x38;
	[tilespmem:$0x1E180] =	vst v63  }
0x76: {  	_ =	swait.ge [sflag:s4], $0x2800  }
0x77: {  	[sflag:s4] =	ssyncset.done $0x0  }
0x78: {  	s19 =	rddreg [dreg:$0xe];
	[sflag:s4] =	ssyncadd.s32 $0xFFFFD800  }
0x79: {  	[spmem:s19] =	stream.linear.scatter [tilespmem:s0], [sflag:$0x8], $0x2800, $0x38;
	[tilespmem:$0x1E180] =	vst v63  }
0x7a: {  	_ =	swait.ge [sflag:s4], $0x2800  }
0x7b: {  	[sflag:s4] =	ssyncset.done $0x0  }
0x7c: {  	s20 =	rddreg [dreg:$0xf];
	[sflag:s4] =	ssyncadd.s32 $0xFFFFD800  }
0x7d: {  	[spmem:s20] =	stream.linear.scatter [tilespmem:s0], [sflag:$0x8], $0x2800, $0x38;
	[tilespmem:$0x1E180] =	vst v63  }
0x7e: {  	_ =	swait.ge [sflag:s4], $0x2800  }
0x7f: {  	[sflag:s4] =	ssyncset.done $0x0  }
0x80: {  	s22 =	rddreg [dreg:$0x10];
	[sflag:s4] =	ssyncadd.s32 $0xFFFFD800  }
0x81: {  	[spmem:s22] =	stream.linear.scatter [tilespmem:s0], [sflag:$0x8], $0x2800, $0x38;
	[tilespmem:$0x1E180] =	vst v63  }
0x82: {  	_ =	swait.ge [sflag:s4], $0x2800  }
0x83: {  	[sflag:s4] =	ssyncset.done $0x0  }
0x84: {  	s23 =	rddreg [dreg:$0x11];
	[sflag:s4] =	ssyncadd.s32 $0xFFFFD800  }
0x85: {  	[spmem:s23] =	stream.linear.scatter [tilespmem:s0], [sflag:$0x8], $0x2800, $0x38;
	[tilespmem:$0x1E180] =	vst v63  }
0x86: {  	_ =	swait.ge [sflag:s4], $0x2800  }
0x87: {  	[sflag:s4] =	ssyncset.done $0x0  }
0x88: {  	s18 =	rddreg [dreg:$0x12];
	[sflag:s4] =	ssyncadd.s32 $0xFFFFD800  }
0x89: {  	[spmem:s18] =	stream.linear.scatter [tilespmem:s0], [sflag:$0x8], $0x2800, $0x38;
	[tilespmem:$0x1E180] =	vst v63  }
0x8a: {  	_ =	swait.ge [sflag:s4], $0x2800  }
0x8b: {  	[sflag:s4] =	ssyncset.done $0x0  }
0x8c: {  	s19 =	rddreg [dreg:$0x13];
	[sflag:s4] =	ssyncadd.s32 $0xFFFFD800  }
0x8d: {  	[spmem:s19] =	stream.linear.scatter [tilespmem:s0], [sflag:$0x8], $0x2800, $0x38;
	[tilespmem:$0x1E180] =	vst v63  }
0x8e: {  	_ =	swait.ge [sflag:s4], $0x2800  }
0x8f: {  	[sflag:s4] =	ssyncset.done $0x0  }
0x90: {  	s17 =	simm.s32 @!p0 $0x16980;
	[sflag:s4] =	ssyncadd.s32 $0xFFFFD800  }
0x91: {  	[spmem:s24] =	stream.linear.scatter @!p0 [tilespmem:s17], [sflag:$0x8], $0x2800, $0x38;
	[tilespmem:$0x1E180] =	vst v63  }
0x92: {  	s17 =	simm.s32 @!p0 $0x8  }
0x93: {  	_ =	swait.ge @!p0 [sflag:s17], $0x2800  }
0x94: {  	s20 =	simm.s32 $0x0;
	[sflag:s17] =	ssyncset.done @!p0 $0x0  }
0x95: {  	s22 =	simm.s32 $0x13880;
	s18 =	rddreg [dreg:$0x14];
	[sflag:s17] =	ssyncadd.s32 @!p0 $0xFFFFD800  }
0x96: {  	[tilespmem:s22], [sflag:$0x8] =	stream.linear.gather [hbm4b:s18+s20], $0xFA0, $0x38;
	[tilespmem:$0x1E180] =	vst v63  }
0x97: {  	_ =	swait.ge [sflag:s4], $0xFA0  }
0x98: {  	[sflag:s4] =	ssyncset.done $0x0  }
0x99: {  	s23 =	rddreg [dreg:$0x15];
	[sflag:s4] =	ssyncadd.s32 $0xFFFFF060  }
0x9a: {  	[tilespmem:s7], [sflag:$0x8] =	stream.linear.gather [hbm4b:s23+s20], $0xFA0, $0x38;
	[tilespmem:$0x1E180] =	vst v63  }
0x9b: {  	_ =	swait.ge [sflag:s4], $0xFA0  }
0x9c: {  	[sflag:s4] =	ssyncset.done $0x0  }
0x9d: {  	s17 =	simm.s32 $0x0;
	[sflag:s4] =	ssyncadd.s32 $0xFFFFF060  }
0x9e: {  	v3 =	vld [tilespmem:s17+$0x15800];
	_ =	sdelay $0x2  }
0x9f: {  	v2 =	vld [tilespmem:s17+$0x13880];
	_ =	sdelay $0x1  }
0xa0: {  	v3 =	vmul.u32 $0x2710, v3  }
0xa1: {  	s19 =	simm.s32 $0x80;
	s18 =	simm.s32 $0x10  }
.LBB2_4:
0xa2: {  	p1 =	sne.s32 s19, $0x3E40;
	v4 =	vld [tilespmem:s18+$0x15800];
	v3 =	vadd.s32 v0, v3  }
0xa3: {  	v2 =	vadd.s32 v2, v3  }
.Ltmp3:
0xa4: {  	[tilespmem:s17+$0x13880] =	vst v2;
	s17 =	smov.u32 s18;
	(pc) =	sbr.rel @p1 .LBB2_4-.Ltmp3, $3  }
0xa5: {  	v2 =	vld [tilespmem:s17+$0x13880];
	_ =	sdelay $0x1  }
0xa6: {  	v3 =	vmul.u32 $0x2710, v4  }
0xa7: {  	s18 =	sshra.s32 s19, $0x2;
	s19 =	sadd.s32 $0x40, s19  }
0xa8: {  	v4 =	vld [tilespmem:s18+$0x15800];
	v3 =	vadd.s32 v0, v3  }
0xa9: {  	v2 =	vadd.s32 v2, v3  }
0xaa: {  	[tilespmem:s17+$0x13880] =	vst v2  }
0xab: {  	v2 =	vld [tilespmem:s18+$0x13880];
	_ =	sdelay $0x1  }
0xac: {  	v3 =	vmul.u32 $0x2710, v4;
	_ =	sdelay $0x1  }
0xad: {  	v3 =	vadd.s32 v0, v3  }
0xae: {  	v2 =	vadd.s32 v2, v3  }
0xaf: {  	s22 =	simm.s32 $0x13880;
	[tilespmem:s18+$0x13880] =	vst v2  }
0xb0: {  	[tilespmem:s0], [sflag:$0x1] =	stream.indirect.gather [hbm4b:s14+s8], $0x80, s22, s8, $0xb8;
	[tilespmem:$0x1E180] =	vst v63  }
0xb1: {  	s23 =	rddreg [dreg:$0x16];
	s17 =	simm.s32 $0x0  }
0xb2: {  	[tilespmem:s9], [sflag:$0x4] =	stream.linear.gather [hbm4b:s23+s17], $0x50, $0x38;
	[tilespmem:$0x1E180] =	vst v63  }
0xb3: {  	s19 =	simm.s32 $0x138D0  }
0xb4: {  	[tilespmem:s10], [sflag:$0x2] =	stream.indirect.gather [hbm4b:s14+s8], $0x80, s19, s8, $0xb8;
	[tilespmem:$0x1E180] =	vst v63  }
0xb5: {  	s20 =	rddreg [dreg:$0x18]  }
0xb6: {  	[tilespmem:s11], [sflag:$0x5] =	stream.linear.gather [hbm4b:s20+s17], $0x50, $0x38;
	[tilespmem:$0x1E180] =	vst v63  }
0xb7: {  	s22 =	simm.s32 $0x13920  }
0xb8: {  	[tilespmem:s12], [sflag:$0x3] =	stream.indirect.gather [hbm4b:s14+s8], $0x80, s22, s8, $0xb8;
	[tilespmem:$0x1E180] =	vst v63  }
.Ltmp4:
0xb9: {  	_ = 	snop;
	(pc) =	sbr.rel .LBB2_6-.Ltmp4, $3  }
0xba: {  	s23 =	rddreg [dreg:$0x19]  }
0xbb: {  	[tilespmem:s13], [sflag:$0x6] =	stream.linear.gather [hbm4b:s23+s17], $0x50, $0x38;
	[tilespmem:$0x1E180] =	vst v63  }
0xbc: {  	[bflag:$0x0] =	sbarrier.arrive $0xFFFF;
	_ =	sdelay $0x1  }
.LBB2_20:
0xbd: {  	s19 =	smul.u32 $0xFA0, s18;
	_ =	sdelay $0x1  }
0xbe: {  	s22 =	sand.u32 $0x1, s18;
	s19 =	sadd.s32 s21, s19  }
0xbf: {  	s18 =	simm.s32 $0x14820;
	p1 =	seq.s32 s22, $0x1;
	s19 =	sshrl.u32 s19, $0x3  }
0xc0: {  	s18 =	simm.s32 @!p1 $0x13880;
	s20 =	sadd.s32 s15, s19  }
0xc1: {  	[tilespmem:s18], [sflag:$0x7] =	stream.linear.gather [hbm4b:s20+s5], $0xFA0, $0x38;
	[tilespmem:$0x1E180] =	vst v63  }
0xc2: {  	s17 =	sadd.s32 $0x1, s17;
	s23 =	sadd.s32 s1, s19  }
0xc3: {  	[tilespmem:s7], [sflag:$0x7] =	stream.linear.gather [hbm4b:s23+s5], $0xFA0, $0x38;
	[tilespmem:$0x1E180] =	vst v63  }
.LBB2_6:
0xc4: {  	s18 =	smul.u32 $0x3, s17;
	_ =	sdelay $0x1  }
0xc5: {  	_ =	swait.ge [sflag:s25], $0x2800;
	s19 =	sadd.s32 $0x3, s18  }
0xc6: {  	[sflag:s25] =	ssyncset.done $0x0;
	s20 =	sand.u32 $0xFF, s19  }
0xc7: {  	[sflag:s25] =	ssyncadd.s32 $0xFFFFD800;
	s20 =	smul.u32 $0x29, s20  }
0xc8: {  	_ =	swait.ge [sflag:s6], $0x50  }
0xc9: {  	[sflag:s6] =	ssyncset.done $0x0;
	s20 =	sshrl.u32 s20, $0xC  }
0xca: {  	[sflag:s6] =	ssyncadd.s32 $0xFFFFFFB0;
	s20 =	smul.u32 $0x64, s20  }
0xcb: {  	[spmem:s3] =	stream.indirect.scatter.add.f32 [tilespmem:s0], [sflag:$0x8], $0x80, s9, s8, $0xb8;
	[tilespmem:$0x1E180] =	vst v63  }
0xcc: {  	s20 =	ssub.s32 s19, s20  }
0xcd: {  	s20 =	sand.u32 $0xFF, s20  }
0xce: {  	s20 =	smul.u32 $0x140, s20  }
0xcf: {  	_ =	swait.ge [sflag:s4], $0x2800  }
0xd0: {  	s23 =	sand.u32 $0xFF, s18;
	[sflag:s4] =	ssyncset.done $0x0;
	s20 =	sshrl.u32 s20, $0x2  }
0xd1: {  	[sflag:s4] =	ssyncadd.s32 $0xFFFFD800;
	s19 =	smul.u32 $0x50, s19;
	s20 =	sadd.s32 $0x13880, s20  }
0xd2: {  	[tilespmem:s0], [sflag:$0x1] =	stream.indirect.gather [hbm4b:s14+s8], $0x80, s20, s8, $0xb8;
	[tilespmem:$0x1E180] =	vst v63  }
0xd3: {  	s20 =	smul.u32 $0x29, s23  }
0xd4: {  	s19 =	sadd.s32 s21, s19  }
0xd5: {  	s19 =	sshrl.u32 s19, $0x3;
	s22 =	sshrl.u32 s20, $0xB  }
0xd6: {  	s19 =	sadd.s32 s2, s19;
	s20 =	smul.u32 $0x32, s22  }
0xd7: {  	[tilespmem:s9], [sflag:$0x4] =	stream.linear.gather [hbm4b:s19+s5], $0x50, $0x38;
	[tilespmem:$0x1E180] =	vst v63  }
0xd8: {  	p1 =	sgt.u32 s17, $0x42;
	s19 =	ssub.s32 s18, s20  }
0xd9: {  	s20 =	sand.u32 @!p1 $0xFF, s19  }
0xda: {  	p2 =	sne.s32 @!p1 s20, $0x0  }
0xdb: {  	p2 =	por p1, p2  }
.Ltmp5:
0xdc: {  	_ = 	snop;
	(pc) =	sbr.rel @p2 .LBB2_8-.Ltmp5, $2  }
0xdd: {  	_ =	sdelay $0x2  }
0xde: {  	s19 =	sadd.s32 $0x1, s22  }
0xdf: {  	s20 =	smul.u32 $0xFA0, s19;
	_ =	sdelay $0x1  }
0xe0: {  	s22 =	sand.u32 $0x1, s19;
	s19 =	simm.s32 $0x14820;
	s20 =	sadd.s32 s21, s20  }
.Ltmp6:
0xe1: {  	p2 =	seq.s32 s22, $0x1;
	s20 =	sshrl.u32 s20, $0x3;
	(pc) =	sbr.rel .LBB2_12-.Ltmp6, $4  }
0xe2: {  	s19 =	simm.s32 @!p2 $0x13880;
	s22 =	sadd.s32 s15, s20  }
0xe3: {  	[tilespmem:s19], [sflag:$0x7] =	stream.linear.gather [hbm4b:s22+s5], $0xFA0, $0x38;
	[tilespmem:$0x1E180] =	vst v63  }
0xe4: {  	s23 =	sadd.s32 s1, s20  }
0xe5: {  	[tilespmem:s7], [sflag:$0x7] =	stream.linear.gather [hbm4b:s23+s5], $0xFA0, $0x38;
	[tilespmem:$0x1E180] =	vst v63  }
.LBB2_8:
0xe6: {  	p2 =	sne.s32 @!p1 s20, $0x2C  }
0xe7: {  	p2 =	por p1, p2  }
.Ltmp7:
0xe8: {  	_ = 	snop;
	(pc) =	sbr.rel @p2 .LBB2_12-.Ltmp7, $1  }
0xe9: {  	_ =	sdelay $0x3  }
0xea: {  	_ =	swait.ge [sflag:s28], $0xFA0;
	s19 =	sand.u32 $0x1, s19  }
0xeb: {  	[sflag:s28] =	ssyncset.done $0x0;
	p2 =	seq.s32 s19, $0x1;
	s19 =	simm.s32 $0x14820  }
0xec: {  	[sflag:s28] =	ssyncadd.s32 $0xFFFFF060;
	s19 =	simm.s32 @!p2 $0x13880  }
0xed: {  	_ =	swait.ge [sflag:s28], $0xFA0;
	v2 =	vmov s19  }
0xee: {  	[sflag:s28] =	ssyncset.done $0x0  }
0xef: {  	s20 =	simm.s32 $0x40;
	s19 =	simm.s32 $0x0;
	[sflag:s28] =	ssyncadd.s32 $0xFFFFF060  }
.LBB2_10:
0xf0: {  	p2 =	sne.s32 s20, $0x3E40;
	v3 =	vld [tilespmem:s19+$0x15800];
	_ =	sdelay $0x1  }
0xf1: {  	v4 =	vld.idx.msk [tilespmem:v2+s19+$0x0 ss:$0x1], $0xffff;
	_ =	sdelay $0x2  }
.Ltmp8:
0xf2: {  	v3 =	vmul.u32 $0x2710, v3;
	(pc) =	sbr.rel @p2 .LBB2_10-.Ltmp8, $4  }
0xf3: {  	_ = 	snop  }
0xf4: {  	v3 =	vadd.s32 v0, v3  }
0xf5: {  	v3 =	vadd.s32 v4, v3  }
0xf6: {  	[tilespmem:v2+s19+$0x0 ss:$0x1] =	vst.idx.msk $0xffff, v3;
	s19 =	sshra.s32 s20, $0x2;
	s20 =	sadd.s32 $0x40, s20  }
0xf7: {  	_ = 	snop  }
0xf8: {  	v3 =	vld [tilespmem:s19+$0x15800];
	_ =	sdelay $0x2  }
0xf9: {  	v4 =	vld.idx.msk [tilespmem:v2+s19+$0x0 ss:$0x1], $0xffff;
	_ =	sdelay $0x1  }
0xfa: {  	v3 =	vmul.u32 $0x2710, v3;
	_ =	sdelay $0x1  }
0xfb: {  	v3 =	vadd.s32 v0, v3  }
0xfc: {  	v3 =	vadd.s32 v4, v3  }
0xfd: {  	[tilespmem:v2+s19+$0x0 ss:$0x1] =	vst.idx.msk $0xffff, v3  }
.LBB2_12:
0xfe: {  	_ =	swait.ge [sflag:s26], $0x2800  }
0xff: {  	[sflag:s26] =	ssyncset.done $0x0  }
0x100: {  	[sflag:s26] =	ssyncadd.s32 $0xFFFFD800  }
0x101: {  	_ =	swait.ge [sflag:s29], $0x50  }
0x102: {  	p2 =	seq.s32 s17, $0x52;
	[sflag:s29] =	ssyncset.done $0x0  }
.Ltmp9:
0x103: {  	[sflag:s29] =	ssyncadd.s32 $0xFFFFFFB0;
	(pc) =	sbr.rel @p2 .LBB2_26-.Ltmp9, $4  }
0x104: {  	[spmem:s3] =	stream.indirect.scatter.add.f32 [tilespmem:s10], [sflag:$0x8], $0x80, s11, s8, $0xb8;
	[tilespmem:$0x1E180] =	vst v63  }
0x105: {  	_ =	swait.ge [sflag:s4], $0x2800  }
0x106: {  	[sflag:s4] =	ssyncset.done $0x0  }
0x107: {  	[sflag:s4] =	ssyncadd.s32 $0xFFFFD800  }
0x108: {  	s19 =	sadd.s32 $0x4, s18  }
0x109: {  	s20 =	smulhi.u32 $0x51EB851F, s19;
	_ =	sdelay $0x1  }
0x10a: {  	s20 =	sshrl.u32 s20, $0x5  }
0x10b: {  	s20 =	smul.u32 $0x64, s20;
	_ =	sdelay $0x1  }
0x10c: {  	s20 =	ssub.s32 s19, s20  }
0x10d: {  	s20 =	smul.u32 $0x140, s20;
	_ =	sdelay $0x1  }
0x10e: {  	s20 =	sshrl.u32 s20, $0x2  }
0x10f: {  	s20 =	sadd.s32 $0x13880, s20  }
0x110: {  	[tilespmem:s10], [sflag:$0x2] =	stream.indirect.gather [hbm4b:s14+s8], $0x80, s20, s8, $0xb8;
	[tilespmem:$0x1E180] =	vst v63  }
0x111: {  	s20 =	sadd.s32 $0x1, s18  }
0x112: {  	s22 =	smulhi.u32 $0x51EB851F, s20;
	_ =	sdelay $0x1  }
0x113: {  	s22 =	sshrl.u32 s22, $0x4  }
0x114: {  	s23 =	smul.u32 $0x32, s22;
	_ =	sdelay $0x1  }
0x115: {  	s20 =	ssub.s32 s20, s23  }
0x116: {  	s19 =	smul.u32 $0x50, s19;
	p2 =	sne.s32 @!p1 s20, $0x0  }
0x117: {  	p2 =	por p1, p2  }
.Ltmp10:
0x118: {  	s19 =	sadd.s32 s21, s19;
	(pc) =	sbr.rel @p2 .LBB2_15-.Ltmp10, $4  }
0x119: {  	s19 =	sshrl.u32 s19, $0x3  }
0x11a: {  	s19 =	sadd.s32 s2, s19  }
0x11b: {  	[tilespmem:s11], [sflag:$0x5] =	stream.linear.gather [hbm4b:s19+s5], $0x50, $0x38;
	[tilespmem:$0x1E180] =	vst v63  }
0x11c: {  	s19 =	sadd.s32 $0x1, s22  }
0x11d: {  	s20 =	smul.u32 $0xFA0, s19;
	_ =	sdelay $0x1  }
0x11e: {  	s22 =	sand.u32 $0x1, s19;
	s19 =	simm.s32 $0x14820;
	s20 =	sadd.s32 s21, s20  }
.Ltmp11:
0x11f: {  	p1 =	seq.s32 s22, $0x1;
	s20 =	sshrl.u32 s20, $0x3;
	(pc) =	sbr.rel .LBB2_19-.Ltmp11, $4  }
0x120: {  	s19 =	simm.s32 @!p1 $0x13880;
	s22 =	sadd.s32 s15, s20  }
0x121: {  	[tilespmem:s19], [sflag:$0x7] =	stream.linear.gather [hbm4b:s22+s5], $0xFA0, $0x38;
	[tilespmem:$0x1E180] =	vst v63  }
0x122: {  	s23 =	sadd.s32 s1, s20  }
0x123: {  	[tilespmem:s7], [sflag:$0x7] =	stream.linear.gather [hbm4b:s23+s5], $0xFA0, $0x38;
	[tilespmem:$0x1E180] =	vst v63  }
.LBB2_15:
0x124: {  	p2 =	sne.s32 @!p1 s20, $0x2C  }
0x125: {  	p1 =	por p1, p2  }
.Ltmp12:
0x126: {  	_ = 	snop;
	(pc) =	sbr.rel @p1 .LBB2_19-.Ltmp12, $1  }
0x127: {  	_ =	sdelay $0x3  }
0x128: {  	_ =	swait.ge [sflag:s28], $0xFA0;
	s19 =	sand.u32 $0x1, s19  }
0x129: {  	[sflag:s28] =	ssyncset.done $0x0;
	p1 =	seq.s32 s19, $0x1;
	s19 =	simm.s32 $0x14820  }
0x12a: {  	[sflag:s28] =	ssyncadd.s32 $0xFFFFF060;
	s19 =	simm.s32 @!p1 $0x13880  }
0x12b: {  	_ =	swait.ge [sflag:s28], $0xFA0;
	v2 =	vmov s19  }
0x12c: {  	[sflag:s28] =	ssyncset.done $0x0  }
0x12d: {  	s20 =	simm.s32 $0x40;
	s19 =	simm.s32 $0x0;
	[sflag:s28] =	ssyncadd.s32 $0xFFFFF060  }
.LBB2_17:
0x12e: {  	p1 =	sne.s32 s20, $0x3E40;
	v3 =	vld [tilespmem:s19+$0x15800];
	_ =	sdelay $0x1  }
0x12f: {  	v4 =	vld.idx.msk [tilespmem:v2+s19+$0x0 ss:$0x1], $0xffff;
	_ =	sdelay $0x2  }
.Ltmp13:
0x130: {  	v3 =	vmul.u32 $0x2710, v3;
	(pc) =	sbr.rel @p1 .LBB2_17-.Ltmp13, $4  }
0x131: {  	_ = 	snop  }
0x132: {  	v3 =	vadd.s32 v0, v3  }
0x133: {  	v3 =	vadd.s32 v4, v3  }
0x134: {  	[tilespmem:v2+s19+$0x0 ss:$0x1] =	vst.idx.msk $0xffff, v3;
	s19 =	sshra.s32 s20, $0x2;
	s20 =	sadd.s32 $0x40, s20  }
0x135: {  	_ = 	snop  }
0x136: {  	v3 =	vld [tilespmem:s19+$0x15800];
	_ =	sdelay $0x2  }
0x137: {  	v4 =	vld.idx.msk [tilespmem:v2+s19+$0x0 ss:$0x1], $0xffff;
	_ =	sdelay $0x1  }
0x138: {  	v3 =	vmul.u32 $0x2710, v3;
	_ =	sdelay $0x1  }
0x139: {  	v3 =	vadd.s32 v0, v3  }
0x13a: {  	v3 =	vadd.s32 v4, v3  }
0x13b: {  	[tilespmem:v2+s19+$0x0 ss:$0x1] =	vst.idx.msk $0xffff, v3  }
.LBB2_19:
0x13c: {  	_ =	swait.ge [sflag:s30], $0x2800  }
0x13d: {  	s19 =	sadd.s32 $0x5, s18;
	[sflag:s30] =	ssyncset.done $0x0  }
0x13e: {  	s20 =	smulhi.u32 $0x51EB851F, s19;
	[sflag:s30] =	ssyncadd.s32 $0xFFFFD800  }
0x13f: {  	_ =	swait.ge [sflag:s31], $0x50  }
0x140: {  	s20 =	sshrl.u32 s20, $0x5;
	[sflag:s31] =	ssyncset.done $0x0  }
0x141: {  	s20 =	smul.u32 $0x64, s20;
	[sflag:s31] =	ssyncadd.s32 $0xFFFFFFB0  }
0x142: {  	[spmem:s3] =	stream.indirect.scatter.add.f32 [tilespmem:s12], [sflag:$0x8], $0x80, s13, s8, $0xb8;
	[tilespmem:$0x1E180] =	vst v63  }
0x143: {  	s20 =	ssub.s32 s19, s20  }
0x144: {  	s20 =	smul.u32 $0x140, s20  }
0x145: {  	s18 =	sadd.s32 $0x2, s18;
	s19 =	smul.u32 $0x50, s19;
	_ =	swait.ge [sflag:s4], $0x2800  }
0x146: {  	s23 =	smulhi.u32 $0x51EB851F, s18;
	[sflag:s4] =	ssyncset.done $0x0;
	s20 =	sshrl.u32 s20, $0x2  }
0x147: {  	s19 =	sadd.s32 s21, s19;
	[sflag:s4] =	ssyncadd.s32 $0xFFFFD800;
	s20 =	sadd.s32 $0x13880, s20  }
0x148: {  	[tilespmem:s12], [sflag:$0x3] =	stream.indirect.gather [hbm4b:s14+s8], $0x80, s20, s8, $0xb8;
	[tilespmem:$0x1E180] =	vst v63  }
0x149: {  	s19 =	sshrl.u32 s19, $0x3;
	s20 =	sshrl.u32 s23, $0x4  }
0x14a: {  	s19 =	sadd.s32 s2, s19;
	s22 =	smul.u32 $0x32, s20  }
0x14b: {  	[tilespmem:s13], [sflag:$0x6] =	stream.linear.gather [hbm4b:s19+s5], $0x50, $0x38;
	[tilespmem:$0x1E180] =	vst v63  }
0x14c: {  	p1 =	sgt.u32 s17, $0x41;
	s19 =	ssub.s32 s18, s22  }
0x14d: {  	p2 =	sne.s32 @!p1 s19, $0x0  }
0x14e: {  	p2 =	por p1, p2  }
.Ltmp14:
0x14f: {  	_ = 	snop;
	(pc) =	sbr.rel @!p2 .LBB2_20-.Ltmp14, $2  }
0x150: {  	_ =	sdelay $0x2  }
0x151: {  	s18 =	sadd.s32 $0x1, s20  }
0x152: {  	p2 =	sne.s32 @!p1 s19, $0x2C  }
0x153: {  	p1 =	por p1, p2  }
.Ltmp15:
0x154: {  	_ = 	snop;
	(pc) =	sbr.rel @p1 .LBB2_25-.Ltmp15, $1  }
0x155: {  	_ =	sdelay $0x3  }
0x156: {  	_ =	swait.ge [sflag:s28], $0xFA0;
	s18 =	sand.u32 $0x1, s18  }
0x157: {  	[sflag:s28] =	ssyncset.done $0x0;
	p1 =	seq.s32 s18, $0x1;
	s18 =	simm.s32 $0x14820  }
0x158: {  	[sflag:s28] =	ssyncadd.s32 $0xFFFFF060;
	s18 =	simm.s32 @!p1 $0x13880  }
0x159: {  	_ =	swait.ge [sflag:s28], $0xFA0;
	v2 =	vmov s18  }
0x15a: {  	[sflag:s28] =	ssyncset.done $0x0  }
0x15b: {  	s19 =	simm.s32 $0x40;
	s18 =	simm.s32 $0x0;
	[sflag:s28] =	ssyncadd.s32 $0xFFFFF060  }
.LBB2_23:
0x15c: {  	p1 =	sne.s32 s19, $0x3E40;
	v3 =	vld [tilespmem:s18+$0x15800];
	_ =	sdelay $0x1  }
0x15d: {  	v4 =	vld.idx.msk [tilespmem:v2+s18+$0x0 ss:$0x1], $0xffff;
	_ =	sdelay $0x2  }
.Ltmp16:
0x15e: {  	v3 =	vmul.u32 $0x2710, v3;
	(pc) =	sbr.rel @p1 .LBB2_23-.Ltmp16, $4  }
0x15f: {  	_ = 	snop  }
0x160: {  	v3 =	vadd.s32 v0, v3  }
0x161: {  	v3 =	vadd.s32 v4, v3  }
0x162: {  	[tilespmem:v2+s18+$0x0 ss:$0x1] =	vst.idx.msk $0xffff, v3;
	s18 =	sshra.s32 s19, $0x2;
	s19 =	sadd.s32 $0x40, s19  }
0x163: {  	_ = 	snop  }
0x164: {  	v3 =	vld [tilespmem:s18+$0x15800];
	_ =	sdelay $0x2  }
0x165: {  	v4 =	vld.idx.msk [tilespmem:v2+s18+$0x0 ss:$0x1], $0xffff;
	_ =	sdelay $0x1  }
0x166: {  	v3 =	vmul.u32 $0x2710, v3;
	_ =	sdelay $0x1  }
0x167: {  	v3 =	vadd.s32 v0, v3  }
0x168: {  	v3 =	vadd.s32 v4, v3  }
0x169: {  	[tilespmem:v2+s18+$0x0 ss:$0x1] =	vst.idx.msk $0xffff, v3  }
.LBB2_25:
.Ltmp17:
0x16a: {  	(pc) =	sbr.rel .LBB2_6-.Ltmp17, $2  }
0x16b: {  	_ =	sdelay $0x2  }
0x16c: {  	s17 =	sadd.s32 $0x1, s17  }
.LBB2_27:
0x16d: {  	_ =	sfence.sel $0x180000  }
0x16e: {  	[bflag:$0x0] =	sbarrier.arrive $0xFFFF  }
0x16f: {  	_ =	strace $0x90000047  }
0x170: {  	s0 =	stileid.u32;
	[bflag:$0x2] =	sbarrier.arrive $0xFFFF  }
0x171: {  	p0 =	sne.s32 s0, $0x0;
	s0 =	rddreg [dreg:$0x4]  }
0x172: {  	s0 =	sadd.s32 @!p0 $0x100000, s0  }
0x173: {  	[sflag:s0] =	ssyncadd.tile.s32 @!p0 $0x1;
	_ =	shalt  }
.Lfunc_end2:
_tile_overlayer_lowered:
.L_overlay_start_2:
0x174: {  	(tag) =	ssettag $0x2  }
0x175: {  	s0 =	rddreg [dreg:$0x0];
	s2 =	stileid.u32  }
0x176: {  	s1 =	rddreg [dreg:$0x1];
	p0 =	sne.s32 s2, $0x0  }
0x177: {  	s3 =	rddreg [dreg:$0x2];
	[bflag:$0x3] =	sbarrier.arrive $0xFFFF;
	s2 =	simm.s32 @!p0 $0x1C08  }
0x178: {  	[timem:s3], [sflag:s2] =	dma.local @!p0 [hbm:s0], s1  }
0x179: {  	s0 =	simm.s32 @!p0 $0x8  }
0x17a: {  	_ =	swait.ge @!p0 [sflag:s0], s1  }
0x17b: {  	s1 =	ssub.s32 @!p0 $0x0, s1;
	[sflag:s0] =	ssyncset.done @!p0 $0x0  }
0x17c: {  	[sflag:s0] =	ssyncadd.s32 @!p0 s1  }
0x17d: {  	[bflag:$0x3] =	sbarrier.arrive $0xFFFF  }
0x17e: {  	_ =	shalt  }

</sc_bundles>
